<compile_context>
chip_gen: v7x
topology: tpu7x:2x2x1
jax: 0.10.2.dev20260603
libtpu: 0.0.44.dev20260713+nightly
codegen_flags: <defaults>
</compile_context>

<pallas_src>
import functools

import jax
import jax.numpy as jnp
from jax import lax
from jax.experimental import pallas as pl
from jax.experimental.pallas import tpu as pltpu
from jax.experimental.pallas import tpu_sc as plsc

N = 10000
E = 160000
D = 128
H = 32

NC = 2
NS = 16
NW = NC * NS
CHUNK = 128
CPT = -(-E // (CHUNK * NW))
NCHUNKS_PAD = CPT * NW
E_PAD = NCHUNKS_PAD * CHUNK
N8 = N + 8
NZ = N + 128
NPAD = 10016
STRIPE = 624
TAIL = N - NS * STRIPE

_mesh = plsc.VectorSubcoreMesh(core_axis_name="c", subcore_axis_name="s")




@functools.partial(
    pl.kernel,
    out_type=jax.ShapeDtypeStruct((NC, 1, NPAD), jnp.float32),
    mesh=_mesh,
    scratch_types=[
        pltpu.VMEM((CPT, CHUNK), jnp.int32),
        pltpu.VMEM((CHUNK,), jnp.float32),
        pltpu.VMEM((NPAD,), jnp.float32),
        pltpu.VMEM_SHARED((NPAD,), jnp.float32),
    ],
)
def _deg_call(src_hbm, dego_hbm, src_idx, ones_v, zeros_v, sh_dego):
    cid = lax.axis_index("c")
    sid = lax.axis_index("s")
    wid = cid * NS + sid

    pltpu.sync_copy(src_hbm.at[pl.ds(wid * CPT, CPT)], src_idx)

    for i in range(CHUNK // 16):
        ones_v[pl.ds(i * 16, 16)] = jnp.ones((16,), jnp.float32)

    @pl.when(sid == 0)
    def _init():
        def zbody(i, _):
            zeros_v[pl.ds(i * 16, 16)] = jnp.zeros((16,), jnp.float32)
            return ()
        lax.fori_loop(0, NPAD // 16, zbody, ())
        pltpu.sync_copy(zeros_v, sh_dego)

    plsc.subcore_barrier()

    def dbody(j, _):
        pltpu.sync_copy(ones_v, sh_dego.at[src_idx.at[j]], add=True)
        return ()

    lax.fori_loop(0, CPT, dbody, ())

    plsc.subcore_barrier()

    @pl.when(sid == 0)
    def _writeout():
        pltpu.sync_copy(sh_dego, dego_hbm.at[cid, 0])




@functools.partial(
    pl.kernel,
    out_type=(
        jax.ShapeDtypeStruct((NC, N, D), jnp.float32),
        jax.ShapeDtypeStruct((NC, 1, NPAD), jnp.float32),
    ),
    mesh=_mesh,
    scratch_types=[
        pltpu.VMEM((CPT, CHUNK), jnp.int32),
        pltpu.VMEM((CPT, CHUNK), jnp.int32),
        pltpu.VMEM((CHUNK, D), jnp.float32),
        pltpu.VMEM((CHUNK, D), jnp.float32),
        pltpu.VMEM((16, D), jnp.float32),
        pltpu.VMEM((CHUNK,), jnp.float32),
        pltpu.VMEM((NPAD // 4,), jnp.float32),
        pltpu.VMEM_SHARED((N8, D), jnp.float32),
        pltpu.VMEM_SHARED((NPAD,), jnp.float32),
        pltpu.SemaphoreType.DMA,
        pltpu.SemaphoreType.DMA,
        pltpu.SemaphoreType.DMA,
        pltpu.SemaphoreType.DMA,
    ],
)
def _agg_call(src_hbm, dst_hbm, xs_hbm, agg_hbm, degi_hbm, src_idx,
              dst_idx, rows0, rows1, zrow_v, ones_v, zeros_v,
              sh_agg, sh_degi, gsem0, gsem1, ssem0, ssem1):
    cid = lax.axis_index("c")
    sid = lax.axis_index("s")
    wid = cid * NS + sid

    pltpu.sync_copy(src_hbm.at[pl.ds(wid * CPT, CPT)], src_idx)
    pltpu.sync_copy(dst_hbm.at[pl.ds(wid * CPT, CPT)], dst_idx)

    for i in range(CHUNK // 16):
        ones_v[pl.ds(i * 16, 16)] = jnp.ones((16,), jnp.float32)

    def zbody(i, _):
        for j in range(D // 16):
            zrow_v[i, pl.ds(j * 16, 16)] = jnp.zeros((16,), jnp.float32)
        return ()
    lax.fori_loop(0, 16, zbody, ())

    def zcopy(k, _):
        pltpu.sync_copy(zrow_v, sh_agg.at[pl.ds(sid * STRIPE + k * 16, 16)])
        return ()
    lax.fori_loop(0, STRIPE // 16, zcopy, ())

    @pl.when(sid == 0)
    def _init_tail():
        pltpu.sync_copy(zrow_v, sh_agg.at[pl.ds(NS * STRIPE, TAIL)])

        def zdbody(i, _):
            zeros_v[pl.ds(i * 16, 16)] = jnp.zeros((16,), jnp.float32)
            return ()
        lax.fori_loop(0, NPAD // 4 // 16, zdbody, ())
        for k in range(4):
            pltpu.sync_copy(zeros_v, sh_degi.at[pl.ds(k * (NPAD // 4),
                                                      NPAD // 4)])

    plsc.subcore_barrier()

    rows = (rows0, rows1)
    gsem = (gsem0, gsem1)
    gd = [None, None]

    gd[0] = pltpu.async_copy(xs_hbm.at[src_idx.at[0]], rows[0], gsem[0])
    for j in range(CPT):
        b = j % 2
        nb = (j + 1) % 2
        if j + 1 < CPT:
            gd[nb] = pltpu.async_copy(
                xs_hbm.at[src_idx.at[j + 1]], rows[nb], gsem[nb])
        pltpu.sync_copy(ones_v, sh_degi.at[dst_idx.at[j]], add=True)
        gd[b].wait()
        pltpu.sync_copy(rows[b], sh_agg.at[dst_idx.at[j]], add=True)

    plsc.subcore_barrier()

    row0 = sid * STRIPE
    pltpu.sync_copy(sh_agg.at[pl.ds(row0, STRIPE)],
                    agg_hbm.at[cid, pl.ds(row0, STRIPE)])

    @pl.when(sid == 0)
    def _writeout_tail():
        pltpu.sync_copy(sh_agg.at[pl.ds(NS * STRIPE, TAIL)],
                        agg_hbm.at[cid, pl.ds(NS * STRIPE, TAIL)])
        pltpu.sync_copy(sh_degi, degi_hbm.at[cid, 0])




def _xs_body(x_ref, dego_ref, xs_ref):
    d = dego_ref[0, 0, pl.ds(0, N)] + dego_ref[1, 0, pl.ds(0, N)]
    norm = jnp.where(d > 0, lax.rsqrt(jnp.maximum(d, 1.0)), 0.0)
    xs_ref[pl.ds(0, N), :] = x_ref[...] * norm[:, None]
    xs_ref[pl.ds(N, 128), :] = jnp.zeros((128, D), jnp.float32)


def _xs_call(x, dego):
    return pl.pallas_call(
        _xs_body,
        out_shape=jax.ShapeDtypeStruct((NZ, D), jnp.float32),
    )(x, dego)




BI = 256
NBI = (N + BI - 1) // BI


def _zrecon_body(agg_ref, w_ref, degi_ref, b_ref, recon_ref, z_ref, zs_ref):
    i = pl.program_id(0)

    @pl.when(i == 0)
    def _compute_z():
        a = agg_ref[0] + agg_ref[1]
        d = degi_ref[0, 0, pl.ds(0, N)] + degi_ref[1, 0, pl.ds(0, N)]
        row = lax.broadcasted_iota(jnp.int32, (N,), 0)
        d = d - jnp.where(row < (E_PAD - E), 1.0, 0.0)
        norm = jnp.where(d > 0, lax.rsqrt(jnp.maximum(d, 1.0)), 0.0)
        zw = jnp.dot(a, w_ref[...], preferred_element_type=jnp.float32)
        zval = zw * norm[:, None] + b_ref[0, :][None, :]
        zs_ref[pl.ds(0, N), :] = zval
        zs_ref[pl.ds(N, NBI * BI - N), :] = jnp.zeros(
            (NBI * BI - N, H), jnp.float32)
        z_ref[...] = zval

    zi = zs_ref[pl.ds(i * BI, BI), :]
    recon_ref[...] = lax.dot_general(
        zi, zs_ref[pl.ds(0, N), :],
        dimension_numbers=(((1,), (1,)), ((), ())),
        preferred_element_type=jnp.float32,
    )


def _zrecon_call(aggp, W, degi, b2d):
    return pl.pallas_call(
        _zrecon_body,
        grid=(NBI,),
        in_specs=[
            pl.BlockSpec((NC, N, D), lambda i: (0, 0, 0)),
            pl.BlockSpec((D, H), lambda i: (0, 0)),
            pl.BlockSpec((NC, 1, NPAD), lambda i: (0, 0, 0)),
            pl.BlockSpec((1, H), lambda i: (0, 0)),
        ],
        out_specs=[
            pl.BlockSpec((BI, N), lambda i: (i, 0)),
            pl.BlockSpec((N, H), lambda i: (0, 0)),
        ],
        out_shape=[
            jax.ShapeDtypeStruct((N, N), jnp.float32),
            jax.ShapeDtypeStruct((N, H), jnp.float32),
        ],
        scratch_shapes=[pltpu.VMEM((NBI * BI, H), jnp.float32)],
    )(aggp, W, degi, b2d)




def kernel(x, edge_index, W, b):
    npad = E_PAD - E
    pad_deg = N + (jnp.arange(npad, dtype=jnp.int32) % 16)
    pad_gat = N + (jnp.arange(npad, dtype=jnp.int32) % 128)
    pad_sct = jnp.arange(npad, dtype=jnp.int32) % N
    src = edge_index[0]
    dst = edge_index[1]
    srcp_d = jnp.concatenate([src, pad_deg]).reshape(NCHUNKS_PAD, CHUNK)
    dstp_d = jnp.concatenate([dst, pad_deg]).reshape(NCHUNKS_PAD, CHUNK)
    srcp_a = jnp.concatenate([src, pad_gat]).reshape(NCHUNKS_PAD, CHUNK)
    dstp_a = jnp.concatenate([dst, pad_sct]).reshape(NCHUNKS_PAD, CHUNK)
    dego = _deg_call(srcp_d)
    xs = _xs_call(x, dego)
    aggp, degi = _agg_call(srcp_a, dstp_a, xs)
    recon, z = _zrecon_call(aggp, W, degi, b.reshape(1, H))
    return (recon, z)

# --- scband reference (transcript-rebuilt; emitter-appended) ---
"""Pipeline reference for scband-dgl-gae-24017457119332 (READ-ONLY COPY).

The authoritative reference and input builder live on the scoring server;
editing this copy changes nothing except your own understanding.
"""

import jax, jax.numpy as jnp
import numpy as np

N = 10000
E = 160000
D = 128
H = 32


def setup_inputs(seed: int = 0) -> dict:
    key = jax.random.key(seed)
    k1, k2, k3, k4 = jax.random.split(key, 4)
    x = jax.random.normal(k1, (N, D), dtype=jnp.float32)
    edge_index = jax.random.randint(k2, (2, E), 0, N, dtype=jnp.int32)
    # GraphConv weight (Glorot-ish) and bias, per init_kwargs fead_dim=128 -> hidden_dim1=32
    W = jax.random.normal(k3, (D, H), dtype=jnp.float32) * (1.0 / np.sqrt(D))
    b = jnp.zeros((H,), dtype=jnp.float32)
    return {"x": x, "edge_index": edge_index, "W": W, "b": b}


def reference(x, edge_index, W, b):
    # DGL GraphConv with norm='both': out = D_in^{-1/2} A D_out^{-1/2} X W + b
    src = edge_index[0]
    dst = edge_index[1]
    deg_out = jnp.zeros((N,), jnp.float32).at[src].add(1.0)
    deg_in = jnp.zeros((N,), jnp.float32).at[dst].add(1.0)
    norm_src = jnp.where(deg_out > 0, jax.lax.rsqrt(jnp.maximum(deg_out, 1.0)), 0.0)
    norm_dst = jnp.where(deg_in > 0, jax.lax.rsqrt(jnp.maximum(deg_in, 1.0)), 0.0)
    # in_feats > out_feats: multiply by W first, then aggregate
    h = (x * norm_src[:, None]) @ W
    msg = jnp.take(h, src, axis=0)
    agg = jnp.zeros((N, H), jnp.float32).at[dst].add(msg)
    z = agg * norm_dst[:, None] + b
    # InnerProductDecoder (dropout=0.0, logits): recon = z @ z.T
    recon = z @ z.T
    return (recon, z)

if __name__ == "__main__":
    import jax
    _d = setup_inputs()
    print(jax.jit(kernel)(*tuple(_d.values())))

</pallas_src>

<mosaic_0001>
#map = affine_map<(d0, d1) -> (0, 0)>
#map1 = affine_map<(d0, d1) -> (0, 0, 0)>
module attributes {stable_mosaic.version = 14 : i64} {
  func.func @_deg_call(%arg0: i32, %arg1: i32, %arg2: memref<1280x128xi32, #tpu.memory_space<hbm>>, %arg3: memref<2x1x10016xf32, #tpu.memory_space<hbm>>, %arg4: memref<40x128xi32, #tpu.memory_space<vmem>>, %arg5: memref<128xf32, #tpu.memory_space<vmem>>, %arg6: memref<10016xf32, #tpu.memory_space<vmem>>, %arg7: memref<10016xf32, #tpu.memory_space<vmem_shared>>) attributes {dimension_semantics = [#tpu.dimension_semantics<core_parallel>, #tpu.dimension_semantics<subcore_parallel>], iteration_bounds = array<i64: 2, 16>, scalar_prefetch = 0 : i64, scratch_operands = 4 : i64, tpu.core_type = #tpu.core_type<sc_vector_subcore>, window_params = [{transform_indices = #map}, {transform_indices = #map1}]} {
    %mul3A = arith.constant 16 : i32
    %mul3A_0 = arith.muli %arg0, %mul3A : i32
    %add3A = arith.addi %mul3A_0, %arg1 : i32
    %mul3A_1 = arith.constant 40 : i32
    %mul3A_2 = arith.muli %add3A, %mul3A_1 : i32
    "tpu.region"() ({
      %run_scoped3A = tpu.sem_alloc : memref<!tpu.dma_semaphore, #tpu.memory_space<semaphore_mem>>
      %dma_start3A = arith.constant 0 : i32
      %dma_start3A_61 = tpu.memref_slice %arg2[%mul3A_2, %dma_start3A] : memref<1280x128xi32, #tpu.memory_space<hbm>> -> memref<40x128xi32, #tpu.memory_space<hbm>>
      %dma_start3A_62 = arith.constant 0 : i32
      %dma_start3A_63 = tpu.memref_slice %arg2[%mul3A_2, %dma_start3A_62] : memref<1280x128xi32, #tpu.memory_space<hbm>> -> memref<40x128xi32, #tpu.memory_space<hbm>>
      tpu.enqueue_dma source(%dma_start3A_63 : memref<40x128xi32, #tpu.memory_space<hbm>>) target(%arg4 : memref<40x128xi32, #tpu.memory_space<vmem>>) target_semaphore(%run_scoped3A : memref<!tpu.dma_semaphore, #tpu.memory_space<semaphore_mem>>)
      %dma_wait3A = arith.constant 0 : i32
      %dma_wait3A_64 = tpu.memref_slice %arg2[%mul3A_2, %dma_wait3A] : memref<1280x128xi32, #tpu.memory_space<hbm>> -> memref<40x128xi32, #tpu.memory_space<hbm>>
      %dma_wait3A_65 = arith.constant 0 : i32
      %dma_wait3A_66 = tpu.memref_slice %arg2[%mul3A_2, %dma_wait3A_65] : memref<1280x128xi32, #tpu.memory_space<hbm>> -> memref<40x128xi32, #tpu.memory_space<hbm>>
      tpu.wait_dma2 semaphore(%run_scoped3A : memref<!tpu.dma_semaphore, #tpu.memory_space<semaphore_mem>>) src(%dma_wait3A_66 : memref<40x128xi32, #tpu.memory_space<hbm>>) dst(%arg4 : memref<40x128xi32, #tpu.memory_space<vmem>>)
      tpu.yield
    }) : () -> ()
    %broadcast_in_dim3A = arith.constant 1.000000e+00 : f32
    %broadcast_in_dim3A_3 = vector.broadcast %broadcast_in_dim3A : f32 to vector<16xf32>
    %swap3A = arith.constant 0 : index
    %swap3A_4 = tpu.vector_load %arg5[%swap3A] {strides = array<i32>} : memref<128xf32, #tpu.memory_space<vmem>>, vector<16xf32>,
    %swap3A_5 = vector.shape_cast %swap3A_4 : vector<16xf32> to vector<16xf32>
    %swap3A_6 = vector.shape_cast %broadcast_in_dim3A_3 : vector<16xf32> to vector<16xf32>
    tpu.vector_store %arg5[%swap3A], %swap3A_6 {strides = array<i32>} : memref<128xf32, #tpu.memory_space<vmem>>, vector<16xf32>,
    %broadcast_in_dim3A_7 = arith.constant 1.000000e+00 : f32
    %broadcast_in_dim3A_8 = vector.broadcast %broadcast_in_dim3A_7 : f32 to vector<16xf32>
    %swap3A_9 = arith.constant 16 : index
    %swap3A_10 = tpu.vector_load %arg5[%swap3A_9] {strides = array<i32>} : memref<128xf32, #tpu.memory_space<vmem>>, vector<16xf32>,
    %swap3A_11 = vector.shape_cast %swap3A_10 : vector<16xf32> to vector<16xf32>
    %swap3A_12 = vector.shape_cast %broadcast_in_dim3A_8 : vector<16xf32> to vector<16xf32>
    tpu.vector_store %arg5[%swap3A_9], %swap3A_12 {strides = array<i32>} : memref<128xf32, #tpu.memory_space<vmem>>, vector<16xf32>,
    %broadcast_in_dim3A_13 = arith.constant 1.000000e+00 : f32
    %broadcast_in_dim3A_14 = vector.broadcast %broadcast_in_dim3A_13 : f32 to vector<16xf32>
    %swap3A_15 = arith.constant 32 : index
    %swap3A_16 = tpu.vector_load %arg5[%swap3A_15] {strides = array<i32>} : memref<128xf32, #tpu.memory_space<vmem>>, vector<16xf32>,
    %swap3A_17 = vector.shape_cast %swap3A_16 : vector<16xf32> to vector<16xf32>
    %swap3A_18 = vector.shape_cast %broadcast_in_dim3A_14 : vector<16xf32> to vector<16xf32>
    tpu.vector_store %arg5[%swap3A_15], %swap3A_18 {strides = array<i32>} : memref<128xf32, #tpu.memory_space<vmem>>, vector<16xf32>,
    %broadcast_in_dim3A_19 = arith.constant 1.000000e+00 : f32
    %broadcast_in_dim3A_20 = vector.broadcast %broadcast_in_dim3A_19 : f32 to vector<16xf32>
    %swap3A_21 = arith.constant 48 : index
    %swap3A_22 = tpu.vector_load %arg5[%swap3A_21] {strides = array<i32>} : memref<128xf32, #tpu.memory_space<vmem>>, vector<16xf32>,
    %swap3A_23 = vector.shape_cast %swap3A_22 : vector<16xf32> to vector<16xf32>
    %swap3A_24 = vector.shape_cast %broadcast_in_dim3A_20 : vector<16xf32> to vector<16xf32>
    tpu.vector_store %arg5[%swap3A_21], %swap3A_24 {strides = array<i32>} : memref<128xf32, #tpu.memory_space<vmem>>, vector<16xf32>,
    %broadcast_in_dim3A_25 = arith.constant 1.000000e+00 : f32
    %broadcast_in_dim3A_26 = vector.broadcast %broadcast_in_dim3A_25 : f32 to vector<16xf32>
    %swap3A_27 = arith.constant 64 : index
    %swap3A_28 = tpu.vector_load %arg5[%swap3A_27] {strides = array<i32>} : memref<128xf32, #tpu.memory_space<vmem>>, vector<16xf32>,
    %swap3A_29 = vector.shape_cast %swap3A_28 : vector<16xf32> to vector<16xf32>
    %swap3A_30 = vector.shape_cast %broadcast_in_dim3A_26 : vector<16xf32> to vector<16xf32>
    tpu.vector_store %arg5[%swap3A_27], %swap3A_30 {strides = array<i32>} : memref<128xf32, #tpu.memory_space<vmem>>, vector<16xf32>,
    %broadcast_in_dim3A_31 = arith.constant 1.000000e+00 : f32
    %broadcast_in_dim3A_32 = vector.broadcast %broadcast_in_dim3A_31 : f32 to vector<16xf32>
    %swap3A_33 = arith.constant 80 : index
    %swap3A_34 = tpu.vector_load %arg5[%swap3A_33] {strides = array<i32>} : memref<128xf32, #tpu.memory_space<vmem>>, vector<16xf32>,
    %swap3A_35 = vector.shape_cast %swap3A_34 : vector<16xf32> to vector<16xf32>
    %swap3A_36 = vector.shape_cast %broadcast_in_dim3A_32 : vector<16xf32> to vector<16xf32>
    tpu.vector_store %arg5[%swap3A_33], %swap3A_36 {strides = array<i32>} : memref<128xf32, #tpu.memory_space<vmem>>, vector<16xf32>,
    %broadcast_in_dim3A_37 = arith.constant 1.000000e+00 : f32
    %broadcast_in_dim3A_38 = vector.broadcast %broadcast_in_dim3A_37 : f32 to vector<16xf32>
    %swap3A_39 = arith.constant 96 : index
    %swap3A_40 = tpu.vector_load %arg5[%swap3A_39] {strides = array<i32>} : memref<128xf32, #tpu.memory_space<vmem>>, vector<16xf32>,
    %swap3A_41 = vector.shape_cast %swap3A_40 : vector<16xf32> to vector<16xf32>
    %swap3A_42 = vector.shape_cast %broadcast_in_dim3A_38 : vector<16xf32> to vector<16xf32>
    tpu.vector_store %arg5[%swap3A_39], %swap3A_42 {strides = array<i32>} : memref<128xf32, #tpu.memory_space<vmem>>, vector<16xf32>,
    %broadcast_in_dim3A_43 = arith.constant 1.000000e+00 : f32
    %broadcast_in_dim3A_44 = vector.broadcast %broadcast_in_dim3A_43 : f32 to vector<16xf32>
    %swap3A_45 = arith.constant 112 : index
    %swap3A_46 = tpu.vector_load %arg5[%swap3A_45] {strides = array<i32>} : memref<128xf32, #tpu.memory_space<vmem>>, vector<16xf32>,
    %swap3A_47 = vector.shape_cast %swap3A_46 : vector<16xf32> to vector<16xf32>
    %swap3A_48 = vector.shape_cast %broadcast_in_dim3A_44 : vector<16xf32> to vector<16xf32>
    tpu.vector_store %arg5[%swap3A_45], %swap3A_48 {strides = array<i32>} : memref<128xf32, #tpu.memory_space<vmem>>, vector<16xf32>,
    %eq3A = arith.constant 0 : i32
    %eq3A_49 = arith.cmpi eq, %arg1, %eq3A : i32
    %convert_element_type3A = arith.extui %eq3A_49 : i1 to i32
    %cond3A = arith.constant 0 : i32
    %cond3A_50 = arith.cmpi ne, %convert_element_type3A, %cond3A : i32
    scf.if %cond3A_50 {
      %scan3A_61 = arith.constant 0 : i32
      %scan3A_62 = arith.constant 626 : i32
      %scan3A_63 = arith.addi %scan3A_61, %scan3A_62 : i32
      %scan3A_64 = arith.constant 1 : i32
      scf.for %scan3A_66 = %scan3A_61 to %scan3A_63 step %scan3A_64  : i32 {
        %broadcast_in_dim3A_67 = arith.constant 0.000000e+00 : f32
        %broadcast_in_dim3A_68 = vector.broadcast %broadcast_in_dim3A_67 : f32 to vector<16xf32>
        %mul3A_69 = arith.constant 16 : i32
        %mul3A_70 = arith.muli %scan3A_66, %mul3A_69 : i32
        %swap3A_71 = arith.index_cast %mul3A_70 : i32 to index
        %swap3A_72 = tpu.vector_load %arg6[%swap3A_71] {strides = array<i32>} : memref<10016xf32, #tpu.memory_space<vmem>>, vector<16xf32>,
        %swap3A_73 = vector.shape_cast %swap3A_72 : vector<16xf32> to vector<16xf32>
        %swap3A_74 = vector.shape_cast %broadcast_in_dim3A_68 : vector<16xf32> to vector<16xf32>
        tpu.vector_store %arg6[%swap3A_71], %swap3A_74 {strides = array<i32>} : memref<10016xf32, #tpu.memory_space<vmem>>, vector<16xf32>,
      }
      %scan3A_65 = arith.constant 626 : i32
      "tpu.region"() ({
        %run_scoped3A = tpu.sem_alloc : memref<!tpu.dma_semaphore, #tpu.memory_space<semaphore_mem>>
        tpu.enqueue_dma source(%arg6 : memref<10016xf32, #tpu.memory_space<vmem>>) target(%arg7 : memref<10016xf32, #tpu.memory_space<vmem_shared>>) target_semaphore(%run_scoped3A : memref<!tpu.dma_semaphore, #tpu.memory_space<semaphore_mem>>)
        tpu.wait_dma2 semaphore(%run_scoped3A : memref<!tpu.dma_semaphore, #tpu.memory_space<semaphore_mem>>) src(%arg6 : memref<10016xf32, #tpu.memory_space<vmem>>) dst(%arg7 : memref<10016xf32, #tpu.memory_space<vmem_shared>>)
        tpu.yield
      }) : () -> ()
    } else {
    }
    %barrier3A = arith.constant 0 : index
    tpu.barrier barrier_id(%barrier3A)
    %scan3A = arith.constant 0 : i32
    %scan3A_51 = arith.constant 40 : i32
    %scan3A_52 = arith.addi %scan3A, %scan3A_51 : i32
    %scan3A_53 = arith.constant 1 : i32
    scf.for %scan3A_61 = %scan3A to %scan3A_52 step %scan3A_53  : i32 {
      "tpu.region"() ({
        %run_scoped3A = tpu.sem_alloc : memref<!tpu.dma_semaphore, #tpu.memory_space<semaphore_mem>>
        %dma_start3A = arith.constant 0 : i32
        %dma_start3A_62 = tpu.memref_slice %arg4[%scan3A_61, %dma_start3A] : memref<40x128xi32, #tpu.memory_space<vmem>> -> memref<1x128xi32, #tpu.memory_space<vmem>>
        %dma_start3A_63 = tpu.memref_squeeze %dma_start3A_62 : memref<1x128xi32, #tpu.memory_space<vmem>> -> memref<128xi32, #tpu.memory_space<vmem>>
        %dma_start3A_64 = arith.constant 0 : i32
        %dma_start3A_65 = tpu.memref_slice %arg7[%dma_start3A_64] : memref<10016xf32, #tpu.memory_space<vmem_shared>> -> memref<10016xf32, #tpu.memory_space<vmem_shared>>
        tpu.enqueue_indirect_dma source(%arg5 : memref<128xf32, #tpu.memory_space<vmem>>) target(%dma_start3A_65 : memref<10016xf32, #tpu.memory_space<vmem_shared>>) offsets(%dma_start3A_63 : memref<128xi32, #tpu.memory_space<vmem>>) semaphore(%run_scoped3A : memref<!tpu.dma_semaphore, #tpu.memory_space<semaphore_mem>>) {add = true}
        %dma_wait3A = arith.constant 0 : i32
        %dma_wait3A_66 = tpu.memref_slice %arg4[%scan3A_61, %dma_wait3A] : memref<40x128xi32, #tpu.memory_space<vmem>> -> memref<1x128xi32, #tpu.memory_space<vmem>>
        %dma_wait3A_67 = tpu.memref_squeeze %dma_wait3A_66 : memref<1x128xi32, #tpu.memory_space<vmem>> -> memref<128xi32, #tpu.memory_space<vmem>>
        %dma_wait3A_68 = arith.constant 0 : i32
        %dma_wait3A_69 = tpu.memref_slice %arg7[%dma_wait3A_68] : memref<10016xf32, #tpu.memory_space<vmem_shared>> -> memref<10016xf32, #tpu.memory_space<vmem_shared>>
        tpu.wait_indirect_dma semaphore(%run_scoped3A : memref<!tpu.dma_semaphore, #tpu.memory_space<semaphore_mem>>) src(%arg5 : memref<128xf32, #tpu.memory_space<vmem>>) dst(%dma_wait3A_69 : memref<10016xf32, #tpu.memory_space<vmem_shared>>)
        tpu.yield
      }) : () -> ()
    }
    %scan3A_54 = arith.constant 40 : i32
    %barrier3A_55 = arith.constant 0 : index
    tpu.barrier barrier_id(%barrier3A_55)
    %eq3A_56 = arith.constant 0 : i32
    %eq3A_57 = arith.cmpi eq, %arg1, %eq3A_56 : i32
    %convert_element_type3A_58 = arith.extui %eq3A_57 : i1 to i32
    %cond3A_59 = arith.constant 0 : i32
    %cond3A_60 = arith.cmpi ne, %convert_element_type3A_58, %cond3A_59 : i32
    scf.if %cond3A_60 {
      %run_scoped3A = arith.constant 0 : i32
      "tpu.region"() ({
        %run_scoped3A_61 = tpu.sem_alloc : memref<!tpu.dma_semaphore, #tpu.memory_space<semaphore_mem>>
        %dma_start3A = arith.constant 0 : i32
        %dma_start3A_62 = tpu.memref_slice %arg3[%arg0, %run_scoped3A, %dma_start3A] : memref<2x1x10016xf32, #tpu.memory_space<hbm>> -> memref<1x1x10016xf32, #tpu.memory_space<hbm>>
        %dma_start3A_63 = tpu.memref_squeeze %dma_start3A_62 : memref<1x1x10016xf32, #tpu.memory_space<hbm>> -> memref<10016xf32, #tpu.memory_space<hbm>>
        tpu.enqueue_dma source(%arg7 : memref<10016xf32, #tpu.memory_space<vmem_shared>>) target(%dma_start3A_63 : memref<10016xf32, #tpu.memory_space<hbm>>) target_semaphore(%run_scoped3A_61 : memref<!tpu.dma_semaphore, #tpu.memory_space<semaphore_mem>>)
        %dma_wait3A = arith.constant 0 : i32
        %dma_wait3A_64 = tpu.memref_slice %arg3[%arg0, %run_scoped3A, %dma_wait3A] : memref<2x1x10016xf32, #tpu.memory_space<hbm>> -> memref<1x1x10016xf32, #tpu.memory_space<hbm>>
        %dma_wait3A_65 = tpu.memref_squeeze %dma_wait3A_64 : memref<1x1x10016xf32, #tpu.memory_space<hbm>> -> memref<10016xf32, #tpu.memory_space<hbm>>
        tpu.wait_dma2 semaphore(%run_scoped3A_61 : memref<!tpu.dma_semaphore, #tpu.memory_space<semaphore_mem>>) src(%arg7 : memref<10016xf32, #tpu.memory_space<vmem_shared>>) dst(%dma_wait3A_65 : memref<10016xf32, #tpu.memory_space<hbm>>)
        tpu.yield
      }) : () -> ()
    } else {
    }
    return
  }
}

#map = affine_map<(d0, d1) -> (0, 0)>
#map1 = affine_map<(d0, d1) -> (0, 0, 0)>
module attributes {stable_mosaic.version = 14 : i64} {
  func.func @_agg_call(%arg0: i32, %arg1: i32, %arg2: memref<1280x128xi32, #tpu.memory_space<hbm>>, %arg3: memref<1280x128xi32, #tpu.memory_space<hbm>>, %arg4: memref<10128x128xf32, #tpu.memory_space<hbm>>, %arg5: memref<2x10000x128xf32, #tpu.memory_space<hbm>>, %arg6: memref<2x1x10016xf32, #tpu.memory_space<hbm>>, %arg7: memref<40x128xi32, #tpu.memory_space<vmem>>, %arg8: memref<40x128xi32, #tpu.memory_space<vmem>>, %arg9: memref<128x128xf32, #tpu.memory_space<vmem>>, %arg10: memref<128x128xf32, #tpu.memory_space<vmem>>, %arg11: memref<16x128xf32, #tpu.memory_space<vmem>>, %arg12: memref<128xf32, #tpu.memory_space<vmem>>, %arg13: memref<2504xf32, #tpu.memory_space<vmem>>, %arg14: memref<10008x128xf32, #tpu.memory_space<vmem_shared>>, %arg15: memref<10016xf32, #tpu.memory_space<vmem_shared>>, %arg16: memref<!tpu.dma_semaphore, #tpu.memory_space<semaphore_mem>>, %arg17: memref<!tpu.dma_semaphore, #tpu.memory_space<semaphore_mem>>, %arg18: memref<!tpu.dma_semaphore, #tpu.memory_space<semaphore_mem>>, %arg19: memref<!tpu.dma_semaphore, #tpu.memory_space<semaphore_mem>>) attributes {dimension_semantics = [#tpu.dimension_semantics<core_parallel>, #tpu.dimension_semantics<subcore_parallel>], iteration_bounds = array<i64: 2, 16>, scalar_prefetch = 0 : i64, scratch_operands = 13 : i64, tpu.core_type = #tpu.core_type<sc_vector_subcore>, window_params = [{transform_indices = #map}, {transform_indices = #map}, {transform_indices = #map}, {transform_indices = #map1}, {transform_indices = #map1}]} {
    %mul3A = arith.constant 16 : i32
    %mul3A_0 = arith.muli %arg0, %mul3A : i32
    %add3A = arith.addi %mul3A_0, %arg1 : i32
    %mul3A_1 = arith.constant 40 : i32
    %mul3A_2 = arith.muli %add3A, %mul3A_1 : i32
    "tpu.region"() ({
      %run_scoped3A_707 = tpu.sem_alloc : memref<!tpu.dma_semaphore, #tpu.memory_space<semaphore_mem>>
      %dma_start3A_708 = arith.constant 0 : i32
      %dma_start3A_709 = tpu.memref_slice %arg2[%mul3A_2, %dma_start3A_708] : memref<1280x128xi32, #tpu.memory_space<hbm>> -> memref<40x128xi32, #tpu.memory_space<hbm>>
      %dma_start3A_710 = arith.constant 0 : i32
      %dma_start3A_711 = tpu.memref_slice %arg2[%mul3A_2, %dma_start3A_710] : memref<1280x128xi32, #tpu.memory_space<hbm>> -> memref<40x128xi32, #tpu.memory_space<hbm>>
      tpu.enqueue_dma source(%dma_start3A_711 : memref<40x128xi32, #tpu.memory_space<hbm>>) target(%arg7 : memref<40x128xi32, #tpu.memory_space<vmem>>) target_semaphore(%run_scoped3A_707 : memref<!tpu.dma_semaphore, #tpu.memory_space<semaphore_mem>>)
      %dma_wait3A_712 = arith.constant 0 : i32
      %dma_wait3A_713 = tpu.memref_slice %arg2[%mul3A_2, %dma_wait3A_712] : memref<1280x128xi32, #tpu.memory_space<hbm>> -> memref<40x128xi32, #tpu.memory_space<hbm>>
      %dma_wait3A_714 = arith.constant 0 : i32
      %dma_wait3A_715 = tpu.memref_slice %arg2[%mul3A_2, %dma_wait3A_714] : memref<1280x128xi32, #tpu.memory_space<hbm>> -> memref<40x128xi32, #tpu.memory_space<hbm>>
      tpu.wait_dma2 semaphore(%run_scoped3A_707 : memref<!tpu.dma_semaphore, #tpu.memory_space<semaphore_mem>>) src(%dma_wait3A_715 : memref<40x128xi32, #tpu.memory_space<hbm>>) dst(%arg7 : memref<40x128xi32, #tpu.memory_space<vmem>>)
      tpu.yield
    }) : () -> ()
    %mul3A_3 = arith.constant 40 : i32
    %mul3A_4 = arith.muli %add3A, %mul3A_3 : i32
    "tpu.region"() ({
      %run_scoped3A_707 = tpu.sem_alloc : memref<!tpu.dma_semaphore, #tpu.memory_space<semaphore_mem>>
      %dma_start3A_708 = arith.constant 0 : i32
      %dma_start3A_709 = tpu.memref_slice %arg3[%mul3A_4, %dma_start3A_708] : memref<1280x128xi32, #tpu.memory_space<hbm>> -> memref<40x128xi32, #tpu.memory_space<hbm>>
      %dma_start3A_710 = arith.constant 0 : i32
      %dma_start3A_711 = tpu.memref_slice %arg3[%mul3A_4, %dma_start3A_710] : memref<1280x128xi32, #tpu.memory_space<hbm>> -> memref<40x128xi32, #tpu.memory_space<hbm>>
      tpu.enqueue_dma source(%dma_start3A_711 : memref<40x128xi32, #tpu.memory_space<hbm>>) target(%arg8 : memref<40x128xi32, #tpu.memory_space<vmem>>) target_semaphore(%run_scoped3A_707 : memref<!tpu.dma_semaphore, #tpu.memory_space<semaphore_mem>>)
      %dma_wait3A_712 = arith.constant 0 : i32
      %dma_wait3A_713 = tpu.memref_slice %arg3[%mul3A_4, %dma_wait3A_712] : memref<1280x128xi32, #tpu.memory_space<hbm>> -> memref<40x128xi32, #tpu.memory_space<hbm>>
      %dma_wait3A_714 = arith.constant 0 : i32
      %dma_wait3A_715 = tpu.memref_slice %arg3[%mul3A_4, %dma_wait3A_714] : memref<1280x128xi32, #tpu.memory_space<hbm>> -> memref<40x128xi32, #tpu.memory_space<hbm>>
      tpu.wait_dma2 semaphore(%run_scoped3A_707 : memref<!tpu.dma_semaphore, #tpu.memory_space<semaphore_mem>>) src(%dma_wait3A_715 : memref<40x128xi32, #tpu.memory_space<hbm>>) dst(%arg8 : memref<40x128xi32, #tpu.memory_space<vmem>>)
      tpu.yield
    }) : () -> ()
    %broadcast_in_dim3A = arith.constant 1.000000e+00 : f32
    %broadcast_in_dim3A_5 = vector.broadcast %broadcast_in_dim3A : f32 to vector<16xf32>
    %swap3A = arith.constant 0 : index
    %swap3A_6 = tpu.vector_load %arg12[%swap3A] {strides = array<i32>} : memref<128xf32, #tpu.memory_space<vmem>>, vector<16xf32>,
    %swap3A_7 = vector.shape_cast %swap3A_6 : vector<16xf32> to vector<16xf32>
    %swap3A_8 = vector.shape_cast %broadcast_in_dim3A_5 : vector<16xf32> to vector<16xf32>
    tpu.vector_store %arg12[%swap3A], %swap3A_8 {strides = array<i32>} : memref<128xf32, #tpu.memory_space<vmem>>, vector<16xf32>,
    %broadcast_in_dim3A_9 = arith.constant 1.000000e+00 : f32
    %broadcast_in_dim3A_10 = vector.broadcast %broadcast_in_dim3A_9 : f32 to vector<16xf32>
    %swap3A_11 = arith.constant 16 : index
    %swap3A_12 = tpu.vector_load %arg12[%swap3A_11] {strides = array<i32>} : memref<128xf32, #tpu.memory_space<vmem>>, vector<16xf32>,
    %swap3A_13 = vector.shape_cast %swap3A_12 : vector<16xf32> to vector<16xf32>
    %swap3A_14 = vector.shape_cast %broadcast_in_dim3A_10 : vector<16xf32> to vector<16xf32>
    tpu.vector_store %arg12[%swap3A_11], %swap3A_14 {strides = array<i32>} : memref<128xf32, #tpu.memory_space<vmem>>, vector<16xf32>,
    %broadcast_in_dim3A_15 = arith.constant 1.000000e+00 : f32
    %broadcast_in_dim3A_16 = vector.broadcast %broadcast_in_dim3A_15 : f32 to vector<16xf32>
    %swap3A_17 = arith.constant 32 : index
    %swap3A_18 = tpu.vector_load %arg12[%swap3A_17] {strides = array<i32>} : memref<128xf32, #tpu.memory_space<vmem>>, vector<16xf32>,
    %swap3A_19 = vector.shape_cast %swap3A_18 : vector<16xf32> to vector<16xf32>
    %swap3A_20 = vector.shape_cast %broadcast_in_dim3A_16 : vector<16xf32> to vector<16xf32>
    tpu.vector_store %arg12[%swap3A_17], %swap3A_20 {strides = array<i32>} : memref<128xf32, #tpu.memory_space<vmem>>, vector<16xf32>,
    %broadcast_in_dim3A_21 = arith.constant 1.000000e+00 : f32
    %broadcast_in_dim3A_22 = vector.broadcast %broadcast_in_dim3A_21 : f32 to vector<16xf32>
    %swap3A_23 = arith.constant 48 : index
    %swap3A_24 = tpu.vector_load %arg12[%swap3A_23] {strides = array<i32>} : memref<128xf32, #tpu.memory_space<vmem>>, vector<16xf32>,
    %swap3A_25 = vector.shape_cast %swap3A_24 : vector<16xf32> to vector<16xf32>
    %swap3A_26 = vector.shape_cast %broadcast_in_dim3A_22 : vector<16xf32> to vector<16xf32>
    tpu.vector_store %arg12[%swap3A_23], %swap3A_26 {strides = array<i32>} : memref<128xf32, #tpu.memory_space<vmem>>, vector<16xf32>,
    %broadcast_in_dim3A_27 = arith.constant 1.000000e+00 : f32
    %broadcast_in_dim3A_28 = vector.broadcast %broadcast_in_dim3A_27 : f32 to vector<16xf32>
    %swap3A_29 = arith.constant 64 : index
    %swap3A_30 = tpu.vector_load %arg12[%swap3A_29] {strides = array<i32>} : memref<128xf32, #tpu.memory_space<vmem>>, vector<16xf32>,
    %swap3A_31 = vector.shape_cast %swap3A_30 : vector<16xf32> to vector<16xf32>
    %swap3A_32 = vector.shape_cast %broadcast_in_dim3A_28 : vector<16xf32> to vector<16xf32>
    tpu.vector_store %arg12[%swap3A_29], %swap3A_32 {strides = array<i32>} : memref<128xf32, #tpu.memory_space<vmem>>, vector<16xf32>,
    %broadcast_in_dim3A_33 = arith.constant 1.000000e+00 : f32
    %broadcast_in_dim3A_34 = vector.broadcast %broadcast_in_dim3A_33 : f32 to vector<16xf32>
    %swap3A_35 = arith.constant 80 : index
    %swap3A_36 = tpu.vector_load %arg12[%swap3A_35] {strides = array<i32>} : memref<128xf32, #tpu.memory_space<vmem>>, vector<16xf32>,
    %swap3A_37 = vector.shape_cast %swap3A_36 : vector<16xf32> to vector<16xf32>
    %swap3A_38 = vector.shape_cast %broadcast_in_dim3A_34 : vector<16xf32> to vector<16xf32>
    tpu.vector_store %arg12[%swap3A_35], %swap3A_38 {strides = array<i32>} : memref<128xf32, #tpu.memory_space<vmem>>, vector<16xf32>,
    %broadcast_in_dim3A_39 = arith.constant 1.000000e+00 : f32
    %broadcast_in_dim3A_40 = vector.broadcast %broadcast_in_dim3A_39 : f32 to vector<16xf32>
    %swap3A_41 = arith.constant 96 : index
    %swap3A_42 = tpu.vector_load %arg12[%swap3A_41] {strides = array<i32>} : memref<128xf32, #tpu.memory_space<vmem>>, vector<16xf32>,
    %swap3A_43 = vector.shape_cast %swap3A_42 : vector<16xf32> to vector<16xf32>
    %swap3A_44 = vector.shape_cast %broadcast_in_dim3A_40 : vector<16xf32> to vector<16xf32>
    tpu.vector_store %arg12[%swap3A_41], %swap3A_44 {strides = array<i32>} : memref<128xf32, #tpu.memory_space<vmem>>, vector<16xf32>,
    %broadcast_in_dim3A_45 = arith.constant 1.000000e+00 : f32
    %broadcast_in_dim3A_46 = vector.broadcast %broadcast_in_dim3A_45 : f32 to vector<16xf32>
    %swap3A_47 = arith.constant 112 : index
    %swap3A_48 = tpu.vector_load %arg12[%swap3A_47] {strides = array<i32>} : memref<128xf32, #tpu.memory_space<vmem>>, vector<16xf32>,
    %swap3A_49 = vector.shape_cast %swap3A_48 : vector<16xf32> to vector<16xf32>
    %swap3A_50 = vector.shape_cast %broadcast_in_dim3A_46 : vector<16xf32> to vector<16xf32>
    tpu.vector_store %arg12[%swap3A_47], %swap3A_50 {strides = array<i32>} : memref<128xf32, #tpu.memory_space<vmem>>, vector<16xf32>,
    %scan3A = arith.constant 0 : i32
    %scan3A_51 = arith.constant 16 : i32
    %scan3A_52 = arith.addi %scan3A, %scan3A_51 : i32
    %scan3A_53 = arith.constant 1 : i32
    scf.for %scan3A_707 = %scan3A to %scan3A_52 step %scan3A_53  : i32 {
      %broadcast_in_dim3A_708 = arith.constant 0.000000e+00 : f32
      %broadcast_in_dim3A_709 = vector.broadcast %broadcast_in_dim3A_708 : f32 to vector<16xf32>
      %swap3A_710 = arith.index_cast %scan3A_707 : i32 to index
      %swap3A_711 = arith.constant 0 : index
      %swap3A_712 = tpu.vector_load %arg11[%swap3A_710, %swap3A_711] {strides = array<i32>} : memref<16x128xf32, #tpu.memory_space<vmem>>, vector<1x16xf32>,
      %swap3A_713 = vector.shape_cast %swap3A_712 : vector<1x16xf32> to vector<16xf32>
      %swap3A_714 = vector.shape_cast %broadcast_in_dim3A_709 : vector<16xf32> to vector<1x16xf32>
      tpu.vector_store %arg11[%swap3A_710, %swap3A_711], %swap3A_714 {strides = array<i32>} : memref<16x128xf32, #tpu.memory_space<vmem>>, vector<1x16xf32>,
      %broadcast_in_dim3A_715 = arith.constant 0.000000e+00 : f32
      %broadcast_in_dim3A_716 = vector.broadcast %broadcast_in_dim3A_715 : f32 to vector<16xf32>
      %swap3A_717 = arith.index_cast %scan3A_707 : i32 to index
      %swap3A_718 = arith.constant 16 : index
      %swap3A_719 = tpu.vector_load %arg11[%swap3A_717, %swap3A_718] {strides = array<i32>} : memref<16x128xf32, #tpu.memory_space<vmem>>, vector<1x16xf32>,
      %swap3A_720 = vector.shape_cast %swap3A_719 : vector<1x16xf32> to vector<16xf32>
      %swap3A_721 = vector.shape_cast %broadcast_in_dim3A_716 : vector<16xf32> to vector<1x16xf32>
      tpu.vector_store %arg11[%swap3A_717, %swap3A_718], %swap3A_721 {strides = array<i32>} : memref<16x128xf32, #tpu.memory_space<vmem>>, vector<1x16xf32>,
      %broadcast_in_dim3A_722 = arith.constant 0.000000e+00 : f32
      %broadcast_in_dim3A_723 = vector.broadcast %broadcast_in_dim3A_722 : f32 to vector<16xf32>
      %swap3A_724 = arith.index_cast %scan3A_707 : i32 to index
      %swap3A_725 = arith.constant 32 : index
      %swap3A_726 = tpu.vector_load %arg11[%swap3A_724, %swap3A_725] {strides = array<i32>} : memref<16x128xf32, #tpu.memory_space<vmem>>, vector<1x16xf32>,
      %swap3A_727 = vector.shape_cast %swap3A_726 : vector<1x16xf32> to vector<16xf32>
      %swap3A_728 = vector.shape_cast %broadcast_in_dim3A_723 : vector<16xf32> to vector<1x16xf32>
      tpu.vector_store %arg11[%swap3A_724, %swap3A_725], %swap3A_728 {strides = array<i32>} : memref<16x128xf32, #tpu.memory_space<vmem>>, vector<1x16xf32>,
      %broadcast_in_dim3A_729 = arith.constant 0.000000e+00 : f32
      %broadcast_in_dim3A_730 = vector.broadcast %broadcast_in_dim3A_729 : f32 to vector<16xf32>
      %swap3A_731 = arith.index_cast %scan3A_707 : i32 to index
      %swap3A_732 = arith.constant 48 : index
      %swap3A_733 = tpu.vector_load %arg11[%swap3A_731, %swap3A_732] {strides = array<i32>} : memref<16x128xf32, #tpu.memory_space<vmem>>, vector<1x16xf32>,
      %swap3A_734 = vector.shape_cast %swap3A_733 : vector<1x16xf32> to vector<16xf32>
      %swap3A_735 = vector.shape_cast %broadcast_in_dim3A_730 : vector<16xf32> to vector<1x16xf32>
      tpu.vector_store %arg11[%swap3A_731, %swap3A_732], %swap3A_735 {strides = array<i32>} : memref<16x128xf32, #tpu.memory_space<vmem>>, vector<1x16xf32>,
      %broadcast_in_dim3A_736 = arith.constant 0.000000e+00 : f32
      %broadcast_in_dim3A_737 = vector.broadcast %broadcast_in_dim3A_736 : f32 to vector<16xf32>
      %swap3A_738 = arith.index_cast %scan3A_707 : i32 to index
      %swap3A_739 = arith.constant 64 : index
      %swap3A_740 = tpu.vector_load %arg11[%swap3A_738, %swap3A_739] {strides = array<i32>} : memref<16x128xf32, #tpu.memory_space<vmem>>, vector<1x16xf32>,
      %swap3A_741 = vector.shape_cast %swap3A_740 : vector<1x16xf32> to vector<16xf32>
      %swap3A_742 = vector.shape_cast %broadcast_in_dim3A_737 : vector<16xf32> to vector<1x16xf32>
      tpu.vector_store %arg11[%swap3A_738, %swap3A_739], %swap3A_742 {strides = array<i32>} : memref<16x128xf32, #tpu.memory_space<vmem>>, vector<1x16xf32>,
      %broadcast_in_dim3A_743 = arith.constant 0.000000e+00 : f32
      %broadcast_in_dim3A_744 = vector.broadcast %broadcast_in_dim3A_743 : f32 to vector<16xf32>
      %swap3A_745 = arith.index_cast %scan3A_707 : i32 to index
      %swap3A_746 = arith.constant 80 : index
      %swap3A_747 = tpu.vector_load %arg11[%swap3A_745, %swap3A_746] {strides = array<i32>} : memref<16x128xf32, #tpu.memory_space<vmem>>, vector<1x16xf32>,
      %swap3A_748 = vector.shape_cast %swap3A_747 : vector<1x16xf32> to vector<16xf32>
      %swap3A_749 = vector.shape_cast %broadcast_in_dim3A_744 : vector<16xf32> to vector<1x16xf32>
      tpu.vector_store %arg11[%swap3A_745, %swap3A_746], %swap3A_749 {strides = array<i32>} : memref<16x128xf32, #tpu.memory_space<vmem>>, vector<1x16xf32>,
      %broadcast_in_dim3A_750 = arith.constant 0.000000e+00 : f32
      %broadcast_in_dim3A_751 = vector.broadcast %broadcast_in_dim3A_750 : f32 to vector<16xf32>
      %swap3A_752 = arith.index_cast %scan3A_707 : i32 to index
      %swap3A_753 = arith.constant 96 : index
      %swap3A_754 = tpu.vector_load %arg11[%swap3A_752, %swap3A_753] {strides = array<i32>} : memref<16x128xf32, #tpu.memory_space<vmem>>, vector<1x16xf32>,
      %swap3A_755 = vector.shape_cast %swap3A_754 : vector<1x16xf32> to vector<16xf32>
      %swap3A_756 = vector.shape_cast %broadcast_in_dim3A_751 : vector<16xf32> to vector<1x16xf32>
      tpu.vector_store %arg11[%swap3A_752, %swap3A_753], %swap3A_756 {strides = array<i32>} : memref<16x128xf32, #tpu.memory_space<vmem>>, vector<1x16xf32>,
      %broadcast_in_dim3A_757 = arith.constant 0.000000e+00 : f32
      %broadcast_in_dim3A_758 = vector.broadcast %broadcast_in_dim3A_757 : f32 to vector<16xf32>
      %swap3A_759 = arith.index_cast %scan3A_707 : i32 to index
      %swap3A_760 = arith.constant 112 : index
      %swap3A_761 = tpu.vector_load %arg11[%swap3A_759, %swap3A_760] {strides = array<i32>} : memref<16x128xf32, #tpu.memory_space<vmem>>, vector<1x16xf32>,
      %swap3A_762 = vector.shape_cast %swap3A_761 : vector<1x16xf32> to vector<16xf32>
      %swap3A_763 = vector.shape_cast %broadcast_in_dim3A_758 : vector<16xf32> to vector<1x16xf32>
      tpu.vector_store %arg11[%swap3A_759, %swap3A_760], %swap3A_763 {strides = array<i32>} : memref<16x128xf32, #tpu.memory_space<vmem>>, vector<1x16xf32>,
    }
    %scan3A_54 = arith.constant 16 : i32
    %scan3A_55 = arith.constant 0 : i32
    %scan3A_56 = arith.constant 39 : i32
    %scan3A_57 = arith.addi %scan3A_55, %scan3A_56 : i32
    %scan3A_58 = arith.constant 1 : i32
    scf.for %scan3A_707 = %scan3A_55 to %scan3A_57 step %scan3A_58  : i32 {
      %mul3A_708 = arith.constant 624 : i32
      %mul3A_709 = arith.muli %arg1, %mul3A_708 : i32
      %mul3A_710 = arith.constant 16 : i32
      %mul3A_711 = arith.muli %scan3A_707, %mul3A_710 : i32
      %add3A_712 = arith.addi %mul3A_709, %mul3A_711 : i32
      "tpu.region"() ({
        %run_scoped3A_713 = tpu.sem_alloc : memref<!tpu.dma_semaphore, #tpu.memory_space<semaphore_mem>>
        %dma_start3A_714 = arith.constant 0 : i32
        %dma_start3A_715 = tpu.memref_slice %arg14[%add3A_712, %dma_start3A_714] : memref<10008x128xf32, #tpu.memory_space<vmem_shared>> -> memref<16x128xf32, #tpu.memory_space<vmem_shared>>
        %dma_start3A_716 = arith.constant 0 : i32
        %dma_start3A_717 = tpu.memref_slice %arg14[%add3A_712, %dma_start3A_716] : memref<10008x128xf32, #tpu.memory_space<vmem_shared>> -> memref<16x128xf32, #tpu.memory_space<vmem_shared>>
        tpu.enqueue_dma source(%arg11 : memref<16x128xf32, #tpu.memory_space<vmem>>) target(%dma_start3A_717 : memref<16x128xf32, #tpu.memory_space<vmem_shared>>) target_semaphore(%run_scoped3A_713 : memref<!tpu.dma_semaphore, #tpu.memory_space<semaphore_mem>>)
        %dma_wait3A_718 = arith.constant 0 : i32
        %dma_wait3A_719 = tpu.memref_slice %arg14[%add3A_712, %dma_wait3A_718] : memref<10008x128xf32, #tpu.memory_space<vmem_shared>> -> memref<16x128xf32, #tpu.memory_space<vmem_shared>>
        %dma_wait3A_720 = arith.constant 0 : i32
        %dma_wait3A_721 = tpu.memref_slice %arg14[%add3A_712, %dma_wait3A_720] : memref<10008x128xf32, #tpu.memory_space<vmem_shared>> -> memref<16x128xf32, #tpu.memory_space<vmem_shared>>
        tpu.wait_dma2 semaphore(%run_scoped3A_713 : memref<!tpu.dma_semaphore, #tpu.memory_space<semaphore_mem>>) src(%arg11 : memref<16x128xf32, #tpu.memory_space<vmem>>) dst(%dma_wait3A_721 : memref<16x128xf32, #tpu.memory_space<vmem_shared>>)
        tpu.yield
      }) : () -> ()
    }
    %scan3A_59 = arith.constant 39 : i32
    %eq3A = arith.constant 0 : i32
    %eq3A_60 = arith.cmpi eq, %arg1, %eq3A : i32
    %convert_element_type3A = arith.extui %eq3A_60 : i1 to i32
    %cond3A = arith.constant 0 : i32
    %cond3A_61 = arith.cmpi ne, %convert_element_type3A, %cond3A : i32
    scf.if %cond3A_61 {
      "tpu.region"() ({
        %run_scoped3A_712 = tpu.sem_alloc : memref<!tpu.dma_semaphore, #tpu.memory_space<semaphore_mem>>
        %dma_start3A_713 = arith.constant 9984 : i32
        %dma_start3A_714 = arith.constant 0 : i32
        %dma_start3A_715 = tpu.memref_slice %arg14[%dma_start3A_713, %dma_start3A_714] : memref<10008x128xf32, #tpu.memory_space<vmem_shared>> -> memref<16x128xf32, #tpu.memory_space<vmem_shared>>
        %dma_start3A_716 = arith.constant 9984 : i32
        %dma_start3A_717 = arith.constant 0 : i32
        %dma_start3A_718 = tpu.memref_slice %arg14[%dma_start3A_716, %dma_start3A_717] : memref<10008x128xf32, #tpu.memory_space<vmem_shared>> -> memref<16x128xf32, #tpu.memory_space<vmem_shared>>
        tpu.enqueue_dma source(%arg11 : memref<16x128xf32, #tpu.memory_space<vmem>>) target(%dma_start3A_718 : memref<16x128xf32, #tpu.memory_space<vmem_shared>>) target_semaphore(%run_scoped3A_712 : memref<!tpu.dma_semaphore, #tpu.memory_space<semaphore_mem>>)
        %dma_wait3A_719 = arith.constant 9984 : i32
        %dma_wait3A_720 = arith.constant 0 : i32
        %dma_wait3A_721 = tpu.memref_slice %arg14[%dma_wait3A_719, %dma_wait3A_720] : memref<10008x128xf32, #tpu.memory_space<vmem_shared>> -> memref<16x128xf32, #tpu.memory_space<vmem_shared>>
        %dma_wait3A_722 = arith.constant 9984 : i32
        %dma_wait3A_723 = arith.constant 0 : i32
        %dma_wait3A_724 = tpu.memref_slice %arg14[%dma_wait3A_722, %dma_wait3A_723] : memref<10008x128xf32, #tpu.memory_space<vmem_shared>> -> memref<16x128xf32, #tpu.memory_space<vmem_shared>>
        tpu.wait_dma2 semaphore(%run_scoped3A_712 : memref<!tpu.dma_semaphore, #tpu.memory_space<semaphore_mem>>) src(%arg11 : memref<16x128xf32, #tpu.memory_space<vmem>>) dst(%dma_wait3A_724 : memref<16x128xf32, #tpu.memory_space<vmem_shared>>)
        tpu.yield
      }) : () -> ()
      %scan3A_707 = arith.constant 0 : i32
      %scan3A_708 = arith.constant 156 : i32
      %scan3A_709 = arith.addi %scan3A_707, %scan3A_708 : i32
      %scan3A_710 = arith.constant 1 : i32
      scf.for %scan3A_712 = %scan3A_707 to %scan3A_709 step %scan3A_710  : i32 {
        %broadcast_in_dim3A_713 = arith.constant 0.000000e+00 : f32
        %broadcast_in_dim3A_714 = vector.broadcast %broadcast_in_dim3A_713 : f32 to vector<16xf32>
        %mul3A_715 = arith.constant 16 : i32
        %mul3A_716 = arith.muli %scan3A_712, %mul3A_715 : i32
        %swap3A_717 = arith.index_cast %mul3A_716 : i32 to index
        %swap3A_718 = tpu.vector_load %arg13[%swap3A_717] {strides = array<i32>} : memref<2504xf32, #tpu.memory_space<vmem>>, vector<16xf32>,
        %swap3A_719 = vector.shape_cast %swap3A_718 : vector<16xf32> to vector<16xf32>
        %swap3A_720 = vector.shape_cast %broadcast_in_dim3A_714 : vector<16xf32> to vector<16xf32>
        tpu.vector_store %arg13[%swap3A_717], %swap3A_720 {strides = array<i32>} : memref<2504xf32, #tpu.memory_space<vmem>>, vector<16xf32>,
      }
      %scan3A_711 = arith.constant 156 : i32
      "tpu.region"() ({
        %run_scoped3A_712 = tpu.sem_alloc : memref<!tpu.dma_semaphore, #tpu.memory_space<semaphore_mem>>
        %dma_start3A_713 = arith.constant 0 : i32
        %dma_start3A_714 = tpu.memref_slice %arg15[%dma_start3A_713] : memref<10016xf32, #tpu.memory_space<vmem_shared>> -> memref<2504xf32, #tpu.memory_space<vmem_shared>>
        %dma_start3A_715 = arith.constant 0 : i32
        %dma_start3A_716 = tpu.memref_slice %arg15[%dma_start3A_715] : memref<10016xf32, #tpu.memory_space<vmem_shared>> -> memref<2504xf32, #tpu.memory_space<vmem_shared>>
        tpu.enqueue_dma source(%arg13 : memref<2504xf32, #tpu.memory_space<vmem>>) target(%dma_start3A_716 : memref<2504xf32, #tpu.memory_space<vmem_shared>>) target_semaphore(%run_scoped3A_712 : memref<!tpu.dma_semaphore, #tpu.memory_space<semaphore_mem>>)
        %dma_wait3A_717 = arith.constant 0 : i32
        %dma_wait3A_718 = tpu.memref_slice %arg15[%dma_wait3A_717] : memref<10016xf32, #tpu.memory_space<vmem_shared>> -> memref<2504xf32, #tpu.memory_space<vmem_shared>>
        %dma_wait3A_719 = arith.constant 0 : i32
        %dma_wait3A_720 = tpu.memref_slice %arg15[%dma_wait3A_719] : memref<10016xf32, #tpu.memory_space<vmem_shared>> -> memref<2504xf32, #tpu.memory_space<vmem_shared>>
        tpu.wait_dma2 semaphore(%run_scoped3A_712 : memref<!tpu.dma_semaphore, #tpu.memory_space<semaphore_mem>>) src(%arg13 : memref<2504xf32, #tpu.memory_space<vmem>>) dst(%dma_wait3A_720 : memref<2504xf32, #tpu.memory_space<vmem_shared>>)
        tpu.yield
      }) : () -> ()
      "tpu.region"() ({
        %run_scoped3A_712 = tpu.sem_alloc : memref<!tpu.dma_semaphore, #tpu.memory_space<semaphore_mem>>
        %dma_start3A_713 = arith.constant 2504 : i32
        %dma_start3A_714 = tpu.memref_slice %arg15[%dma_start3A_713] : memref<10016xf32, #tpu.memory_space<vmem_shared>> -> memref<2504xf32, #tpu.memory_space<vmem_shared>>
        %dma_start3A_715 = arith.constant 2504 : i32
        %dma_start3A_716 = tpu.memref_slice %arg15[%dma_start3A_715] : memref<10016xf32, #tpu.memory_space<vmem_shared>> -> memref<2504xf32, #tpu.memory_space<vmem_shared>>
        tpu.enqueue_dma source(%arg13 : memref<2504xf32, #tpu.memory_space<vmem>>) target(%dma_start3A_716 : memref<2504xf32, #tpu.memory_space<vmem_shared>>) target_semaphore(%run_scoped3A_712 : memref<!tpu.dma_semaphore, #tpu.memory_space<semaphore_mem>>)
        %dma_wait3A_717 = arith.constant 2504 : i32
        %dma_wait3A_718 = tpu.memref_slice %arg15[%dma_wait3A_717] : memref<10016xf32, #tpu.memory_space<vmem_shared>> -> memref<2504xf32, #tpu.memory_space<vmem_shared>>
        %dma_wait3A_719 = arith.constant 2504 : i32
        %dma_wait3A_720 = tpu.memref_slice %arg15[%dma_wait3A_719] : memref<10016xf32, #tpu.memory_space<vmem_shared>> -> memref<2504xf32, #tpu.memory_space<vmem_shared>>
        tpu.wait_dma2 semaphore(%run_scoped3A_712 : memref<!tpu.dma_semaphore, #tpu.memory_space<semaphore_mem>>) src(%arg13 : memref<2504xf32, #tpu.memory_space<vmem>>) dst(%dma_wait3A_720 : memref<2504xf32, #tpu.memory_space<vmem_shared>>)
        tpu.yield
      }) : () -> ()
      "tpu.region"() ({
        %run_scoped3A_712 = tpu.sem_alloc : memref<!tpu.dma_semaphore, #tpu.memory_space<semaphore_mem>>
        %dma_start3A_713 = arith.constant 5008 : i32
        %dma_start3A_714 = tpu.memref_slice %arg15[%dma_start3A_713] : memref<10016xf32, #tpu.memory_space<vmem_shared>> -> memref<2504xf32, #tpu.memory_space<vmem_shared>>
        %dma_start3A_715 = arith.constant 5008 : i32
        %dma_start3A_716 = tpu.memref_slice %arg15[%dma_start3A_715] : memref<10016xf32, #tpu.memory_space<vmem_shared>> -> memref<2504xf32, #tpu.memory_space<vmem_shared>>
        tpu.enqueue_dma source(%arg13 : memref<2504xf32, #tpu.memory_space<vmem>>) target(%dma_start3A_716 : memref<2504xf32, #tpu.memory_space<vmem_shared>>) target_semaphore(%run_scoped3A_712 : memref<!tpu.dma_semaphore, #tpu.memory_space<semaphore_mem>>)
        %dma_wait3A_717 = arith.constant 5008 : i32
        %dma_wait3A_718 = tpu.memref_slice %arg15[%dma_wait3A_717] : memref<10016xf32, #tpu.memory_space<vmem_shared>> -> memref<2504xf32, #tpu.memory_space<vmem_shared>>
        %dma_wait3A_719 = arith.constant 5008 : i32
        %dma_wait3A_720 = tpu.memref_slice %arg15[%dma_wait3A_719] : memref<10016xf32, #tpu.memory_space<vmem_shared>> -> memref<2504xf32, #tpu.memory_space<vmem_shared>>
        tpu.wait_dma2 semaphore(%run_scoped3A_712 : memref<!tpu.dma_semaphore, #tpu.memory_space<semaphore_mem>>) src(%arg13 : memref<2504xf32, #tpu.memory_space<vmem>>) dst(%dma_wait3A_720 : memref<2504xf32, #tpu.memory_space<vmem_shared>>)
        tpu.yield
      }) : () -> ()
      "tpu.region"() ({
        %run_scoped3A_712 = tpu.sem_alloc : memref<!tpu.dma_semaphore, #tpu.memory_space<semaphore_mem>>
        %dma_start3A_713 = arith.constant 7512 : i32
        %dma_start3A_714 = tpu.memref_slice %arg15[%dma_start3A_713] : memref<10016xf32, #tpu.memory_space<vmem_shared>> -> memref<2504xf32, #tpu.memory_space<vmem_shared>>
        %dma_start3A_715 = arith.constant 7512 : i32
        %dma_start3A_716 = tpu.memref_slice %arg15[%dma_start3A_715] : memref<10016xf32, #tpu.memory_space<vmem_shared>> -> memref<2504xf32, #tpu.memory_space<vmem_shared>>
        tpu.enqueue_dma source(%arg13 : memref<2504xf32, #tpu.memory_space<vmem>>) target(%dma_start3A_716 : memref<2504xf32, #tpu.memory_space<vmem_shared>>) target_semaphore(%run_scoped3A_712 : memref<!tpu.dma_semaphore, #tpu.memory_space<semaphore_mem>>)
        %dma_wait3A_717 = arith.constant 7512 : i32
        %dma_wait3A_718 = tpu.memref_slice %arg15[%dma_wait3A_717] : memref<10016xf32, #tpu.memory_space<vmem_shared>> -> memref<2504xf32, #tpu.memory_space<vmem_shared>>
        %dma_wait3A_719 = arith.constant 7512 : i32
        %dma_wait3A_720 = tpu.memref_slice %arg15[%dma_wait3A_719] : memref<10016xf32, #tpu.memory_space<vmem_shared>> -> memref<2504xf32, #tpu.memory_space<vmem_shared>>
        tpu.wait_dma2 semaphore(%run_scoped3A_712 : memref<!tpu.dma_semaphore, #tpu.memory_space<semaphore_mem>>) src(%arg13 : memref<2504xf32, #tpu.memory_space<vmem>>) dst(%dma_wait3A_720 : memref<2504xf32, #tpu.memory_space<vmem_shared>>)
        tpu.yield
      }) : () -> ()
    } else {
    }
    %barrier3A = arith.constant 0 : index
    tpu.barrier barrier_id(%barrier3A)
    %dma_start3A = arith.constant 0 : i32
    %dma_start3A_62 = arith.constant 0 : i32
    %dma_start3A_63 = tpu.memref_slice %arg7[%dma_start3A, %dma_start3A_62] : memref<40x128xi32, #tpu.memory_space<vmem>> -> memref<1x128xi32, #tpu.memory_space<vmem>>
    %dma_start3A_64 = tpu.memref_squeeze %dma_start3A_63 : memref<1x128xi32, #tpu.memory_space<vmem>> -> memref<128xi32, #tpu.memory_space<vmem>>
    %dma_start3A_65 = arith.constant 0 : i32
    %dma_start3A_66 = arith.constant 0 : i32
    %dma_start3A_67 = tpu.memref_slice %arg4[%dma_start3A_65, %dma_start3A_66] : memref<10128x128xf32, #tpu.memory_space<hbm>> -> memref<10128x128xf32, #tpu.memory_space<hbm>>
    tpu.enqueue_indirect_dma source(%dma_start3A_67 : memref<10128x128xf32, #tpu.memory_space<hbm>>) target(%arg9 : memref<128x128xf32, #tpu.memory_space<vmem>>) offsets(%dma_start3A_64 : memref<128xi32, #tpu.memory_space<vmem>>) semaphore(%arg16 : memref<!tpu.dma_semaphore, #tpu.memory_space<semaphore_mem>>)
    %dma_start3A_68 = arith.constant 1 : i32
    %dma_start3A_69 = arith.constant 0 : i32
    %dma_start3A_70 = tpu.memref_slice %arg7[%dma_start3A_68, %dma_start3A_69] : memref<40x128xi32, #tpu.memory_space<vmem>> -> memref<1x128xi32, #tpu.memory_space<vmem>>
    %dma_start3A_71 = tpu.memref_squeeze %dma_start3A_70 : memref<1x128xi32, #tpu.memory_space<vmem>> -> memref<128xi32, #tpu.memory_space<vmem>>
    %dma_start3A_72 = arith.constant 0 : i32
    %dma_start3A_73 = arith.constant 0 : i32
    %dma_start3A_74 = tpu.memref_slice %arg4[%dma_start3A_72, %dma_start3A_73] : memref<10128x128xf32, #tpu.memory_space<hbm>> -> memref<10128x128xf32, #tpu.memory_space<hbm>>
    tpu.enqueue_indirect_dma source(%dma_start3A_74 : memref<10128x128xf32, #tpu.memory_space<hbm>>) target(%arg10 : memref<128x128xf32, #tpu.memory_space<vmem>>) offsets(%dma_start3A_71 : memref<128xi32, #tpu.memory_space<vmem>>) semaphore(%arg17 : memref<!tpu.dma_semaphore, #tpu.memory_space<semaphore_mem>>)
    %run_scoped3A = arith.constant 0 : i32
    "tpu.region"() ({
      %run_scoped3A_707 = tpu.sem_alloc : memref<!tpu.dma_semaphore, #tpu.memory_space<semaphore_mem>>
      %dma_start3A_708 = arith.constant 0 : i32
      %dma_start3A_709 = tpu.memref_slice %arg8[%run_scoped3A, %dma_start3A_708] : memref<40x128xi32, #tpu.memory_space<vmem>> -> memref<1x128xi32, #tpu.memory_space<vmem>>
      %dma_start3A_710 = tpu.memref_squeeze %dma_start3A_709 : memref<1x128xi32, #tpu.memory_space<vmem>> -> memref<128xi32, #tpu.memory_space<vmem>>
      %dma_start3A_711 = arith.constant 0 : i32
      %dma_start3A_712 = tpu.memref_slice %arg15[%dma_start3A_711] : memref<10016xf32, #tpu.memory_space<vmem_shared>> -> memref<10016xf32, #tpu.memory_space<vmem_shared>>
      tpu.enqueue_indirect_dma source(%arg12 : memref<128xf32, #tpu.memory_space<vmem>>) target(%dma_start3A_712 : memref<10016xf32, #tpu.memory_space<vmem_shared>>) offsets(%dma_start3A_710 : memref<128xi32, #tpu.memory_space<vmem>>) semaphore(%run_scoped3A_707 : memref<!tpu.dma_semaphore, #tpu.memory_space<semaphore_mem>>) {add = true}
      %dma_wait3A_713 = arith.constant 0 : i32
      %dma_wait3A_714 = tpu.memref_slice %arg8[%run_scoped3A, %dma_wait3A_713] : memref<40x128xi32, #tpu.memory_space<vmem>> -> memref<1x128xi32, #tpu.memory_space<vmem>>
      %dma_wait3A_715 = tpu.memref_squeeze %dma_wait3A_714 : memref<1x128xi32, #tpu.memory_space<vmem>> -> memref<128xi32, #tpu.memory_space<vmem>>
      %dma_wait3A_716 = arith.constant 0 : i32
      %dma_wait3A_717 = tpu.memref_slice %arg15[%dma_wait3A_716] : memref<10016xf32, #tpu.memory_space<vmem_shared>> -> memref<10016xf32, #tpu.memory_space<vmem_shared>>
      tpu.wait_indirect_dma semaphore(%run_scoped3A_707 : memref<!tpu.dma_semaphore, #tpu.memory_space<semaphore_mem>>) src(%arg12 : memref<128xf32, #tpu.memory_space<vmem>>) dst(%dma_wait3A_717 : memref<10016xf32, #tpu.memory_space<vmem_shared>>)
      tpu.yield
    }) : () -> ()
    %dma_wait3A = arith.constant 0 : i32
    %dma_wait3A_75 = arith.constant 0 : i32
    %dma_wait3A_76 = tpu.memref_slice %arg7[%dma_wait3A, %dma_wait3A_75] : memref<40x128xi32, #tpu.memory_space<vmem>> -> memref<1x128xi32, #tpu.memory_space<vmem>>
    %dma_wait3A_77 = tpu.memref_squeeze %dma_wait3A_76 : memref<1x128xi32, #tpu.memory_space<vmem>> -> memref<128xi32, #tpu.memory_space<vmem>>
    %dma_wait3A_78 = arith.constant 0 : i32
    %dma_wait3A_79 = arith.constant 0 : i32
    %dma_wait3A_80 = tpu.memref_slice %arg4[%dma_wait3A_78, %dma_wait3A_79] : memref<10128x128xf32, #tpu.memory_space<hbm>> -> memref<10128x128xf32, #tpu.memory_space<hbm>>
    tpu.wait_indirect_dma semaphore(%arg16 : memref<!tpu.dma_semaphore, #tpu.memory_space<semaphore_mem>>) src(%dma_wait3A_80 : memref<10128x128xf32, #tpu.memory_space<hbm>>) dst(%arg9 : memref<128x128xf32, #tpu.memory_space<vmem>>)
    %run_scoped3A_81 = arith.constant 0 : i32
    "tpu.region"() ({
      %run_scoped3A_707 = tpu.sem_alloc : memref<!tpu.dma_semaphore, #tpu.memory_space<semaphore_mem>>
      %dma_start3A_708 = arith.constant 0 : i32
      %dma_start3A_709 = tpu.memref_slice %arg8[%run_scoped3A_81, %dma_start3A_708] : memref<40x128xi32, #tpu.memory_space<vmem>> -> memref<1x128xi32, #tpu.memory_space<vmem>>
      %dma_start3A_710 = tpu.memref_squeeze %dma_start3A_709 : memref<1x128xi32, #tpu.memory_space<vmem>> -> memref<128xi32, #tpu.memory_space<vmem>>
      %dma_start3A_711 = arith.constant 0 : i32
      %dma_start3A_712 = arith.constant 0 : i32
      %dma_start3A_713 = tpu.memref_slice %arg14[%dma_start3A_711, %dma_start3A_712] : memref<10008x128xf32, #tpu.memory_space<vmem_shared>> -> memref<10008x128xf32, #tpu.memory_space<vmem_shared>>
      tpu.enqueue_indirect_dma source(%arg9 : memref<128x128xf32, #tpu.memory_space<vmem>>) target(%dma_start3A_713 : memref<10008x128xf32, #tpu.memory_space<vmem_shared>>) offsets(%dma_start3A_710 : memref<128xi32, #tpu.memory_space<vmem>>) semaphore(%run_scoped3A_707 : memref<!tpu.dma_semaphore, #tpu.memory_space<semaphore_mem>>) {add = true}
      %dma_wait3A_714 = arith.constant 0 : i32
      %dma_wait3A_715 = tpu.memref_slice %arg8[%run_scoped3A_81, %dma_wait3A_714] : memref<40x128xi32, #tpu.memory_space<vmem>> -> memref<1x128xi32, #tpu.memory_space<vmem>>
      %dma_wait3A_716 = tpu.memref_squeeze %dma_wait3A_715 : memref<1x128xi32, #tpu.memory_space<vmem>> -> memref<128xi32, #tpu.memory_space<vmem>>
      %dma_wait3A_717 = arith.constant 0 : i32
      %dma_wait3A_718 = arith.constant 0 : i32
      %dma_wait3A_719 = tpu.memref_slice %arg14[%dma_wait3A_717, %dma_wait3A_718] : memref<10008x128xf32, #tpu.memory_space<vmem_shared>> -> memref<10008x128xf32, #tpu.memory_space<vmem_shared>>
      tpu.wait_indirect_dma semaphore(%run_scoped3A_707 : memref<!tpu.dma_semaphore, #tpu.memory_space<semaphore_mem>>) src(%arg9 : memref<128x128xf32, #tpu.memory_space<vmem>>) dst(%dma_wait3A_719 : memref<10008x128xf32, #tpu.memory_space<vmem_shared>>)
      tpu.yield
    }) : () -> ()
    %dma_start3A_82 = arith.constant 2 : i32
    %dma_start3A_83 = arith.constant 0 : i32
    %dma_start3A_84 = tpu.memref_slice %arg7[%dma_start3A_82, %dma_start3A_83] : memref<40x128xi32, #tpu.memory_space<vmem>> -> memref<1x128xi32, #tpu.memory_space<vmem>>
    %dma_start3A_85 = tpu.memref_squeeze %dma_start3A_84 : memref<1x128xi32, #tpu.memory_space<vmem>> -> memref<128xi32, #tpu.memory_space<vmem>>
    %dma_start3A_86 = arith.constant 0 : i32
    %dma_start3A_87 = arith.constant 0 : i32
    %dma_start3A_88 = tpu.memref_slice %arg4[%dma_start3A_86, %dma_start3A_87] : memref<10128x128xf32, #tpu.memory_space<hbm>> -> memref<10128x128xf32, #tpu.memory_space<hbm>>
    tpu.enqueue_indirect_dma source(%dma_start3A_88 : memref<10128x128xf32, #tpu.memory_space<hbm>>) target(%arg9 : memref<128x128xf32, #tpu.memory_space<vmem>>) offsets(%dma_start3A_85 : memref<128xi32, #tpu.memory_space<vmem>>) semaphore(%arg16 : memref<!tpu.dma_semaphore, #tpu.memory_space<semaphore_mem>>)
    %run_scoped3A_89 = arith.constant 1 : i32
    "tpu.region"() ({
      %run_scoped3A_707 = tpu.sem_alloc : memref<!tpu.dma_semaphore, #tpu.memory_space<semaphore_mem>>
      %dma_start3A_708 = arith.constant 0 : i32
      %dma_start3A_709 = tpu.memref_slice %arg8[%run_scoped3A_89, %dma_start3A_708] : memref<40x128xi32, #tpu.memory_space<vmem>> -> memref<1x128xi32, #tpu.memory_space<vmem>>
      %dma_start3A_710 = tpu.memref_squeeze %dma_start3A_709 : memref<1x128xi32, #tpu.memory_space<vmem>> -> memref<128xi32, #tpu.memory_space<vmem>>
      %dma_start3A_711 = arith.constant 0 : i32
      %dma_start3A_712 = tpu.memref_slice %arg15[%dma_start3A_711] : memref<10016xf32, #tpu.memory_space<vmem_shared>> -> memref<10016xf32, #tpu.memory_space<vmem_shared>>
      tpu.enqueue_indirect_dma source(%arg12 : memref<128xf32, #tpu.memory_space<vmem>>) target(%dma_start3A_712 : memref<10016xf32, #tpu.memory_space<vmem_shared>>) offsets(%dma_start3A_710 : memref<128xi32, #tpu.memory_space<vmem>>) semaphore(%run_scoped3A_707 : memref<!tpu.dma_semaphore, #tpu.memory_space<semaphore_mem>>) {add = true}
      %dma_wait3A_713 = arith.constant 0 : i32
      %dma_wait3A_714 = tpu.memref_slice %arg8[%run_scoped3A_89, %dma_wait3A_713] : memref<40x128xi32, #tpu.memory_space<vmem>> -> memref<1x128xi32, #tpu.memory_space<vmem>>
      %dma_wait3A_715 = tpu.memref_squeeze %dma_wait3A_714 : memref<1x128xi32, #tpu.memory_space<vmem>> -> memref<128xi32, #tpu.memory_space<vmem>>
      %dma_wait3A_716 = arith.constant 0 : i32
      %dma_wait3A_717 = tpu.memref_slice %arg15[%dma_wait3A_716] : memref<10016xf32, #tpu.memory_space<vmem_shared>> -> memref<10016xf32, #tpu.memory_space<vmem_shared>>
      tpu.wait_indirect_dma semaphore(%run_scoped3A_707 : memref<!tpu.dma_semaphore, #tpu.memory_space<semaphore_mem>>) src(%arg12 : memref<128xf32, #tpu.memory_space<vmem>>) dst(%dma_wait3A_717 : memref<10016xf32, #tpu.memory_space<vmem_shared>>)
      tpu.yield
    }) : () -> ()
    %dma_wait3A_90 = arith.constant 1 : i32
    %dma_wait3A_91 = arith.constant 0 : i32
    %dma_wait3A_92 = tpu.memref_slice %arg7[%dma_wait3A_90, %dma_wait3A_91] : memref<40x128xi32, #tpu.memory_space<vmem>> -> memref<1x128xi32, #tpu.memory_space<vmem>>
    %dma_wait3A_93 = tpu.memref_squeeze %dma_wait3A_92 : memref<1x128xi32, #tpu.memory_space<vmem>> -> memref<128xi32, #tpu.memory_space<vmem>>
    %dma_wait3A_94 = arith.constant 0 : i32
    %dma_wait3A_95 = arith.constant 0 : i32
    %dma_wait3A_96 = tpu.memref_slice %arg4[%dma_wait3A_94, %dma_wait3A_95] : memref<10128x128xf32, #tpu.memory_space<hbm>> -> memref<10128x128xf32, #tpu.memory_space<hbm>>
    tpu.wait_indirect_dma semaphore(%arg17 : memref<!tpu.dma_semaphore, #tpu.memory_space<semaphore_mem>>) src(%dma_wait3A_96 : memref<10128x128xf32, #tpu.memory_space<hbm>>) dst(%arg10 : memref<128x128xf32, #tpu.memory_space<vmem>>)
    %run_scoped3A_97 = arith.constant 1 : i32
    "tpu.region"() ({
      %run_scoped3A_707 = tpu.sem_alloc : memref<!tpu.dma_semaphore, #tpu.memory_space<semaphore_mem>>
      %dma_start3A_708 = arith.constant 0 : i32
      %dma_start3A_709 = tpu.memref_slice %arg8[%run_scoped3A_97, %dma_start3A_708] : memref<40x128xi32, #tpu.memory_space<vmem>> -> memref<1x128xi32, #tpu.memory_space<vmem>>
      %dma_start3A_710 = tpu.memref_squeeze %dma_start3A_709 : memref<1x128xi32, #tpu.memory_space<vmem>> -> memref<128xi32, #tpu.memory_space<vmem>>
      %dma_start3A_711 = arith.constant 0 : i32
      %dma_start3A_712 = arith.constant 0 : i32
      %dma_start3A_713 = tpu.memref_slice %arg14[%dma_start3A_711, %dma_start3A_712] : memref<10008x128xf32, #tpu.memory_space<vmem_shared>> -> memref<10008x128xf32, #tpu.memory_space<vmem_shared>>
      tpu.enqueue_indirect_dma source(%arg10 : memref<128x128xf32, #tpu.memory_space<vmem>>) target(%dma_start3A_713 : memref<10008x128xf32, #tpu.memory_space<vmem_shared>>) offsets(%dma_start3A_710 : memref<128xi32, #tpu.memory_space<vmem>>) semaphore(%run_scoped3A_707 : memref<!tpu.dma_semaphore, #tpu.memory_space<semaphore_mem>>) {add = true}
      %dma_wait3A_714 = arith.constant 0 : i32
      %dma_wait3A_715 = tpu.memref_slice %arg8[%run_scoped3A_97, %dma_wait3A_714] : memref<40x128xi32, #tpu.memory_space<vmem>> -> memref<1x128xi32, #tpu.memory_space<vmem>>
      %dma_wait3A_716 = tpu.memref_squeeze %dma_wait3A_715 : memref<1x128xi32, #tpu.memory_space<vmem>> -> memref<128xi32, #tpu.memory_space<vmem>>
      %dma_wait3A_717 = arith.constant 0 : i32
      %dma_wait3A_718 = arith.constant 0 : i32
      %dma_wait3A_719 = tpu.memref_slice %arg14[%dma_wait3A_717, %dma_wait3A_718] : memref<10008x128xf32, #tpu.memory_space<vmem_shared>> -> memref<10008x128xf32, #tpu.memory_space<vmem_shared>>
      tpu.wait_indirect_dma semaphore(%run_scoped3A_707 : memref<!tpu.dma_semaphore, #tpu.memory_space<semaphore_mem>>) src(%arg10 : memref<128x128xf32, #tpu.memory_space<vmem>>) dst(%dma_wait3A_719 : memref<10008x128xf32, #tpu.memory_space<vmem_shared>>)
      tpu.yield
    }) : () -> ()
    %dma_start3A_98 = arith.constant 3 : i32
    %dma_start3A_99 = arith.constant 0 : i32
    %dma_start3A_100 = tpu.memref_slice %arg7[%dma_start3A_98, %dma_start3A_99] : memref<40x128xi32, #tpu.memory_space<vmem>> -> memref<1x128xi32, #tpu.memory_space<vmem>>
    %dma_start3A_101 = tpu.memref_squeeze %dma_start3A_100 : memref<1x128xi32, #tpu.memory_space<vmem>> -> memref<128xi32, #tpu.memory_space<vmem>>
    %dma_start3A_102 = arith.constant 0 : i32
    %dma_start3A_103 = arith.constant 0 : i32
    %dma_start3A_104 = tpu.memref_slice %arg4[%dma_start3A_102, %dma_start3A_103] : memref<10128x128xf32, #tpu.memory_space<hbm>> -> memref<10128x128xf32, #tpu.memory_space<hbm>>
    tpu.enqueue_indirect_dma source(%dma_start3A_104 : memref<10128x128xf32, #tpu.memory_space<hbm>>) target(%arg10 : memref<128x128xf32, #tpu.memory_space<vmem>>) offsets(%dma_start3A_101 : memref<128xi32, #tpu.memory_space<vmem>>) semaphore(%arg17 : memref<!tpu.dma_semaphore, #tpu.memory_space<semaphore_mem>>)
    %run_scoped3A_105 = arith.constant 2 : i32
    "tpu.region"() ({
      %run_scoped3A_707 = tpu.sem_alloc : memref<!tpu.dma_semaphore, #tpu.memory_space<semaphore_mem>>
      %dma_start3A_708 = arith.constant 0 : i32
      %dma_start3A_709 = tpu.memref_slice %arg8[%run_scoped3A_105, %dma_start3A_708] : memref<40x128xi32, #tpu.memory_space<vmem>> -> memref<1x128xi32, #tpu.memory_space<vmem>>
      %dma_start3A_710 = tpu.memref_squeeze %dma_start3A_709 : memref<1x128xi32, #tpu.memory_space<vmem>> -> memref<128xi32, #tpu.memory_space<vmem>>
      %dma_start3A_711 = arith.constant 0 : i32
      %dma_start3A_712 = tpu.memref_slice %arg15[%dma_start3A_711] : memref<10016xf32, #tpu.memory_space<vmem_shared>> -> memref<10016xf32, #tpu.memory_space<vmem_shared>>
      tpu.enqueue_indirect_dma source(%arg12 : memref<128xf32, #tpu.memory_space<vmem>>) target(%dma_start3A_712 : memref<10016xf32, #tpu.memory_space<vmem_shared>>) offsets(%dma_start3A_710 : memref<128xi32, #tpu.memory_space<vmem>>) semaphore(%run_scoped3A_707 : memref<!tpu.dma_semaphore, #tpu.memory_space<semaphore_mem>>) {add = true}
      %dma_wait3A_713 = arith.constant 0 : i32
      %dma_wait3A_714 = tpu.memref_slice %arg8[%run_scoped3A_105, %dma_wait3A_713] : memref<40x128xi32, #tpu.memory_space<vmem>> -> memref<1x128xi32, #tpu.memory_space<vmem>>
      %dma_wait3A_715 = tpu.memref_squeeze %dma_wait3A_714 : memref<1x128xi32, #tpu.memory_space<vmem>> -> memref<128xi32, #tpu.memory_space<vmem>>
      %dma_wait3A_716 = arith.constant 0 : i32
      %dma_wait3A_717 = tpu.memref_slice %arg15[%dma_wait3A_716] : memref<10016xf32, #tpu.memory_space<vmem_shared>> -> memref<10016xf32, #tpu.memory_space<vmem_shared>>
      tpu.wait_indirect_dma semaphore(%run_scoped3A_707 : memref<!tpu.dma_semaphore, #tpu.memory_space<semaphore_mem>>) src(%arg12 : memref<128xf32, #tpu.memory_space<vmem>>) dst(%dma_wait3A_717 : memref<10016xf32, #tpu.memory_space<vmem_shared>>)
      tpu.yield
    }) : () -> ()
    %dma_wait3A_106 = arith.constant 2 : i32
    %dma_wait3A_107 = arith.constant 0 : i32
    %dma_wait3A_108 = tpu.memref_slice %arg7[%dma_wait3A_106, %dma_wait3A_107] : memref<40x128xi32, #tpu.memory_space<vmem>> -> memref<1x128xi32, #tpu.memory_space<vmem>>
    %dma_wait3A_109 = tpu.memref_squeeze %dma_wait3A_108 : memref<1x128xi32, #tpu.memory_space<vmem>> -> memref<128xi32, #tpu.memory_space<vmem>>
    %dma_wait3A_110 = arith.constant 0 : i32
    %dma_wait3A_111 = arith.constant 0 : i32
    %dma_wait3A_112 = tpu.memref_slice %arg4[%dma_wait3A_110, %dma_wait3A_111] : memref<10128x128xf32, #tpu.memory_space<hbm>> -> memref<10128x128xf32, #tpu.memory_space<hbm>>
    tpu.wait_indirect_dma semaphore(%arg16 : memref<!tpu.dma_semaphore, #tpu.memory_space<semaphore_mem>>) src(%dma_wait3A_112 : memref<10128x128xf32, #tpu.memory_space<hbm>>) dst(%arg9 : memref<128x128xf32, #tpu.memory_space<vmem>>)
    %run_scoped3A_113 = arith.constant 2 : i32
    "tpu.region"() ({
      %run_scoped3A_707 = tpu.sem_alloc : memref<!tpu.dma_semaphore, #tpu.memory_space<semaphore_mem>>
      %dma_start3A_708 = arith.constant 0 : i32
      %dma_start3A_709 = tpu.memref_slice %arg8[%run_scoped3A_113, %dma_start3A_708] : memref<40x128xi32, #tpu.memory_space<vmem>> -> memref<1x128xi32, #tpu.memory_space<vmem>>
      %dma_start3A_710 = tpu.memref_squeeze %dma_start3A_709 : memref<1x128xi32, #tpu.memory_space<vmem>> -> memref<128xi32, #tpu.memory_space<vmem>>
      %dma_start3A_711 = arith.constant 0 : i32
      %dma_start3A_712 = arith.constant 0 : i32
      %dma_start3A_713 = tpu.memref_slice %arg14[%dma_start3A_711, %dma_start3A_712] : memref<10008x128xf32, #tpu.memory_space<vmem_shared>> -> memref<10008x128xf32, #tpu.memory_space<vmem_shared>>
      tpu.enqueue_indirect_dma source(%arg9 : memref<128x128xf32, #tpu.memory_space<vmem>>) target(%dma_start3A_713 : memref<10008x128xf32, #tpu.memory_space<vmem_shared>>) offsets(%dma_start3A_710 : memref<128xi32, #tpu.memory_space<vmem>>) semaphore(%run_scoped3A_707 : memref<!tpu.dma_semaphore, #tpu.memory_space<semaphore_mem>>) {add = true}
      %dma_wait3A_714 = arith.constant 0 : i32
      %dma_wait3A_715 = tpu.memref_slice %arg8[%run_scoped3A_113, %dma_wait3A_714] : memref<40x128xi32, #tpu.memory_space<vmem>> -> memref<1x128xi32, #tpu.memory_space<vmem>>
      %dma_wait3A_716 = tpu.memref_squeeze %dma_wait3A_715 : memref<1x128xi32, #tpu.memory_space<vmem>> -> memref<128xi32, #tpu.memory_space<vmem>>
      %dma_wait3A_717 = arith.constant 0 : i32
      %dma_wait3A_718 = arith.constant 0 : i32
      %dma_wait3A_719 = tpu.memref_slice %arg14[%dma_wait3A_717, %dma_wait3A_718] : memref<10008x128xf32, #tpu.memory_space<vmem_shared>> -> memref<10008x128xf32, #tpu.memory_space<vmem_shared>>
      tpu.wait_indirect_dma semaphore(%run_scoped3A_707 : memref<!tpu.dma_semaphore, #tpu.memory_space<semaphore_mem>>) src(%arg9 : memref<128x128xf32, #tpu.memory_space<vmem>>) dst(%dma_wait3A_719 : memref<10008x128xf32, #tpu.memory_space<vmem_shared>>)
      tpu.yield
    }) : () -> ()
    %dma_start3A_114 = arith.constant 4 : i32
    %dma_start3A_115 = arith.constant 0 : i32
    %dma_start3A_116 = tpu.memref_slice %arg7[%dma_start3A_114, %dma_start3A_115] : memref<40x128xi32, #tpu.memory_space<vmem>> -> memref<1x128xi32, #tpu.memory_space<vmem>>
    %dma_start3A_117 = tpu.memref_squeeze %dma_start3A_116 : memref<1x128xi32, #tpu.memory_space<vmem>> -> memref<128xi32, #tpu.memory_space<vmem>>
    %dma_start3A_118 = arith.constant 0 : i32
    %dma_start3A_119 = arith.constant 0 : i32
    %dma_start3A_120 = tpu.memref_slice %arg4[%dma_start3A_118, %dma_start3A_119] : memref<10128x128xf32, #tpu.memory_space<hbm>> -> memref<10128x128xf32, #tpu.memory_space<hbm>>
    tpu.enqueue_indirect_dma source(%dma_start3A_120 : memref<10128x128xf32, #tpu.memory_space<hbm>>) target(%arg9 : memref<128x128xf32, #tpu.memory_space<vmem>>) offsets(%dma_start3A_117 : memref<128xi32, #tpu.memory_space<vmem>>) semaphore(%arg16 : memref<!tpu.dma_semaphore, #tpu.memory_space<semaphore_mem>>)
    %run_scoped3A_121 = arith.constant 3 : i32
    "tpu.region"() ({
      %run_scoped3A_707 = tpu.sem_alloc : memref<!tpu.dma_semaphore, #tpu.memory_space<semaphore_mem>>
      %dma_start3A_708 = arith.constant 0 : i32
      %dma_start3A_709 = tpu.memref_slice %arg8[%run_scoped3A_121, %dma_start3A_708] : memref<40x128xi32, #tpu.memory_space<vmem>> -> memref<1x128xi32, #tpu.memory_space<vmem>>
      %dma_start3A_710 = tpu.memref_squeeze %dma_start3A_709 : memref<1x128xi32, #tpu.memory_space<vmem>> -> memref<128xi32, #tpu.memory_space<vmem>>
      %dma_start3A_711 = arith.constant 0 : i32
      %dma_start3A_712 = tpu.memref_slice %arg15[%dma_start3A_711] : memref<10016xf32, #tpu.memory_space<vmem_shared>> -> memref<10016xf32, #tpu.memory_space<vmem_shared>>
      tpu.enqueue_indirect_dma source(%arg12 : memref<128xf32, #tpu.memory_space<vmem>>) target(%dma_start3A_712 : memref<10016xf32, #tpu.memory_space<vmem_shared>>) offsets(%dma_start3A_710 : memref<128xi32, #tpu.memory_space<vmem>>) semaphore(%run_scoped3A_707 : memref<!tpu.dma_semaphore, #tpu.memory_space<semaphore_mem>>) {add = true}
      %dma_wait3A_713 = arith.constant 0 : i32
      %dma_wait3A_714 = tpu.memref_slice %arg8[%run_scoped3A_121, %dma_wait3A_713] : memref<40x128xi32, #tpu.memory_space<vmem>> -> memref<1x128xi32, #tpu.memory_space<vmem>>
      %dma_wait3A_715 = tpu.memref_squeeze %dma_wait3A_714 : memref<1x128xi32, #tpu.memory_space<vmem>> -> memref<128xi32, #tpu.memory_space<vmem>>
      %dma_wait3A_716 = arith.constant 0 : i32
      %dma_wait3A_717 = tpu.memref_slice %arg15[%dma_wait3A_716] : memref<10016xf32, #tpu.memory_space<vmem_shared>> -> memref<10016xf32, #tpu.memory_space<vmem_shared>>
      tpu.wait_indirect_dma semaphore(%run_scoped3A_707 : memref<!tpu.dma_semaphore, #tpu.memory_space<semaphore_mem>>) src(%arg12 : memref<128xf32, #tpu.memory_space<vmem>>) dst(%dma_wait3A_717 : memref<10016xf32, #tpu.memory_space<vmem_shared>>)
      tpu.yield
    }) : () -> ()
    %dma_wait3A_122 = arith.constant 3 : i32
    %dma_wait3A_123 = arith.constant 0 : i32
    %dma_wait3A_124 = tpu.memref_slice %arg7[%dma_wait3A_122, %dma_wait3A_123] : memref<40x128xi32, #tpu.memory_space<vmem>> -> memref<1x128xi32, #tpu.memory_space<vmem>>
    %dma_wait3A_125 = tpu.memref_squeeze %dma_wait3A_124 : memref<1x128xi32, #tpu.memory_space<vmem>> -> memref<128xi32, #tpu.memory_space<vmem>>
    %dma_wait3A_126 = arith.constant 0 : i32
    %dma_wait3A_127 = arith.constant 0 : i32
    %dma_wait3A_128 = tpu.memref_slice %arg4[%dma_wait3A_126, %dma_wait3A_127] : memref<10128x128xf32, #tpu.memory_space<hbm>> -> memref<10128x128xf32, #tpu.memory_space<hbm>>
    tpu.wait_indirect_dma semaphore(%arg17 : memref<!tpu.dma_semaphore, #tpu.memory_space<semaphore_mem>>) src(%dma_wait3A_128 : memref<10128x128xf32, #tpu.memory_space<hbm>>) dst(%arg10 : memref<128x128xf32, #tpu.memory_space<vmem>>)
    %run_scoped3A_129 = arith.constant 3 : i32
    "tpu.region"() ({
      %run_scoped3A_707 = tpu.sem_alloc : memref<!tpu.dma_semaphore, #tpu.memory_space<semaphore_mem>>
      %dma_start3A_708 = arith.constant 0 : i32
      %dma_start3A_709 = tpu.memref_slice %arg8[%run_scoped3A_129, %dma_start3A_708] : memref<40x128xi32, #tpu.memory_space<vmem>> -> memref<1x128xi32, #tpu.memory_space<vmem>>
      %dma_start3A_710 = tpu.memref_squeeze %dma_start3A_709 : memref<1x128xi32, #tpu.memory_space<vmem>> -> memref<128xi32, #tpu.memory_space<vmem>>
      %dma_start3A_711 = arith.constant 0 : i32
      %dma_start3A_712 = arith.constant 0 : i32
      %dma_start3A_713 = tpu.memref_slice %arg14[%dma_start3A_711, %dma_start3A_712] : memref<10008x128xf32, #tpu.memory_space<vmem_shared>> -> memref<10008x128xf32, #tpu.memory_space<vmem_shared>>
      tpu.enqueue_indirect_dma source(%arg10 : memref<128x128xf32, #tpu.memory_space<vmem>>) target(%dma_start3A_713 : memref<10008x128xf32, #tpu.memory_space<vmem_shared>>) offsets(%dma_start3A_710 : memref<128xi32, #tpu.memory_space<vmem>>) semaphore(%run_scoped3A_707 : memref<!tpu.dma_semaphore, #tpu.memory_space<semaphore_mem>>) {add = true}
      %dma_wait3A_714 = arith.constant 0 : i32
      %dma_wait3A_715 = tpu.memref_slice %arg8[%run_scoped3A_129, %dma_wait3A_714] : memref<40x128xi32, #tpu.memory_space<vmem>> -> memref<1x128xi32, #tpu.memory_space<vmem>>
      %dma_wait3A_716 = tpu.memref_squeeze %dma_wait3A_715 : memref<1x128xi32, #tpu.memory_space<vmem>> -> memref<128xi32, #tpu.memory_space<vmem>>
      %dma_wait3A_717 = arith.constant 0 : i32
      %dma_wait3A_718 = arith.constant 0 : i32
      %dma_wait3A_719 = tpu.memref_slice %arg14[%dma_wait3A_717, %dma_wait3A_718] : memref<10008x128xf32, #tpu.memory_space<vmem_shared>> -> memref<10008x128xf32, #tpu.memory_space<vmem_shared>>
      tpu.wait_indirect_dma semaphore(%run_scoped3A_707 : memref<!tpu.dma_semaphore, #tpu.memory_space<semaphore_mem>>) src(%arg10 : memref<128x128xf32, #tpu.memory_space<vmem>>) dst(%dma_wait3A_719 : memref<10008x128xf32, #tpu.memory_space<vmem_shared>>)
      tpu.yield
    }) : () -> ()
    %dma_start3A_130 = arith.constant 5 : i32
    %dma_start3A_131 = arith.constant 0 : i32
    %dma_start3A_132 = tpu.memref_slice %arg7[%dma_start3A_130, %dma_start3A_131] : memref<40x128xi32, #tpu.memory_space<vmem>> -> memref<1x128xi32, #tpu.memory_space<vmem>>
    %dma_start3A_133 = tpu.memref_squeeze %dma_start3A_132 : memref<1x128xi32, #tpu.memory_space<vmem>> -> memref<128xi32, #tpu.memory_space<vmem>>
    %dma_start3A_134 = arith.constant 0 : i32
    %dma_start3A_135 = arith.constant 0 : i32
    %dma_start3A_136 = tpu.memref_slice %arg4[%dma_start3A_134, %dma_start3A_135] : memref<10128x128xf32, #tpu.memory_space<hbm>> -> memref<10128x128xf32, #tpu.memory_space<hbm>>
    tpu.enqueue_indirect_dma source(%dma_start3A_136 : memref<10128x128xf32, #tpu.memory_space<hbm>>) target(%arg10 : memref<128x128xf32, #tpu.memory_space<vmem>>) offsets(%dma_start3A_133 : memref<128xi32, #tpu.memory_space<vmem>>) semaphore(%arg17 : memref<!tpu.dma_semaphore, #tpu.memory_space<semaphore_mem>>)
    %run_scoped3A_137 = arith.constant 4 : i32
    "tpu.region"() ({
      %run_scoped3A_707 = tpu.sem_alloc : memref<!tpu.dma_semaphore, #tpu.memory_space<semaphore_mem>>
      %dma_start3A_708 = arith.constant 0 : i32
      %dma_start3A_709 = tpu.memref_slice %arg8[%run_scoped3A_137, %dma_start3A_708] : memref<40x128xi32, #tpu.memory_space<vmem>> -> memref<1x128xi32, #tpu.memory_space<vmem>>
      %dma_start3A_710 = tpu.memref_squeeze %dma_start3A_709 : memref<1x128xi32, #tpu.memory_space<vmem>> -> memref<128xi32, #tpu.memory_space<vmem>>
      %dma_start3A_711 = arith.constant 0 : i32
      %dma_start3A_712 = tpu.memref_slice %arg15[%dma_start3A_711] : memref<10016xf32, #tpu.memory_space<vmem_shared>> -> memref<10016xf32, #tpu.memory_space<vmem_shared>>
      tpu.enqueue_indirect_dma source(%arg12 : memref<128xf32, #tpu.memory_space<vmem>>) target(%dma_start3A_712 : memref<10016xf32, #tpu.memory_space<vmem_shared>>) offsets(%dma_start3A_710 : memref<128xi32, #tpu.memory_space<vmem>>) semaphore(%run_scoped3A_707 : memref<!tpu.dma_semaphore, #tpu.memory_space<semaphore_mem>>) {add = true}
      %dma_wait3A_713 = arith.constant 0 : i32
      %dma_wait3A_714 = tpu.memref_slice %arg8[%run_scoped3A_137, %dma_wait3A_713] : memref<40x128xi32, #tpu.memory_space<vmem>> -> memref<1x128xi32, #tpu.memory_space<vmem>>
      %dma_wait3A_715 = tpu.memref_squeeze %dma_wait3A_714 : memref<1x128xi32, #tpu.memory_space<vmem>> -> memref<128xi32, #tpu.memory_space<vmem>>
      %dma_wait3A_716 = arith.constant 0 : i32
      %dma_wait3A_717 = tpu.memref_slice %arg15[%dma_wait3A_716] : memref<10016xf32, #tpu.memory_space<vmem_shared>> -> memref<10016xf32, #tpu.memory_space<vmem_shared>>
      tpu.wait_indirect_dma semaphore(%run_scoped3A_707 : memref<!tpu.dma_semaphore, #tpu.memory_space<semaphore_mem>>) src(%arg12 : memref<128xf32, #tpu.memory_space<vmem>>) dst(%dma_wait3A_717 : memref<10016xf32, #tpu.memory_space<vmem_shared>>)
      tpu.yield
    }) : () -> ()
    %dma_wait3A_138 = arith.constant 4 : i32
    %dma_wait3A_139 = arith.constant 0 : i32
    %dma_wait3A_140 = tpu.memref_slice %arg7[%dma_wait3A_138, %dma_wait3A_139] : memref<40x128xi32, #tpu.memory_space<vmem>> -> memref<1x128xi32, #tpu.memory_space<vmem>>
    %dma_wait3A_141 = tpu.memref_squeeze %dma_wait3A_140 : memref<1x128xi32, #tpu.memory_space<vmem>> -> memref<128xi32, #tpu.memory_space<vmem>>
    %dma_wait3A_142 = arith.constant 0 : i32
    %dma_wait3A_143 = arith.constant 0 : i32
    %dma_wait3A_144 = tpu.memref_slice %arg4[%dma_wait3A_142, %dma_wait3A_143] : memref<10128x128xf32, #tpu.memory_space<hbm>> -> memref<10128x128xf32, #tpu.memory_space<hbm>>
    tpu.wait_indirect_dma semaphore(%arg16 : memref<!tpu.dma_semaphore, #tpu.memory_space<semaphore_mem>>) src(%dma_wait3A_144 : memref<10128x128xf32, #tpu.memory_space<hbm>>) dst(%arg9 : memref<128x128xf32, #tpu.memory_space<vmem>>)
    %run_scoped3A_145 = arith.constant 4 : i32
    "tpu.region"() ({
      %run_scoped3A_707 = tpu.sem_alloc : memref<!tpu.dma_semaphore, #tpu.memory_space<semaphore_mem>>
      %dma_start3A_708 = arith.constant 0 : i32
      %dma_start3A_709 = tpu.memref_slice %arg8[%run_scoped3A_145, %dma_start3A_708] : memref<40x128xi32, #tpu.memory_space<vmem>> -> memref<1x128xi32, #tpu.memory_space<vmem>>
      %dma_start3A_710 = tpu.memref_squeeze %dma_start3A_709 : memref<1x128xi32, #tpu.memory_space<vmem>> -> memref<128xi32, #tpu.memory_space<vmem>>
      %dma_start3A_711 = arith.constant 0 : i32
      %dma_start3A_712 = arith.constant 0 : i32
      %dma_start3A_713 = tpu.memref_slice %arg14[%dma_start3A_711, %dma_start3A_712] : memref<10008x128xf32, #tpu.memory_space<vmem_shared>> -> memref<10008x128xf32, #tpu.memory_space<vmem_shared>>
      tpu.enqueue_indirect_dma source(%arg9 : memref<128x128xf32, #tpu.memory_space<vmem>>) target(%dma_start3A_713 : memref<10008x128xf32, #tpu.memory_space<vmem_shared>>) offsets(%dma_start3A_710 : memref<128xi32, #tpu.memory_space<vmem>>) semaphore(%run_scoped3A_707 : memref<!tpu.dma_semaphore, #tpu.memory_space<semaphore_mem>>) {add = true}
      %dma_wait3A_714 = arith.constant 0 : i32
      %dma_wait3A_715 = tpu.memref_slice %arg8[%run_scoped3A_145, %dma_wait3A_714] : memref<40x128xi32, #tpu.memory_space<vmem>> -> memref<1x128xi32, #tpu.memory_space<vmem>>
      %dma_wait3A_716 = tpu.memref_squeeze %dma_wait3A_715 : memref<1x128xi32, #tpu.memory_space<vmem>> -> memref<128xi32, #tpu.memory_space<vmem>>
      %dma_wait3A_717 = arith.constant 0 : i32
      %dma_wait3A_718 = arith.constant 0 : i32
      %dma_wait3A_719 = tpu.memref_slice %arg14[%dma_wait3A_717, %dma_wait3A_718] : memref<10008x128xf32, #tpu.memory_space<vmem_shared>> -> memref<10008x128xf32, #tpu.memory_space<vmem_shared>>
      tpu.wait_indirect_dma semaphore(%run_scoped3A_707 : memref<!tpu.dma_semaphore, #tpu.memory_space<semaphore_mem>>) src(%arg9 : memref<128x128xf32, #tpu.memory_space<vmem>>) dst(%dma_wait3A_719 : memref<10008x128xf32, #tpu.memory_space<vmem_shared>>)
      tpu.yield
    }) : () -> ()
    %dma_start3A_146 = arith.constant 6 : i32
    %dma_start3A_147 = arith.constant 0 : i32
    %dma_start3A_148 = tpu.memref_slice %arg7[%dma_start3A_146, %dma_start3A_147] : memref<40x128xi32, #tpu.memory_space<vmem>> -> memref<1x128xi32, #tpu.memory_space<vmem>>
    %dma_start3A_149 = tpu.memref_squeeze %dma_start3A_148 : memref<1x128xi32, #tpu.memory_space<vmem>> -> memref<128xi32, #tpu.memory_space<vmem>>
    %dma_start3A_150 = arith.constant 0 : i32
    %dma_start3A_151 = arith.constant 0 : i32
    %dma_start3A_152 = tpu.memref_slice %arg4[%dma_start3A_150, %dma_start3A_151] : memref<10128x128xf32, #tpu.memory_space<hbm>> -> memref<10128x128xf32, #tpu.memory_space<hbm>>
    tpu.enqueue_indirect_dma source(%dma_start3A_152 : memref<10128x128xf32, #tpu.memory_space<hbm>>) target(%arg9 : memref<128x128xf32, #tpu.memory_space<vmem>>) offsets(%dma_start3A_149 : memref<128xi32, #tpu.memory_space<vmem>>) semaphore(%arg16 : memref<!tpu.dma_semaphore, #tpu.memory_space<semaphore_mem>>)
    %run_scoped3A_153 = arith.constant 5 : i32
    "tpu.region"() ({
      %run_scoped3A_707 = tpu.sem_alloc : memref<!tpu.dma_semaphore, #tpu.memory_space<semaphore_mem>>
      %dma_start3A_708 = arith.constant 0 : i32
      %dma_start3A_709 = tpu.memref_slice %arg8[%run_scoped3A_153, %dma_start3A_708] : memref<40x128xi32, #tpu.memory_space<vmem>> -> memref<1x128xi32, #tpu.memory_space<vmem>>
      %dma_start3A_710 = tpu.memref_squeeze %dma_start3A_709 : memref<1x128xi32, #tpu.memory_space<vmem>> -> memref<128xi32, #tpu.memory_space<vmem>>
      %dma_start3A_711 = arith.constant 0 : i32
      %dma_start3A_712 = tpu.memref_slice %arg15[%dma_start3A_711] : memref<10016xf32, #tpu.memory_space<vmem_shared>> -> memref<10016xf32, #tpu.memory_space<vmem_shared>>
      tpu.enqueue_indirect_dma source(%arg12 : memref<128xf32, #tpu.memory_space<vmem>>) target(%dma_start3A_712 : memref<10016xf32, #tpu.memory_space<vmem_shared>>) offsets(%dma_start3A_710 : memref<128xi32, #tpu.memory_space<vmem>>) semaphore(%run_scoped3A_707 : memref<!tpu.dma_semaphore, #tpu.memory_space<semaphore_mem>>) {add = true}
      %dma_wait3A_713 = arith.constant 0 : i32
      %dma_wait3A_714 = tpu.memref_slice %arg8[%run_scoped3A_153, %dma_wait3A_713] : memref<40x128xi32, #tpu.memory_space<vmem>> -> memref<1x128xi32, #tpu.memory_space<vmem>>
      %dma_wait3A_715 = tpu.memref_squeeze %dma_wait3A_714 : memref<1x128xi32, #tpu.memory_space<vmem>> -> memref<128xi32, #tpu.memory_space<vmem>>
      %dma_wait3A_716 = arith.constant 0 : i32
      %dma_wait3A_717 = tpu.memref_slice %arg15[%dma_wait3A_716] : memref<10016xf32, #tpu.memory_space<vmem_shared>> -> memref<10016xf32, #tpu.memory_space<vmem_shared>>
      tpu.wait_indirect_dma semaphore(%run_scoped3A_707 : memref<!tpu.dma_semaphore, #tpu.memory_space<semaphore_mem>>) src(%arg12 : memref<128xf32, #tpu.memory_space<vmem>>) dst(%dma_wait3A_717 : memref<10016xf32, #tpu.memory_space<vmem_shared>>)
      tpu.yield
    }) : () -> ()
    %dma_wait3A_154 = arith.constant 5 : i32
    %dma_wait3A_155 = arith.constant 0 : i32
    %dma_wait3A_156 = tpu.memref_slice %arg7[%dma_wait3A_154, %dma_wait3A_155] : memref<40x128xi32, #tpu.memory_space<vmem>> -> memref<1x128xi32, #tpu.memory_space<vmem>>
    %dma_wait3A_157 = tpu.memref_squeeze %dma_wait3A_156 : memref<1x128xi32, #tpu.memory_space<vmem>> -> memref<128xi32, #tpu.memory_space<vmem>>
    %dma_wait3A_158 = arith.constant 0 : i32
    %dma_wait3A_159 = arith.constant 0 : i32
    %dma_wait3A_160 = tpu.memref_slice %arg4[%dma_wait3A_158, %dma_wait3A_159] : memref<10128x128xf32, #tpu.memory_space<hbm>> -> memref<10128x128xf32, #tpu.memory_space<hbm>>
    tpu.wait_indirect_dma semaphore(%arg17 : memref<!tpu.dma_semaphore, #tpu.memory_space<semaphore_mem>>) src(%dma_wait3A_160 : memref<10128x128xf32, #tpu.memory_space<hbm>>) dst(%arg10 : memref<128x128xf32, #tpu.memory_space<vmem>>)
    %run_scoped3A_161 = arith.constant 5 : i32
    "tpu.region"() ({
      %run_scoped3A_707 = tpu.sem_alloc : memref<!tpu.dma_semaphore, #tpu.memory_space<semaphore_mem>>
      %dma_start3A_708 = arith.constant 0 : i32
      %dma_start3A_709 = tpu.memref_slice %arg8[%run_scoped3A_161, %dma_start3A_708] : memref<40x128xi32, #tpu.memory_space<vmem>> -> memref<1x128xi32, #tpu.memory_space<vmem>>
      %dma_start3A_710 = tpu.memref_squeeze %dma_start3A_709 : memref<1x128xi32, #tpu.memory_space<vmem>> -> memref<128xi32, #tpu.memory_space<vmem>>
      %dma_start3A_711 = arith.constant 0 : i32
      %dma_start3A_712 = arith.constant 0 : i32
      %dma_start3A_713 = tpu.memref_slice %arg14[%dma_start3A_711, %dma_start3A_712] : memref<10008x128xf32, #tpu.memory_space<vmem_shared>> -> memref<10008x128xf32, #tpu.memory_space<vmem_shared>>
      tpu.enqueue_indirect_dma source(%arg10 : memref<128x128xf32, #tpu.memory_space<vmem>>) target(%dma_start3A_713 : memref<10008x128xf32, #tpu.memory_space<vmem_shared>>) offsets(%dma_start3A_710 : memref<128xi32, #tpu.memory_space<vmem>>) semaphore(%run_scoped3A_707 : memref<!tpu.dma_semaphore, #tpu.memory_space<semaphore_mem>>) {add = true}
      %dma_wait3A_714 = arith.constant 0 : i32
      %dma_wait3A_715 = tpu.memref_slice %arg8[%run_scoped3A_161, %dma_wait3A_714] : memref<40x128xi32, #tpu.memory_space<vmem>> -> memref<1x128xi32, #tpu.memory_space<vmem>>
      %dma_wait3A_716 = tpu.memref_squeeze %dma_wait3A_715 : memref<1x128xi32, #tpu.memory_space<vmem>> -> memref<128xi32, #tpu.memory_space<vmem>>
      %dma_wait3A_717 = arith.constant 0 : i32
      %dma_wait3A_718 = arith.constant 0 : i32
      %dma_wait3A_719 = tpu.memref_slice %arg14[%dma_wait3A_717, %dma_wait3A_718] : memref<10008x128xf32, #tpu.memory_space<vmem_shared>> -> memref<10008x128xf32, #tpu.memory_space<vmem_shared>>
      tpu.wait_indirect_dma semaphore(%run_scoped3A_707 : memref<!tpu.dma_semaphore, #tpu.memory_space<semaphore_mem>>) src(%arg10 : memref<128x128xf32, #tpu.memory_space<vmem>>) dst(%dma_wait3A_719 : memref<10008x128xf32, #tpu.memory_space<vmem_shared>>)
      tpu.yield
    }) : () -> ()
    %dma_start3A_162 = arith.constant 7 : i32
    %dma_start3A_163 = arith.constant 0 : i32
    %dma_start3A_164 = tpu.memref_slice %arg7[%dma_start3A_162, %dma_start3A_163] : memref<40x128xi32, #tpu.memory_space<vmem>> -> memref<1x128xi32, #tpu.memory_space<vmem>>
    %dma_start3A_165 = tpu.memref_squeeze %dma_start3A_164 : memref<1x128xi32, #tpu.memory_space<vmem>> -> memref<128xi32, #tpu.memory_space<vmem>>
    %dma_start3A_166 = arith.constant 0 : i32
    %dma_start3A_167 = arith.constant 0 : i32
    %dma_start3A_168 = tpu.memref_slice %arg4[%dma_start3A_166, %dma_start3A_167] : memref<10128x128xf32, #tpu.memory_space<hbm>> -> memref<10128x128xf32, #tpu.memory_space<hbm>>
    tpu.enqueue_indirect_dma source(%dma_start3A_168 : memref<10128x128xf32, #tpu.memory_space<hbm>>) target(%arg10 : memref<128x128xf32, #tpu.memory_space<vmem>>) offsets(%dma_start3A_165 : memref<128xi32, #tpu.memory_space<vmem>>) semaphore(%arg17 : memref<!tpu.dma_semaphore, #tpu.memory_space<semaphore_mem>>)
    %run_scoped3A_169 = arith.constant 6 : i32
    "tpu.region"() ({
      %run_scoped3A_707 = tpu.sem_alloc : memref<!tpu.dma_semaphore, #tpu.memory_space<semaphore_mem>>
      %dma_start3A_708 = arith.constant 0 : i32
      %dma_start3A_709 = tpu.memref_slice %arg8[%run_scoped3A_169, %dma_start3A_708] : memref<40x128xi32, #tpu.memory_space<vmem>> -> memref<1x128xi32, #tpu.memory_space<vmem>>
      %dma_start3A_710 = tpu.memref_squeeze %dma_start3A_709 : memref<1x128xi32, #tpu.memory_space<vmem>> -> memref<128xi32, #tpu.memory_space<vmem>>
      %dma_start3A_711 = arith.constant 0 : i32
      %dma_start3A_712 = tpu.memref_slice %arg15[%dma_start3A_711] : memref<10016xf32, #tpu.memory_space<vmem_shared>> -> memref<10016xf32, #tpu.memory_space<vmem_shared>>
      tpu.enqueue_indirect_dma source(%arg12 : memref<128xf32, #tpu.memory_space<vmem>>) target(%dma_start3A_712 : memref<10016xf32, #tpu.memory_space<vmem_shared>>) offsets(%dma_start3A_710 : memref<128xi32, #tpu.memory_space<vmem>>) semaphore(%run_scoped3A_707 : memref<!tpu.dma_semaphore, #tpu.memory_space<semaphore_mem>>) {add = true}
      %dma_wait3A_713 = arith.constant 0 : i32
      %dma_wait3A_714 = tpu.memref_slice %arg8[%run_scoped3A_169, %dma_wait3A_713] : memref<40x128xi32, #tpu.memory_space<vmem>> -> memref<1x128xi32, #tpu.memory_space<vmem>>
      %dma_wait3A_715 = tpu.memref_squeeze %dma_wait3A_714 : memref<1x128xi32, #tpu.memory_space<vmem>> -> memref<128xi32, #tpu.memory_space<vmem>>
      %dma_wait3A_716 = arith.constant 0 : i32
      %dma_wait3A_717 = tpu.memref_slice %arg15[%dma_wait3A_716] : memref<10016xf32, #tpu.memory_space<vmem_shared>> -> memref<10016xf32, #tpu.memory_space<vmem_shared>>
      tpu.wait_indirect_dma semaphore(%run_scoped3A_707 : memref<!tpu.dma_semaphore, #tpu.memory_space<semaphore_mem>>) src(%arg12 : memref<128xf32, #tpu.memory_space<vmem>>) dst(%dma_wait3A_717 : memref<10016xf32, #tpu.memory_space<vmem_shared>>)
      tpu.yield
    }) : () -> ()
    %dma_wait3A_170 = arith.constant 6 : i32
    %dma_wait3A_171 = arith.constant 0 : i32
    %dma_wait3A_172 = tpu.memref_slice %arg7[%dma_wait3A_170, %dma_wait3A_171] : memref<40x128xi32, #tpu.memory_space<vmem>> -> memref<1x128xi32, #tpu.memory_space<vmem>>
    %dma_wait3A_173 = tpu.memref_squeeze %dma_wait3A_172 : memref<1x128xi32, #tpu.memory_space<vmem>> -> memref<128xi32, #tpu.memory_space<vmem>>
    %dma_wait3A_174 = arith.constant 0 : i32
    %dma_wait3A_175 = arith.constant 0 : i32
    %dma_wait3A_176 = tpu.memref_slice %arg4[%dma_wait3A_174, %dma_wait3A_175] : memref<10128x128xf32, #tpu.memory_space<hbm>> -> memref<10128x128xf32, #tpu.memory_space<hbm>>
    tpu.wait_indirect_dma semaphore(%arg16 : memref<!tpu.dma_semaphore, #tpu.memory_space<semaphore_mem>>) src(%dma_wait3A_176 : memref<10128x128xf32, #tpu.memory_space<hbm>>) dst(%arg9 : memref<128x128xf32, #tpu.memory_space<vmem>>)
    %run_scoped3A_177 = arith.constant 6 : i32
    "tpu.region"() ({
      %run_scoped3A_707 = tpu.sem_alloc : memref<!tpu.dma_semaphore, #tpu.memory_space<semaphore_mem>>
      %dma_start3A_708 = arith.constant 0 : i32
      %dma_start3A_709 = tpu.memref_slice %arg8[%run_scoped3A_177, %dma_start3A_708] : memref<40x128xi32, #tpu.memory_space<vmem>> -> memref<1x128xi32, #tpu.memory_space<vmem>>
      %dma_start3A_710 = tpu.memref_squeeze %dma_start3A_709 : memref<1x128xi32, #tpu.memory_space<vmem>> -> memref<128xi32, #tpu.memory_space<vmem>>
      %dma_start3A_711 = arith.constant 0 : i32
      %dma_start3A_712 = arith.constant 0 : i32
      %dma_start3A_713 = tpu.memref_slice %arg14[%dma_start3A_711, %dma_start3A_712] : memref<10008x128xf32, #tpu.memory_space<vmem_shared>> -> memref<10008x128xf32, #tpu.memory_space<vmem_shared>>
      tpu.enqueue_indirect_dma source(%arg9 : memref<128x128xf32, #tpu.memory_space<vmem>>) target(%dma_start3A_713 : memref<10008x128xf32, #tpu.memory_space<vmem_shared>>) offsets(%dma_start3A_710 : memref<128xi32, #tpu.memory_space<vmem>>) semaphore(%run_scoped3A_707 : memref<!tpu.dma_semaphore, #tpu.memory_space<semaphore_mem>>) {add = true}
      %dma_wait3A_714 = arith.constant 0 : i32
      %dma_wait3A_715 = tpu.memref_slice %arg8[%run_scoped3A_177, %dma_wait3A_714] : memref<40x128xi32, #tpu.memory_space<vmem>> -> memref<1x128xi32, #tpu.memory_space<vmem>>
      %dma_wait3A_716 = tpu.memref_squeeze %dma_wait3A_715 : memref<1x128xi32, #tpu.memory_space<vmem>> -> memref<128xi32, #tpu.memory_space<vmem>>
      %dma_wait3A_717 = arith.constant 0 : i32
      %dma_wait3A_718 = arith.constant 0 : i32
      %dma_wait3A_719 = tpu.memref_slice %arg14[%dma_wait3A_717, %dma_wait3A_718] : memref<10008x128xf32, #tpu.memory_space<vmem_shared>> -> memref<10008x128xf32, #tpu.memory_space<vmem_shared>>
      tpu.wait_indirect_dma semaphore(%run_scoped3A_707 : memref<!tpu.dma_semaphore, #tpu.memory_space<semaphore_mem>>) src(%arg9 : memref<128x128xf32, #tpu.memory_space<vmem>>) dst(%dma_wait3A_719 : memref<10008x128xf32, #tpu.memory_space<vmem_shared>>)
      tpu.yield
    }) : () -> ()
    %dma_start3A_178 = arith.constant 8 : i32
    %dma_start3A_179 = arith.constant 0 : i32
    %dma_start3A_180 = tpu.memref_slice %arg7[%dma_start3A_178, %dma_start3A_179] : memref<40x128xi32, #tpu.memory_space<vmem>> -> memref<1x128xi32, #tpu.memory_space<vmem>>
    %dma_start3A_181 = tpu.memref_squeeze %dma_start3A_180 : memref<1x128xi32, #tpu.memory_space<vmem>> -> memref<128xi32, #tpu.memory_space<vmem>>
    %dma_start3A_182 = arith.constant 0 : i32
    %dma_start3A_183 = arith.constant 0 : i32
    %dma_start3A_184 = tpu.memref_slice %arg4[%dma_start3A_182, %dma_start3A_183] : memref<10128x128xf32, #tpu.memory_space<hbm>> -> memref<10128x128xf32, #tpu.memory_space<hbm>>
    tpu.enqueue_indirect_dma source(%dma_start3A_184 : memref<10128x128xf32, #tpu.memory_space<hbm>>) target(%arg9 : memref<128x128xf32, #tpu.memory_space<vmem>>) offsets(%dma_start3A_181 : memref<128xi32, #tpu.memory_space<vmem>>) semaphore(%arg16 : memref<!tpu.dma_semaphore, #tpu.memory_space<semaphore_mem>>)
    %run_scoped3A_185 = arith.constant 7 : i32
    "tpu.region"() ({
      %run_scoped3A_707 = tpu.sem_alloc : memref<!tpu.dma_semaphore, #tpu.memory_space<semaphore_mem>>
      %dma_start3A_708 = arith.constant 0 : i32
      %dma_start3A_709 = tpu.memref_slice %arg8[%run_scoped3A_185, %dma_start3A_708] : memref<40x128xi32, #tpu.memory_space<vmem>> -> memref<1x128xi32, #tpu.memory_space<vmem>>
      %dma_start3A_710 = tpu.memref_squeeze %dma_start3A_709 : memref<1x128xi32, #tpu.memory_space<vmem>> -> memref<128xi32, #tpu.memory_space<vmem>>
      %dma_start3A_711 = arith.constant 0 : i32
      %dma_start3A_712 = tpu.memref_slice %arg15[%dma_start3A_711] : memref<10016xf32, #tpu.memory_space<vmem_shared>> -> memref<10016xf32, #tpu.memory_space<vmem_shared>>
      tpu.enqueue_indirect_dma source(%arg12 : memref<128xf32, #tpu.memory_space<vmem>>) target(%dma_start3A_712 : memref<10016xf32, #tpu.memory_space<vmem_shared>>) offsets(%dma_start3A_710 : memref<128xi32, #tpu.memory_space<vmem>>) semaphore(%run_scoped3A_707 : memref<!tpu.dma_semaphore, #tpu.memory_space<semaphore_mem>>) {add = true}
      %dma_wait3A_713 = arith.constant 0 : i32
      %dma_wait3A_714 = tpu.memref_slice %arg8[%run_scoped3A_185, %dma_wait3A_713] : memref<40x128xi32, #tpu.memory_space<vmem>> -> memref<1x128xi32, #tpu.memory_space<vmem>>
      %dma_wait3A_715 = tpu.memref_squeeze %dma_wait3A_714 : memref<1x128xi32, #tpu.memory_space<vmem>> -> memref<128xi32, #tpu.memory_space<vmem>>
      %dma_wait3A_716 = arith.constant 0 : i32
      %dma_wait3A_717 = tpu.memref_slice %arg15[%dma_wait3A_716] : memref<10016xf32, #tpu.memory_space<vmem_shared>> -> memref<10016xf32, #tpu.memory_space<vmem_shared>>
      tpu.wait_indirect_dma semaphore(%run_scoped3A_707 : memref<!tpu.dma_semaphore, #tpu.memory_space<semaphore_mem>>) src(%arg12 : memref<128xf32, #tpu.memory_space<vmem>>) dst(%dma_wait3A_717 : memref<10016xf32, #tpu.memory_space<vmem_shared>>)
      tpu.yield
    }) : () -> ()
    %dma_wait3A_186 = arith.constant 7 : i32
    %dma_wait3A_187 = arith.constant 0 : i32
    %dma_wait3A_188 = tpu.memref_slice %arg7[%dma_wait3A_186, %dma_wait3A_187] : memref<40x128xi32, #tpu.memory_space<vmem>> -> memref<1x128xi32, #tpu.memory_space<vmem>>
    %dma_wait3A_189 = tpu.memref_squeeze %dma_wait3A_188 : memref<1x128xi32, #tpu.memory_space<vmem>> -> memref<128xi32, #tpu.memory_space<vmem>>
    %dma_wait3A_190 = arith.constant 0 : i32
    %dma_wait3A_191 = arith.constant 0 : i32
    %dma_wait3A_192 = tpu.memref_slice %arg4[%dma_wait3A_190, %dma_wait3A_191] : memref<10128x128xf32, #tpu.memory_space<hbm>> -> memref<10128x128xf32, #tpu.memory_space<hbm>>
    tpu.wait_indirect_dma semaphore(%arg17 : memref<!tpu.dma_semaphore, #tpu.memory_space<semaphore_mem>>) src(%dma_wait3A_192 : memref<10128x128xf32, #tpu.memory_space<hbm>>) dst(%arg10 : memref<128x128xf32, #tpu.memory_space<vmem>>)
    %run_scoped3A_193 = arith.constant 7 : i32
    "tpu.region"() ({
      %run_scoped3A_707 = tpu.sem_alloc : memref<!tpu.dma_semaphore, #tpu.memory_space<semaphore_mem>>
      %dma_start3A_708 = arith.constant 0 : i32
      %dma_start3A_709 = tpu.memref_slice %arg8[%run_scoped3A_193, %dma_start3A_708] : memref<40x128xi32, #tpu.memory_space<vmem>> -> memref<1x128xi32, #tpu.memory_space<vmem>>
      %dma_start3A_710 = tpu.memref_squeeze %dma_start3A_709 : memref<1x128xi32, #tpu.memory_space<vmem>> -> memref<128xi32, #tpu.memory_space<vmem>>
      %dma_start3A_711 = arith.constant 0 : i32
      %dma_start3A_712 = arith.constant 0 : i32
      %dma_start3A_713 = tpu.memref_slice %arg14[%dma_start3A_711, %dma_start3A_712] : memref<10008x128xf32, #tpu.memory_space<vmem_shared>> -> memref<10008x128xf32, #tpu.memory_space<vmem_shared>>
      tpu.enqueue_indirect_dma source(%arg10 : memref<128x128xf32, #tpu.memory_space<vmem>>) target(%dma_start3A_713 : memref<10008x128xf32, #tpu.memory_space<vmem_shared>>) offsets(%dma_start3A_710 : memref<128xi32, #tpu.memory_space<vmem>>) semaphore(%run_scoped3A_707 : memref<!tpu.dma_semaphore, #tpu.memory_space<semaphore_mem>>) {add = true}
      %dma_wait3A_714 = arith.constant 0 : i32
      %dma_wait3A_715 = tpu.memref_slice %arg8[%run_scoped3A_193, %dma_wait3A_714] : memref<40x128xi32, #tpu.memory_space<vmem>> -> memref<1x128xi32, #tpu.memory_space<vmem>>
      %dma_wait3A_716 = tpu.memref_squeeze %dma_wait3A_715 : memref<1x128xi32, #tpu.memory_space<vmem>> -> memref<128xi32, #tpu.memory_space<vmem>>
      %dma_wait3A_717 = arith.constant 0 : i32
      %dma_wait3A_718 = arith.constant 0 : i32
      %dma_wait3A_719 = tpu.memref_slice %arg14[%dma_wait3A_717, %dma_wait3A_718] : memref<10008x128xf32, #tpu.memory_space<vmem_shared>> -> memref<10008x128xf32, #tpu.memory_space<vmem_shared>>
      tpu.wait_indirect_dma semaphore(%run_scoped3A_707 : memref<!tpu.dma_semaphore, #tpu.memory_space<semaphore_mem>>) src(%arg10 : memref<128x128xf32, #tpu.memory_space<vmem>>) dst(%dma_wait3A_719 : memref<10008x128xf32, #tpu.memory_space<vmem_shared>>)
      tpu.yield
    }) : () -> ()
    %dma_start3A_194 = arith.constant 9 : i32
    %dma_start3A_195 = arith.constant 0 : i32
    %dma_start3A_196 = tpu.memref_slice %arg7[%dma_start3A_194, %dma_start3A_195] : memref<40x128xi32, #tpu.memory_space<vmem>> -> memref<1x128xi32, #tpu.memory_space<vmem>>
    %dma_start3A_197 = tpu.memref_squeeze %dma_start3A_196 : memref<1x128xi32, #tpu.memory_space<vmem>> -> memref<128xi32, #tpu.memory_space<vmem>>
    %dma_start3A_198 = arith.constant 0 : i32
    %dma_start3A_199 = arith.constant 0 : i32
    %dma_start3A_200 = tpu.memref_slice %arg4[%dma_start3A_198, %dma_start3A_199] : memref<10128x128xf32, #tpu.memory_space<hbm>> -> memref<10128x128xf32, #tpu.memory_space<hbm>>
    tpu.enqueue_indirect_dma source(%dma_start3A_200 : memref<10128x128xf32, #tpu.memory_space<hbm>>) target(%arg10 : memref<128x128xf32, #tpu.memory_space<vmem>>) offsets(%dma_start3A_197 : memref<128xi32, #tpu.memory_space<vmem>>) semaphore(%arg17 : memref<!tpu.dma_semaphore, #tpu.memory_space<semaphore_mem>>)
    %run_scoped3A_201 = arith.constant 8 : i32
    "tpu.region"() ({
      %run_scoped3A_707 = tpu.sem_alloc : memref<!tpu.dma_semaphore, #tpu.memory_space<semaphore_mem>>
      %dma_start3A_708 = arith.constant 0 : i32
      %dma_start3A_709 = tpu.memref_slice %arg8[%run_scoped3A_201, %dma_start3A_708] : memref<40x128xi32, #tpu.memory_space<vmem>> -> memref<1x128xi32, #tpu.memory_space<vmem>>
      %dma_start3A_710 = tpu.memref_squeeze %dma_start3A_709 : memref<1x128xi32, #tpu.memory_space<vmem>> -> memref<128xi32, #tpu.memory_space<vmem>>
      %dma_start3A_711 = arith.constant 0 : i32
      %dma_start3A_712 = tpu.memref_slice %arg15[%dma_start3A_711] : memref<10016xf32, #tpu.memory_space<vmem_shared>> -> memref<10016xf32, #tpu.memory_space<vmem_shared>>
      tpu.enqueue_indirect_dma source(%arg12 : memref<128xf32, #tpu.memory_space<vmem>>) target(%dma_start3A_712 : memref<10016xf32, #tpu.memory_space<vmem_shared>>) offsets(%dma_start3A_710 : memref<128xi32, #tpu.memory_space<vmem>>) semaphore(%run_scoped3A_707 : memref<!tpu.dma_semaphore, #tpu.memory_space<semaphore_mem>>) {add = true}
      %dma_wait3A_713 = arith.constant 0 : i32
      %dma_wait3A_714 = tpu.memref_slice %arg8[%run_scoped3A_201, %dma_wait3A_713] : memref<40x128xi32, #tpu.memory_space<vmem>> -> memref<1x128xi32, #tpu.memory_space<vmem>>
      %dma_wait3A_715 = tpu.memref_squeeze %dma_wait3A_714 : memref<1x128xi32, #tpu.memory_space<vmem>> -> memref<128xi32, #tpu.memory_space<vmem>>
      %dma_wait3A_716 = arith.constant 0 : i32
      %dma_wait3A_717 = tpu.memref_slice %arg15[%dma_wait3A_716] : memref<10016xf32, #tpu.memory_space<vmem_shared>> -> memref<10016xf32, #tpu.memory_space<vmem_shared>>
      tpu.wait_indirect_dma semaphore(%run_scoped3A_707 : memref<!tpu.dma_semaphore, #tpu.memory_space<semaphore_mem>>) src(%arg12 : memref<128xf32, #tpu.memory_space<vmem>>) dst(%dma_wait3A_717 : memref<10016xf32, #tpu.memory_space<vmem_shared>>)
      tpu.yield
    }) : () -> ()
    %dma_wait3A_202 = arith.constant 8 : i32
    %dma_wait3A_203 = arith.constant 0 : i32
    %dma_wait3A_204 = tpu.memref_slice %arg7[%dma_wait3A_202, %dma_wait3A_203] : memref<40x128xi32, #tpu.memory_space<vmem>> -> memref<1x128xi32, #tpu.memory_space<vmem>>
    %dma_wait3A_205 = tpu.memref_squeeze %dma_wait3A_204 : memref<1x128xi32, #tpu.memory_space<vmem>> -> memref<128xi32, #tpu.memory_space<vmem>>
    %dma_wait3A_206 = arith.constant 0 : i32
    %dma_wait3A_207 = arith.constant 0 : i32
    %dma_wait3A_208 = tpu.memref_slice %arg4[%dma_wait3A_206, %dma_wait3A_207] : memref<10128x128xf32, #tpu.memory_space<hbm>> -> memref<10128x128xf32, #tpu.memory_space<hbm>>
    tpu.wait_indirect_dma semaphore(%arg16 : memref<!tpu.dma_semaphore, #tpu.memory_space<semaphore_mem>>) src(%dma_wait3A_208 : memref<10128x128xf32, #tpu.memory_space<hbm>>) dst(%arg9 : memref<128x128xf32, #tpu.memory_space<vmem>>)
    %run_scoped3A_209 = arith.constant 8 : i32
    "tpu.region"() ({
      %run_scoped3A_707 = tpu.sem_alloc : memref<!tpu.dma_semaphore, #tpu.memory_space<semaphore_mem>>
      %dma_start3A_708 = arith.constant 0 : i32
      %dma_start3A_709 = tpu.memref_slice %arg8[%run_scoped3A_209, %dma_start3A_708] : memref<40x128xi32, #tpu.memory_space<vmem>> -> memref<1x128xi32, #tpu.memory_space<vmem>>
      %dma_start3A_710 = tpu.memref_squeeze %dma_start3A_709 : memref<1x128xi32, #tpu.memory_space<vmem>> -> memref<128xi32, #tpu.memory_space<vmem>>
      %dma_start3A_711 = arith.constant 0 : i32
      %dma_start3A_712 = arith.constant 0 : i32
      %dma_start3A_713 = tpu.memref_slice %arg14[%dma_start3A_711, %dma_start3A_712] : memref<10008x128xf32, #tpu.memory_space<vmem_shared>> -> memref<10008x128xf32, #tpu.memory_space<vmem_shared>>
      tpu.enqueue_indirect_dma source(%arg9 : memref<128x128xf32, #tpu.memory_space<vmem>>) target(%dma_start3A_713 : memref<10008x128xf32, #tpu.memory_space<vmem_shared>>) offsets(%dma_start3A_710 : memref<128xi32, #tpu.memory_space<vmem>>) semaphore(%run_scoped3A_707 : memref<!tpu.dma_semaphore, #tpu.memory_space<semaphore_mem>>) {add = true}
      %dma_wait3A_714 = arith.constant 0 : i32
      %dma_wait3A_715 = tpu.memref_slice %arg8[%run_scoped3A_209, %dma_wait3A_714] : memref<40x128xi32, #tpu.memory_space<vmem>> -> memref<1x128xi32, #tpu.memory_space<vmem>>
      %dma_wait3A_716 = tpu.memref_squeeze %dma_wait3A_715 : memref<1x128xi32, #tpu.memory_space<vmem>> -> memref<128xi32, #tpu.memory_space<vmem>>
      %dma_wait3A_717 = arith.constant 0 : i32
      %dma_wait3A_718 = arith.constant 0 : i32
      %dma_wait3A_719 = tpu.memref_slice %arg14[%dma_wait3A_717, %dma_wait3A_718] : memref<10008x128xf32, #tpu.memory_space<vmem_shared>> -> memref<10008x128xf32, #tpu.memory_space<vmem_shared>>
      tpu.wait_indirect_dma semaphore(%run_scoped3A_707 : memref<!tpu.dma_semaphore, #tpu.memory_space<semaphore_mem>>) src(%arg9 : memref<128x128xf32, #tpu.memory_space<vmem>>) dst(%dma_wait3A_719 : memref<10008x128xf32, #tpu.memory_space<vmem_shared>>)
      tpu.yield
    }) : () -> ()
    %dma_start3A_210 = arith.constant 10 : i32
    %dma_start3A_211 = arith.constant 0 : i32
    %dma_start3A_212 = tpu.memref_slice %arg7[%dma_start3A_210, %dma_start3A_211] : memref<40x128xi32, #tpu.memory_space<vmem>> -> memref<1x128xi32, #tpu.memory_space<vmem>>
    %dma_start3A_213 = tpu.memref_squeeze %dma_start3A_212 : memref<1x128xi32, #tpu.memory_space<vmem>> -> memref<128xi32, #tpu.memory_space<vmem>>
    %dma_start3A_214 = arith.constant 0 : i32
    %dma_start3A_215 = arith.constant 0 : i32
    %dma_start3A_216 = tpu.memref_slice %arg4[%dma_start3A_214, %dma_start3A_215] : memref<10128x128xf32, #tpu.memory_space<hbm>> -> memref<10128x128xf32, #tpu.memory_space<hbm>>
    tpu.enqueue_indirect_dma source(%dma_start3A_216 : memref<10128x128xf32, #tpu.memory_space<hbm>>) target(%arg9 : memref<128x128xf32, #tpu.memory_space<vmem>>) offsets(%dma_start3A_213 : memref<128xi32, #tpu.memory_space<vmem>>) semaphore(%arg16 : memref<!tpu.dma_semaphore, #tpu.memory_space<semaphore_mem>>)
    %run_scoped3A_217 = arith.constant 9 : i32
    "tpu.region"() ({
      %run_scoped3A_707 = tpu.sem_alloc : memref<!tpu.dma_semaphore, #tpu.memory_space<semaphore_mem>>
      %dma_start3A_708 = arith.constant 0 : i32
      %dma_start3A_709 = tpu.memref_slice %arg8[%run_scoped3A_217, %dma_start3A_708] : memref<40x128xi32, #tpu.memory_space<vmem>> -> memref<1x128xi32, #tpu.memory_space<vmem>>
      %dma_start3A_710 = tpu.memref_squeeze %dma_start3A_709 : memref<1x128xi32, #tpu.memory_space<vmem>> -> memref<128xi32, #tpu.memory_space<vmem>>
      %dma_start3A_711 = arith.constant 0 : i32
      %dma_start3A_712 = tpu.memref_slice %arg15[%dma_start3A_711] : memref<10016xf32, #tpu.memory_space<vmem_shared>> -> memref<10016xf32, #tpu.memory_space<vmem_shared>>
      tpu.enqueue_indirect_dma source(%arg12 : memref<128xf32, #tpu.memory_space<vmem>>) target(%dma_start3A_712 : memref<10016xf32, #tpu.memory_space<vmem_shared>>) offsets(%dma_start3A_710 : memref<128xi32, #tpu.memory_space<vmem>>) semaphore(%run_scoped3A_707 : memref<!tpu.dma_semaphore, #tpu.memory_space<semaphore_mem>>) {add = true}
      %dma_wait3A_713 = arith.constant 0 : i32
      %dma_wait3A_714 = tpu.memref_slice %arg8[%run_scoped3A_217, %dma_wait3A_713] : memref<40x128xi32, #tpu.memory_space<vmem>> -> memref<1x128xi32, #tpu.memory_space<vmem>>
      %dma_wait3A_715 = tpu.memref_squeeze %dma_wait3A_714 : memref<1x128xi32, #tpu.memory_space<vmem>> -> memref<128xi32, #tpu.memory_space<vmem>>
      %dma_wait3A_716 = arith.constant 0 : i32
      %dma_wait3A_717 = tpu.memref_slice %arg15[%dma_wait3A_716] : memref<10016xf32, #tpu.memory_space<vmem_shared>> -> memref<10016xf32, #tpu.memory_space<vmem_shared>>
      tpu.wait_indirect_dma semaphore(%run_scoped3A_707 : memref<!tpu.dma_semaphore, #tpu.memory_space<semaphore_mem>>) src(%arg12 : memref<128xf32, #tpu.memory_space<vmem>>) dst(%dma_wait3A_717 : memref<10016xf32, #tpu.memory_space<vmem_shared>>)
      tpu.yield
    }) : () -> ()
    %dma_wait3A_218 = arith.constant 9 : i32
    %dma_wait3A_219 = arith.constant 0 : i32
    %dma_wait3A_220 = tpu.memref_slice %arg7[%dma_wait3A_218, %dma_wait3A_219] : memref<40x128xi32, #tpu.memory_space<vmem>> -> memref<1x128xi32, #tpu.memory_space<vmem>>
    %dma_wait3A_221 = tpu.memref_squeeze %dma_wait3A_220 : memref<1x128xi32, #tpu.memory_space<vmem>> -> memref<128xi32, #tpu.memory_space<vmem>>
    %dma_wait3A_222 = arith.constant 0 : i32
    %dma_wait3A_223 = arith.constant 0 : i32
    %dma_wait3A_224 = tpu.memref_slice %arg4[%dma_wait3A_222, %dma_wait3A_223] : memref<10128x128xf32, #tpu.memory_space<hbm>> -> memref<10128x128xf32, #tpu.memory_space<hbm>>
    tpu.wait_indirect_dma semaphore(%arg17 : memref<!tpu.dma_semaphore, #tpu.memory_space<semaphore_mem>>) src(%dma_wait3A_224 : memref<10128x128xf32, #tpu.memory_space<hbm>>) dst(%arg10 : memref<128x128xf32, #tpu.memory_space<vmem>>)
    %run_scoped3A_225 = arith.constant 9 : i32
    "tpu.region"() ({
      %run_scoped3A_707 = tpu.sem_alloc : memref<!tpu.dma_semaphore, #tpu.memory_space<semaphore_mem>>
      %dma_start3A_708 = arith.constant 0 : i32
      %dma_start3A_709 = tpu.memref_slice %arg8[%run_scoped3A_225, %dma_start3A_708] : memref<40x128xi32, #tpu.memory_space<vmem>> -> memref<1x128xi32, #tpu.memory_space<vmem>>
      %dma_start3A_710 = tpu.memref_squeeze %dma_start3A_709 : memref<1x128xi32, #tpu.memory_space<vmem>> -> memref<128xi32, #tpu.memory_space<vmem>>
      %dma_start3A_711 = arith.constant 0 : i32
      %dma_start3A_712 = arith.constant 0 : i32
      %dma_start3A_713 = tpu.memref_slice %arg14[%dma_start3A_711, %dma_start3A_712] : memref<10008x128xf32, #tpu.memory_space<vmem_shared>> -> memref<10008x128xf32, #tpu.memory_space<vmem_shared>>
      tpu.enqueue_indirect_dma source(%arg10 : memref<128x128xf32, #tpu.memory_space<vmem>>) target(%dma_start3A_713 : memref<10008x128xf32, #tpu.memory_space<vmem_shared>>) offsets(%dma_start3A_710 : memref<128xi32, #tpu.memory_space<vmem>>) semaphore(%run_scoped3A_707 : memref<!tpu.dma_semaphore, #tpu.memory_space<semaphore_mem>>) {add = true}
      %dma_wait3A_714 = arith.constant 0 : i32
      %dma_wait3A_715 = tpu.memref_slice %arg8[%run_scoped3A_225, %dma_wait3A_714] : memref<40x128xi32, #tpu.memory_space<vmem>> -> memref<1x128xi32, #tpu.memory_space<vmem>>
      %dma_wait3A_716 = tpu.memref_squeeze %dma_wait3A_715 : memref<1x128xi32, #tpu.memory_space<vmem>> -> memref<128xi32, #tpu.memory_space<vmem>>
      %dma_wait3A_717 = arith.constant 0 : i32
      %dma_wait3A_718 = arith.constant 0 : i32
      %dma_wait3A_719 = tpu.memref_slice %arg14[%dma_wait3A_717, %dma_wait3A_718] : memref<10008x128xf32, #tpu.memory_space<vmem_shared>> -> memref<10008x128xf32, #tpu.memory_space<vmem_shared>>
      tpu.wait_indirect_dma semaphore(%run_scoped3A_707 : memref<!tpu.dma_semaphore, #tpu.memory_space<semaphore_mem>>) src(%arg10 : memref<128x128xf32, #tpu.memory_space<vmem>>) dst(%dma_wait3A_719 : memref<10008x128xf32, #tpu.memory_space<vmem_shared>>)
      tpu.yield
    }) : () -> ()
    %dma_start3A_226 = arith.constant 11 : i32
    %dma_start3A_227 = arith.constant 0 : i32
    %dma_start3A_228 = tpu.memref_slice %arg7[%dma_start3A_226, %dma_start3A_227] : memref<40x128xi32, #tpu.memory_space<vmem>> -> memref<1x128xi32, #tpu.memory_space<vmem>>
    %dma_start3A_229 = tpu.memref_squeeze %dma_start3A_228 : memref<1x128xi32, #tpu.memory_space<vmem>> -> memref<128xi32, #tpu.memory_space<vmem>>
    %dma_start3A_230 = arith.constant 0 : i32
    %dma_start3A_231 = arith.constant 0 : i32
    %dma_start3A_232 = tpu.memref_slice %arg4[%dma_start3A_230, %dma_start3A_231] : memref<10128x128xf32, #tpu.memory_space<hbm>> -> memref<10128x128xf32, #tpu.memory_space<hbm>>
    tpu.enqueue_indirect_dma source(%dma_start3A_232 : memref<10128x128xf32, #tpu.memory_space<hbm>>) target(%arg10 : memref<128x128xf32, #tpu.memory_space<vmem>>) offsets(%dma_start3A_229 : memref<128xi32, #tpu.memory_space<vmem>>) semaphore(%arg17 : memref<!tpu.dma_semaphore, #tpu.memory_space<semaphore_mem>>)
    %run_scoped3A_233 = arith.constant 10 : i32
    "tpu.region"() ({
      %run_scoped3A_707 = tpu.sem_alloc : memref<!tpu.dma_semaphore, #tpu.memory_space<semaphore_mem>>
      %dma_start3A_708 = arith.constant 0 : i32
      %dma_start3A_709 = tpu.memref_slice %arg8[%run_scoped3A_233, %dma_start3A_708] : memref<40x128xi32, #tpu.memory_space<vmem>> -> memref<1x128xi32, #tpu.memory_space<vmem>>
      %dma_start3A_710 = tpu.memref_squeeze %dma_start3A_709 : memref<1x128xi32, #tpu.memory_space<vmem>> -> memref<128xi32, #tpu.memory_space<vmem>>
      %dma_start3A_711 = arith.constant 0 : i32
      %dma_start3A_712 = tpu.memref_slice %arg15[%dma_start3A_711] : memref<10016xf32, #tpu.memory_space<vmem_shared>> -> memref<10016xf32, #tpu.memory_space<vmem_shared>>
      tpu.enqueue_indirect_dma source(%arg12 : memref<128xf32, #tpu.memory_space<vmem>>) target(%dma_start3A_712 : memref<10016xf32, #tpu.memory_space<vmem_shared>>) offsets(%dma_start3A_710 : memref<128xi32, #tpu.memory_space<vmem>>) semaphore(%run_scoped3A_707 : memref<!tpu.dma_semaphore, #tpu.memory_space<semaphore_mem>>) {add = true}
      %dma_wait3A_713 = arith.constant 0 : i32
      %dma_wait3A_714 = tpu.memref_slice %arg8[%run_scoped3A_233, %dma_wait3A_713] : memref<40x128xi32, #tpu.memory_space<vmem>> -> memref<1x128xi32, #tpu.memory_space<vmem>>
      %dma_wait3A_715 = tpu.memref_squeeze %dma_wait3A_714 : memref<1x128xi32, #tpu.memory_space<vmem>> -> memref<128xi32, #tpu.memory_space<vmem>>
      %dma_wait3A_716 = arith.constant 0 : i32
      %dma_wait3A_717 = tpu.memref_slice %arg15[%dma_wait3A_716] : memref<10016xf32, #tpu.memory_space<vmem_shared>> -> memref<10016xf32, #tpu.memory_space<vmem_shared>>
      tpu.wait_indirect_dma semaphore(%run_scoped3A_707 : memref<!tpu.dma_semaphore, #tpu.memory_space<semaphore_mem>>) src(%arg12 : memref<128xf32, #tpu.memory_space<vmem>>) dst(%dma_wait3A_717 : memref<10016xf32, #tpu.memory_space<vmem_shared>>)
      tpu.yield
    }) : () -> ()
    %dma_wait3A_234 = arith.constant 10 : i32
    %dma_wait3A_235 = arith.constant 0 : i32
    %dma_wait3A_236 = tpu.memref_slice %arg7[%dma_wait3A_234, %dma_wait3A_235] : memref<40x128xi32, #tpu.memory_space<vmem>> -> memref<1x128xi32, #tpu.memory_space<vmem>>
    %dma_wait3A_237 = tpu.memref_squeeze %dma_wait3A_236 : memref<1x128xi32, #tpu.memory_space<vmem>> -> memref<128xi32, #tpu.memory_space<vmem>>
    %dma_wait3A_238 = arith.constant 0 : i32
    %dma_wait3A_239 = arith.constant 0 : i32
    %dma_wait3A_240 = tpu.memref_slice %arg4[%dma_wait3A_238, %dma_wait3A_239] : memref<10128x128xf32, #tpu.memory_space<hbm>> -> memref<10128x128xf32, #tpu.memory_space<hbm>>
    tpu.wait_indirect_dma semaphore(%arg16 : memref<!tpu.dma_semaphore, #tpu.memory_space<semaphore_mem>>) src(%dma_wait3A_240 : memref<10128x128xf32, #tpu.memory_space<hbm>>) dst(%arg9 : memref<128x128xf32, #tpu.memory_space<vmem>>)
    %run_scoped3A_241 = arith.constant 10 : i32
    "tpu.region"() ({
      %run_scoped3A_707 = tpu.sem_alloc : memref<!tpu.dma_semaphore, #tpu.memory_space<semaphore_mem>>
      %dma_start3A_708 = arith.constant 0 : i32
      %dma_start3A_709 = tpu.memref_slice %arg8[%run_scoped3A_241, %dma_start3A_708] : memref<40x128xi32, #tpu.memory_space<vmem>> -> memref<1x128xi32, #tpu.memory_space<vmem>>
      %dma_start3A_710 = tpu.memref_squeeze %dma_start3A_709 : memref<1x128xi32, #tpu.memory_space<vmem>> -> memref<128xi32, #tpu.memory_space<vmem>>
      %dma_start3A_711 = arith.constant 0 : i32
      %dma_start3A_712 = arith.constant 0 : i32
      %dma_start3A_713 = tpu.memref_slice %arg14[%dma_start3A_711, %dma_start3A_712] : memref<10008x128xf32, #tpu.memory_space<vmem_shared>> -> memref<10008x128xf32, #tpu.memory_space<vmem_shared>>
      tpu.enqueue_indirect_dma source(%arg9 : memref<128x128xf32, #tpu.memory_space<vmem>>) target(%dma_start3A_713 : memref<10008x128xf32, #tpu.memory_space<vmem_shared>>) offsets(%dma_start3A_710 : memref<128xi32, #tpu.memory_space<vmem>>) semaphore(%run_scoped3A_707 : memref<!tpu.dma_semaphore, #tpu.memory_space<semaphore_mem>>) {add = true}
      %dma_wait3A_714 = arith.constant 0 : i32
      %dma_wait3A_715 = tpu.memref_slice %arg8[%run_scoped3A_241, %dma_wait3A_714] : memref<40x128xi32, #tpu.memory_space<vmem>> -> memref<1x128xi32, #tpu.memory_space<vmem>>
      %dma_wait3A_716 = tpu.memref_squeeze %dma_wait3A_715 : memref<1x128xi32, #tpu.memory_space<vmem>> -> memref<128xi32, #tpu.memory_space<vmem>>
      %dma_wait3A_717 = arith.constant 0 : i32
      %dma_wait3A_718 = arith.constant 0 : i32
      %dma_wait3A_719 = tpu.memref_slice %arg14[%dma_wait3A_717, %dma_wait3A_718] : memref<10008x128xf32, #tpu.memory_space<vmem_shared>> -> memref<10008x128xf32, #tpu.memory_space<vmem_shared>>
      tpu.wait_indirect_dma semaphore(%run_scoped3A_707 : memref<!tpu.dma_semaphore, #tpu.memory_space<semaphore_mem>>) src(%arg9 : memref<128x128xf32, #tpu.memory_space<vmem>>) dst(%dma_wait3A_719 : memref<10008x128xf32, #tpu.memory_space<vmem_shared>>)
      tpu.yield
    }) : () -> ()
    %dma_start3A_242 = arith.constant 12 : i32
    %dma_start3A_243 = arith.constant 0 : i32
    %dma_start3A_244 = tpu.memref_slice %arg7[%dma_start3A_242, %dma_start3A_243] : memref<40x128xi32, #tpu.memory_space<vmem>> -> memref<1x128xi32, #tpu.memory_space<vmem>>
    %dma_start3A_245 = tpu.memref_squeeze %dma_start3A_244 : memref<1x128xi32, #tpu.memory_space<vmem>> -> memref<128xi32, #tpu.memory_space<vmem>>
    %dma_start3A_246 = arith.constant 0 : i32
    %dma_start3A_247 = arith.constant 0 : i32
    %dma_start3A_248 = tpu.memref_slice %arg4[%dma_start3A_246, %dma_start3A_247] : memref<10128x128xf32, #tpu.memory_space<hbm>> -> memref<10128x128xf32, #tpu.memory_space<hbm>>
    tpu.enqueue_indirect_dma source(%dma_start3A_248 : memref<10128x128xf32, #tpu.memory_space<hbm>>) target(%arg9 : memref<128x128xf32, #tpu.memory_space<vmem>>) offsets(%dma_start3A_245 : memref<128xi32, #tpu.memory_space<vmem>>) semaphore(%arg16 : memref<!tpu.dma_semaphore, #tpu.memory_space<semaphore_mem>>)
    %run_scoped3A_249 = arith.constant 11 : i32
    "tpu.region"() ({
      %run_scoped3A_707 = tpu.sem_alloc : memref<!tpu.dma_semaphore, #tpu.memory_space<semaphore_mem>>
      %dma_start3A_708 = arith.constant 0 : i32
      %dma_start3A_709 = tpu.memref_slice %arg8[%run_scoped3A_249, %dma_start3A_708] : memref<40x128xi32, #tpu.memory_space<vmem>> -> memref<1x128xi32, #tpu.memory_space<vmem>>
      %dma_start3A_710 = tpu.memref_squeeze %dma_start3A_709 : memref<1x128xi32, #tpu.memory_space<vmem>> -> memref<128xi32, #tpu.memory_space<vmem>>
      %dma_start3A_711 = arith.constant 0 : i32
      %dma_start3A_712 = tpu.memref_slice %arg15[%dma_start3A_711] : memref<10016xf32, #tpu.memory_space<vmem_shared>> -> memref<10016xf32, #tpu.memory_space<vmem_shared>>
      tpu.enqueue_indirect_dma source(%arg12 : memref<128xf32, #tpu.memory_space<vmem>>) target(%dma_start3A_712 : memref<10016xf32, #tpu.memory_space<vmem_shared>>) offsets(%dma_start3A_710 : memref<128xi32, #tpu.memory_space<vmem>>) semaphore(%run_scoped3A_707 : memref<!tpu.dma_semaphore, #tpu.memory_space<semaphore_mem>>) {add = true}
      %dma_wait3A_713 = arith.constant 0 : i32
      %dma_wait3A_714 = tpu.memref_slice %arg8[%run_scoped3A_249, %dma_wait3A_713] : memref<40x128xi32, #tpu.memory_space<vmem>> -> memref<1x128xi32, #tpu.memory_space<vmem>>
      %dma_wait3A_715 = tpu.memref_squeeze %dma_wait3A_714 : memref<1x128xi32, #tpu.memory_space<vmem>> -> memref<128xi32, #tpu.memory_space<vmem>>
      %dma_wait3A_716 = arith.constant 0 : i32
      %dma_wait3A_717 = tpu.memref_slice %arg15[%dma_wait3A_716] : memref<10016xf32, #tpu.memory_space<vmem_shared>> -> memref<10016xf32, #tpu.memory_space<vmem_shared>>
      tpu.wait_indirect_dma semaphore(%run_scoped3A_707 : memref<!tpu.dma_semaphore, #tpu.memory_space<semaphore_mem>>) src(%arg12 : memref<128xf32, #tpu.memory_space<vmem>>) dst(%dma_wait3A_717 : memref<10016xf32, #tpu.memory_space<vmem_shared>>)
      tpu.yield
    }) : () -> ()
    %dma_wait3A_250 = arith.constant 11 : i32
    %dma_wait3A_251 = arith.constant 0 : i32
    %dma_wait3A_252 = tpu.memref_slice %arg7[%dma_wait3A_250, %dma_wait3A_251] : memref<40x128xi32, #tpu.memory_space<vmem>> -> memref<1x128xi32, #tpu.memory_space<vmem>>
    %dma_wait3A_253 = tpu.memref_squeeze %dma_wait3A_252 : memref<1x128xi32, #tpu.memory_space<vmem>> -> memref<128xi32, #tpu.memory_space<vmem>>
    %dma_wait3A_254 = arith.constant 0 : i32
    %dma_wait3A_255 = arith.constant 0 : i32
    %dma_wait3A_256 = tpu.memref_slice %arg4[%dma_wait3A_254, %dma_wait3A_255] : memref<10128x128xf32, #tpu.memory_space<hbm>> -> memref<10128x128xf32, #tpu.memory_space<hbm>>
    tpu.wait_indirect_dma semaphore(%arg17 : memref<!tpu.dma_semaphore, #tpu.memory_space<semaphore_mem>>) src(%dma_wait3A_256 : memref<10128x128xf32, #tpu.memory_space<hbm>>) dst(%arg10 : memref<128x128xf32, #tpu.memory_space<vmem>>)
    %run_scoped3A_257 = arith.constant 11 : i32
    "tpu.region"() ({
      %run_scoped3A_707 = tpu.sem_alloc : memref<!tpu.dma_semaphore, #tpu.memory_space<semaphore_mem>>
      %dma_start3A_708 = arith.constant 0 : i32
      %dma_start3A_709 = tpu.memref_slice %arg8[%run_scoped3A_257, %dma_start3A_708] : memref<40x128xi32, #tpu.memory_space<vmem>> -> memref<1x128xi32, #tpu.memory_space<vmem>>
      %dma_start3A_710 = tpu.memref_squeeze %dma_start3A_709 : memref<1x128xi32, #tpu.memory_space<vmem>> -> memref<128xi32, #tpu.memory_space<vmem>>
      %dma_start3A_711 = arith.constant 0 : i32
      %dma_start3A_712 = arith.constant 0 : i32
      %dma_start3A_713 = tpu.memref_slice %arg14[%dma_start3A_711, %dma_start3A_712] : memref<10008x128xf32, #tpu.memory_space<vmem_shared>> -> memref<10008x128xf32, #tpu.memory_space<vmem_shared>>
      tpu.enqueue_indirect_dma source(%arg10 : memref<128x128xf32, #tpu.memory_space<vmem>>) target(%dma_start3A_713 : memref<10008x128xf32, #tpu.memory_space<vmem_shared>>) offsets(%dma_start3A_710 : memref<128xi32, #tpu.memory_space<vmem>>) semaphore(%run_scoped3A_707 : memref<!tpu.dma_semaphore, #tpu.memory_space<semaphore_mem>>) {add = true}
      %dma_wait3A_714 = arith.constant 0 : i32
      %dma_wait3A_715 = tpu.memref_slice %arg8[%run_scoped3A_257, %dma_wait3A_714] : memref<40x128xi32, #tpu.memory_space<vmem>> -> memref<1x128xi32, #tpu.memory_space<vmem>>
      %dma_wait3A_716 = tpu.memref_squeeze %dma_wait3A_715 : memref<1x128xi32, #tpu.memory_space<vmem>> -> memref<128xi32, #tpu.memory_space<vmem>>
      %dma_wait3A_717 = arith.constant 0 : i32
      %dma_wait3A_718 = arith.constant 0 : i32
      %dma_wait3A_719 = tpu.memref_slice %arg14[%dma_wait3A_717, %dma_wait3A_718] : memref<10008x128xf32, #tpu.memory_space<vmem_shared>> -> memref<10008x128xf32, #tpu.memory_space<vmem_shared>>
      tpu.wait_indirect_dma semaphore(%run_scoped3A_707 : memref<!tpu.dma_semaphore, #tpu.memory_space<semaphore_mem>>) src(%arg10 : memref<128x128xf32, #tpu.memory_space<vmem>>) dst(%dma_wait3A_719 : memref<10008x128xf32, #tpu.memory_space<vmem_shared>>)
      tpu.yield
    }) : () -> ()
    %dma_start3A_258 = arith.constant 13 : i32
    %dma_start3A_259 = arith.constant 0 : i32
    %dma_start3A_260 = tpu.memref_slice %arg7[%dma_start3A_258, %dma_start3A_259] : memref<40x128xi32, #tpu.memory_space<vmem>> -> memref<1x128xi32, #tpu.memory_space<vmem>>
    %dma_start3A_261 = tpu.memref_squeeze %dma_start3A_260 : memref<1x128xi32, #tpu.memory_space<vmem>> -> memref<128xi32, #tpu.memory_space<vmem>>
    %dma_start3A_262 = arith.constant 0 : i32
    %dma_start3A_263 = arith.constant 0 : i32
    %dma_start3A_264 = tpu.memref_slice %arg4[%dma_start3A_262, %dma_start3A_263] : memref<10128x128xf32, #tpu.memory_space<hbm>> -> memref<10128x128xf32, #tpu.memory_space<hbm>>
    tpu.enqueue_indirect_dma source(%dma_start3A_264 : memref<10128x128xf32, #tpu.memory_space<hbm>>) target(%arg10 : memref<128x128xf32, #tpu.memory_space<vmem>>) offsets(%dma_start3A_261 : memref<128xi32, #tpu.memory_space<vmem>>) semaphore(%arg17 : memref<!tpu.dma_semaphore, #tpu.memory_space<semaphore_mem>>)
    %run_scoped3A_265 = arith.constant 12 : i32
    "tpu.region"() ({
      %run_scoped3A_707 = tpu.sem_alloc : memref<!tpu.dma_semaphore, #tpu.memory_space<semaphore_mem>>
      %dma_start3A_708 = arith.constant 0 : i32
      %dma_start3A_709 = tpu.memref_slice %arg8[%run_scoped3A_265, %dma_start3A_708] : memref<40x128xi32, #tpu.memory_space<vmem>> -> memref<1x128xi32, #tpu.memory_space<vmem>>
      %dma_start3A_710 = tpu.memref_squeeze %dma_start3A_709 : memref<1x128xi32, #tpu.memory_space<vmem>> -> memref<128xi32, #tpu.memory_space<vmem>>
      %dma_start3A_711 = arith.constant 0 : i32
      %dma_start3A_712 = tpu.memref_slice %arg15[%dma_start3A_711] : memref<10016xf32, #tpu.memory_space<vmem_shared>> -> memref<10016xf32, #tpu.memory_space<vmem_shared>>
      tpu.enqueue_indirect_dma source(%arg12 : memref<128xf32, #tpu.memory_space<vmem>>) target(%dma_start3A_712 : memref<10016xf32, #tpu.memory_space<vmem_shared>>) offsets(%dma_start3A_710 : memref<128xi32, #tpu.memory_space<vmem>>) semaphore(%run_scoped3A_707 : memref<!tpu.dma_semaphore, #tpu.memory_space<semaphore_mem>>) {add = true}
      %dma_wait3A_713 = arith.constant 0 : i32
      %dma_wait3A_714 = tpu.memref_slice %arg8[%run_scoped3A_265, %dma_wait3A_713] : memref<40x128xi32, #tpu.memory_space<vmem>> -> memref<1x128xi32, #tpu.memory_space<vmem>>
      %dma_wait3A_715 = tpu.memref_squeeze %dma_wait3A_714 : memref<1x128xi32, #tpu.memory_space<vmem>> -> memref<128xi32, #tpu.memory_space<vmem>>
      %dma_wait3A_716 = arith.constant 0 : i32
      %dma_wait3A_717 = tpu.memref_slice %arg15[%dma_wait3A_716] : memref<10016xf32, #tpu.memory_space<vmem_shared>> -> memref<10016xf32, #tpu.memory_space<vmem_shared>>
      tpu.wait_indirect_dma semaphore(%run_scoped3A_707 : memref<!tpu.dma_semaphore, #tpu.memory_space<semaphore_mem>>) src(%arg12 : memref<128xf32, #tpu.memory_space<vmem>>) dst(%dma_wait3A_717 : memref<10016xf32, #tpu.memory_space<vmem_shared>>)
      tpu.yield
    }) : () -> ()
    %dma_wait3A_266 = arith.constant 12 : i32
    %dma_wait3A_267 = arith.constant 0 : i32
    %dma_wait3A_268 = tpu.memref_slice %arg7[%dma_wait3A_266, %dma_wait3A_267] : memref<40x128xi32, #tpu.memory_space<vmem>> -> memref<1x128xi32, #tpu.memory_space<vmem>>
    %dma_wait3A_269 = tpu.memref_squeeze %dma_wait3A_268 : memref<1x128xi32, #tpu.memory_space<vmem>> -> memref<128xi32, #tpu.memory_space<vmem>>
    %dma_wait3A_270 = arith.constant 0 : i32
    %dma_wait3A_271 = arith.constant 0 : i32
    %dma_wait3A_272 = tpu.memref_slice %arg4[%dma_wait3A_270, %dma_wait3A_271] : memref<10128x128xf32, #tpu.memory_space<hbm>> -> memref<10128x128xf32, #tpu.memory_space<hbm>>
    tpu.wait_indirect_dma semaphore(%arg16 : memref<!tpu.dma_semaphore, #tpu.memory_space<semaphore_mem>>) src(%dma_wait3A_272 : memref<10128x128xf32, #tpu.memory_space<hbm>>) dst(%arg9 : memref<128x128xf32, #tpu.memory_space<vmem>>)
    %run_scoped3A_273 = arith.constant 12 : i32
    "tpu.region"() ({
      %run_scoped3A_707 = tpu.sem_alloc : memref<!tpu.dma_semaphore, #tpu.memory_space<semaphore_mem>>
      %dma_start3A_708 = arith.constant 0 : i32
      %dma_start3A_709 = tpu.memref_slice %arg8[%run_scoped3A_273, %dma_start3A_708] : memref<40x128xi32, #tpu.memory_space<vmem>> -> memref<1x128xi32, #tpu.memory_space<vmem>>
      %dma_start3A_710 = tpu.memref_squeeze %dma_start3A_709 : memref<1x128xi32, #tpu.memory_space<vmem>> -> memref<128xi32, #tpu.memory_space<vmem>>
      %dma_start3A_711 = arith.constant 0 : i32
      %dma_start3A_712 = arith.constant 0 : i32
      %dma_start3A_713 = tpu.memref_slice %arg14[%dma_start3A_711, %dma_start3A_712] : memref<10008x128xf32, #tpu.memory_space<vmem_shared>> -> memref<10008x128xf32, #tpu.memory_space<vmem_shared>>
      tpu.enqueue_indirect_dma source(%arg9 : memref<128x128xf32, #tpu.memory_space<vmem>>) target(%dma_start3A_713 : memref<10008x128xf32, #tpu.memory_space<vmem_shared>>) offsets(%dma_start3A_710 : memref<128xi32, #tpu.memory_space<vmem>>) semaphore(%run_scoped3A_707 : memref<!tpu.dma_semaphore, #tpu.memory_space<semaphore_mem>>) {add = true}
      %dma_wait3A_714 = arith.constant 0 : i32
      %dma_wait3A_715 = tpu.memref_slice %arg8[%run_scoped3A_273, %dma_wait3A_714] : memref<40x128xi32, #tpu.memory_space<vmem>> -> memref<1x128xi32, #tpu.memory_space<vmem>>
      %dma_wait3A_716 = tpu.memref_squeeze %dma_wait3A_715 : memref<1x128xi32, #tpu.memory_space<vmem>> -> memref<128xi32, #tpu.memory_space<vmem>>
      %dma_wait3A_717 = arith.constant 0 : i32
      %dma_wait3A_718 = arith.constant 0 : i32
      %dma_wait3A_719 = tpu.memref_slice %arg14[%dma_wait3A_717, %dma_wait3A_718] : memref<10008x128xf32, #tpu.memory_space<vmem_shared>> -> memref<10008x128xf32, #tpu.memory_space<vmem_shared>>
      tpu.wait_indirect_dma semaphore(%run_scoped3A_707 : memref<!tpu.dma_semaphore, #tpu.memory_space<semaphore_mem>>) src(%arg9 : memref<128x128xf32, #tpu.memory_space<vmem>>) dst(%dma_wait3A_719 : memref<10008x128xf32, #tpu.memory_space<vmem_shared>>)
      tpu.yield
    }) : () -> ()
    %dma_start3A_274 = arith.constant 14 : i32
    %dma_start3A_275 = arith.constant 0 : i32
    %dma_start3A_276 = tpu.memref_slice %arg7[%dma_start3A_274, %dma_start3A_275] : memref<40x128xi32, #tpu.memory_space<vmem>> -> memref<1x128xi32, #tpu.memory_space<vmem>>
    %dma_start3A_277 = tpu.memref_squeeze %dma_start3A_276 : memref<1x128xi32, #tpu.memory_space<vmem>> -> memref<128xi32, #tpu.memory_space<vmem>>
    %dma_start3A_278 = arith.constant 0 : i32
    %dma_start3A_279 = arith.constant 0 : i32
    %dma_start3A_280 = tpu.memref_slice %arg4[%dma_start3A_278, %dma_start3A_279] : memref<10128x128xf32, #tpu.memory_space<hbm>> -> memref<10128x128xf32, #tpu.memory_space<hbm>>
    tpu.enqueue_indirect_dma source(%dma_start3A_280 : memref<10128x128xf32, #tpu.memory_space<hbm>>) target(%arg9 : memref<128x128xf32, #tpu.memory_space<vmem>>) offsets(%dma_start3A_277 : memref<128xi32, #tpu.memory_space<vmem>>) semaphore(%arg16 : memref<!tpu.dma_semaphore, #tpu.memory_space<semaphore_mem>>)
    %run_scoped3A_281 = arith.constant 13 : i32
    "tpu.region"() ({
      %run_scoped3A_707 = tpu.sem_alloc : memref<!tpu.dma_semaphore, #tpu.memory_space<semaphore_mem>>
      %dma_start3A_708 = arith.constant 0 : i32
      %dma_start3A_709 = tpu.memref_slice %arg8[%run_scoped3A_281, %dma_start3A_708] : memref<40x128xi32, #tpu.memory_space<vmem>> -> memref<1x128xi32, #tpu.memory_space<vmem>>
      %dma_start3A_710 = tpu.memref_squeeze %dma_start3A_709 : memref<1x128xi32, #tpu.memory_space<vmem>> -> memref<128xi32, #tpu.memory_space<vmem>>
      %dma_start3A_711 = arith.constant 0 : i32
      %dma_start3A_712 = tpu.memref_slice %arg15[%dma_start3A_711] : memref<10016xf32, #tpu.memory_space<vmem_shared>> -> memref<10016xf32, #tpu.memory_space<vmem_shared>>
      tpu.enqueue_indirect_dma source(%arg12 : memref<128xf32, #tpu.memory_space<vmem>>) target(%dma_start3A_712 : memref<10016xf32, #tpu.memory_space<vmem_shared>>) offsets(%dma_start3A_710 : memref<128xi32, #tpu.memory_space<vmem>>) semaphore(%run_scoped3A_707 : memref<!tpu.dma_semaphore, #tpu.memory_space<semaphore_mem>>) {add = true}
      %dma_wait3A_713 = arith.constant 0 : i32
      %dma_wait3A_714 = tpu.memref_slice %arg8[%run_scoped3A_281, %dma_wait3A_713] : memref<40x128xi32, #tpu.memory_space<vmem>> -> memref<1x128xi32, #tpu.memory_space<vmem>>
      %dma_wait3A_715 = tpu.memref_squeeze %dma_wait3A_714 : memref<1x128xi32, #tpu.memory_space<vmem>> -> memref<128xi32, #tpu.memory_space<vmem>>
      %dma_wait3A_716 = arith.constant 0 : i32
      %dma_wait3A_717 = tpu.memref_slice %arg15[%dma_wait3A_716] : memref<10016xf32, #tpu.memory_space<vmem_shared>> -> memref<10016xf32, #tpu.memory_space<vmem_shared>>
      tpu.wait_indirect_dma semaphore(%run_scoped3A_707 : memref<!tpu.dma_semaphore, #tpu.memory_space<semaphore_mem>>) src(%arg12 : memref<128xf32, #tpu.memory_space<vmem>>) dst(%dma_wait3A_717 : memref<10016xf32, #tpu.memory_space<vmem_shared>>)
      tpu.yield
    }) : () -> ()
    %dma_wait3A_282 = arith.constant 13 : i32
    %dma_wait3A_283 = arith.constant 0 : i32
    %dma_wait3A_284 = tpu.memref_slice %arg7[%dma_wait3A_282, %dma_wait3A_283] : memref<40x128xi32, #tpu.memory_space<vmem>> -> memref<1x128xi32, #tpu.memory_space<vmem>>
    %dma_wait3A_285 = tpu.memref_squeeze %dma_wait3A_284 : memref<1x128xi32, #tpu.memory_space<vmem>> -> memref<128xi32, #tpu.memory_space<vmem>>
    %dma_wait3A_286 = arith.constant 0 : i32
    %dma_wait3A_287 = arith.constant 0 : i32
    %dma_wait3A_288 = tpu.memref_slice %arg4[%dma_wait3A_286, %dma_wait3A_287] : memref<10128x128xf32, #tpu.memory_space<hbm>> -> memref<10128x128xf32, #tpu.memory_space<hbm>>
    tpu.wait_indirect_dma semaphore(%arg17 : memref<!tpu.dma_semaphore, #tpu.memory_space<semaphore_mem>>) src(%dma_wait3A_288 : memref<10128x128xf32, #tpu.memory_space<hbm>>) dst(%arg10 : memref<128x128xf32, #tpu.memory_space<vmem>>)
    %run_scoped3A_289 = arith.constant 13 : i32
    "tpu.region"() ({
      %run_scoped3A_707 = tpu.sem_alloc : memref<!tpu.dma_semaphore, #tpu.memory_space<semaphore_mem>>
      %dma_start3A_708 = arith.constant 0 : i32
      %dma_start3A_709 = tpu.memref_slice %arg8[%run_scoped3A_289, %dma_start3A_708] : memref<40x128xi32, #tpu.memory_space<vmem>> -> memref<1x128xi32, #tpu.memory_space<vmem>>
      %dma_start3A_710 = tpu.memref_squeeze %dma_start3A_709 : memref<1x128xi32, #tpu.memory_space<vmem>> -> memref<128xi32, #tpu.memory_space<vmem>>
      %dma_start3A_711 = arith.constant 0 : i32
      %dma_start3A_712 = arith.constant 0 : i32
      %dma_start3A_713 = tpu.memref_slice %arg14[%dma_start3A_711, %dma_start3A_712] : memref<10008x128xf32, #tpu.memory_space<vmem_shared>> -> memref<10008x128xf32, #tpu.memory_space<vmem_shared>>
      tpu.enqueue_indirect_dma source(%arg10 : memref<128x128xf32, #tpu.memory_space<vmem>>) target(%dma_start3A_713 : memref<10008x128xf32, #tpu.memory_space<vmem_shared>>) offsets(%dma_start3A_710 : memref<128xi32, #tpu.memory_space<vmem>>) semaphore(%run_scoped3A_707 : memref<!tpu.dma_semaphore, #tpu.memory_space<semaphore_mem>>) {add = true}
      %dma_wait3A_714 = arith.constant 0 : i32
      %dma_wait3A_715 = tpu.memref_slice %arg8[%run_scoped3A_289, %dma_wait3A_714] : memref<40x128xi32, #tpu.memory_space<vmem>> -> memref<1x128xi32, #tpu.memory_space<vmem>>
      %dma_wait3A_716 = tpu.memref_squeeze %dma_wait3A_715 : memref<1x128xi32, #tpu.memory_space<vmem>> -> memref<128xi32, #tpu.memory_space<vmem>>
      %dma_wait3A_717 = arith.constant 0 : i32
      %dma_wait3A_718 = arith.constant 0 : i32
      %dma_wait3A_719 = tpu.memref_slice %arg14[%dma_wait3A_717, %dma_wait3A_718] : memref<10008x128xf32, #tpu.memory_space<vmem_shared>> -> memref<10008x128xf32, #tpu.memory_space<vmem_shared>>
      tpu.wait_indirect_dma semaphore(%run_scoped3A_707 : memref<!tpu.dma_semaphore, #tpu.memory_space<semaphore_mem>>) src(%arg10 : memref<128x128xf32, #tpu.memory_space<vmem>>) dst(%dma_wait3A_719 : memref<10008x128xf32, #tpu.memory_space<vmem_shared>>)
      tpu.yield
    }) : () -> ()
    %dma_start3A_290 = arith.constant 15 : i32
    %dma_start3A_291 = arith.constant 0 : i32
    %dma_start3A_292 = tpu.memref_slice %arg7[%dma_start3A_290, %dma_start3A_291] : memref<40x128xi32, #tpu.memory_space<vmem>> -> memref<1x128xi32, #tpu.memory_space<vmem>>
    %dma_start3A_293 = tpu.memref_squeeze %dma_start3A_292 : memref<1x128xi32, #tpu.memory_space<vmem>> -> memref<128xi32, #tpu.memory_space<vmem>>
    %dma_start3A_294 = arith.constant 0 : i32
    %dma_start3A_295 = arith.constant 0 : i32
    %dma_start3A_296 = tpu.memref_slice %arg4[%dma_start3A_294, %dma_start3A_295] : memref<10128x128xf32, #tpu.memory_space<hbm>> -> memref<10128x128xf32, #tpu.memory_space<hbm>>
    tpu.enqueue_indirect_dma source(%dma_start3A_296 : memref<10128x128xf32, #tpu.memory_space<hbm>>) target(%arg10 : memref<128x128xf32, #tpu.memory_space<vmem>>) offsets(%dma_start3A_293 : memref<128xi32, #tpu.memory_space<vmem>>) semaphore(%arg17 : memref<!tpu.dma_semaphore, #tpu.memory_space<semaphore_mem>>)
    %run_scoped3A_297 = arith.constant 14 : i32
    "tpu.region"() ({
      %run_scoped3A_707 = tpu.sem_alloc : memref<!tpu.dma_semaphore, #tpu.memory_space<semaphore_mem>>
      %dma_start3A_708 = arith.constant 0 : i32
      %dma_start3A_709 = tpu.memref_slice %arg8[%run_scoped3A_297, %dma_start3A_708] : memref<40x128xi32, #tpu.memory_space<vmem>> -> memref<1x128xi32, #tpu.memory_space<vmem>>
      %dma_start3A_710 = tpu.memref_squeeze %dma_start3A_709 : memref<1x128xi32, #tpu.memory_space<vmem>> -> memref<128xi32, #tpu.memory_space<vmem>>
      %dma_start3A_711 = arith.constant 0 : i32
      %dma_start3A_712 = tpu.memref_slice %arg15[%dma_start3A_711] : memref<10016xf32, #tpu.memory_space<vmem_shared>> -> memref<10016xf32, #tpu.memory_space<vmem_shared>>
      tpu.enqueue_indirect_dma source(%arg12 : memref<128xf32, #tpu.memory_space<vmem>>) target(%dma_start3A_712 : memref<10016xf32, #tpu.memory_space<vmem_shared>>) offsets(%dma_start3A_710 : memref<128xi32, #tpu.memory_space<vmem>>) semaphore(%run_scoped3A_707 : memref<!tpu.dma_semaphore, #tpu.memory_space<semaphore_mem>>) {add = true}
      %dma_wait3A_713 = arith.constant 0 : i32
      %dma_wait3A_714 = tpu.memref_slice %arg8[%run_scoped3A_297, %dma_wait3A_713] : memref<40x128xi32, #tpu.memory_space<vmem>> -> memref<1x128xi32, #tpu.memory_space<vmem>>
      %dma_wait3A_715 = tpu.memref_squeeze %dma_wait3A_714 : memref<1x128xi32, #tpu.memory_space<vmem>> -> memref<128xi32, #tpu.memory_space<vmem>>
      %dma_wait3A_716 = arith.constant 0 : i32
      %dma_wait3A_717 = tpu.memref_slice %arg15[%dma_wait3A_716] : memref<10016xf32, #tpu.memory_space<vmem_shared>> -> memref<10016xf32, #tpu.memory_space<vmem_shared>>
      tpu.wait_indirect_dma semaphore(%run_scoped3A_707 : memref<!tpu.dma_semaphore, #tpu.memory_space<semaphore_mem>>) src(%arg12 : memref<128xf32, #tpu.memory_space<vmem>>) dst(%dma_wait3A_717 : memref<10016xf32, #tpu.memory_space<vmem_shared>>)
      tpu.yield
    }) : () -> ()
    %dma_wait3A_298 = arith.constant 14 : i32
    %dma_wait3A_299 = arith.constant 0 : i32
    %dma_wait3A_300 = tpu.memref_slice %arg7[%dma_wait3A_298, %dma_wait3A_299] : memref<40x128xi32, #tpu.memory_space<vmem>> -> memref<1x128xi32, #tpu.memory_space<vmem>>
    %dma_wait3A_301 = tpu.memref_squeeze %dma_wait3A_300 : memref<1x128xi32, #tpu.memory_space<vmem>> -> memref<128xi32, #tpu.memory_space<vmem>>
    %dma_wait3A_302 = arith.constant 0 : i32
    %dma_wait3A_303 = arith.constant 0 : i32
    %dma_wait3A_304 = tpu.memref_slice %arg4[%dma_wait3A_302, %dma_wait3A_303] : memref<10128x128xf32, #tpu.memory_space<hbm>> -> memref<10128x128xf32, #tpu.memory_space<hbm>>
    tpu.wait_indirect_dma semaphore(%arg16 : memref<!tpu.dma_semaphore, #tpu.memory_space<semaphore_mem>>) src(%dma_wait3A_304 : memref<10128x128xf32, #tpu.memory_space<hbm>>) dst(%arg9 : memref<128x128xf32, #tpu.memory_space<vmem>>)
    %run_scoped3A_305 = arith.constant 14 : i32
    "tpu.region"() ({
      %run_scoped3A_707 = tpu.sem_alloc : memref<!tpu.dma_semaphore, #tpu.memory_space<semaphore_mem>>
      %dma_start3A_708 = arith.constant 0 : i32
      %dma_start3A_709 = tpu.memref_slice %arg8[%run_scoped3A_305, %dma_start3A_708] : memref<40x128xi32, #tpu.memory_space<vmem>> -> memref<1x128xi32, #tpu.memory_space<vmem>>
      %dma_start3A_710 = tpu.memref_squeeze %dma_start3A_709 : memref<1x128xi32, #tpu.memory_space<vmem>> -> memref<128xi32, #tpu.memory_space<vmem>>
      %dma_start3A_711 = arith.constant 0 : i32
      %dma_start3A_712 = arith.constant 0 : i32
      %dma_start3A_713 = tpu.memref_slice %arg14[%dma_start3A_711, %dma_start3A_712] : memref<10008x128xf32, #tpu.memory_space<vmem_shared>> -> memref<10008x128xf32, #tpu.memory_space<vmem_shared>>
      tpu.enqueue_indirect_dma source(%arg9 : memref<128x128xf32, #tpu.memory_space<vmem>>) target(%dma_start3A_713 : memref<10008x128xf32, #tpu.memory_space<vmem_shared>>) offsets(%dma_start3A_710 : memref<128xi32, #tpu.memory_space<vmem>>) semaphore(%run_scoped3A_707 : memref<!tpu.dma_semaphore, #tpu.memory_space<semaphore_mem>>) {add = true}
      %dma_wait3A_714 = arith.constant 0 : i32
      %dma_wait3A_715 = tpu.memref_slice %arg8[%run_scoped3A_305, %dma_wait3A_714] : memref<40x128xi32, #tpu.memory_space<vmem>> -> memref<1x128xi32, #tpu.memory_space<vmem>>
      %dma_wait3A_716 = tpu.memref_squeeze %dma_wait3A_715 : memref<1x128xi32, #tpu.memory_space<vmem>> -> memref<128xi32, #tpu.memory_space<vmem>>
      %dma_wait3A_717 = arith.constant 0 : i32
      %dma_wait3A_718 = arith.constant 0 : i32
      %dma_wait3A_719 = tpu.memref_slice %arg14[%dma_wait3A_717, %dma_wait3A_718] : memref<10008x128xf32, #tpu.memory_space<vmem_shared>> -> memref<10008x128xf32, #tpu.memory_space<vmem_shared>>
      tpu.wait_indirect_dma semaphore(%run_scoped3A_707 : memref<!tpu.dma_semaphore, #tpu.memory_space<semaphore_mem>>) src(%arg9 : memref<128x128xf32, #tpu.memory_space<vmem>>) dst(%dma_wait3A_719 : memref<10008x128xf32, #tpu.memory_space<vmem_shared>>)
      tpu.yield
    }) : () -> ()
    %dma_start3A_306 = arith.constant 16 : i32
    %dma_start3A_307 = arith.constant 0 : i32
    %dma_start3A_308 = tpu.memref_slice %arg7[%dma_start3A_306, %dma_start3A_307] : memref<40x128xi32, #tpu.memory_space<vmem>> -> memref<1x128xi32, #tpu.memory_space<vmem>>
    %dma_start3A_309 = tpu.memref_squeeze %dma_start3A_308 : memref<1x128xi32, #tpu.memory_space<vmem>> -> memref<128xi32, #tpu.memory_space<vmem>>
    %dma_start3A_310 = arith.constant 0 : i32
    %dma_start3A_311 = arith.constant 0 : i32
    %dma_start3A_312 = tpu.memref_slice %arg4[%dma_start3A_310, %dma_start3A_311] : memref<10128x128xf32, #tpu.memory_space<hbm>> -> memref<10128x128xf32, #tpu.memory_space<hbm>>
    tpu.enqueue_indirect_dma source(%dma_start3A_312 : memref<10128x128xf32, #tpu.memory_space<hbm>>) target(%arg9 : memref<128x128xf32, #tpu.memory_space<vmem>>) offsets(%dma_start3A_309 : memref<128xi32, #tpu.memory_space<vmem>>) semaphore(%arg16 : memref<!tpu.dma_semaphore, #tpu.memory_space<semaphore_mem>>)
    %run_scoped3A_313 = arith.constant 15 : i32
    "tpu.region"() ({
      %run_scoped3A_707 = tpu.sem_alloc : memref<!tpu.dma_semaphore, #tpu.memory_space<semaphore_mem>>
      %dma_start3A_708 = arith.constant 0 : i32
      %dma_start3A_709 = tpu.memref_slice %arg8[%run_scoped3A_313, %dma_start3A_708] : memref<40x128xi32, #tpu.memory_space<vmem>> -> memref<1x128xi32, #tpu.memory_space<vmem>>
      %dma_start3A_710 = tpu.memref_squeeze %dma_start3A_709 : memref<1x128xi32, #tpu.memory_space<vmem>> -> memref<128xi32, #tpu.memory_space<vmem>>
      %dma_start3A_711 = arith.constant 0 : i32
      %dma_start3A_712 = tpu.memref_slice %arg15[%dma_start3A_711] : memref<10016xf32, #tpu.memory_space<vmem_shared>> -> memref<10016xf32, #tpu.memory_space<vmem_shared>>
      tpu.enqueue_indirect_dma source(%arg12 : memref<128xf32, #tpu.memory_space<vmem>>) target(%dma_start3A_712 : memref<10016xf32, #tpu.memory_space<vmem_shared>>) offsets(%dma_start3A_710 : memref<128xi32, #tpu.memory_space<vmem>>) semaphore(%run_scoped3A_707 : memref<!tpu.dma_semaphore, #tpu.memory_space<semaphore_mem>>) {add = true}
      %dma_wait3A_713 = arith.constant 0 : i32
      %dma_wait3A_714 = tpu.memref_slice %arg8[%run_scoped3A_313, %dma_wait3A_713] : memref<40x128xi32, #tpu.memory_space<vmem>> -> memref<1x128xi32, #tpu.memory_space<vmem>>
      %dma_wait3A_715 = tpu.memref_squeeze %dma_wait3A_714 : memref<1x128xi32, #tpu.memory_space<vmem>> -> memref<128xi32, #tpu.memory_space<vmem>>
      %dma_wait3A_716 = arith.constant 0 : i32
      %dma_wait3A_717 = tpu.memref_slice %arg15[%dma_wait3A_716] : memref<10016xf32, #tpu.memory_space<vmem_shared>> -> memref<10016xf32, #tpu.memory_space<vmem_shared>>
      tpu.wait_indirect_dma semaphore(%run_scoped3A_707 : memref<!tpu.dma_semaphore, #tpu.memory_space<semaphore_mem>>) src(%arg12 : memref<128xf32, #tpu.memory_space<vmem>>) dst(%dma_wait3A_717 : memref<10016xf32, #tpu.memory_space<vmem_shared>>)
      tpu.yield
    }) : () -> ()
    %dma_wait3A_314 = arith.constant 15 : i32
    %dma_wait3A_315 = arith.constant 0 : i32
    %dma_wait3A_316 = tpu.memref_slice %arg7[%dma_wait3A_314, %dma_wait3A_315] : memref<40x128xi32, #tpu.memory_space<vmem>> -> memref<1x128xi32, #tpu.memory_space<vmem>>
    %dma_wait3A_317 = tpu.memref_squeeze %dma_wait3A_316 : memref<1x128xi32, #tpu.memory_space<vmem>> -> memref<128xi32, #tpu.memory_space<vmem>>
    %dma_wait3A_318 = arith.constant 0 : i32
    %dma_wait3A_319 = arith.constant 0 : i32
    %dma_wait3A_320 = tpu.memref_slice %arg4[%dma_wait3A_318, %dma_wait3A_319] : memref<10128x128xf32, #tpu.memory_space<hbm>> -> memref<10128x128xf32, #tpu.memory_space<hbm>>
    tpu.wait_indirect_dma semaphore(%arg17 : memref<!tpu.dma_semaphore, #tpu.memory_space<semaphore_mem>>) src(%dma_wait3A_320 : memref<10128x128xf32, #tpu.memory_space<hbm>>) dst(%arg10 : memref<128x128xf32, #tpu.memory_space<vmem>>)
    %run_scoped3A_321 = arith.constant 15 : i32
    "tpu.region"() ({
      %run_scoped3A_707 = tpu.sem_alloc : memref<!tpu.dma_semaphore, #tpu.memory_space<semaphore_mem>>
      %dma_start3A_708 = arith.constant 0 : i32
      %dma_start3A_709 = tpu.memref_slice %arg8[%run_scoped3A_321, %dma_start3A_708] : memref<40x128xi32, #tpu.memory_space<vmem>> -> memref<1x128xi32, #tpu.memory_space<vmem>>
      %dma_start3A_710 = tpu.memref_squeeze %dma_start3A_709 : memref<1x128xi32, #tpu.memory_space<vmem>> -> memref<128xi32, #tpu.memory_space<vmem>>
      %dma_start3A_711 = arith.constant 0 : i32
      %dma_start3A_712 = arith.constant 0 : i32
      %dma_start3A_713 = tpu.memref_slice %arg14[%dma_start3A_711, %dma_start3A_712] : memref<10008x128xf32, #tpu.memory_space<vmem_shared>> -> memref<10008x128xf32, #tpu.memory_space<vmem_shared>>
      tpu.enqueue_indirect_dma source(%arg10 : memref<128x128xf32, #tpu.memory_space<vmem>>) target(%dma_start3A_713 : memref<10008x128xf32, #tpu.memory_space<vmem_shared>>) offsets(%dma_start3A_710 : memref<128xi32, #tpu.memory_space<vmem>>) semaphore(%run_scoped3A_707 : memref<!tpu.dma_semaphore, #tpu.memory_space<semaphore_mem>>) {add = true}
      %dma_wait3A_714 = arith.constant 0 : i32
      %dma_wait3A_715 = tpu.memref_slice %arg8[%run_scoped3A_321, %dma_wait3A_714] : memref<40x128xi32, #tpu.memory_space<vmem>> -> memref<1x128xi32, #tpu.memory_space<vmem>>
      %dma_wait3A_716 = tpu.memref_squeeze %dma_wait3A_715 : memref<1x128xi32, #tpu.memory_space<vmem>> -> memref<128xi32, #tpu.memory_space<vmem>>
      %dma_wait3A_717 = arith.constant 0 : i32
      %dma_wait3A_718 = arith.constant 0 : i32
      %dma_wait3A_719 = tpu.memref_slice %arg14[%dma_wait3A_717, %dma_wait3A_718] : memref<10008x128xf32, #tpu.memory_space<vmem_shared>> -> memref<10008x128xf32, #tpu.memory_space<vmem_shared>>
      tpu.wait_indirect_dma semaphore(%run_scoped3A_707 : memref<!tpu.dma_semaphore, #tpu.memory_space<semaphore_mem>>) src(%arg10 : memref<128x128xf32, #tpu.memory_space<vmem>>) dst(%dma_wait3A_719 : memref<10008x128xf32, #tpu.memory_space<vmem_shared>>)
      tpu.yield
    }) : () -> ()
    %dma_start3A_322 = arith.constant 17 : i32
    %dma_start3A_323 = arith.constant 0 : i32
    %dma_start3A_324 = tpu.memref_slice %arg7[%dma_start3A_322, %dma_start3A_323] : memref<40x128xi32, #tpu.memory_space<vmem>> -> memref<1x128xi32, #tpu.memory_space<vmem>>
    %dma_start3A_325 = tpu.memref_squeeze %dma_start3A_324 : memref<1x128xi32, #tpu.memory_space<vmem>> -> memref<128xi32, #tpu.memory_space<vmem>>
    %dma_start3A_326 = arith.constant 0 : i32
    %dma_start3A_327 = arith.constant 0 : i32
    %dma_start3A_328 = tpu.memref_slice %arg4[%dma_start3A_326, %dma_start3A_327] : memref<10128x128xf32, #tpu.memory_space<hbm>> -> memref<10128x128xf32, #tpu.memory_space<hbm>>
    tpu.enqueue_indirect_dma source(%dma_start3A_328 : memref<10128x128xf32, #tpu.memory_space<hbm>>) target(%arg10 : memref<128x128xf32, #tpu.memory_space<vmem>>) offsets(%dma_start3A_325 : memref<128xi32, #tpu.memory_space<vmem>>) semaphore(%arg17 : memref<!tpu.dma_semaphore, #tpu.memory_space<semaphore_mem>>)
    %run_scoped3A_329 = arith.constant 16 : i32
    "tpu.region"() ({
      %run_scoped3A_707 = tpu.sem_alloc : memref<!tpu.dma_semaphore, #tpu.memory_space<semaphore_mem>>
      %dma_start3A_708 = arith.constant 0 : i32
      %dma_start3A_709 = tpu.memref_slice %arg8[%run_scoped3A_329, %dma_start3A_708] : memref<40x128xi32, #tpu.memory_space<vmem>> -> memref<1x128xi32, #tpu.memory_space<vmem>>
      %dma_start3A_710 = tpu.memref_squeeze %dma_start3A_709 : memref<1x128xi32, #tpu.memory_space<vmem>> -> memref<128xi32, #tpu.memory_space<vmem>>
      %dma_start3A_711 = arith.constant 0 : i32
      %dma_start3A_712 = tpu.memref_slice %arg15[%dma_start3A_711] : memref<10016xf32, #tpu.memory_space<vmem_shared>> -> memref<10016xf32, #tpu.memory_space<vmem_shared>>
      tpu.enqueue_indirect_dma source(%arg12 : memref<128xf32, #tpu.memory_space<vmem>>) target(%dma_start3A_712 : memref<10016xf32, #tpu.memory_space<vmem_shared>>) offsets(%dma_start3A_710 : memref<128xi32, #tpu.memory_space<vmem>>) semaphore(%run_scoped3A_707 : memref<!tpu.dma_semaphore, #tpu.memory_space<semaphore_mem>>) {add = true}
      %dma_wait3A_713 = arith.constant 0 : i32
      %dma_wait3A_714 = tpu.memref_slice %arg8[%run_scoped3A_329, %dma_wait3A_713] : memref<40x128xi32, #tpu.memory_space<vmem>> -> memref<1x128xi32, #tpu.memory_space<vmem>>
      %dma_wait3A_715 = tpu.memref_squeeze %dma_wait3A_714 : memref<1x128xi32, #tpu.memory_space<vmem>> -> memref<128xi32, #tpu.memory_space<vmem>>
      %dma_wait3A_716 = arith.constant 0 : i32
      %dma_wait3A_717 = tpu.memref_slice %arg15[%dma_wait3A_716] : memref<10016xf32, #tpu.memory_space<vmem_shared>> -> memref<10016xf32, #tpu.memory_space<vmem_shared>>
      tpu.wait_indirect_dma semaphore(%run_scoped3A_707 : memref<!tpu.dma_semaphore, #tpu.memory_space<semaphore_mem>>) src(%arg12 : memref<128xf32, #tpu.memory_space<vmem>>) dst(%dma_wait3A_717 : memref<10016xf32, #tpu.memory_space<vmem_shared>>)
      tpu.yield
    }) : () -> ()
    %dma_wait3A_330 = arith.constant 16 : i32
    %dma_wait3A_331 = arith.constant 0 : i32
    %dma_wait3A_332 = tpu.memref_slice %arg7[%dma_wait3A_330, %dma_wait3A_331] : memref<40x128xi32, #tpu.memory_space<vmem>> -> memref<1x128xi32, #tpu.memory_space<vmem>>
    %dma_wait3A_333 = tpu.memref_squeeze %dma_wait3A_332 : memref<1x128xi32, #tpu.memory_space<vmem>> -> memref<128xi32, #tpu.memory_space<vmem>>
    %dma_wait3A_334 = arith.constant 0 : i32
    %dma_wait3A_335 = arith.constant 0 : i32
    %dma_wait3A_336 = tpu.memref_slice %arg4[%dma_wait3A_334, %dma_wait3A_335] : memref<10128x128xf32, #tpu.memory_space<hbm>> -> memref<10128x128xf32, #tpu.memory_space<hbm>>
    tpu.wait_indirect_dma semaphore(%arg16 : memref<!tpu.dma_semaphore, #tpu.memory_space<semaphore_mem>>) src(%dma_wait3A_336 : memref<10128x128xf32, #tpu.memory_space<hbm>>) dst(%arg9 : memref<128x128xf32, #tpu.memory_space<vmem>>)
    %run_scoped3A_337 = arith.constant 16 : i32
    "tpu.region"() ({
      %run_scoped3A_707 = tpu.sem_alloc : memref<!tpu.dma_semaphore, #tpu.memory_space<semaphore_mem>>
      %dma_start3A_708 = arith.constant 0 : i32
      %dma_start3A_709 = tpu.memref_slice %arg8[%run_scoped3A_337, %dma_start3A_708] : memref<40x128xi32, #tpu.memory_space<vmem>> -> memref<1x128xi32, #tpu.memory_space<vmem>>
      %dma_start3A_710 = tpu.memref_squeeze %dma_start3A_709 : memref<1x128xi32, #tpu.memory_space<vmem>> -> memref<128xi32, #tpu.memory_space<vmem>>
      %dma_start3A_711 = arith.constant 0 : i32
      %dma_start3A_712 = arith.constant 0 : i32
      %dma_start3A_713 = tpu.memref_slice %arg14[%dma_start3A_711, %dma_start3A_712] : memref<10008x128xf32, #tpu.memory_space<vmem_shared>> -> memref<10008x128xf32, #tpu.memory_space<vmem_shared>>
      tpu.enqueue_indirect_dma source(%arg9 : memref<128x128xf32, #tpu.memory_space<vmem>>) target(%dma_start3A_713 : memref<10008x128xf32, #tpu.memory_space<vmem_shared>>) offsets(%dma_start3A_710 : memref<128xi32, #tpu.memory_space<vmem>>) semaphore(%run_scoped3A_707 : memref<!tpu.dma_semaphore, #tpu.memory_space<semaphore_mem>>) {add = true}
      %dma_wait3A_714 = arith.constant 0 : i32
      %dma_wait3A_715 = tpu.memref_slice %arg8[%run_scoped3A_337, %dma_wait3A_714] : memref<40x128xi32, #tpu.memory_space<vmem>> -> memref<1x128xi32, #tpu.memory_space<vmem>>
      %dma_wait3A_716 = tpu.memref_squeeze %dma_wait3A_715 : memref<1x128xi32, #tpu.memory_space<vmem>> -> memref<128xi32, #tpu.memory_space<vmem>>
      %dma_wait3A_717 = arith.constant 0 : i32
      %dma_wait3A_718 = arith.constant 0 : i32
      %dma_wait3A_719 = tpu.memref_slice %arg14[%dma_wait3A_717, %dma_wait3A_718] : memref<10008x128xf32, #tpu.memory_space<vmem_shared>> -> memref<10008x128xf32, #tpu.memory_space<vmem_shared>>
      tpu.wait_indirect_dma semaphore(%run_scoped3A_707 : memref<!tpu.dma_semaphore, #tpu.memory_space<semaphore_mem>>) src(%arg9 : memref<128x128xf32, #tpu.memory_space<vmem>>) dst(%dma_wait3A_719 : memref<10008x128xf32, #tpu.memory_space<vmem_shared>>)
      tpu.yield
    }) : () -> ()
    %dma_start3A_338 = arith.constant 18 : i32
    %dma_start3A_339 = arith.constant 0 : i32
    %dma_start3A_340 = tpu.memref_slice %arg7[%dma_start3A_338, %dma_start3A_339] : memref<40x128xi32, #tpu.memory_space<vmem>> -> memref<1x128xi32, #tpu.memory_space<vmem>>
    %dma_start3A_341 = tpu.memref_squeeze %dma_start3A_340 : memref<1x128xi32, #tpu.memory_space<vmem>> -> memref<128xi32, #tpu.memory_space<vmem>>
    %dma_start3A_342 = arith.constant 0 : i32
    %dma_start3A_343 = arith.constant 0 : i32
    %dma_start3A_344 = tpu.memref_slice %arg4[%dma_start3A_342, %dma_start3A_343] : memref<10128x128xf32, #tpu.memory_space<hbm>> -> memref<10128x128xf32, #tpu.memory_space<hbm>>
    tpu.enqueue_indirect_dma source(%dma_start3A_344 : memref<10128x128xf32, #tpu.memory_space<hbm>>) target(%arg9 : memref<128x128xf32, #tpu.memory_space<vmem>>) offsets(%dma_start3A_341 : memref<128xi32, #tpu.memory_space<vmem>>) semaphore(%arg16 : memref<!tpu.dma_semaphore, #tpu.memory_space<semaphore_mem>>)
    %run_scoped3A_345 = arith.constant 17 : i32
    "tpu.region"() ({
      %run_scoped3A_707 = tpu.sem_alloc : memref<!tpu.dma_semaphore, #tpu.memory_space<semaphore_mem>>
      %dma_start3A_708 = arith.constant 0 : i32
      %dma_start3A_709 = tpu.memref_slice %arg8[%run_scoped3A_345, %dma_start3A_708] : memref<40x128xi32, #tpu.memory_space<vmem>> -> memref<1x128xi32, #tpu.memory_space<vmem>>
      %dma_start3A_710 = tpu.memref_squeeze %dma_start3A_709 : memref<1x128xi32, #tpu.memory_space<vmem>> -> memref<128xi32, #tpu.memory_space<vmem>>
      %dma_start3A_711 = arith.constant 0 : i32
      %dma_start3A_712 = tpu.memref_slice %arg15[%dma_start3A_711] : memref<10016xf32, #tpu.memory_space<vmem_shared>> -> memref<10016xf32, #tpu.memory_space<vmem_shared>>
      tpu.enqueue_indirect_dma source(%arg12 : memref<128xf32, #tpu.memory_space<vmem>>) target(%dma_start3A_712 : memref<10016xf32, #tpu.memory_space<vmem_shared>>) offsets(%dma_start3A_710 : memref<128xi32, #tpu.memory_space<vmem>>) semaphore(%run_scoped3A_707 : memref<!tpu.dma_semaphore, #tpu.memory_space<semaphore_mem>>) {add = true}
      %dma_wait3A_713 = arith.constant 0 : i32
      %dma_wait3A_714 = tpu.memref_slice %arg8[%run_scoped3A_345, %dma_wait3A_713] : memref<40x128xi32, #tpu.memory_space<vmem>> -> memref<1x128xi32, #tpu.memory_space<vmem>>
      %dma_wait3A_715 = tpu.memref_squeeze %dma_wait3A_714 : memref<1x128xi32, #tpu.memory_space<vmem>> -> memref<128xi32, #tpu.memory_space<vmem>>
      %dma_wait3A_716 = arith.constant 0 : i32
      %dma_wait3A_717 = tpu.memref_slice %arg15[%dma_wait3A_716] : memref<10016xf32, #tpu.memory_space<vmem_shared>> -> memref<10016xf32, #tpu.memory_space<vmem_shared>>
      tpu.wait_indirect_dma semaphore(%run_scoped3A_707 : memref<!tpu.dma_semaphore, #tpu.memory_space<semaphore_mem>>) src(%arg12 : memref<128xf32, #tpu.memory_space<vmem>>) dst(%dma_wait3A_717 : memref<10016xf32, #tpu.memory_space<vmem_shared>>)
      tpu.yield
    }) : () -> ()
    %dma_wait3A_346 = arith.constant 17 : i32
    %dma_wait3A_347 = arith.constant 0 : i32
    %dma_wait3A_348 = tpu.memref_slice %arg7[%dma_wait3A_346, %dma_wait3A_347] : memref<40x128xi32, #tpu.memory_space<vmem>> -> memref<1x128xi32, #tpu.memory_space<vmem>>
    %dma_wait3A_349 = tpu.memref_squeeze %dma_wait3A_348 : memref<1x128xi32, #tpu.memory_space<vmem>> -> memref<128xi32, #tpu.memory_space<vmem>>
    %dma_wait3A_350 = arith.constant 0 : i32
    %dma_wait3A_351 = arith.constant 0 : i32
    %dma_wait3A_352 = tpu.memref_slice %arg4[%dma_wait3A_350, %dma_wait3A_351] : memref<10128x128xf32, #tpu.memory_space<hbm>> -> memref<10128x128xf32, #tpu.memory_space<hbm>>
    tpu.wait_indirect_dma semaphore(%arg17 : memref<!tpu.dma_semaphore, #tpu.memory_space<semaphore_mem>>) src(%dma_wait3A_352 : memref<10128x128xf32, #tpu.memory_space<hbm>>) dst(%arg10 : memref<128x128xf32, #tpu.memory_space<vmem>>)
    %run_scoped3A_353 = arith.constant 17 : i32
    "tpu.region"() ({
      %run_scoped3A_707 = tpu.sem_alloc : memref<!tpu.dma_semaphore, #tpu.memory_space<semaphore_mem>>
      %dma_start3A_708 = arith.constant 0 : i32
      %dma_start3A_709 = tpu.memref_slice %arg8[%run_scoped3A_353, %dma_start3A_708] : memref<40x128xi32, #tpu.memory_space<vmem>> -> memref<1x128xi32, #tpu.memory_space<vmem>>
      %dma_start3A_710 = tpu.memref_squeeze %dma_start3A_709 : memref<1x128xi32, #tpu.memory_space<vmem>> -> memref<128xi32, #tpu.memory_space<vmem>>
      %dma_start3A_711 = arith.constant 0 : i32
      %dma_start3A_712 = arith.constant 0 : i32
      %dma_start3A_713 = tpu.memref_slice %arg14[%dma_start3A_711, %dma_start3A_712] : memref<10008x128xf32, #tpu.memory_space<vmem_shared>> -> memref<10008x128xf32, #tpu.memory_space<vmem_shared>>
      tpu.enqueue_indirect_dma source(%arg10 : memref<128x128xf32, #tpu.memory_space<vmem>>) target(%dma_start3A_713 : memref<10008x128xf32, #tpu.memory_space<vmem_shared>>) offsets(%dma_start3A_710 : memref<128xi32, #tpu.memory_space<vmem>>) semaphore(%run_scoped3A_707 : memref<!tpu.dma_semaphore, #tpu.memory_space<semaphore_mem>>) {add = true}
      %dma_wait3A_714 = arith.constant 0 : i32
      %dma_wait3A_715 = tpu.memref_slice %arg8[%run_scoped3A_353, %dma_wait3A_714] : memref<40x128xi32, #tpu.memory_space<vmem>> -> memref<1x128xi32, #tpu.memory_space<vmem>>
      %dma_wait3A_716 = tpu.memref_squeeze %dma_wait3A_715 : memref<1x128xi32, #tpu.memory_space<vmem>> -> memref<128xi32, #tpu.memory_space<vmem>>
      %dma_wait3A_717 = arith.constant 0 : i32
      %dma_wait3A_718 = arith.constant 0 : i32
      %dma_wait3A_719 = tpu.memref_slice %arg14[%dma_wait3A_717, %dma_wait3A_718] : memref<10008x128xf32, #tpu.memory_space<vmem_shared>> -> memref<10008x128xf32, #tpu.memory_space<vmem_shared>>
      tpu.wait_indirect_dma semaphore(%run_scoped3A_707 : memref<!tpu.dma_semaphore, #tpu.memory_space<semaphore_mem>>) src(%arg10 : memref<128x128xf32, #tpu.memory_space<vmem>>) dst(%dma_wait3A_719 : memref<10008x128xf32, #tpu.memory_space<vmem_shared>>)
      tpu.yield
    }) : () -> ()
    %dma_start3A_354 = arith.constant 19 : i32
    %dma_start3A_355 = arith.constant 0 : i32
    %dma_start3A_356 = tpu.memref_slice %arg7[%dma_start3A_354, %dma_start3A_355] : memref<40x128xi32, #tpu.memory_space<vmem>> -> memref<1x128xi32, #tpu.memory_space<vmem>>
    %dma_start3A_357 = tpu.memref_squeeze %dma_start3A_356 : memref<1x128xi32, #tpu.memory_space<vmem>> -> memref<128xi32, #tpu.memory_space<vmem>>
    %dma_start3A_358 = arith.constant 0 : i32
    %dma_start3A_359 = arith.constant 0 : i32
    %dma_start3A_360 = tpu.memref_slice %arg4[%dma_start3A_358, %dma_start3A_359] : memref<10128x128xf32, #tpu.memory_space<hbm>> -> memref<10128x128xf32, #tpu.memory_space<hbm>>
    tpu.enqueue_indirect_dma source(%dma_start3A_360 : memref<10128x128xf32, #tpu.memory_space<hbm>>) target(%arg10 : memref<128x128xf32, #tpu.memory_space<vmem>>) offsets(%dma_start3A_357 : memref<128xi32, #tpu.memory_space<vmem>>) semaphore(%arg17 : memref<!tpu.dma_semaphore, #tpu.memory_space<semaphore_mem>>)
    %run_scoped3A_361 = arith.constant 18 : i32
    "tpu.region"() ({
      %run_scoped3A_707 = tpu.sem_alloc : memref<!tpu.dma_semaphore, #tpu.memory_space<semaphore_mem>>
      %dma_start3A_708 = arith.constant 0 : i32
      %dma_start3A_709 = tpu.memref_slice %arg8[%run_scoped3A_361, %dma_start3A_708] : memref<40x128xi32, #tpu.memory_space<vmem>> -> memref<1x128xi32, #tpu.memory_space<vmem>>
      %dma_start3A_710 = tpu.memref_squeeze %dma_start3A_709 : memref<1x128xi32, #tpu.memory_space<vmem>> -> memref<128xi32, #tpu.memory_space<vmem>>
      %dma_start3A_711 = arith.constant 0 : i32
      %dma_start3A_712 = tpu.memref_slice %arg15[%dma_start3A_711] : memref<10016xf32, #tpu.memory_space<vmem_shared>> -> memref<10016xf32, #tpu.memory_space<vmem_shared>>
      tpu.enqueue_indirect_dma source(%arg12 : memref<128xf32, #tpu.memory_space<vmem>>) target(%dma_start3A_712 : memref<10016xf32, #tpu.memory_space<vmem_shared>>) offsets(%dma_start3A_710 : memref<128xi32, #tpu.memory_space<vmem>>) semaphore(%run_scoped3A_707 : memref<!tpu.dma_semaphore, #tpu.memory_space<semaphore_mem>>) {add = true}
      %dma_wait3A_713 = arith.constant 0 : i32
      %dma_wait3A_714 = tpu.memref_slice %arg8[%run_scoped3A_361, %dma_wait3A_713] : memref<40x128xi32, #tpu.memory_space<vmem>> -> memref<1x128xi32, #tpu.memory_space<vmem>>
      %dma_wait3A_715 = tpu.memref_squeeze %dma_wait3A_714 : memref<1x128xi32, #tpu.memory_space<vmem>> -> memref<128xi32, #tpu.memory_space<vmem>>
      %dma_wait3A_716 = arith.constant 0 : i32
      %dma_wait3A_717 = tpu.memref_slice %arg15[%dma_wait3A_716] : memref<10016xf32, #tpu.memory_space<vmem_shared>> -> memref<10016xf32, #tpu.memory_space<vmem_shared>>
      tpu.wait_indirect_dma semaphore(%run_scoped3A_707 : memref<!tpu.dma_semaphore, #tpu.memory_space<semaphore_mem>>) src(%arg12 : memref<128xf32, #tpu.memory_space<vmem>>) dst(%dma_wait3A_717 : memref<10016xf32, #tpu.memory_space<vmem_shared>>)
      tpu.yield
    }) : () -> ()
    %dma_wait3A_362 = arith.constant 18 : i32
    %dma_wait3A_363 = arith.constant 0 : i32
    %dma_wait3A_364 = tpu.memref_slice %arg7[%dma_wait3A_362, %dma_wait3A_363] : memref<40x128xi32, #tpu.memory_space<vmem>> -> memref<1x128xi32, #tpu.memory_space<vmem>>
    %dma_wait3A_365 = tpu.memref_squeeze %dma_wait3A_364 : memref<1x128xi32, #tpu.memory_space<vmem>> -> memref<128xi32, #tpu.memory_space<vmem>>
    %dma_wait3A_366 = arith.constant 0 : i32
    %dma_wait3A_367 = arith.constant 0 : i32
    %dma_wait3A_368 = tpu.memref_slice %arg4[%dma_wait3A_366, %dma_wait3A_367] : memref<10128x128xf32, #tpu.memory_space<hbm>> -> memref<10128x128xf32, #tpu.memory_space<hbm>>
    tpu.wait_indirect_dma semaphore(%arg16 : memref<!tpu.dma_semaphore, #tpu.memory_space<semaphore_mem>>) src(%dma_wait3A_368 : memref<10128x128xf32, #tpu.memory_space<hbm>>) dst(%arg9 : memref<128x128xf32, #tpu.memory_space<vmem>>)
    %run_scoped3A_369 = arith.constant 18 : i32
    "tpu.region"() ({
      %run_scoped3A_707 = tpu.sem_alloc : memref<!tpu.dma_semaphore, #tpu.memory_space<semaphore_mem>>
      %dma_start3A_708 = arith.constant 0 : i32
      %dma_start3A_709 = tpu.memref_slice %arg8[%run_scoped3A_369, %dma_start3A_708] : memref<40x128xi32, #tpu.memory_space<vmem>> -> memref<1x128xi32, #tpu.memory_space<vmem>>
      %dma_start3A_710 = tpu.memref_squeeze %dma_start3A_709 : memref<1x128xi32, #tpu.memory_space<vmem>> -> memref<128xi32, #tpu.memory_space<vmem>>
      %dma_start3A_711 = arith.constant 0 : i32
      %dma_start3A_712 = arith.constant 0 : i32
      %dma_start3A_713 = tpu.memref_slice %arg14[%dma_start3A_711, %dma_start3A_712] : memref<10008x128xf32, #tpu.memory_space<vmem_shared>> -> memref<10008x128xf32, #tpu.memory_space<vmem_shared>>
      tpu.enqueue_indirect_dma source(%arg9 : memref<128x128xf32, #tpu.memory_space<vmem>>) target(%dma_start3A_713 : memref<10008x128xf32, #tpu.memory_space<vmem_shared>>) offsets(%dma_start3A_710 : memref<128xi32, #tpu.memory_space<vmem>>) semaphore(%run_scoped3A_707 : memref<!tpu.dma_semaphore, #tpu.memory_space<semaphore_mem>>) {add = true}
      %dma_wait3A_714 = arith.constant 0 : i32
      %dma_wait3A_715 = tpu.memref_slice %arg8[%run_scoped3A_369, %dma_wait3A_714] : memref<40x128xi32, #tpu.memory_space<vmem>> -> memref<1x128xi32, #tpu.memory_space<vmem>>
      %dma_wait3A_716 = tpu.memref_squeeze %dma_wait3A_715 : memref<1x128xi32, #tpu.memory_space<vmem>> -> memref<128xi32, #tpu.memory_space<vmem>>
      %dma_wait3A_717 = arith.constant 0 : i32
      %dma_wait3A_718 = arith.constant 0 : i32
      %dma_wait3A_719 = tpu.memref_slice %arg14[%dma_wait3A_717, %dma_wait3A_718] : memref<10008x128xf32, #tpu.memory_space<vmem_shared>> -> memref<10008x128xf32, #tpu.memory_space<vmem_shared>>
      tpu.wait_indirect_dma semaphore(%run_scoped3A_707 : memref<!tpu.dma_semaphore, #tpu.memory_space<semaphore_mem>>) src(%arg9 : memref<128x128xf32, #tpu.memory_space<vmem>>) dst(%dma_wait3A_719 : memref<10008x128xf32, #tpu.memory_space<vmem_shared>>)
      tpu.yield
    }) : () -> ()
    %dma_start3A_370 = arith.constant 20 : i32
    %dma_start3A_371 = arith.constant 0 : i32
    %dma_start3A_372 = tpu.memref_slice %arg7[%dma_start3A_370, %dma_start3A_371] : memref<40x128xi32, #tpu.memory_space<vmem>> -> memref<1x128xi32, #tpu.memory_space<vmem>>
    %dma_start3A_373 = tpu.memref_squeeze %dma_start3A_372 : memref<1x128xi32, #tpu.memory_space<vmem>> -> memref<128xi32, #tpu.memory_space<vmem>>
    %dma_start3A_374 = arith.constant 0 : i32
    %dma_start3A_375 = arith.constant 0 : i32
    %dma_start3A_376 = tpu.memref_slice %arg4[%dma_start3A_374, %dma_start3A_375] : memref<10128x128xf32, #tpu.memory_space<hbm>> -> memref<10128x128xf32, #tpu.memory_space<hbm>>
    tpu.enqueue_indirect_dma source(%dma_start3A_376 : memref<10128x128xf32, #tpu.memory_space<hbm>>) target(%arg9 : memref<128x128xf32, #tpu.memory_space<vmem>>) offsets(%dma_start3A_373 : memref<128xi32, #tpu.memory_space<vmem>>) semaphore(%arg16 : memref<!tpu.dma_semaphore, #tpu.memory_space<semaphore_mem>>)
    %run_scoped3A_377 = arith.constant 19 : i32
    "tpu.region"() ({
      %run_scoped3A_707 = tpu.sem_alloc : memref<!tpu.dma_semaphore, #tpu.memory_space<semaphore_mem>>
      %dma_start3A_708 = arith.constant 0 : i32
      %dma_start3A_709 = tpu.memref_slice %arg8[%run_scoped3A_377, %dma_start3A_708] : memref<40x128xi32, #tpu.memory_space<vmem>> -> memref<1x128xi32, #tpu.memory_space<vmem>>
      %dma_start3A_710 = tpu.memref_squeeze %dma_start3A_709 : memref<1x128xi32, #tpu.memory_space<vmem>> -> memref<128xi32, #tpu.memory_space<vmem>>
      %dma_start3A_711 = arith.constant 0 : i32
      %dma_start3A_712 = tpu.memref_slice %arg15[%dma_start3A_711] : memref<10016xf32, #tpu.memory_space<vmem_shared>> -> memref<10016xf32, #tpu.memory_space<vmem_shared>>
      tpu.enqueue_indirect_dma source(%arg12 : memref<128xf32, #tpu.memory_space<vmem>>) target(%dma_start3A_712 : memref<10016xf32, #tpu.memory_space<vmem_shared>>) offsets(%dma_start3A_710 : memref<128xi32, #tpu.memory_space<vmem>>) semaphore(%run_scoped3A_707 : memref<!tpu.dma_semaphore, #tpu.memory_space<semaphore_mem>>) {add = true}
      %dma_wait3A_713 = arith.constant 0 : i32
      %dma_wait3A_714 = tpu.memref_slice %arg8[%run_scoped3A_377, %dma_wait3A_713] : memref<40x128xi32, #tpu.memory_space<vmem>> -> memref<1x128xi32, #tpu.memory_space<vmem>>
      %dma_wait3A_715 = tpu.memref_squeeze %dma_wait3A_714 : memref<1x128xi32, #tpu.memory_space<vmem>> -> memref<128xi32, #tpu.memory_space<vmem>>
      %dma_wait3A_716 = arith.constant 0 : i32
      %dma_wait3A_717 = tpu.memref_slice %arg15[%dma_wait3A_716] : memref<10016xf32, #tpu.memory_space<vmem_shared>> -> memref<10016xf32, #tpu.memory_space<vmem_shared>>
      tpu.wait_indirect_dma semaphore(%run_scoped3A_707 : memref<!tpu.dma_semaphore, #tpu.memory_space<semaphore_mem>>) src(%arg12 : memref<128xf32, #tpu.memory_space<vmem>>) dst(%dma_wait3A_717 : memref<10016xf32, #tpu.memory_space<vmem_shared>>)
      tpu.yield
    }) : () -> ()
    %dma_wait3A_378 = arith.constant 19 : i32
    %dma_wait3A_379 = arith.constant 0 : i32
    %dma_wait3A_380 = tpu.memref_slice %arg7[%dma_wait3A_378, %dma_wait3A_379] : memref<40x128xi32, #tpu.memory_space<vmem>> -> memref<1x128xi32, #tpu.memory_space<vmem>>
    %dma_wait3A_381 = tpu.memref_squeeze %dma_wait3A_380 : memref<1x128xi32, #tpu.memory_space<vmem>> -> memref<128xi32, #tpu.memory_space<vmem>>
    %dma_wait3A_382 = arith.constant 0 : i32
    %dma_wait3A_383 = arith.constant 0 : i32
    %dma_wait3A_384 = tpu.memref_slice %arg4[%dma_wait3A_382, %dma_wait3A_383] : memref<10128x128xf32, #tpu.memory_space<hbm>> -> memref<10128x128xf32, #tpu.memory_space<hbm>>
    tpu.wait_indirect_dma semaphore(%arg17 : memref<!tpu.dma_semaphore, #tpu.memory_space<semaphore_mem>>) src(%dma_wait3A_384 : memref<10128x128xf32, #tpu.memory_space<hbm>>) dst(%arg10 : memref<128x128xf32, #tpu.memory_space<vmem>>)
    %run_scoped3A_385 = arith.constant 19 : i32
    "tpu.region"() ({
      %run_scoped3A_707 = tpu.sem_alloc : memref<!tpu.dma_semaphore, #tpu.memory_space<semaphore_mem>>
      %dma_start3A_708 = arith.constant 0 : i32
      %dma_start3A_709 = tpu.memref_slice %arg8[%run_scoped3A_385, %dma_start3A_708] : memref<40x128xi32, #tpu.memory_space<vmem>> -> memref<1x128xi32, #tpu.memory_space<vmem>>
      %dma_start3A_710 = tpu.memref_squeeze %dma_start3A_709 : memref<1x128xi32, #tpu.memory_space<vmem>> -> memref<128xi32, #tpu.memory_space<vmem>>
      %dma_start3A_711 = arith.constant 0 : i32
      %dma_start3A_712 = arith.constant 0 : i32
      %dma_start3A_713 = tpu.memref_slice %arg14[%dma_start3A_711, %dma_start3A_712] : memref<10008x128xf32, #tpu.memory_space<vmem_shared>> -> memref<10008x128xf32, #tpu.memory_space<vmem_shared>>
      tpu.enqueue_indirect_dma source(%arg10 : memref<128x128xf32, #tpu.memory_space<vmem>>) target(%dma_start3A_713 : memref<10008x128xf32, #tpu.memory_space<vmem_shared>>) offsets(%dma_start3A_710 : memref<128xi32, #tpu.memory_space<vmem>>) semaphore(%run_scoped3A_707 : memref<!tpu.dma_semaphore, #tpu.memory_space<semaphore_mem>>) {add = true}
      %dma_wait3A_714 = arith.constant 0 : i32
      %dma_wait3A_715 = tpu.memref_slice %arg8[%run_scoped3A_385, %dma_wait3A_714] : memref<40x128xi32, #tpu.memory_space<vmem>> -> memref<1x128xi32, #tpu.memory_space<vmem>>
      %dma_wait3A_716 = tpu.memref_squeeze %dma_wait3A_715 : memref<1x128xi32, #tpu.memory_space<vmem>> -> memref<128xi32, #tpu.memory_space<vmem>>
      %dma_wait3A_717 = arith.constant 0 : i32
      %dma_wait3A_718 = arith.constant 0 : i32
      %dma_wait3A_719 = tpu.memref_slice %arg14[%dma_wait3A_717, %dma_wait3A_718] : memref<10008x128xf32, #tpu.memory_space<vmem_shared>> -> memref<10008x128xf32, #tpu.memory_space<vmem_shared>>
      tpu.wait_indirect_dma semaphore(%run_scoped3A_707 : memref<!tpu.dma_semaphore, #tpu.memory_space<semaphore_mem>>) src(%arg10 : memref<128x128xf32, #tpu.memory_space<vmem>>) dst(%dma_wait3A_719 : memref<10008x128xf32, #tpu.memory_space<vmem_shared>>)
      tpu.yield
    }) : () -> ()
    %dma_start3A_386 = arith.constant 21 : i32
    %dma_start3A_387 = arith.constant 0 : i32
    %dma_start3A_388 = tpu.memref_slice %arg7[%dma_start3A_386, %dma_start3A_387] : memref<40x128xi32, #tpu.memory_space<vmem>> -> memref<1x128xi32, #tpu.memory_space<vmem>>
    %dma_start3A_389 = tpu.memref_squeeze %dma_start3A_388 : memref<1x128xi32, #tpu.memory_space<vmem>> -> memref<128xi32, #tpu.memory_space<vmem>>
    %dma_start3A_390 = arith.constant 0 : i32
    %dma_start3A_391 = arith.constant 0 : i32
    %dma_start3A_392 = tpu.memref_slice %arg4[%dma_start3A_390, %dma_start3A_391] : memref<10128x128xf32, #tpu.memory_space<hbm>> -> memref<10128x128xf32, #tpu.memory_space<hbm>>
    tpu.enqueue_indirect_dma source(%dma_start3A_392 : memref<10128x128xf32, #tpu.memory_space<hbm>>) target(%arg10 : memref<128x128xf32, #tpu.memory_space<vmem>>) offsets(%dma_start3A_389 : memref<128xi32, #tpu.memory_space<vmem>>) semaphore(%arg17 : memref<!tpu.dma_semaphore, #tpu.memory_space<semaphore_mem>>)
    %run_scoped3A_393 = arith.constant 20 : i32
    "tpu.region"() ({
      %run_scoped3A_707 = tpu.sem_alloc : memref<!tpu.dma_semaphore, #tpu.memory_space<semaphore_mem>>
      %dma_start3A_708 = arith.constant 0 : i32
      %dma_start3A_709 = tpu.memref_slice %arg8[%run_scoped3A_393, %dma_start3A_708] : memref<40x128xi32, #tpu.memory_space<vmem>> -> memref<1x128xi32, #tpu.memory_space<vmem>>
      %dma_start3A_710 = tpu.memref_squeeze %dma_start3A_709 : memref<1x128xi32, #tpu.memory_space<vmem>> -> memref<128xi32, #tpu.memory_space<vmem>>
      %dma_start3A_711 = arith.constant 0 : i32
      %dma_start3A_712 = tpu.memref_slice %arg15[%dma_start3A_711] : memref<10016xf32, #tpu.memory_space<vmem_shared>> -> memref<10016xf32, #tpu.memory_space<vmem_shared>>
      tpu.enqueue_indirect_dma source(%arg12 : memref<128xf32, #tpu.memory_space<vmem>>) target(%dma_start3A_712 : memref<10016xf32, #tpu.memory_space<vmem_shared>>) offsets(%dma_start3A_710 : memref<128xi32, #tpu.memory_space<vmem>>) semaphore(%run_scoped3A_707 : memref<!tpu.dma_semaphore, #tpu.memory_space<semaphore_mem>>) {add = true}
      %dma_wait3A_713 = arith.constant 0 : i32
      %dma_wait3A_714 = tpu.memref_slice %arg8[%run_scoped3A_393, %dma_wait3A_713] : memref<40x128xi32, #tpu.memory_space<vmem>> -> memref<1x128xi32, #tpu.memory_space<vmem>>
      %dma_wait3A_715 = tpu.memref_squeeze %dma_wait3A_714 : memref<1x128xi32, #tpu.memory_space<vmem>> -> memref<128xi32, #tpu.memory_space<vmem>>
      %dma_wait3A_716 = arith.constant 0 : i32
      %dma_wait3A_717 = tpu.memref_slice %arg15[%dma_wait3A_716] : memref<10016xf32, #tpu.memory_space<vmem_shared>> -> memref<10016xf32, #tpu.memory_space<vmem_shared>>
      tpu.wait_indirect_dma semaphore(%run_scoped3A_707 : memref<!tpu.dma_semaphore, #tpu.memory_space<semaphore_mem>>) src(%arg12 : memref<128xf32, #tpu.memory_space<vmem>>) dst(%dma_wait3A_717 : memref<10016xf32, #tpu.memory_space<vmem_shared>>)
      tpu.yield
    }) : () -> ()
    %dma_wait3A_394 = arith.constant 20 : i32
    %dma_wait3A_395 = arith.constant 0 : i32
    %dma_wait3A_396 = tpu.memref_slice %arg7[%dma_wait3A_394, %dma_wait3A_395] : memref<40x128xi32, #tpu.memory_space<vmem>> -> memref<1x128xi32, #tpu.memory_space<vmem>>
    %dma_wait3A_397 = tpu.memref_squeeze %dma_wait3A_396 : memref<1x128xi32, #tpu.memory_space<vmem>> -> memref<128xi32, #tpu.memory_space<vmem>>
    %dma_wait3A_398 = arith.constant 0 : i32
    %dma_wait3A_399 = arith.constant 0 : i32
    %dma_wait3A_400 = tpu.memref_slice %arg4[%dma_wait3A_398, %dma_wait3A_399] : memref<10128x128xf32, #tpu.memory_space<hbm>> -> memref<10128x128xf32, #tpu.memory_space<hbm>>
    tpu.wait_indirect_dma semaphore(%arg16 : memref<!tpu.dma_semaphore, #tpu.memory_space<semaphore_mem>>) src(%dma_wait3A_400 : memref<10128x128xf32, #tpu.memory_space<hbm>>) dst(%arg9 : memref<128x128xf32, #tpu.memory_space<vmem>>)
    %run_scoped3A_401 = arith.constant 20 : i32
    "tpu.region"() ({
      %run_scoped3A_707 = tpu.sem_alloc : memref<!tpu.dma_semaphore, #tpu.memory_space<semaphore_mem>>
      %dma_start3A_708 = arith.constant 0 : i32
      %dma_start3A_709 = tpu.memref_slice %arg8[%run_scoped3A_401, %dma_start3A_708] : memref<40x128xi32, #tpu.memory_space<vmem>> -> memref<1x128xi32, #tpu.memory_space<vmem>>
      %dma_start3A_710 = tpu.memref_squeeze %dma_start3A_709 : memref<1x128xi32, #tpu.memory_space<vmem>> -> memref<128xi32, #tpu.memory_space<vmem>>
      %dma_start3A_711 = arith.constant 0 : i32
      %dma_start3A_712 = arith.constant 0 : i32
      %dma_start3A_713 = tpu.memref_slice %arg14[%dma_start3A_711, %dma_start3A_712] : memref<10008x128xf32, #tpu.memory_space<vmem_shared>> -> memref<10008x128xf32, #tpu.memory_space<vmem_shared>>
      tpu.enqueue_indirect_dma source(%arg9 : memref<128x128xf32, #tpu.memory_space<vmem>>) target(%dma_start3A_713 : memref<10008x128xf32, #tpu.memory_space<vmem_shared>>) offsets(%dma_start3A_710 : memref<128xi32, #tpu.memory_space<vmem>>) semaphore(%run_scoped3A_707 : memref<!tpu.dma_semaphore, #tpu.memory_space<semaphore_mem>>) {add = true}
      %dma_wait3A_714 = arith.constant 0 : i32
      %dma_wait3A_715 = tpu.memref_slice %arg8[%run_scoped3A_401, %dma_wait3A_714] : memref<40x128xi32, #tpu.memory_space<vmem>> -> memref<1x128xi32, #tpu.memory_space<vmem>>
      %dma_wait3A_716 = tpu.memref_squeeze %dma_wait3A_715 : memref<1x128xi32, #tpu.memory_space<vmem>> -> memref<128xi32, #tpu.memory_space<vmem>>
      %dma_wait3A_717 = arith.constant 0 : i32
      %dma_wait3A_718 = arith.constant 0 : i32
      %dma_wait3A_719 = tpu.memref_slice %arg14[%dma_wait3A_717, %dma_wait3A_718] : memref<10008x128xf32, #tpu.memory_space<vmem_shared>> -> memref<10008x128xf32, #tpu.memory_space<vmem_shared>>
      tpu.wait_indirect_dma semaphore(%run_scoped3A_707 : memref<!tpu.dma_semaphore, #tpu.memory_space<semaphore_mem>>) src(%arg9 : memref<128x128xf32, #tpu.memory_space<vmem>>) dst(%dma_wait3A_719 : memref<10008x128xf32, #tpu.memory_space<vmem_shared>>)
      tpu.yield
    }) : () -> ()
    %dma_start3A_402 = arith.constant 22 : i32
    %dma_start3A_403 = arith.constant 0 : i32
    %dma_start3A_404 = tpu.memref_slice %arg7[%dma_start3A_402, %dma_start3A_403] : memref<40x128xi32, #tpu.memory_space<vmem>> -> memref<1x128xi32, #tpu.memory_space<vmem>>
    %dma_start3A_405 = tpu.memref_squeeze %dma_start3A_404 : memref<1x128xi32, #tpu.memory_space<vmem>> -> memref<128xi32, #tpu.memory_space<vmem>>
    %dma_start3A_406 = arith.constant 0 : i32
    %dma_start3A_407 = arith.constant 0 : i32
    %dma_start3A_408 = tpu.memref_slice %arg4[%dma_start3A_406, %dma_start3A_407] : memref<10128x128xf32, #tpu.memory_space<hbm>> -> memref<10128x128xf32, #tpu.memory_space<hbm>>
    tpu.enqueue_indirect_dma source(%dma_start3A_408 : memref<10128x128xf32, #tpu.memory_space<hbm>>) target(%arg9 : memref<128x128xf32, #tpu.memory_space<vmem>>) offsets(%dma_start3A_405 : memref<128xi32, #tpu.memory_space<vmem>>) semaphore(%arg16 : memref<!tpu.dma_semaphore, #tpu.memory_space<semaphore_mem>>)
    %run_scoped3A_409 = arith.constant 21 : i32
    "tpu.region"() ({
      %run_scoped3A_707 = tpu.sem_alloc : memref<!tpu.dma_semaphore, #tpu.memory_space<semaphore_mem>>
      %dma_start3A_708 = arith.constant 0 : i32
      %dma_start3A_709 = tpu.memref_slice %arg8[%run_scoped3A_409, %dma_start3A_708] : memref<40x128xi32, #tpu.memory_space<vmem>> -> memref<1x128xi32, #tpu.memory_space<vmem>>
      %dma_start3A_710 = tpu.memref_squeeze %dma_start3A_709 : memref<1x128xi32, #tpu.memory_space<vmem>> -> memref<128xi32, #tpu.memory_space<vmem>>
      %dma_start3A_711 = arith.constant 0 : i32
      %dma_start3A_712 = tpu.memref_slice %arg15[%dma_start3A_711] : memref<10016xf32, #tpu.memory_space<vmem_shared>> -> memref<10016xf32, #tpu.memory_space<vmem_shared>>
      tpu.enqueue_indirect_dma source(%arg12 : memref<128xf32, #tpu.memory_space<vmem>>) target(%dma_start3A_712 : memref<10016xf32, #tpu.memory_space<vmem_shared>>) offsets(%dma_start3A_710 : memref<128xi32, #tpu.memory_space<vmem>>) semaphore(%run_scoped3A_707 : memref<!tpu.dma_semaphore, #tpu.memory_space<semaphore_mem>>) {add = true}
      %dma_wait3A_713 = arith.constant 0 : i32
      %dma_wait3A_714 = tpu.memref_slice %arg8[%run_scoped3A_409, %dma_wait3A_713] : memref<40x128xi32, #tpu.memory_space<vmem>> -> memref<1x128xi32, #tpu.memory_space<vmem>>
      %dma_wait3A_715 = tpu.memref_squeeze %dma_wait3A_714 : memref<1x128xi32, #tpu.memory_space<vmem>> -> memref<128xi32, #tpu.memory_space<vmem>>
      %dma_wait3A_716 = arith.constant 0 : i32
      %dma_wait3A_717 = tpu.memref_slice %arg15[%dma_wait3A_716] : memref<10016xf32, #tpu.memory_space<vmem_shared>> -> memref<10016xf32, #tpu.memory_space<vmem_shared>>
      tpu.wait_indirect_dma semaphore(%run_scoped3A_707 : memref<!tpu.dma_semaphore, #tpu.memory_space<semaphore_mem>>) src(%arg12 : memref<128xf32, #tpu.memory_space<vmem>>) dst(%dma_wait3A_717 : memref<10016xf32, #tpu.memory_space<vmem_shared>>)
      tpu.yield
    }) : () -> ()
    %dma_wait3A_410 = arith.constant 21 : i32
    %dma_wait3A_411 = arith.constant 0 : i32
    %dma_wait3A_412 = tpu.memref_slice %arg7[%dma_wait3A_410, %dma_wait3A_411] : memref<40x128xi32, #tpu.memory_space<vmem>> -> memref<1x128xi32, #tpu.memory_space<vmem>>
    %dma_wait3A_413 = tpu.memref_squeeze %dma_wait3A_412 : memref<1x128xi32, #tpu.memory_space<vmem>> -> memref<128xi32, #tpu.memory_space<vmem>>
    %dma_wait3A_414 = arith.constant 0 : i32
    %dma_wait3A_415 = arith.constant 0 : i32
    %dma_wait3A_416 = tpu.memref_slice %arg4[%dma_wait3A_414, %dma_wait3A_415] : memref<10128x128xf32, #tpu.memory_space<hbm>> -> memref<10128x128xf32, #tpu.memory_space<hbm>>
    tpu.wait_indirect_dma semaphore(%arg17 : memref<!tpu.dma_semaphore, #tpu.memory_space<semaphore_mem>>) src(%dma_wait3A_416 : memref<10128x128xf32, #tpu.memory_space<hbm>>) dst(%arg10 : memref<128x128xf32, #tpu.memory_space<vmem>>)
    %run_scoped3A_417 = arith.constant 21 : i32
    "tpu.region"() ({
      %run_scoped3A_707 = tpu.sem_alloc : memref<!tpu.dma_semaphore, #tpu.memory_space<semaphore_mem>>
      %dma_start3A_708 = arith.constant 0 : i32
      %dma_start3A_709 = tpu.memref_slice %arg8[%run_scoped3A_417, %dma_start3A_708] : memref<40x128xi32, #tpu.memory_space<vmem>> -> memref<1x128xi32, #tpu.memory_space<vmem>>
      %dma_start3A_710 = tpu.memref_squeeze %dma_start3A_709 : memref<1x128xi32, #tpu.memory_space<vmem>> -> memref<128xi32, #tpu.memory_space<vmem>>
      %dma_start3A_711 = arith.constant 0 : i32
      %dma_start3A_712 = arith.constant 0 : i32
      %dma_start3A_713 = tpu.memref_slice %arg14[%dma_start3A_711, %dma_start3A_712] : memref<10008x128xf32, #tpu.memory_space<vmem_shared>> -> memref<10008x128xf32, #tpu.memory_space<vmem_shared>>
      tpu.enqueue_indirect_dma source(%arg10 : memref<128x128xf32, #tpu.memory_space<vmem>>) target(%dma_start3A_713 : memref<10008x128xf32, #tpu.memory_space<vmem_shared>>) offsets(%dma_start3A_710 : memref<128xi32, #tpu.memory_space<vmem>>) semaphore(%run_scoped3A_707 : memref<!tpu.dma_semaphore, #tpu.memory_space<semaphore_mem>>) {add = true}
      %dma_wait3A_714 = arith.constant 0 : i32
      %dma_wait3A_715 = tpu.memref_slice %arg8[%run_scoped3A_417, %dma_wait3A_714] : memref<40x128xi32, #tpu.memory_space<vmem>> -> memref<1x128xi32, #tpu.memory_space<vmem>>
      %dma_wait3A_716 = tpu.memref_squeeze %dma_wait3A_715 : memref<1x128xi32, #tpu.memory_space<vmem>> -> memref<128xi32, #tpu.memory_space<vmem>>
      %dma_wait3A_717 = arith.constant 0 : i32
      %dma_wait3A_718 = arith.constant 0 : i32
      %dma_wait3A_719 = tpu.memref_slice %arg14[%dma_wait3A_717, %dma_wait3A_718] : memref<10008x128xf32, #tpu.memory_space<vmem_shared>> -> memref<10008x128xf32, #tpu.memory_space<vmem_shared>>
      tpu.wait_indirect_dma semaphore(%run_scoped3A_707 : memref<!tpu.dma_semaphore, #tpu.memory_space<semaphore_mem>>) src(%arg10 : memref<128x128xf32, #tpu.memory_space<vmem>>) dst(%dma_wait3A_719 : memref<10008x128xf32, #tpu.memory_space<vmem_shared>>)
      tpu.yield
    }) : () -> ()
    %dma_start3A_418 = arith.constant 23 : i32
    %dma_start3A_419 = arith.constant 0 : i32
    %dma_start3A_420 = tpu.memref_slice %arg7[%dma_start3A_418, %dma_start3A_419] : memref<40x128xi32, #tpu.memory_space<vmem>> -> memref<1x128xi32, #tpu.memory_space<vmem>>
    %dma_start3A_421 = tpu.memref_squeeze %dma_start3A_420 : memref<1x128xi32, #tpu.memory_space<vmem>> -> memref<128xi32, #tpu.memory_space<vmem>>
    %dma_start3A_422 = arith.constant 0 : i32
    %dma_start3A_423 = arith.constant 0 : i32
    %dma_start3A_424 = tpu.memref_slice %arg4[%dma_start3A_422, %dma_start3A_423] : memref<10128x128xf32, #tpu.memory_space<hbm>> -> memref<10128x128xf32, #tpu.memory_space<hbm>>
    tpu.enqueue_indirect_dma source(%dma_start3A_424 : memref<10128x128xf32, #tpu.memory_space<hbm>>) target(%arg10 : memref<128x128xf32, #tpu.memory_space<vmem>>) offsets(%dma_start3A_421 : memref<128xi32, #tpu.memory_space<vmem>>) semaphore(%arg17 : memref<!tpu.dma_semaphore, #tpu.memory_space<semaphore_mem>>)
    %run_scoped3A_425 = arith.constant 22 : i32
    "tpu.region"() ({
      %run_scoped3A_707 = tpu.sem_alloc : memref<!tpu.dma_semaphore, #tpu.memory_space<semaphore_mem>>
      %dma_start3A_708 = arith.constant 0 : i32
      %dma_start3A_709 = tpu.memref_slice %arg8[%run_scoped3A_425, %dma_start3A_708] : memref<40x128xi32, #tpu.memory_space<vmem>> -> memref<1x128xi32, #tpu.memory_space<vmem>>
      %dma_start3A_710 = tpu.memref_squeeze %dma_start3A_709 : memref<1x128xi32, #tpu.memory_space<vmem>> -> memref<128xi32, #tpu.memory_space<vmem>>
      %dma_start3A_711 = arith.constant 0 : i32
      %dma_start3A_712 = tpu.memref_slice %arg15[%dma_start3A_711] : memref<10016xf32, #tpu.memory_space<vmem_shared>> -> memref<10016xf32, #tpu.memory_space<vmem_shared>>
      tpu.enqueue_indirect_dma source(%arg12 : memref<128xf32, #tpu.memory_space<vmem>>) target(%dma_start3A_712 : memref<10016xf32, #tpu.memory_space<vmem_shared>>) offsets(%dma_start3A_710 : memref<128xi32, #tpu.memory_space<vmem>>) semaphore(%run_scoped3A_707 : memref<!tpu.dma_semaphore, #tpu.memory_space<semaphore_mem>>) {add = true}
      %dma_wait3A_713 = arith.constant 0 : i32
      %dma_wait3A_714 = tpu.memref_slice %arg8[%run_scoped3A_425, %dma_wait3A_713] : memref<40x128xi32, #tpu.memory_space<vmem>> -> memref<1x128xi32, #tpu.memory_space<vmem>>
      %dma_wait3A_715 = tpu.memref_squeeze %dma_wait3A_714 : memref<1x128xi32, #tpu.memory_space<vmem>> -> memref<128xi32, #tpu.memory_space<vmem>>
      %dma_wait3A_716 = arith.constant 0 : i32
      %dma_wait3A_717 = tpu.memref_slice %arg15[%dma_wait3A_716] : memref<10016xf32, #tpu.memory_space<vmem_shared>> -> memref<10016xf32, #tpu.memory_space<vmem_shared>>
      tpu.wait_indirect_dma semaphore(%run_scoped3A_707 : memref<!tpu.dma_semaphore, #tpu.memory_space<semaphore_mem>>) src(%arg12 : memref<128xf32, #tpu.memory_space<vmem>>) dst(%dma_wait3A_717 : memref<10016xf32, #tpu.memory_space<vmem_shared>>)
      tpu.yield
    }) : () -> ()
    %dma_wait3A_426 = arith.constant 22 : i32
    %dma_wait3A_427 = arith.constant 0 : i32
    %dma_wait3A_428 = tpu.memref_slice %arg7[%dma_wait3A_426, %dma_wait3A_427] : memref<40x128xi32, #tpu.memory_space<vmem>> -> memref<1x128xi32, #tpu.memory_space<vmem>>
    %dma_wait3A_429 = tpu.memref_squeeze %dma_wait3A_428 : memref<1x128xi32, #tpu.memory_space<vmem>> -> memref<128xi32, #tpu.memory_space<vmem>>
    %dma_wait3A_430 = arith.constant 0 : i32
    %dma_wait3A_431 = arith.constant 0 : i32
    %dma_wait3A_432 = tpu.memref_slice %arg4[%dma_wait3A_430, %dma_wait3A_431] : memref<10128x128xf32, #tpu.memory_space<hbm>> -> memref<10128x128xf32, #tpu.memory_space<hbm>>
    tpu.wait_indirect_dma semaphore(%arg16 : memref<!tpu.dma_semaphore, #tpu.memory_space<semaphore_mem>>) src(%dma_wait3A_432 : memref<10128x128xf32, #tpu.memory_space<hbm>>) dst(%arg9 : memref<128x128xf32, #tpu.memory_space<vmem>>)
    %run_scoped3A_433 = arith.constant 22 : i32
    "tpu.region"() ({
      %run_scoped3A_707 = tpu.sem_alloc : memref<!tpu.dma_semaphore, #tpu.memory_space<semaphore_mem>>
      %dma_start3A_708 = arith.constant 0 : i32
      %dma_start3A_709 = tpu.memref_slice %arg8[%run_scoped3A_433, %dma_start3A_708] : memref<40x128xi32, #tpu.memory_space<vmem>> -> memref<1x128xi32, #tpu.memory_space<vmem>>
      %dma_start3A_710 = tpu.memref_squeeze %dma_start3A_709 : memref<1x128xi32, #tpu.memory_space<vmem>> -> memref<128xi32, #tpu.memory_space<vmem>>
      %dma_start3A_711 = arith.constant 0 : i32
      %dma_start3A_712 = arith.constant 0 : i32
      %dma_start3A_713 = tpu.memref_slice %arg14[%dma_start3A_711, %dma_start3A_712] : memref<10008x128xf32, #tpu.memory_space<vmem_shared>> -> memref<10008x128xf32, #tpu.memory_space<vmem_shared>>
      tpu.enqueue_indirect_dma source(%arg9 : memref<128x128xf32, #tpu.memory_space<vmem>>) target(%dma_start3A_713 : memref<10008x128xf32, #tpu.memory_space<vmem_shared>>) offsets(%dma_start3A_710 : memref<128xi32, #tpu.memory_space<vmem>>) semaphore(%run_scoped3A_707 : memref<!tpu.dma_semaphore, #tpu.memory_space<semaphore_mem>>) {add = true}
      %dma_wait3A_714 = arith.constant 0 : i32
      %dma_wait3A_715 = tpu.memref_slice %arg8[%run_scoped3A_433, %dma_wait3A_714] : memref<40x128xi32, #tpu.memory_space<vmem>> -> memref<1x128xi32, #tpu.memory_space<vmem>>
      %dma_wait3A_716 = tpu.memref_squeeze %dma_wait3A_715 : memref<1x128xi32, #tpu.memory_space<vmem>> -> memref<128xi32, #tpu.memory_space<vmem>>
      %dma_wait3A_717 = arith.constant 0 : i32
      %dma_wait3A_718 = arith.constant 0 : i32
      %dma_wait3A_719 = tpu.memref_slice %arg14[%dma_wait3A_717, %dma_wait3A_718] : memref<10008x128xf32, #tpu.memory_space<vmem_shared>> -> memref<10008x128xf32, #tpu.memory_space<vmem_shared>>
      tpu.wait_indirect_dma semaphore(%run_scoped3A_707 : memref<!tpu.dma_semaphore, #tpu.memory_space<semaphore_mem>>) src(%arg9 : memref<128x128xf32, #tpu.memory_space<vmem>>) dst(%dma_wait3A_719 : memref<10008x128xf32, #tpu.memory_space<vmem_shared>>)
      tpu.yield
    }) : () -> ()
    %dma_start3A_434 = arith.constant 24 : i32
    %dma_start3A_435 = arith.constant 0 : i32
    %dma_start3A_436 = tpu.memref_slice %arg7[%dma_start3A_434, %dma_start3A_435] : memref<40x128xi32, #tpu.memory_space<vmem>> -> memref<1x128xi32, #tpu.memory_space<vmem>>
    %dma_start3A_437 = tpu.memref_squeeze %dma_start3A_436 : memref<1x128xi32, #tpu.memory_space<vmem>> -> memref<128xi32, #tpu.memory_space<vmem>>
    %dma_start3A_438 = arith.constant 0 : i32
    %dma_start3A_439 = arith.constant 0 : i32
    %dma_start3A_440 = tpu.memref_slice %arg4[%dma_start3A_438, %dma_start3A_439] : memref<10128x128xf32, #tpu.memory_space<hbm>> -> memref<10128x128xf32, #tpu.memory_space<hbm>>
    tpu.enqueue_indirect_dma source(%dma_start3A_440 : memref<10128x128xf32, #tpu.memory_space<hbm>>) target(%arg9 : memref<128x128xf32, #tpu.memory_space<vmem>>) offsets(%dma_start3A_437 : memref<128xi32, #tpu.memory_space<vmem>>) semaphore(%arg16 : memref<!tpu.dma_semaphore, #tpu.memory_space<semaphore_mem>>)
    %run_scoped3A_441 = arith.constant 23 : i32
    "tpu.region"() ({
      %run_scoped3A_707 = tpu.sem_alloc : memref<!tpu.dma_semaphore, #tpu.memory_space<semaphore_mem>>
      %dma_start3A_708 = arith.constant 0 : i32
      %dma_start3A_709 = tpu.memref_slice %arg8[%run_scoped3A_441, %dma_start3A_708] : memref<40x128xi32, #tpu.memory_space<vmem>> -> memref<1x128xi32, #tpu.memory_space<vmem>>
      %dma_start3A_710 = tpu.memref_squeeze %dma_start3A_709 : memref<1x128xi32, #tpu.memory_space<vmem>> -> memref<128xi32, #tpu.memory_space<vmem>>
      %dma_start3A_711 = arith.constant 0 : i32
      %dma_start3A_712 = tpu.memref_slice %arg15[%dma_start3A_711] : memref<10016xf32, #tpu.memory_space<vmem_shared>> -> memref<10016xf32, #tpu.memory_space<vmem_shared>>
      tpu.enqueue_indirect_dma source(%arg12 : memref<128xf32, #tpu.memory_space<vmem>>) target(%dma_start3A_712 : memref<10016xf32, #tpu.memory_space<vmem_shared>>) offsets(%dma_start3A_710 : memref<128xi32, #tpu.memory_space<vmem>>) semaphore(%run_scoped3A_707 : memref<!tpu.dma_semaphore, #tpu.memory_space<semaphore_mem>>) {add = true}
      %dma_wait3A_713 = arith.constant 0 : i32
      %dma_wait3A_714 = tpu.memref_slice %arg8[%run_scoped3A_441, %dma_wait3A_713] : memref<40x128xi32, #tpu.memory_space<vmem>> -> memref<1x128xi32, #tpu.memory_space<vmem>>
      %dma_wait3A_715 = tpu.memref_squeeze %dma_wait3A_714 : memref<1x128xi32, #tpu.memory_space<vmem>> -> memref<128xi32, #tpu.memory_space<vmem>>
      %dma_wait3A_716 = arith.constant 0 : i32
      %dma_wait3A_717 = tpu.memref_slice %arg15[%dma_wait3A_716] : memref<10016xf32, #tpu.memory_space<vmem_shared>> -> memref<10016xf32, #tpu.memory_space<vmem_shared>>
      tpu.wait_indirect_dma semaphore(%run_scoped3A_707 : memref<!tpu.dma_semaphore, #tpu.memory_space<semaphore_mem>>) src(%arg12 : memref<128xf32, #tpu.memory_space<vmem>>) dst(%dma_wait3A_717 : memref<10016xf32, #tpu.memory_space<vmem_shared>>)
      tpu.yield
    }) : () -> ()
    %dma_wait3A_442 = arith.constant 23 : i32
    %dma_wait3A_443 = arith.constant 0 : i32
    %dma_wait3A_444 = tpu.memref_slice %arg7[%dma_wait3A_442, %dma_wait3A_443] : memref<40x128xi32, #tpu.memory_space<vmem>> -> memref<1x128xi32, #tpu.memory_space<vmem>>
    %dma_wait3A_445 = tpu.memref_squeeze %dma_wait3A_444 : memref<1x128xi32, #tpu.memory_space<vmem>> -> memref<128xi32, #tpu.memory_space<vmem>>
    %dma_wait3A_446 = arith.constant 0 : i32
    %dma_wait3A_447 = arith.constant 0 : i32
    %dma_wait3A_448 = tpu.memref_slice %arg4[%dma_wait3A_446, %dma_wait3A_447] : memref<10128x128xf32, #tpu.memory_space<hbm>> -> memref<10128x128xf32, #tpu.memory_space<hbm>>
    tpu.wait_indirect_dma semaphore(%arg17 : memref<!tpu.dma_semaphore, #tpu.memory_space<semaphore_mem>>) src(%dma_wait3A_448 : memref<10128x128xf32, #tpu.memory_space<hbm>>) dst(%arg10 : memref<128x128xf32, #tpu.memory_space<vmem>>)
    %run_scoped3A_449 = arith.constant 23 : i32
    "tpu.region"() ({
      %run_scoped3A_707 = tpu.sem_alloc : memref<!tpu.dma_semaphore, #tpu.memory_space<semaphore_mem>>
      %dma_start3A_708 = arith.constant 0 : i32
      %dma_start3A_709 = tpu.memref_slice %arg8[%run_scoped3A_449, %dma_start3A_708] : memref<40x128xi32, #tpu.memory_space<vmem>> -> memref<1x128xi32, #tpu.memory_space<vmem>>
      %dma_start3A_710 = tpu.memref_squeeze %dma_start3A_709 : memref<1x128xi32, #tpu.memory_space<vmem>> -> memref<128xi32, #tpu.memory_space<vmem>>
      %dma_start3A_711 = arith.constant 0 : i32
      %dma_start3A_712 = arith.constant 0 : i32
      %dma_start3A_713 = tpu.memref_slice %arg14[%dma_start3A_711, %dma_start3A_712] : memref<10008x128xf32, #tpu.memory_space<vmem_shared>> -> memref<10008x128xf32, #tpu.memory_space<vmem_shared>>
      tpu.enqueue_indirect_dma source(%arg10 : memref<128x128xf32, #tpu.memory_space<vmem>>) target(%dma_start3A_713 : memref<10008x128xf32, #tpu.memory_space<vmem_shared>>) offsets(%dma_start3A_710 : memref<128xi32, #tpu.memory_space<vmem>>) semaphore(%run_scoped3A_707 : memref<!tpu.dma_semaphore, #tpu.memory_space<semaphore_mem>>) {add = true}
      %dma_wait3A_714 = arith.constant 0 : i32
      %dma_wait3A_715 = tpu.memref_slice %arg8[%run_scoped3A_449, %dma_wait3A_714] : memref<40x128xi32, #tpu.memory_space<vmem>> -> memref<1x128xi32, #tpu.memory_space<vmem>>
      %dma_wait3A_716 = tpu.memref_squeeze %dma_wait3A_715 : memref<1x128xi32, #tpu.memory_space<vmem>> -> memref<128xi32, #tpu.memory_space<vmem>>
      %dma_wait3A_717 = arith.constant 0 : i32
      %dma_wait3A_718 = arith.constant 0 : i32
      %dma_wait3A_719 = tpu.memref_slice %arg14[%dma_wait3A_717, %dma_wait3A_718] : memref<10008x128xf32, #tpu.memory_space<vmem_shared>> -> memref<10008x128xf32, #tpu.memory_space<vmem_shared>>
      tpu.wait_indirect_dma semaphore(%run_scoped3A_707 : memref<!tpu.dma_semaphore, #tpu.memory_space<semaphore_mem>>) src(%arg10 : memref<128x128xf32, #tpu.memory_space<vmem>>) dst(%dma_wait3A_719 : memref<10008x128xf32, #tpu.memory_space<vmem_shared>>)
      tpu.yield
    }) : () -> ()
    %dma_start3A_450 = arith.constant 25 : i32
    %dma_start3A_451 = arith.constant 0 : i32
    %dma_start3A_452 = tpu.memref_slice %arg7[%dma_start3A_450, %dma_start3A_451] : memref<40x128xi32, #tpu.memory_space<vmem>> -> memref<1x128xi32, #tpu.memory_space<vmem>>
    %dma_start3A_453 = tpu.memref_squeeze %dma_start3A_452 : memref<1x128xi32, #tpu.memory_space<vmem>> -> memref<128xi32, #tpu.memory_space<vmem>>
    %dma_start3A_454 = arith.constant 0 : i32
    %dma_start3A_455 = arith.constant 0 : i32
    %dma_start3A_456 = tpu.memref_slice %arg4[%dma_start3A_454, %dma_start3A_455] : memref<10128x128xf32, #tpu.memory_space<hbm>> -> memref<10128x128xf32, #tpu.memory_space<hbm>>
    tpu.enqueue_indirect_dma source(%dma_start3A_456 : memref<10128x128xf32, #tpu.memory_space<hbm>>) target(%arg10 : memref<128x128xf32, #tpu.memory_space<vmem>>) offsets(%dma_start3A_453 : memref<128xi32, #tpu.memory_space<vmem>>) semaphore(%arg17 : memref<!tpu.dma_semaphore, #tpu.memory_space<semaphore_mem>>)
    %run_scoped3A_457 = arith.constant 24 : i32
    "tpu.region"() ({
      %run_scoped3A_707 = tpu.sem_alloc : memref<!tpu.dma_semaphore, #tpu.memory_space<semaphore_mem>>
      %dma_start3A_708 = arith.constant 0 : i32
      %dma_start3A_709 = tpu.memref_slice %arg8[%run_scoped3A_457, %dma_start3A_708] : memref<40x128xi32, #tpu.memory_space<vmem>> -> memref<1x128xi32, #tpu.memory_space<vmem>>
      %dma_start3A_710 = tpu.memref_squeeze %dma_start3A_709 : memref<1x128xi32, #tpu.memory_space<vmem>> -> memref<128xi32, #tpu.memory_space<vmem>>
      %dma_start3A_711 = arith.constant 0 : i32
      %dma_start3A_712 = tpu.memref_slice %arg15[%dma_start3A_711] : memref<10016xf32, #tpu.memory_space<vmem_shared>> -> memref<10016xf32, #tpu.memory_space<vmem_shared>>
      tpu.enqueue_indirect_dma source(%arg12 : memref<128xf32, #tpu.memory_space<vmem>>) target(%dma_start3A_712 : memref<10016xf32, #tpu.memory_space<vmem_shared>>) offsets(%dma_start3A_710 : memref<128xi32, #tpu.memory_space<vmem>>) semaphore(%run_scoped3A_707 : memref<!tpu.dma_semaphore, #tpu.memory_space<semaphore_mem>>) {add = true}
      %dma_wait3A_713 = arith.constant 0 : i32
      %dma_wait3A_714 = tpu.memref_slice %arg8[%run_scoped3A_457, %dma_wait3A_713] : memref<40x128xi32, #tpu.memory_space<vmem>> -> memref<1x128xi32, #tpu.memory_space<vmem>>
      %dma_wait3A_715 = tpu.memref_squeeze %dma_wait3A_714 : memref<1x128xi32, #tpu.memory_space<vmem>> -> memref<128xi32, #tpu.memory_space<vmem>>
      %dma_wait3A_716 = arith.constant 0 : i32
      %dma_wait3A_717 = tpu.memref_slice %arg15[%dma_wait3A_716] : memref<10016xf32, #tpu.memory_space<vmem_shared>> -> memref<10016xf32, #tpu.memory_space<vmem_shared>>
      tpu.wait_indirect_dma semaphore(%run_scoped3A_707 : memref<!tpu.dma_semaphore, #tpu.memory_space<semaphore_mem>>) src(%arg12 : memref<128xf32, #tpu.memory_space<vmem>>) dst(%dma_wait3A_717 : memref<10016xf32, #tpu.memory_space<vmem_shared>>)
      tpu.yield
    }) : () -> ()
    %dma_wait3A_458 = arith.constant 24 : i32
    %dma_wait3A_459 = arith.constant 0 : i32
    %dma_wait3A_460 = tpu.memref_slice %arg7[%dma_wait3A_458, %dma_wait3A_459] : memref<40x128xi32, #tpu.memory_space<vmem>> -> memref<1x128xi32, #tpu.memory_space<vmem>>
    %dma_wait3A_461 = tpu.memref_squeeze %dma_wait3A_460 : memref<1x128xi32, #tpu.memory_space<vmem>> -> memref<128xi32, #tpu.memory_space<vmem>>
    %dma_wait3A_462 = arith.constant 0 : i32
    %dma_wait3A_463 = arith.constant 0 : i32
    %dma_wait3A_464 = tpu.memref_slice %arg4[%dma_wait3A_462, %dma_wait3A_463] : memref<10128x128xf32, #tpu.memory_space<hbm>> -> memref<10128x128xf32, #tpu.memory_space<hbm>>
    tpu.wait_indirect_dma semaphore(%arg16 : memref<!tpu.dma_semaphore, #tpu.memory_space<semaphore_mem>>) src(%dma_wait3A_464 : memref<10128x128xf32, #tpu.memory_space<hbm>>) dst(%arg9 : memref<128x128xf32, #tpu.memory_space<vmem>>)
    %run_scoped3A_465 = arith.constant 24 : i32
    "tpu.region"() ({
      %run_scoped3A_707 = tpu.sem_alloc : memref<!tpu.dma_semaphore, #tpu.memory_space<semaphore_mem>>
      %dma_start3A_708 = arith.constant 0 : i32
      %dma_start3A_709 = tpu.memref_slice %arg8[%run_scoped3A_465, %dma_start3A_708] : memref<40x128xi32, #tpu.memory_space<vmem>> -> memref<1x128xi32, #tpu.memory_space<vmem>>
      %dma_start3A_710 = tpu.memref_squeeze %dma_start3A_709 : memref<1x128xi32, #tpu.memory_space<vmem>> -> memref<128xi32, #tpu.memory_space<vmem>>
      %dma_start3A_711 = arith.constant 0 : i32
      %dma_start3A_712 = arith.constant 0 : i32
      %dma_start3A_713 = tpu.memref_slice %arg14[%dma_start3A_711, %dma_start3A_712] : memref<10008x128xf32, #tpu.memory_space<vmem_shared>> -> memref<10008x128xf32, #tpu.memory_space<vmem_shared>>
      tpu.enqueue_indirect_dma source(%arg9 : memref<128x128xf32, #tpu.memory_space<vmem>>) target(%dma_start3A_713 : memref<10008x128xf32, #tpu.memory_space<vmem_shared>>) offsets(%dma_start3A_710 : memref<128xi32, #tpu.memory_space<vmem>>) semaphore(%run_scoped3A_707 : memref<!tpu.dma_semaphore, #tpu.memory_space<semaphore_mem>>) {add = true}
      %dma_wait3A_714 = arith.constant 0 : i32
      %dma_wait3A_715 = tpu.memref_slice %arg8[%run_scoped3A_465, %dma_wait3A_714] : memref<40x128xi32, #tpu.memory_space<vmem>> -> memref<1x128xi32, #tpu.memory_space<vmem>>
      %dma_wait3A_716 = tpu.memref_squeeze %dma_wait3A_715 : memref<1x128xi32, #tpu.memory_space<vmem>> -> memref<128xi32, #tpu.memory_space<vmem>>
      %dma_wait3A_717 = arith.constant 0 : i32
      %dma_wait3A_718 = arith.constant 0 : i32
      %dma_wait3A_719 = tpu.memref_slice %arg14[%dma_wait3A_717, %dma_wait3A_718] : memref<10008x128xf32, #tpu.memory_space<vmem_shared>> -> memref<10008x128xf32, #tpu.memory_space<vmem_shared>>
      tpu.wait_indirect_dma semaphore(%run_scoped3A_707 : memref<!tpu.dma_semaphore, #tpu.memory_space<semaphore_mem>>) src(%arg9 : memref<128x128xf32, #tpu.memory_space<vmem>>) dst(%dma_wait3A_719 : memref<10008x128xf32, #tpu.memory_space<vmem_shared>>)
      tpu.yield
    }) : () -> ()
    %dma_start3A_466 = arith.constant 26 : i32
    %dma_start3A_467 = arith.constant 0 : i32
    %dma_start3A_468 = tpu.memref_slice %arg7[%dma_start3A_466, %dma_start3A_467] : memref<40x128xi32, #tpu.memory_space<vmem>> -> memref<1x128xi32, #tpu.memory_space<vmem>>
    %dma_start3A_469 = tpu.memref_squeeze %dma_start3A_468 : memref<1x128xi32, #tpu.memory_space<vmem>> -> memref<128xi32, #tpu.memory_space<vmem>>
    %dma_start3A_470 = arith.constant 0 : i32
    %dma_start3A_471 = arith.constant 0 : i32
    %dma_start3A_472 = tpu.memref_slice %arg4[%dma_start3A_470, %dma_start3A_471] : memref<10128x128xf32, #tpu.memory_space<hbm>> -> memref<10128x128xf32, #tpu.memory_space<hbm>>
    tpu.enqueue_indirect_dma source(%dma_start3A_472 : memref<10128x128xf32, #tpu.memory_space<hbm>>) target(%arg9 : memref<128x128xf32, #tpu.memory_space<vmem>>) offsets(%dma_start3A_469 : memref<128xi32, #tpu.memory_space<vmem>>) semaphore(%arg16 : memref<!tpu.dma_semaphore, #tpu.memory_space<semaphore_mem>>)
    %run_scoped3A_473 = arith.constant 25 : i32
    "tpu.region"() ({
      %run_scoped3A_707 = tpu.sem_alloc : memref<!tpu.dma_semaphore, #tpu.memory_space<semaphore_mem>>
      %dma_start3A_708 = arith.constant 0 : i32
      %dma_start3A_709 = tpu.memref_slice %arg8[%run_scoped3A_473, %dma_start3A_708] : memref<40x128xi32, #tpu.memory_space<vmem>> -> memref<1x128xi32, #tpu.memory_space<vmem>>
      %dma_start3A_710 = tpu.memref_squeeze %dma_start3A_709 : memref<1x128xi32, #tpu.memory_space<vmem>> -> memref<128xi32, #tpu.memory_space<vmem>>
      %dma_start3A_711 = arith.constant 0 : i32
      %dma_start3A_712 = tpu.memref_slice %arg15[%dma_start3A_711] : memref<10016xf32, #tpu.memory_space<vmem_shared>> -> memref<10016xf32, #tpu.memory_space<vmem_shared>>
      tpu.enqueue_indirect_dma source(%arg12 : memref<128xf32, #tpu.memory_space<vmem>>) target(%dma_start3A_712 : memref<10016xf32, #tpu.memory_space<vmem_shared>>) offsets(%dma_start3A_710 : memref<128xi32, #tpu.memory_space<vmem>>) semaphore(%run_scoped3A_707 : memref<!tpu.dma_semaphore, #tpu.memory_space<semaphore_mem>>) {add = true}
      %dma_wait3A_713 = arith.constant 0 : i32
      %dma_wait3A_714 = tpu.memref_slice %arg8[%run_scoped3A_473, %dma_wait3A_713] : memref<40x128xi32, #tpu.memory_space<vmem>> -> memref<1x128xi32, #tpu.memory_space<vmem>>
      %dma_wait3A_715 = tpu.memref_squeeze %dma_wait3A_714 : memref<1x128xi32, #tpu.memory_space<vmem>> -> memref<128xi32, #tpu.memory_space<vmem>>
      %dma_wait3A_716 = arith.constant 0 : i32
      %dma_wait3A_717 = tpu.memref_slice %arg15[%dma_wait3A_716] : memref<10016xf32, #tpu.memory_space<vmem_shared>> -> memref<10016xf32, #tpu.memory_space<vmem_shared>>
      tpu.wait_indirect_dma semaphore(%run_scoped3A_707 : memref<!tpu.dma_semaphore, #tpu.memory_space<semaphore_mem>>) src(%arg12 : memref<128xf32, #tpu.memory_space<vmem>>) dst(%dma_wait3A_717 : memref<10016xf32, #tpu.memory_space<vmem_shared>>)
      tpu.yield
    }) : () -> ()
    %dma_wait3A_474 = arith.constant 25 : i32
    %dma_wait3A_475 = arith.constant 0 : i32
    %dma_wait3A_476 = tpu.memref_slice %arg7[%dma_wait3A_474, %dma_wait3A_475] : memref<40x128xi32, #tpu.memory_space<vmem>> -> memref<1x128xi32, #tpu.memory_space<vmem>>
    %dma_wait3A_477 = tpu.memref_squeeze %dma_wait3A_476 : memref<1x128xi32, #tpu.memory_space<vmem>> -> memref<128xi32, #tpu.memory_space<vmem>>
    %dma_wait3A_478 = arith.constant 0 : i32
    %dma_wait3A_479 = arith.constant 0 : i32
    %dma_wait3A_480 = tpu.memref_slice %arg4[%dma_wait3A_478, %dma_wait3A_479] : memref<10128x128xf32, #tpu.memory_space<hbm>> -> memref<10128x128xf32, #tpu.memory_space<hbm>>
    tpu.wait_indirect_dma semaphore(%arg17 : memref<!tpu.dma_semaphore, #tpu.memory_space<semaphore_mem>>) src(%dma_wait3A_480 : memref<10128x128xf32, #tpu.memory_space<hbm>>) dst(%arg10 : memref<128x128xf32, #tpu.memory_space<vmem>>)
    %run_scoped3A_481 = arith.constant 25 : i32
    "tpu.region"() ({
      %run_scoped3A_707 = tpu.sem_alloc : memref<!tpu.dma_semaphore, #tpu.memory_space<semaphore_mem>>
      %dma_start3A_708 = arith.constant 0 : i32
      %dma_start3A_709 = tpu.memref_slice %arg8[%run_scoped3A_481, %dma_start3A_708] : memref<40x128xi32, #tpu.memory_space<vmem>> -> memref<1x128xi32, #tpu.memory_space<vmem>>
      %dma_start3A_710 = tpu.memref_squeeze %dma_start3A_709 : memref<1x128xi32, #tpu.memory_space<vmem>> -> memref<128xi32, #tpu.memory_space<vmem>>
      %dma_start3A_711 = arith.constant 0 : i32
      %dma_start3A_712 = arith.constant 0 : i32
      %dma_start3A_713 = tpu.memref_slice %arg14[%dma_start3A_711, %dma_start3A_712] : memref<10008x128xf32, #tpu.memory_space<vmem_shared>> -> memref<10008x128xf32, #tpu.memory_space<vmem_shared>>
      tpu.enqueue_indirect_dma source(%arg10 : memref<128x128xf32, #tpu.memory_space<vmem>>) target(%dma_start3A_713 : memref<10008x128xf32, #tpu.memory_space<vmem_shared>>) offsets(%dma_start3A_710 : memref<128xi32, #tpu.memory_space<vmem>>) semaphore(%run_scoped3A_707 : memref<!tpu.dma_semaphore, #tpu.memory_space<semaphore_mem>>) {add = true}
      %dma_wait3A_714 = arith.constant 0 : i32
      %dma_wait3A_715 = tpu.memref_slice %arg8[%run_scoped3A_481, %dma_wait3A_714] : memref<40x128xi32, #tpu.memory_space<vmem>> -> memref<1x128xi32, #tpu.memory_space<vmem>>
      %dma_wait3A_716 = tpu.memref_squeeze %dma_wait3A_715 : memref<1x128xi32, #tpu.memory_space<vmem>> -> memref<128xi32, #tpu.memory_space<vmem>>
      %dma_wait3A_717 = arith.constant 0 : i32
      %dma_wait3A_718 = arith.constant 0 : i32
      %dma_wait3A_719 = tpu.memref_slice %arg14[%dma_wait3A_717, %dma_wait3A_718] : memref<10008x128xf32, #tpu.memory_space<vmem_shared>> -> memref<10008x128xf32, #tpu.memory_space<vmem_shared>>
      tpu.wait_indirect_dma semaphore(%run_scoped3A_707 : memref<!tpu.dma_semaphore, #tpu.memory_space<semaphore_mem>>) src(%arg10 : memref<128x128xf32, #tpu.memory_space<vmem>>) dst(%dma_wait3A_719 : memref<10008x128xf32, #tpu.memory_space<vmem_shared>>)
      tpu.yield
    }) : () -> ()
    %dma_start3A_482 = arith.constant 27 : i32
    %dma_start3A_483 = arith.constant 0 : i32
    %dma_start3A_484 = tpu.memref_slice %arg7[%dma_start3A_482, %dma_start3A_483] : memref<40x128xi32, #tpu.memory_space<vmem>> -> memref<1x128xi32, #tpu.memory_space<vmem>>
    %dma_start3A_485 = tpu.memref_squeeze %dma_start3A_484 : memref<1x128xi32, #tpu.memory_space<vmem>> -> memref<128xi32, #tpu.memory_space<vmem>>
    %dma_start3A_486 = arith.constant 0 : i32
    %dma_start3A_487 = arith.constant 0 : i32
    %dma_start3A_488 = tpu.memref_slice %arg4[%dma_start3A_486, %dma_start3A_487] : memref<10128x128xf32, #tpu.memory_space<hbm>> -> memref<10128x128xf32, #tpu.memory_space<hbm>>
    tpu.enqueue_indirect_dma source(%dma_start3A_488 : memref<10128x128xf32, #tpu.memory_space<hbm>>) target(%arg10 : memref<128x128xf32, #tpu.memory_space<vmem>>) offsets(%dma_start3A_485 : memref<128xi32, #tpu.memory_space<vmem>>) semaphore(%arg17 : memref<!tpu.dma_semaphore, #tpu.memory_space<semaphore_mem>>)
    %run_scoped3A_489 = arith.constant 26 : i32
    "tpu.region"() ({
      %run_scoped3A_707 = tpu.sem_alloc : memref<!tpu.dma_semaphore, #tpu.memory_space<semaphore_mem>>
      %dma_start3A_708 = arith.constant 0 : i32
      %dma_start3A_709 = tpu.memref_slice %arg8[%run_scoped3A_489, %dma_start3A_708] : memref<40x128xi32, #tpu.memory_space<vmem>> -> memref<1x128xi32, #tpu.memory_space<vmem>>
      %dma_start3A_710 = tpu.memref_squeeze %dma_start3A_709 : memref<1x128xi32, #tpu.memory_space<vmem>> -> memref<128xi32, #tpu.memory_space<vmem>>
      %dma_start3A_711 = arith.constant 0 : i32
      %dma_start3A_712 = tpu.memref_slice %arg15[%dma_start3A_711] : memref<10016xf32, #tpu.memory_space<vmem_shared>> -> memref<10016xf32, #tpu.memory_space<vmem_shared>>
      tpu.enqueue_indirect_dma source(%arg12 : memref<128xf32, #tpu.memory_space<vmem>>) target(%dma_start3A_712 : memref<10016xf32, #tpu.memory_space<vmem_shared>>) offsets(%dma_start3A_710 : memref<128xi32, #tpu.memory_space<vmem>>) semaphore(%run_scoped3A_707 : memref<!tpu.dma_semaphore, #tpu.memory_space<semaphore_mem>>) {add = true}
      %dma_wait3A_713 = arith.constant 0 : i32
      %dma_wait3A_714 = tpu.memref_slice %arg8[%run_scoped3A_489, %dma_wait3A_713] : memref<40x128xi32, #tpu.memory_space<vmem>> -> memref<1x128xi32, #tpu.memory_space<vmem>>
      %dma_wait3A_715 = tpu.memref_squeeze %dma_wait3A_714 : memref<1x128xi32, #tpu.memory_space<vmem>> -> memref<128xi32, #tpu.memory_space<vmem>>
      %dma_wait3A_716 = arith.constant 0 : i32
      %dma_wait3A_717 = tpu.memref_slice %arg15[%dma_wait3A_716] : memref<10016xf32, #tpu.memory_space<vmem_shared>> -> memref<10016xf32, #tpu.memory_space<vmem_shared>>
      tpu.wait_indirect_dma semaphore(%run_scoped3A_707 : memref<!tpu.dma_semaphore, #tpu.memory_space<semaphore_mem>>) src(%arg12 : memref<128xf32, #tpu.memory_space<vmem>>) dst(%dma_wait3A_717 : memref<10016xf32, #tpu.memory_space<vmem_shared>>)
      tpu.yield
    }) : () -> ()
    %dma_wait3A_490 = arith.constant 26 : i32
    %dma_wait3A_491 = arith.constant 0 : i32
    %dma_wait3A_492 = tpu.memref_slice %arg7[%dma_wait3A_490, %dma_wait3A_491] : memref<40x128xi32, #tpu.memory_space<vmem>> -> memref<1x128xi32, #tpu.memory_space<vmem>>
    %dma_wait3A_493 = tpu.memref_squeeze %dma_wait3A_492 : memref<1x128xi32, #tpu.memory_space<vmem>> -> memref<128xi32, #tpu.memory_space<vmem>>
    %dma_wait3A_494 = arith.constant 0 : i32
    %dma_wait3A_495 = arith.constant 0 : i32
    %dma_wait3A_496 = tpu.memref_slice %arg4[%dma_wait3A_494, %dma_wait3A_495] : memref<10128x128xf32, #tpu.memory_space<hbm>> -> memref<10128x128xf32, #tpu.memory_space<hbm>>
    tpu.wait_indirect_dma semaphore(%arg16 : memref<!tpu.dma_semaphore, #tpu.memory_space<semaphore_mem>>) src(%dma_wait3A_496 : memref<10128x128xf32, #tpu.memory_space<hbm>>) dst(%arg9 : memref<128x128xf32, #tpu.memory_space<vmem>>)
    %run_scoped3A_497 = arith.constant 26 : i32
    "tpu.region"() ({
      %run_scoped3A_707 = tpu.sem_alloc : memref<!tpu.dma_semaphore, #tpu.memory_space<semaphore_mem>>
      %dma_start3A_708 = arith.constant 0 : i32
      %dma_start3A_709 = tpu.memref_slice %arg8[%run_scoped3A_497, %dma_start3A_708] : memref<40x128xi32, #tpu.memory_space<vmem>> -> memref<1x128xi32, #tpu.memory_space<vmem>>
      %dma_start3A_710 = tpu.memref_squeeze %dma_start3A_709 : memref<1x128xi32, #tpu.memory_space<vmem>> -> memref<128xi32, #tpu.memory_space<vmem>>
      %dma_start3A_711 = arith.constant 0 : i32
      %dma_start3A_712 = arith.constant 0 : i32
      %dma_start3A_713 = tpu.memref_slice %arg14[%dma_start3A_711, %dma_start3A_712] : memref<10008x128xf32, #tpu.memory_space<vmem_shared>> -> memref<10008x128xf32, #tpu.memory_space<vmem_shared>>
      tpu.enqueue_indirect_dma source(%arg9 : memref<128x128xf32, #tpu.memory_space<vmem>>) target(%dma_start3A_713 : memref<10008x128xf32, #tpu.memory_space<vmem_shared>>) offsets(%dma_start3A_710 : memref<128xi32, #tpu.memory_space<vmem>>) semaphore(%run_scoped3A_707 : memref<!tpu.dma_semaphore, #tpu.memory_space<semaphore_mem>>) {add = true}
      %dma_wait3A_714 = arith.constant 0 : i32
      %dma_wait3A_715 = tpu.memref_slice %arg8[%run_scoped3A_497, %dma_wait3A_714] : memref<40x128xi32, #tpu.memory_space<vmem>> -> memref<1x128xi32, #tpu.memory_space<vmem>>
      %dma_wait3A_716 = tpu.memref_squeeze %dma_wait3A_715 : memref<1x128xi32, #tpu.memory_space<vmem>> -> memref<128xi32, #tpu.memory_space<vmem>>
      %dma_wait3A_717 = arith.constant 0 : i32
      %dma_wait3A_718 = arith.constant 0 : i32
      %dma_wait3A_719 = tpu.memref_slice %arg14[%dma_wait3A_717, %dma_wait3A_718] : memref<10008x128xf32, #tpu.memory_space<vmem_shared>> -> memref<10008x128xf32, #tpu.memory_space<vmem_shared>>
      tpu.wait_indirect_dma semaphore(%run_scoped3A_707 : memref<!tpu.dma_semaphore, #tpu.memory_space<semaphore_mem>>) src(%arg9 : memref<128x128xf32, #tpu.memory_space<vmem>>) dst(%dma_wait3A_719 : memref<10008x128xf32, #tpu.memory_space<vmem_shared>>)
      tpu.yield
    }) : () -> ()
    %dma_start3A_498 = arith.constant 28 : i32
    %dma_start3A_499 = arith.constant 0 : i32
    %dma_start3A_500 = tpu.memref_slice %arg7[%dma_start3A_498, %dma_start3A_499] : memref<40x128xi32, #tpu.memory_space<vmem>> -> memref<1x128xi32, #tpu.memory_space<vmem>>
    %dma_start3A_501 = tpu.memref_squeeze %dma_start3A_500 : memref<1x128xi32, #tpu.memory_space<vmem>> -> memref<128xi32, #tpu.memory_space<vmem>>
    %dma_start3A_502 = arith.constant 0 : i32
    %dma_start3A_503 = arith.constant 0 : i32
    %dma_start3A_504 = tpu.memref_slice %arg4[%dma_start3A_502, %dma_start3A_503] : memref<10128x128xf32, #tpu.memory_space<hbm>> -> memref<10128x128xf32, #tpu.memory_space<hbm>>
    tpu.enqueue_indirect_dma source(%dma_start3A_504 : memref<10128x128xf32, #tpu.memory_space<hbm>>) target(%arg9 : memref<128x128xf32, #tpu.memory_space<vmem>>) offsets(%dma_start3A_501 : memref<128xi32, #tpu.memory_space<vmem>>) semaphore(%arg16 : memref<!tpu.dma_semaphore, #tpu.memory_space<semaphore_mem>>)
    %run_scoped3A_505 = arith.constant 27 : i32
    "tpu.region"() ({
      %run_scoped3A_707 = tpu.sem_alloc : memref<!tpu.dma_semaphore, #tpu.memory_space<semaphore_mem>>
      %dma_start3A_708 = arith.constant 0 : i32
      %dma_start3A_709 = tpu.memref_slice %arg8[%run_scoped3A_505, %dma_start3A_708] : memref<40x128xi32, #tpu.memory_space<vmem>> -> memref<1x128xi32, #tpu.memory_space<vmem>>
      %dma_start3A_710 = tpu.memref_squeeze %dma_start3A_709 : memref<1x128xi32, #tpu.memory_space<vmem>> -> memref<128xi32, #tpu.memory_space<vmem>>
      %dma_start3A_711 = arith.constant 0 : i32
      %dma_start3A_712 = tpu.memref_slice %arg15[%dma_start3A_711] : memref<10016xf32, #tpu.memory_space<vmem_shared>> -> memref<10016xf32, #tpu.memory_space<vmem_shared>>
      tpu.enqueue_indirect_dma source(%arg12 : memref<128xf32, #tpu.memory_space<vmem>>) target(%dma_start3A_712 : memref<10016xf32, #tpu.memory_space<vmem_shared>>) offsets(%dma_start3A_710 : memref<128xi32, #tpu.memory_space<vmem>>) semaphore(%run_scoped3A_707 : memref<!tpu.dma_semaphore, #tpu.memory_space<semaphore_mem>>) {add = true}
      %dma_wait3A_713 = arith.constant 0 : i32
      %dma_wait3A_714 = tpu.memref_slice %arg8[%run_scoped3A_505, %dma_wait3A_713] : memref<40x128xi32, #tpu.memory_space<vmem>> -> memref<1x128xi32, #tpu.memory_space<vmem>>
      %dma_wait3A_715 = tpu.memref_squeeze %dma_wait3A_714 : memref<1x128xi32, #tpu.memory_space<vmem>> -> memref<128xi32, #tpu.memory_space<vmem>>
      %dma_wait3A_716 = arith.constant 0 : i32
      %dma_wait3A_717 = tpu.memref_slice %arg15[%dma_wait3A_716] : memref<10016xf32, #tpu.memory_space<vmem_shared>> -> memref<10016xf32, #tpu.memory_space<vmem_shared>>
      tpu.wait_indirect_dma semaphore(%run_scoped3A_707 : memref<!tpu.dma_semaphore, #tpu.memory_space<semaphore_mem>>) src(%arg12 : memref<128xf32, #tpu.memory_space<vmem>>) dst(%dma_wait3A_717 : memref<10016xf32, #tpu.memory_space<vmem_shared>>)
      tpu.yield
    }) : () -> ()
    %dma_wait3A_506 = arith.constant 27 : i32
    %dma_wait3A_507 = arith.constant 0 : i32
    %dma_wait3A_508 = tpu.memref_slice %arg7[%dma_wait3A_506, %dma_wait3A_507] : memref<40x128xi32, #tpu.memory_space<vmem>> -> memref<1x128xi32, #tpu.memory_space<vmem>>
    %dma_wait3A_509 = tpu.memref_squeeze %dma_wait3A_508 : memref<1x128xi32, #tpu.memory_space<vmem>> -> memref<128xi32, #tpu.memory_space<vmem>>
    %dma_wait3A_510 = arith.constant 0 : i32
    %dma_wait3A_511 = arith.constant 0 : i32
    %dma_wait3A_512 = tpu.memref_slice %arg4[%dma_wait3A_510, %dma_wait3A_511] : memref<10128x128xf32, #tpu.memory_space<hbm>> -> memref<10128x128xf32, #tpu.memory_space<hbm>>
    tpu.wait_indirect_dma semaphore(%arg17 : memref<!tpu.dma_semaphore, #tpu.memory_space<semaphore_mem>>) src(%dma_wait3A_512 : memref<10128x128xf32, #tpu.memory_space<hbm>>) dst(%arg10 : memref<128x128xf32, #tpu.memory_space<vmem>>)
    %run_scoped3A_513 = arith.constant 27 : i32
    "tpu.region"() ({
      %run_scoped3A_707 = tpu.sem_alloc : memref<!tpu.dma_semaphore, #tpu.memory_space<semaphore_mem>>
      %dma_start3A_708 = arith.constant 0 : i32
      %dma_start3A_709 = tpu.memref_slice %arg8[%run_scoped3A_513, %dma_start3A_708] : memref<40x128xi32, #tpu.memory_space<vmem>> -> memref<1x128xi32, #tpu.memory_space<vmem>>
      %dma_start3A_710 = tpu.memref_squeeze %dma_start3A_709 : memref<1x128xi32, #tpu.memory_space<vmem>> -> memref<128xi32, #tpu.memory_space<vmem>>
      %dma_start3A_711 = arith.constant 0 : i32
      %dma_start3A_712 = arith.constant 0 : i32
      %dma_start3A_713 = tpu.memref_slice %arg14[%dma_start3A_711, %dma_start3A_712] : memref<10008x128xf32, #tpu.memory_space<vmem_shared>> -> memref<10008x128xf32, #tpu.memory_space<vmem_shared>>
      tpu.enqueue_indirect_dma source(%arg10 : memref<128x128xf32, #tpu.memory_space<vmem>>) target(%dma_start3A_713 : memref<10008x128xf32, #tpu.memory_space<vmem_shared>>) offsets(%dma_start3A_710 : memref<128xi32, #tpu.memory_space<vmem>>) semaphore(%run_scoped3A_707 : memref<!tpu.dma_semaphore, #tpu.memory_space<semaphore_mem>>) {add = true}
      %dma_wait3A_714 = arith.constant 0 : i32
      %dma_wait3A_715 = tpu.memref_slice %arg8[%run_scoped3A_513, %dma_wait3A_714] : memref<40x128xi32, #tpu.memory_space<vmem>> -> memref<1x128xi32, #tpu.memory_space<vmem>>
      %dma_wait3A_716 = tpu.memref_squeeze %dma_wait3A_715 : memref<1x128xi32, #tpu.memory_space<vmem>> -> memref<128xi32, #tpu.memory_space<vmem>>
      %dma_wait3A_717 = arith.constant 0 : i32
      %dma_wait3A_718 = arith.constant 0 : i32
      %dma_wait3A_719 = tpu.memref_slice %arg14[%dma_wait3A_717, %dma_wait3A_718] : memref<10008x128xf32, #tpu.memory_space<vmem_shared>> -> memref<10008x128xf32, #tpu.memory_space<vmem_shared>>
      tpu.wait_indirect_dma semaphore(%run_scoped3A_707 : memref<!tpu.dma_semaphore, #tpu.memory_space<semaphore_mem>>) src(%arg10 : memref<128x128xf32, #tpu.memory_space<vmem>>) dst(%dma_wait3A_719 : memref<10008x128xf32, #tpu.memory_space<vmem_shared>>)
      tpu.yield
    }) : () -> ()
    %dma_start3A_514 = arith.constant 29 : i32
    %dma_start3A_515 = arith.constant 0 : i32
    %dma_start3A_516 = tpu.memref_slice %arg7[%dma_start3A_514, %dma_start3A_515] : memref<40x128xi32, #tpu.memory_space<vmem>> -> memref<1x128xi32, #tpu.memory_space<vmem>>
    %dma_start3A_517 = tpu.memref_squeeze %dma_start3A_516 : memref<1x128xi32, #tpu.memory_space<vmem>> -> memref<128xi32, #tpu.memory_space<vmem>>
    %dma_start3A_518 = arith.constant 0 : i32
    %dma_start3A_519 = arith.constant 0 : i32
    %dma_start3A_520 = tpu.memref_slice %arg4[%dma_start3A_518, %dma_start3A_519] : memref<10128x128xf32, #tpu.memory_space<hbm>> -> memref<10128x128xf32, #tpu.memory_space<hbm>>
    tpu.enqueue_indirect_dma source(%dma_start3A_520 : memref<10128x128xf32, #tpu.memory_space<hbm>>) target(%arg10 : memref<128x128xf32, #tpu.memory_space<vmem>>) offsets(%dma_start3A_517 : memref<128xi32, #tpu.memory_space<vmem>>) semaphore(%arg17 : memref<!tpu.dma_semaphore, #tpu.memory_space<semaphore_mem>>)
    %run_scoped3A_521 = arith.constant 28 : i32
    "tpu.region"() ({
      %run_scoped3A_707 = tpu.sem_alloc : memref<!tpu.dma_semaphore, #tpu.memory_space<semaphore_mem>>
      %dma_start3A_708 = arith.constant 0 : i32
      %dma_start3A_709 = tpu.memref_slice %arg8[%run_scoped3A_521, %dma_start3A_708] : memref<40x128xi32, #tpu.memory_space<vmem>> -> memref<1x128xi32, #tpu.memory_space<vmem>>
      %dma_start3A_710 = tpu.memref_squeeze %dma_start3A_709 : memref<1x128xi32, #tpu.memory_space<vmem>> -> memref<128xi32, #tpu.memory_space<vmem>>
      %dma_start3A_711 = arith.constant 0 : i32
      %dma_start3A_712 = tpu.memref_slice %arg15[%dma_start3A_711] : memref<10016xf32, #tpu.memory_space<vmem_shared>> -> memref<10016xf32, #tpu.memory_space<vmem_shared>>
      tpu.enqueue_indirect_dma source(%arg12 : memref<128xf32, #tpu.memory_space<vmem>>) target(%dma_start3A_712 : memref<10016xf32, #tpu.memory_space<vmem_shared>>) offsets(%dma_start3A_710 : memref<128xi32, #tpu.memory_space<vmem>>) semaphore(%run_scoped3A_707 : memref<!tpu.dma_semaphore, #tpu.memory_space<semaphore_mem>>) {add = true}
      %dma_wait3A_713 = arith.constant 0 : i32
      %dma_wait3A_714 = tpu.memref_slice %arg8[%run_scoped3A_521, %dma_wait3A_713] : memref<40x128xi32, #tpu.memory_space<vmem>> -> memref<1x128xi32, #tpu.memory_space<vmem>>
      %dma_wait3A_715 = tpu.memref_squeeze %dma_wait3A_714 : memref<1x128xi32, #tpu.memory_space<vmem>> -> memref<128xi32, #tpu.memory_space<vmem>>
      %dma_wait3A_716 = arith.constant 0 : i32
      %dma_wait3A_717 = tpu.memref_slice %arg15[%dma_wait3A_716] : memref<10016xf32, #tpu.memory_space<vmem_shared>> -> memref<10016xf32, #tpu.memory_space<vmem_shared>>
      tpu.wait_indirect_dma semaphore(%run_scoped3A_707 : memref<!tpu.dma_semaphore, #tpu.memory_space<semaphore_mem>>) src(%arg12 : memref<128xf32, #tpu.memory_space<vmem>>) dst(%dma_wait3A_717 : memref<10016xf32, #tpu.memory_space<vmem_shared>>)
      tpu.yield
    }) : () -> ()
    %dma_wait3A_522 = arith.constant 28 : i32
    %dma_wait3A_523 = arith.constant 0 : i32
    %dma_wait3A_524 = tpu.memref_slice %arg7[%dma_wait3A_522, %dma_wait3A_523] : memref<40x128xi32, #tpu.memory_space<vmem>> -> memref<1x128xi32, #tpu.memory_space<vmem>>
    %dma_wait3A_525 = tpu.memref_squeeze %dma_wait3A_524 : memref<1x128xi32, #tpu.memory_space<vmem>> -> memref<128xi32, #tpu.memory_space<vmem>>
    %dma_wait3A_526 = arith.constant 0 : i32
    %dma_wait3A_527 = arith.constant 0 : i32
    %dma_wait3A_528 = tpu.memref_slice %arg4[%dma_wait3A_526, %dma_wait3A_527] : memref<10128x128xf32, #tpu.memory_space<hbm>> -> memref<10128x128xf32, #tpu.memory_space<hbm>>
    tpu.wait_indirect_dma semaphore(%arg16 : memref<!tpu.dma_semaphore, #tpu.memory_space<semaphore_mem>>) src(%dma_wait3A_528 : memref<10128x128xf32, #tpu.memory_space<hbm>>) dst(%arg9 : memref<128x128xf32, #tpu.memory_space<vmem>>)
    %run_scoped3A_529 = arith.constant 28 : i32
    "tpu.region"() ({
      %run_scoped3A_707 = tpu.sem_alloc : memref<!tpu.dma_semaphore, #tpu.memory_space<semaphore_mem>>
      %dma_start3A_708 = arith.constant 0 : i32
      %dma_start3A_709 = tpu.memref_slice %arg8[%run_scoped3A_529, %dma_start3A_708] : memref<40x128xi32, #tpu.memory_space<vmem>> -> memref<1x128xi32, #tpu.memory_space<vmem>>
      %dma_start3A_710 = tpu.memref_squeeze %dma_start3A_709 : memref<1x128xi32, #tpu.memory_space<vmem>> -> memref<128xi32, #tpu.memory_space<vmem>>
      %dma_start3A_711 = arith.constant 0 : i32
      %dma_start3A_712 = arith.constant 0 : i32
      %dma_start3A_713 = tpu.memref_slice %arg14[%dma_start3A_711, %dma_start3A_712] : memref<10008x128xf32, #tpu.memory_space<vmem_shared>> -> memref<10008x128xf32, #tpu.memory_space<vmem_shared>>
      tpu.enqueue_indirect_dma source(%arg9 : memref<128x128xf32, #tpu.memory_space<vmem>>) target(%dma_start3A_713 : memref<10008x128xf32, #tpu.memory_space<vmem_shared>>) offsets(%dma_start3A_710 : memref<128xi32, #tpu.memory_space<vmem>>) semaphore(%run_scoped3A_707 : memref<!tpu.dma_semaphore, #tpu.memory_space<semaphore_mem>>) {add = true}
      %dma_wait3A_714 = arith.constant 0 : i32
      %dma_wait3A_715 = tpu.memref_slice %arg8[%run_scoped3A_529, %dma_wait3A_714] : memref<40x128xi32, #tpu.memory_space<vmem>> -> memref<1x128xi32, #tpu.memory_space<vmem>>
      %dma_wait3A_716 = tpu.memref_squeeze %dma_wait3A_715 : memref<1x128xi32, #tpu.memory_space<vmem>> -> memref<128xi32, #tpu.memory_space<vmem>>
      %dma_wait3A_717 = arith.constant 0 : i32
      %dma_wait3A_718 = arith.constant 0 : i32
      %dma_wait3A_719 = tpu.memref_slice %arg14[%dma_wait3A_717, %dma_wait3A_718] : memref<10008x128xf32, #tpu.memory_space<vmem_shared>> -> memref<10008x128xf32, #tpu.memory_space<vmem_shared>>
      tpu.wait_indirect_dma semaphore(%run_scoped3A_707 : memref<!tpu.dma_semaphore, #tpu.memory_space<semaphore_mem>>) src(%arg9 : memref<128x128xf32, #tpu.memory_space<vmem>>) dst(%dma_wait3A_719 : memref<10008x128xf32, #tpu.memory_space<vmem_shared>>)
      tpu.yield
    }) : () -> ()
    %dma_start3A_530 = arith.constant 30 : i32
    %dma_start3A_531 = arith.constant 0 : i32
    %dma_start3A_532 = tpu.memref_slice %arg7[%dma_start3A_530, %dma_start3A_531] : memref<40x128xi32, #tpu.memory_space<vmem>> -> memref<1x128xi32, #tpu.memory_space<vmem>>
    %dma_start3A_533 = tpu.memref_squeeze %dma_start3A_532 : memref<1x128xi32, #tpu.memory_space<vmem>> -> memref<128xi32, #tpu.memory_space<vmem>>
    %dma_start3A_534 = arith.constant 0 : i32
    %dma_start3A_535 = arith.constant 0 : i32
    %dma_start3A_536 = tpu.memref_slice %arg4[%dma_start3A_534, %dma_start3A_535] : memref<10128x128xf32, #tpu.memory_space<hbm>> -> memref<10128x128xf32, #tpu.memory_space<hbm>>
    tpu.enqueue_indirect_dma source(%dma_start3A_536 : memref<10128x128xf32, #tpu.memory_space<hbm>>) target(%arg9 : memref<128x128xf32, #tpu.memory_space<vmem>>) offsets(%dma_start3A_533 : memref<128xi32, #tpu.memory_space<vmem>>) semaphore(%arg16 : memref<!tpu.dma_semaphore, #tpu.memory_space<semaphore_mem>>)
    %run_scoped3A_537 = arith.constant 29 : i32
    "tpu.region"() ({
      %run_scoped3A_707 = tpu.sem_alloc : memref<!tpu.dma_semaphore, #tpu.memory_space<semaphore_mem>>
      %dma_start3A_708 = arith.constant 0 : i32
      %dma_start3A_709 = tpu.memref_slice %arg8[%run_scoped3A_537, %dma_start3A_708] : memref<40x128xi32, #tpu.memory_space<vmem>> -> memref<1x128xi32, #tpu.memory_space<vmem>>
      %dma_start3A_710 = tpu.memref_squeeze %dma_start3A_709 : memref<1x128xi32, #tpu.memory_space<vmem>> -> memref<128xi32, #tpu.memory_space<vmem>>
      %dma_start3A_711 = arith.constant 0 : i32
      %dma_start3A_712 = tpu.memref_slice %arg15[%dma_start3A_711] : memref<10016xf32, #tpu.memory_space<vmem_shared>> -> memref<10016xf32, #tpu.memory_space<vmem_shared>>
      tpu.enqueue_indirect_dma source(%arg12 : memref<128xf32, #tpu.memory_space<vmem>>) target(%dma_start3A_712 : memref<10016xf32, #tpu.memory_space<vmem_shared>>) offsets(%dma_start3A_710 : memref<128xi32, #tpu.memory_space<vmem>>) semaphore(%run_scoped3A_707 : memref<!tpu.dma_semaphore, #tpu.memory_space<semaphore_mem>>) {add = true}
      %dma_wait3A_713 = arith.constant 0 : i32
      %dma_wait3A_714 = tpu.memref_slice %arg8[%run_scoped3A_537, %dma_wait3A_713] : memref<40x128xi32, #tpu.memory_space<vmem>> -> memref<1x128xi32, #tpu.memory_space<vmem>>
      %dma_wait3A_715 = tpu.memref_squeeze %dma_wait3A_714 : memref<1x128xi32, #tpu.memory_space<vmem>> -> memref<128xi32, #tpu.memory_space<vmem>>
      %dma_wait3A_716 = arith.constant 0 : i32
      %dma_wait3A_717 = tpu.memref_slice %arg15[%dma_wait3A_716] : memref<10016xf32, #tpu.memory_space<vmem_shared>> -> memref<10016xf32, #tpu.memory_space<vmem_shared>>
      tpu.wait_indirect_dma semaphore(%run_scoped3A_707 : memref<!tpu.dma_semaphore, #tpu.memory_space<semaphore_mem>>) src(%arg12 : memref<128xf32, #tpu.memory_space<vmem>>) dst(%dma_wait3A_717 : memref<10016xf32, #tpu.memory_space<vmem_shared>>)
      tpu.yield
    }) : () -> ()
    %dma_wait3A_538 = arith.constant 29 : i32
    %dma_wait3A_539 = arith.constant 0 : i32
    %dma_wait3A_540 = tpu.memref_slice %arg7[%dma_wait3A_538, %dma_wait3A_539] : memref<40x128xi32, #tpu.memory_space<vmem>> -> memref<1x128xi32, #tpu.memory_space<vmem>>
    %dma_wait3A_541 = tpu.memref_squeeze %dma_wait3A_540 : memref<1x128xi32, #tpu.memory_space<vmem>> -> memref<128xi32, #tpu.memory_space<vmem>>
    %dma_wait3A_542 = arith.constant 0 : i32
    %dma_wait3A_543 = arith.constant 0 : i32
    %dma_wait3A_544 = tpu.memref_slice %arg4[%dma_wait3A_542, %dma_wait3A_543] : memref<10128x128xf32, #tpu.memory_space<hbm>> -> memref<10128x128xf32, #tpu.memory_space<hbm>>
    tpu.wait_indirect_dma semaphore(%arg17 : memref<!tpu.dma_semaphore, #tpu.memory_space<semaphore_mem>>) src(%dma_wait3A_544 : memref<10128x128xf32, #tpu.memory_space<hbm>>) dst(%arg10 : memref<128x128xf32, #tpu.memory_space<vmem>>)
    %run_scoped3A_545 = arith.constant 29 : i32
    "tpu.region"() ({
      %run_scoped3A_707 = tpu.sem_alloc : memref<!tpu.dma_semaphore, #tpu.memory_space<semaphore_mem>>
      %dma_start3A_708 = arith.constant 0 : i32
      %dma_start3A_709 = tpu.memref_slice %arg8[%run_scoped3A_545, %dma_start3A_708] : memref<40x128xi32, #tpu.memory_space<vmem>> -> memref<1x128xi32, #tpu.memory_space<vmem>>
      %dma_start3A_710 = tpu.memref_squeeze %dma_start3A_709 : memref<1x128xi32, #tpu.memory_space<vmem>> -> memref<128xi32, #tpu.memory_space<vmem>>
      %dma_start3A_711 = arith.constant 0 : i32
      %dma_start3A_712 = arith.constant 0 : i32
      %dma_start3A_713 = tpu.memref_slice %arg14[%dma_start3A_711, %dma_start3A_712] : memref<10008x128xf32, #tpu.memory_space<vmem_shared>> -> memref<10008x128xf32, #tpu.memory_space<vmem_shared>>
      tpu.enqueue_indirect_dma source(%arg10 : memref<128x128xf32, #tpu.memory_space<vmem>>) target(%dma_start3A_713 : memref<10008x128xf32, #tpu.memory_space<vmem_shared>>) offsets(%dma_start3A_710 : memref<128xi32, #tpu.memory_space<vmem>>) semaphore(%run_scoped3A_707 : memref<!tpu.dma_semaphore, #tpu.memory_space<semaphore_mem>>) {add = true}
      %dma_wait3A_714 = arith.constant 0 : i32
      %dma_wait3A_715 = tpu.memref_slice %arg8[%run_scoped3A_545, %dma_wait3A_714] : memref<40x128xi32, #tpu.memory_space<vmem>> -> memref<1x128xi32, #tpu.memory_space<vmem>>
      %dma_wait3A_716 = tpu.memref_squeeze %dma_wait3A_715 : memref<1x128xi32, #tpu.memory_space<vmem>> -> memref<128xi32, #tpu.memory_space<vmem>>
      %dma_wait3A_717 = arith.constant 0 : i32
      %dma_wait3A_718 = arith.constant 0 : i32
      %dma_wait3A_719 = tpu.memref_slice %arg14[%dma_wait3A_717, %dma_wait3A_718] : memref<10008x128xf32, #tpu.memory_space<vmem_shared>> -> memref<10008x128xf32, #tpu.memory_space<vmem_shared>>
      tpu.wait_indirect_dma semaphore(%run_scoped3A_707 : memref<!tpu.dma_semaphore, #tpu.memory_space<semaphore_mem>>) src(%arg10 : memref<128x128xf32, #tpu.memory_space<vmem>>) dst(%dma_wait3A_719 : memref<10008x128xf32, #tpu.memory_space<vmem_shared>>)
      tpu.yield
    }) : () -> ()
    %dma_start3A_546 = arith.constant 31 : i32
    %dma_start3A_547 = arith.constant 0 : i32
    %dma_start3A_548 = tpu.memref_slice %arg7[%dma_start3A_546, %dma_start3A_547] : memref<40x128xi32, #tpu.memory_space<vmem>> -> memref<1x128xi32, #tpu.memory_space<vmem>>
    %dma_start3A_549 = tpu.memref_squeeze %dma_start3A_548 : memref<1x128xi32, #tpu.memory_space<vmem>> -> memref<128xi32, #tpu.memory_space<vmem>>
    %dma_start3A_550 = arith.constant 0 : i32
    %dma_start3A_551 = arith.constant 0 : i32
    %dma_start3A_552 = tpu.memref_slice %arg4[%dma_start3A_550, %dma_start3A_551] : memref<10128x128xf32, #tpu.memory_space<hbm>> -> memref<10128x128xf32, #tpu.memory_space<hbm>>
    tpu.enqueue_indirect_dma source(%dma_start3A_552 : memref<10128x128xf32, #tpu.memory_space<hbm>>) target(%arg10 : memref<128x128xf32, #tpu.memory_space<vmem>>) offsets(%dma_start3A_549 : memref<128xi32, #tpu.memory_space<vmem>>) semaphore(%arg17 : memref<!tpu.dma_semaphore, #tpu.memory_space<semaphore_mem>>)
    %run_scoped3A_553 = arith.constant 30 : i32
    "tpu.region"() ({
      %run_scoped3A_707 = tpu.sem_alloc : memref<!tpu.dma_semaphore, #tpu.memory_space<semaphore_mem>>
      %dma_start3A_708 = arith.constant 0 : i32
      %dma_start3A_709 = tpu.memref_slice %arg8[%run_scoped3A_553, %dma_start3A_708] : memref<40x128xi32, #tpu.memory_space<vmem>> -> memref<1x128xi32, #tpu.memory_space<vmem>>
      %dma_start3A_710 = tpu.memref_squeeze %dma_start3A_709 : memref<1x128xi32, #tpu.memory_space<vmem>> -> memref<128xi32, #tpu.memory_space<vmem>>
      %dma_start3A_711 = arith.constant 0 : i32
      %dma_start3A_712 = tpu.memref_slice %arg15[%dma_start3A_711] : memref<10016xf32, #tpu.memory_space<vmem_shared>> -> memref<10016xf32, #tpu.memory_space<vmem_shared>>
      tpu.enqueue_indirect_dma source(%arg12 : memref<128xf32, #tpu.memory_space<vmem>>) target(%dma_start3A_712 : memref<10016xf32, #tpu.memory_space<vmem_shared>>) offsets(%dma_start3A_710 : memref<128xi32, #tpu.memory_space<vmem>>) semaphore(%run_scoped3A_707 : memref<!tpu.dma_semaphore, #tpu.memory_space<semaphore_mem>>) {add = true}
      %dma_wait3A_713 = arith.constant 0 : i32
      %dma_wait3A_714 = tpu.memref_slice %arg8[%run_scoped3A_553, %dma_wait3A_713] : memref<40x128xi32, #tpu.memory_space<vmem>> -> memref<1x128xi32, #tpu.memory_space<vmem>>
      %dma_wait3A_715 = tpu.memref_squeeze %dma_wait3A_714 : memref<1x128xi32, #tpu.memory_space<vmem>> -> memref<128xi32, #tpu.memory_space<vmem>>
      %dma_wait3A_716 = arith.constant 0 : i32
      %dma_wait3A_717 = tpu.memref_slice %arg15[%dma_wait3A_716] : memref<10016xf32, #tpu.memory_space<vmem_shared>> -> memref<10016xf32, #tpu.memory_space<vmem_shared>>
      tpu.wait_indirect_dma semaphore(%run_scoped3A_707 : memref<!tpu.dma_semaphore, #tpu.memory_space<semaphore_mem>>) src(%arg12 : memref<128xf32, #tpu.memory_space<vmem>>) dst(%dma_wait3A_717 : memref<10016xf32, #tpu.memory_space<vmem_shared>>)
      tpu.yield
    }) : () -> ()
    %dma_wait3A_554 = arith.constant 30 : i32
    %dma_wait3A_555 = arith.constant 0 : i32
    %dma_wait3A_556 = tpu.memref_slice %arg7[%dma_wait3A_554, %dma_wait3A_555] : memref<40x128xi32, #tpu.memory_space<vmem>> -> memref<1x128xi32, #tpu.memory_space<vmem>>
    %dma_wait3A_557 = tpu.memref_squeeze %dma_wait3A_556 : memref<1x128xi32, #tpu.memory_space<vmem>> -> memref<128xi32, #tpu.memory_space<vmem>>
    %dma_wait3A_558 = arith.constant 0 : i32
    %dma_wait3A_559 = arith.constant 0 : i32
    %dma_wait3A_560 = tpu.memref_slice %arg4[%dma_wait3A_558, %dma_wait3A_559] : memref<10128x128xf32, #tpu.memory_space<hbm>> -> memref<10128x128xf32, #tpu.memory_space<hbm>>
    tpu.wait_indirect_dma semaphore(%arg16 : memref<!tpu.dma_semaphore, #tpu.memory_space<semaphore_mem>>) src(%dma_wait3A_560 : memref<10128x128xf32, #tpu.memory_space<hbm>>) dst(%arg9 : memref<128x128xf32, #tpu.memory_space<vmem>>)
    %run_scoped3A_561 = arith.constant 30 : i32
    "tpu.region"() ({
      %run_scoped3A_707 = tpu.sem_alloc : memref<!tpu.dma_semaphore, #tpu.memory_space<semaphore_mem>>
      %dma_start3A_708 = arith.constant 0 : i32
      %dma_start3A_709 = tpu.memref_slice %arg8[%run_scoped3A_561, %dma_start3A_708] : memref<40x128xi32, #tpu.memory_space<vmem>> -> memref<1x128xi32, #tpu.memory_space<vmem>>
      %dma_start3A_710 = tpu.memref_squeeze %dma_start3A_709 : memref<1x128xi32, #tpu.memory_space<vmem>> -> memref<128xi32, #tpu.memory_space<vmem>>
      %dma_start3A_711 = arith.constant 0 : i32
      %dma_start3A_712 = arith.constant 0 : i32
      %dma_start3A_713 = tpu.memref_slice %arg14[%dma_start3A_711, %dma_start3A_712] : memref<10008x128xf32, #tpu.memory_space<vmem_shared>> -> memref<10008x128xf32, #tpu.memory_space<vmem_shared>>
      tpu.enqueue_indirect_dma source(%arg9 : memref<128x128xf32, #tpu.memory_space<vmem>>) target(%dma_start3A_713 : memref<10008x128xf32, #tpu.memory_space<vmem_shared>>) offsets(%dma_start3A_710 : memref<128xi32, #tpu.memory_space<vmem>>) semaphore(%run_scoped3A_707 : memref<!tpu.dma_semaphore, #tpu.memory_space<semaphore_mem>>) {add = true}
      %dma_wait3A_714 = arith.constant 0 : i32
      %dma_wait3A_715 = tpu.memref_slice %arg8[%run_scoped3A_561, %dma_wait3A_714] : memref<40x128xi32, #tpu.memory_space<vmem>> -> memref<1x128xi32, #tpu.memory_space<vmem>>
      %dma_wait3A_716 = tpu.memref_squeeze %dma_wait3A_715 : memref<1x128xi32, #tpu.memory_space<vmem>> -> memref<128xi32, #tpu.memory_space<vmem>>
      %dma_wait3A_717 = arith.constant 0 : i32
      %dma_wait3A_718 = arith.constant 0 : i32
      %dma_wait3A_719 = tpu.memref_slice %arg14[%dma_wait3A_717, %dma_wait3A_718] : memref<10008x128xf32, #tpu.memory_space<vmem_shared>> -> memref<10008x128xf32, #tpu.memory_space<vmem_shared>>
      tpu.wait_indirect_dma semaphore(%run_scoped3A_707 : memref<!tpu.dma_semaphore, #tpu.memory_space<semaphore_mem>>) src(%arg9 : memref<128x128xf32, #tpu.memory_space<vmem>>) dst(%dma_wait3A_719 : memref<10008x128xf32, #tpu.memory_space<vmem_shared>>)
      tpu.yield
    }) : () -> ()
    %dma_start3A_562 = arith.constant 32 : i32
    %dma_start3A_563 = arith.constant 0 : i32
    %dma_start3A_564 = tpu.memref_slice %arg7[%dma_start3A_562, %dma_start3A_563] : memref<40x128xi32, #tpu.memory_space<vmem>> -> memref<1x128xi32, #tpu.memory_space<vmem>>
    %dma_start3A_565 = tpu.memref_squeeze %dma_start3A_564 : memref<1x128xi32, #tpu.memory_space<vmem>> -> memref<128xi32, #tpu.memory_space<vmem>>
    %dma_start3A_566 = arith.constant 0 : i32
    %dma_start3A_567 = arith.constant 0 : i32
    %dma_start3A_568 = tpu.memref_slice %arg4[%dma_start3A_566, %dma_start3A_567] : memref<10128x128xf32, #tpu.memory_space<hbm>> -> memref<10128x128xf32, #tpu.memory_space<hbm>>
    tpu.enqueue_indirect_dma source(%dma_start3A_568 : memref<10128x128xf32, #tpu.memory_space<hbm>>) target(%arg9 : memref<128x128xf32, #tpu.memory_space<vmem>>) offsets(%dma_start3A_565 : memref<128xi32, #tpu.memory_space<vmem>>) semaphore(%arg16 : memref<!tpu.dma_semaphore, #tpu.memory_space<semaphore_mem>>)
    %run_scoped3A_569 = arith.constant 31 : i32
    "tpu.region"() ({
      %run_scoped3A_707 = tpu.sem_alloc : memref<!tpu.dma_semaphore, #tpu.memory_space<semaphore_mem>>
      %dma_start3A_708 = arith.constant 0 : i32
      %dma_start3A_709 = tpu.memref_slice %arg8[%run_scoped3A_569, %dma_start3A_708] : memref<40x128xi32, #tpu.memory_space<vmem>> -> memref<1x128xi32, #tpu.memory_space<vmem>>
      %dma_start3A_710 = tpu.memref_squeeze %dma_start3A_709 : memref<1x128xi32, #tpu.memory_space<vmem>> -> memref<128xi32, #tpu.memory_space<vmem>>
      %dma_start3A_711 = arith.constant 0 : i32
      %dma_start3A_712 = tpu.memref_slice %arg15[%dma_start3A_711] : memref<10016xf32, #tpu.memory_space<vmem_shared>> -> memref<10016xf32, #tpu.memory_space<vmem_shared>>
      tpu.enqueue_indirect_dma source(%arg12 : memref<128xf32, #tpu.memory_space<vmem>>) target(%dma_start3A_712 : memref<10016xf32, #tpu.memory_space<vmem_shared>>) offsets(%dma_start3A_710 : memref<128xi32, #tpu.memory_space<vmem>>) semaphore(%run_scoped3A_707 : memref<!tpu.dma_semaphore, #tpu.memory_space<semaphore_mem>>) {add = true}
      %dma_wait3A_713 = arith.constant 0 : i32
      %dma_wait3A_714 = tpu.memref_slice %arg8[%run_scoped3A_569, %dma_wait3A_713] : memref<40x128xi32, #tpu.memory_space<vmem>> -> memref<1x128xi32, #tpu.memory_space<vmem>>
      %dma_wait3A_715 = tpu.memref_squeeze %dma_wait3A_714 : memref<1x128xi32, #tpu.memory_space<vmem>> -> memref<128xi32, #tpu.memory_space<vmem>>
      %dma_wait3A_716 = arith.constant 0 : i32
      %dma_wait3A_717 = tpu.memref_slice %arg15[%dma_wait3A_716] : memref<10016xf32, #tpu.memory_space<vmem_shared>> -> memref<10016xf32, #tpu.memory_space<vmem_shared>>
      tpu.wait_indirect_dma semaphore(%run_scoped3A_707 : memref<!tpu.dma_semaphore, #tpu.memory_space<semaphore_mem>>) src(%arg12 : memref<128xf32, #tpu.memory_space<vmem>>) dst(%dma_wait3A_717 : memref<10016xf32, #tpu.memory_space<vmem_shared>>)
      tpu.yield
    }) : () -> ()
    %dma_wait3A_570 = arith.constant 31 : i32
    %dma_wait3A_571 = arith.constant 0 : i32
    %dma_wait3A_572 = tpu.memref_slice %arg7[%dma_wait3A_570, %dma_wait3A_571] : memref<40x128xi32, #tpu.memory_space<vmem>> -> memref<1x128xi32, #tpu.memory_space<vmem>>
    %dma_wait3A_573 = tpu.memref_squeeze %dma_wait3A_572 : memref<1x128xi32, #tpu.memory_space<vmem>> -> memref<128xi32, #tpu.memory_space<vmem>>
    %dma_wait3A_574 = arith.constant 0 : i32
    %dma_wait3A_575 = arith.constant 0 : i32
    %dma_wait3A_576 = tpu.memref_slice %arg4[%dma_wait3A_574, %dma_wait3A_575] : memref<10128x128xf32, #tpu.memory_space<hbm>> -> memref<10128x128xf32, #tpu.memory_space<hbm>>
    tpu.wait_indirect_dma semaphore(%arg17 : memref<!tpu.dma_semaphore, #tpu.memory_space<semaphore_mem>>) src(%dma_wait3A_576 : memref<10128x128xf32, #tpu.memory_space<hbm>>) dst(%arg10 : memref<128x128xf32, #tpu.memory_space<vmem>>)
    %run_scoped3A_577 = arith.constant 31 : i32
    "tpu.region"() ({
      %run_scoped3A_707 = tpu.sem_alloc : memref<!tpu.dma_semaphore, #tpu.memory_space<semaphore_mem>>
      %dma_start3A_708 = arith.constant 0 : i32
      %dma_start3A_709 = tpu.memref_slice %arg8[%run_scoped3A_577, %dma_start3A_708] : memref<40x128xi32, #tpu.memory_space<vmem>> -> memref<1x128xi32, #tpu.memory_space<vmem>>
      %dma_start3A_710 = tpu.memref_squeeze %dma_start3A_709 : memref<1x128xi32, #tpu.memory_space<vmem>> -> memref<128xi32, #tpu.memory_space<vmem>>
      %dma_start3A_711 = arith.constant 0 : i32
      %dma_start3A_712 = arith.constant 0 : i32
      %dma_start3A_713 = tpu.memref_slice %arg14[%dma_start3A_711, %dma_start3A_712] : memref<10008x128xf32, #tpu.memory_space<vmem_shared>> -> memref<10008x128xf32, #tpu.memory_space<vmem_shared>>
      tpu.enqueue_indirect_dma source(%arg10 : memref<128x128xf32, #tpu.memory_space<vmem>>) target(%dma_start3A_713 : memref<10008x128xf32, #tpu.memory_space<vmem_shared>>) offsets(%dma_start3A_710 : memref<128xi32, #tpu.memory_space<vmem>>) semaphore(%run_scoped3A_707 : memref<!tpu.dma_semaphore, #tpu.memory_space<semaphore_mem>>) {add = true}
      %dma_wait3A_714 = arith.constant 0 : i32
      %dma_wait3A_715 = tpu.memref_slice %arg8[%run_scoped3A_577, %dma_wait3A_714] : memref<40x128xi32, #tpu.memory_space<vmem>> -> memref<1x128xi32, #tpu.memory_space<vmem>>
      %dma_wait3A_716 = tpu.memref_squeeze %dma_wait3A_715 : memref<1x128xi32, #tpu.memory_space<vmem>> -> memref<128xi32, #tpu.memory_space<vmem>>
      %dma_wait3A_717 = arith.constant 0 : i32
      %dma_wait3A_718 = arith.constant 0 : i32
      %dma_wait3A_719 = tpu.memref_slice %arg14[%dma_wait3A_717, %dma_wait3A_718] : memref<10008x128xf32, #tpu.memory_space<vmem_shared>> -> memref<10008x128xf32, #tpu.memory_space<vmem_shared>>
      tpu.wait_indirect_dma semaphore(%run_scoped3A_707 : memref<!tpu.dma_semaphore, #tpu.memory_space<semaphore_mem>>) src(%arg10 : memref<128x128xf32, #tpu.memory_space<vmem>>) dst(%dma_wait3A_719 : memref<10008x128xf32, #tpu.memory_space<vmem_shared>>)
      tpu.yield
    }) : () -> ()
    %dma_start3A_578 = arith.constant 33 : i32
    %dma_start3A_579 = arith.constant 0 : i32
    %dma_start3A_580 = tpu.memref_slice %arg7[%dma_start3A_578, %dma_start3A_579] : memref<40x128xi32, #tpu.memory_space<vmem>> -> memref<1x128xi32, #tpu.memory_space<vmem>>
    %dma_start3A_581 = tpu.memref_squeeze %dma_start3A_580 : memref<1x128xi32, #tpu.memory_space<vmem>> -> memref<128xi32, #tpu.memory_space<vmem>>
    %dma_start3A_582 = arith.constant 0 : i32
    %dma_start3A_583 = arith.constant 0 : i32
    %dma_start3A_584 = tpu.memref_slice %arg4[%dma_start3A_582, %dma_start3A_583] : memref<10128x128xf32, #tpu.memory_space<hbm>> -> memref<10128x128xf32, #tpu.memory_space<hbm>>
    tpu.enqueue_indirect_dma source(%dma_start3A_584 : memref<10128x128xf32, #tpu.memory_space<hbm>>) target(%arg10 : memref<128x128xf32, #tpu.memory_space<vmem>>) offsets(%dma_start3A_581 : memref<128xi32, #tpu.memory_space<vmem>>) semaphore(%arg17 : memref<!tpu.dma_semaphore, #tpu.memory_space<semaphore_mem>>)
    %run_scoped3A_585 = arith.constant 32 : i32
    "tpu.region"() ({
      %run_scoped3A_707 = tpu.sem_alloc : memref<!tpu.dma_semaphore, #tpu.memory_space<semaphore_mem>>
      %dma_start3A_708 = arith.constant 0 : i32
      %dma_start3A_709 = tpu.memref_slice %arg8[%run_scoped3A_585, %dma_start3A_708] : memref<40x128xi32, #tpu.memory_space<vmem>> -> memref<1x128xi32, #tpu.memory_space<vmem>>
      %dma_start3A_710 = tpu.memref_squeeze %dma_start3A_709 : memref<1x128xi32, #tpu.memory_space<vmem>> -> memref<128xi32, #tpu.memory_space<vmem>>
      %dma_start3A_711 = arith.constant 0 : i32
      %dma_start3A_712 = tpu.memref_slice %arg15[%dma_start3A_711] : memref<10016xf32, #tpu.memory_space<vmem_shared>> -> memref<10016xf32, #tpu.memory_space<vmem_shared>>
      tpu.enqueue_indirect_dma source(%arg12 : memref<128xf32, #tpu.memory_space<vmem>>) target(%dma_start3A_712 : memref<10016xf32, #tpu.memory_space<vmem_shared>>) offsets(%dma_start3A_710 : memref<128xi32, #tpu.memory_space<vmem>>) semaphore(%run_scoped3A_707 : memref<!tpu.dma_semaphore, #tpu.memory_space<semaphore_mem>>) {add = true}
      %dma_wait3A_713 = arith.constant 0 : i32
      %dma_wait3A_714 = tpu.memref_slice %arg8[%run_scoped3A_585, %dma_wait3A_713] : memref<40x128xi32, #tpu.memory_space<vmem>> -> memref<1x128xi32, #tpu.memory_space<vmem>>
      %dma_wait3A_715 = tpu.memref_squeeze %dma_wait3A_714 : memref<1x128xi32, #tpu.memory_space<vmem>> -> memref<128xi32, #tpu.memory_space<vmem>>
      %dma_wait3A_716 = arith.constant 0 : i32
      %dma_wait3A_717 = tpu.memref_slice %arg15[%dma_wait3A_716] : memref<10016xf32, #tpu.memory_space<vmem_shared>> -> memref<10016xf32, #tpu.memory_space<vmem_shared>>
      tpu.wait_indirect_dma semaphore(%run_scoped3A_707 : memref<!tpu.dma_semaphore, #tpu.memory_space<semaphore_mem>>) src(%arg12 : memref<128xf32, #tpu.memory_space<vmem>>) dst(%dma_wait3A_717 : memref<10016xf32, #tpu.memory_space<vmem_shared>>)
      tpu.yield
    }) : () -> ()
    %dma_wait3A_586 = arith.constant 32 : i32
    %dma_wait3A_587 = arith.constant 0 : i32
    %dma_wait3A_588 = tpu.memref_slice %arg7[%dma_wait3A_586, %dma_wait3A_587] : memref<40x128xi32, #tpu.memory_space<vmem>> -> memref<1x128xi32, #tpu.memory_space<vmem>>
    %dma_wait3A_589 = tpu.memref_squeeze %dma_wait3A_588 : memref<1x128xi32, #tpu.memory_space<vmem>> -> memref<128xi32, #tpu.memory_space<vmem>>
    %dma_wait3A_590 = arith.constant 0 : i32
    %dma_wait3A_591 = arith.constant 0 : i32
    %dma_wait3A_592 = tpu.memref_slice %arg4[%dma_wait3A_590, %dma_wait3A_591] : memref<10128x128xf32, #tpu.memory_space<hbm>> -> memref<10128x128xf32, #tpu.memory_space<hbm>>
    tpu.wait_indirect_dma semaphore(%arg16 : memref<!tpu.dma_semaphore, #tpu.memory_space<semaphore_mem>>) src(%dma_wait3A_592 : memref<10128x128xf32, #tpu.memory_space<hbm>>) dst(%arg9 : memref<128x128xf32, #tpu.memory_space<vmem>>)
    %run_scoped3A_593 = arith.constant 32 : i32
    "tpu.region"() ({
      %run_scoped3A_707 = tpu.sem_alloc : memref<!tpu.dma_semaphore, #tpu.memory_space<semaphore_mem>>
      %dma_start3A_708 = arith.constant 0 : i32
      %dma_start3A_709 = tpu.memref_slice %arg8[%run_scoped3A_593, %dma_start3A_708] : memref<40x128xi32, #tpu.memory_space<vmem>> -> memref<1x128xi32, #tpu.memory_space<vmem>>
      %dma_start3A_710 = tpu.memref_squeeze %dma_start3A_709 : memref<1x128xi32, #tpu.memory_space<vmem>> -> memref<128xi32, #tpu.memory_space<vmem>>
      %dma_start3A_711 = arith.constant 0 : i32
      %dma_start3A_712 = arith.constant 0 : i32
      %dma_start3A_713 = tpu.memref_slice %arg14[%dma_start3A_711, %dma_start3A_712] : memref<10008x128xf32, #tpu.memory_space<vmem_shared>> -> memref<10008x128xf32, #tpu.memory_space<vmem_shared>>
      tpu.enqueue_indirect_dma source(%arg9 : memref<128x128xf32, #tpu.memory_space<vmem>>) target(%dma_start3A_713 : memref<10008x128xf32, #tpu.memory_space<vmem_shared>>) offsets(%dma_start3A_710 : memref<128xi32, #tpu.memory_space<vmem>>) semaphore(%run_scoped3A_707 : memref<!tpu.dma_semaphore, #tpu.memory_space<semaphore_mem>>) {add = true}
      %dma_wait3A_714 = arith.constant 0 : i32
      %dma_wait3A_715 = tpu.memref_slice %arg8[%run_scoped3A_593, %dma_wait3A_714] : memref<40x128xi32, #tpu.memory_space<vmem>> -> memref<1x128xi32, #tpu.memory_space<vmem>>
      %dma_wait3A_716 = tpu.memref_squeeze %dma_wait3A_715 : memref<1x128xi32, #tpu.memory_space<vmem>> -> memref<128xi32, #tpu.memory_space<vmem>>
      %dma_wait3A_717 = arith.constant 0 : i32
      %dma_wait3A_718 = arith.constant 0 : i32
      %dma_wait3A_719 = tpu.memref_slice %arg14[%dma_wait3A_717, %dma_wait3A_718] : memref<10008x128xf32, #tpu.memory_space<vmem_shared>> -> memref<10008x128xf32, #tpu.memory_space<vmem_shared>>
      tpu.wait_indirect_dma semaphore(%run_scoped3A_707 : memref<!tpu.dma_semaphore, #tpu.memory_space<semaphore_mem>>) src(%arg9 : memref<128x128xf32, #tpu.memory_space<vmem>>) dst(%dma_wait3A_719 : memref<10008x128xf32, #tpu.memory_space<vmem_shared>>)
      tpu.yield
    }) : () -> ()
    %dma_start3A_594 = arith.constant 34 : i32
    %dma_start3A_595 = arith.constant 0 : i32
    %dma_start3A_596 = tpu.memref_slice %arg7[%dma_start3A_594, %dma_start3A_595] : memref<40x128xi32, #tpu.memory_space<vmem>> -> memref<1x128xi32, #tpu.memory_space<vmem>>
    %dma_start3A_597 = tpu.memref_squeeze %dma_start3A_596 : memref<1x128xi32, #tpu.memory_space<vmem>> -> memref<128xi32, #tpu.memory_space<vmem>>
    %dma_start3A_598 = arith.constant 0 : i32
    %dma_start3A_599 = arith.constant 0 : i32
    %dma_start3A_600 = tpu.memref_slice %arg4[%dma_start3A_598, %dma_start3A_599] : memref<10128x128xf32, #tpu.memory_space<hbm>> -> memref<10128x128xf32, #tpu.memory_space<hbm>>
    tpu.enqueue_indirect_dma source(%dma_start3A_600 : memref<10128x128xf32, #tpu.memory_space<hbm>>) target(%arg9 : memref<128x128xf32, #tpu.memory_space<vmem>>) offsets(%dma_start3A_597 : memref<128xi32, #tpu.memory_space<vmem>>) semaphore(%arg16 : memref<!tpu.dma_semaphore, #tpu.memory_space<semaphore_mem>>)
    %run_scoped3A_601 = arith.constant 33 : i32
    "tpu.region"() ({
      %run_scoped3A_707 = tpu.sem_alloc : memref<!tpu.dma_semaphore, #tpu.memory_space<semaphore_mem>>
      %dma_start3A_708 = arith.constant 0 : i32
      %dma_start3A_709 = tpu.memref_slice %arg8[%run_scoped3A_601, %dma_start3A_708] : memref<40x128xi32, #tpu.memory_space<vmem>> -> memref<1x128xi32, #tpu.memory_space<vmem>>
      %dma_start3A_710 = tpu.memref_squeeze %dma_start3A_709 : memref<1x128xi32, #tpu.memory_space<vmem>> -> memref<128xi32, #tpu.memory_space<vmem>>
      %dma_start3A_711 = arith.constant 0 : i32
      %dma_start3A_712 = tpu.memref_slice %arg15[%dma_start3A_711] : memref<10016xf32, #tpu.memory_space<vmem_shared>> -> memref<10016xf32, #tpu.memory_space<vmem_shared>>
      tpu.enqueue_indirect_dma source(%arg12 : memref<128xf32, #tpu.memory_space<vmem>>) target(%dma_start3A_712 : memref<10016xf32, #tpu.memory_space<vmem_shared>>) offsets(%dma_start3A_710 : memref<128xi32, #tpu.memory_space<vmem>>) semaphore(%run_scoped3A_707 : memref<!tpu.dma_semaphore, #tpu.memory_space<semaphore_mem>>) {add = true}
      %dma_wait3A_713 = arith.constant 0 : i32
      %dma_wait3A_714 = tpu.memref_slice %arg8[%run_scoped3A_601, %dma_wait3A_713] : memref<40x128xi32, #tpu.memory_space<vmem>> -> memref<1x128xi32, #tpu.memory_space<vmem>>
      %dma_wait3A_715 = tpu.memref_squeeze %dma_wait3A_714 : memref<1x128xi32, #tpu.memory_space<vmem>> -> memref<128xi32, #tpu.memory_space<vmem>>
      %dma_wait3A_716 = arith.constant 0 : i32
      %dma_wait3A_717 = tpu.memref_slice %arg15[%dma_wait3A_716] : memref<10016xf32, #tpu.memory_space<vmem_shared>> -> memref<10016xf32, #tpu.memory_space<vmem_shared>>
      tpu.wait_indirect_dma semaphore(%run_scoped3A_707 : memref<!tpu.dma_semaphore, #tpu.memory_space<semaphore_mem>>) src(%arg12 : memref<128xf32, #tpu.memory_space<vmem>>) dst(%dma_wait3A_717 : memref<10016xf32, #tpu.memory_space<vmem_shared>>)
      tpu.yield
    }) : () -> ()
    %dma_wait3A_602 = arith.constant 33 : i32
    %dma_wait3A_603 = arith.constant 0 : i32
    %dma_wait3A_604 = tpu.memref_slice %arg7[%dma_wait3A_602, %dma_wait3A_603] : memref<40x128xi32, #tpu.memory_space<vmem>> -> memref<1x128xi32, #tpu.memory_space<vmem>>
    %dma_wait3A_605 = tpu.memref_squeeze %dma_wait3A_604 : memref<1x128xi32, #tpu.memory_space<vmem>> -> memref<128xi32, #tpu.memory_space<vmem>>
    %dma_wait3A_606 = arith.constant 0 : i32
    %dma_wait3A_607 = arith.constant 0 : i32
    %dma_wait3A_608 = tpu.memref_slice %arg4[%dma_wait3A_606, %dma_wait3A_607] : memref<10128x128xf32, #tpu.memory_space<hbm>> -> memref<10128x128xf32, #tpu.memory_space<hbm>>
    tpu.wait_indirect_dma semaphore(%arg17 : memref<!tpu.dma_semaphore, #tpu.memory_space<semaphore_mem>>) src(%dma_wait3A_608 : memref<10128x128xf32, #tpu.memory_space<hbm>>) dst(%arg10 : memref<128x128xf32, #tpu.memory_space<vmem>>)
    %run_scoped3A_609 = arith.constant 33 : i32
    "tpu.region"() ({
      %run_scoped3A_707 = tpu.sem_alloc : memref<!tpu.dma_semaphore, #tpu.memory_space<semaphore_mem>>
      %dma_start3A_708 = arith.constant 0 : i32
      %dma_start3A_709 = tpu.memref_slice %arg8[%run_scoped3A_609, %dma_start3A_708] : memref<40x128xi32, #tpu.memory_space<vmem>> -> memref<1x128xi32, #tpu.memory_space<vmem>>
      %dma_start3A_710 = tpu.memref_squeeze %dma_start3A_709 : memref<1x128xi32, #tpu.memory_space<vmem>> -> memref<128xi32, #tpu.memory_space<vmem>>
      %dma_start3A_711 = arith.constant 0 : i32
      %dma_start3A_712 = arith.constant 0 : i32
      %dma_start3A_713 = tpu.memref_slice %arg14[%dma_start3A_711, %dma_start3A_712] : memref<10008x128xf32, #tpu.memory_space<vmem_shared>> -> memref<10008x128xf32, #tpu.memory_space<vmem_shared>>
      tpu.enqueue_indirect_dma source(%arg10 : memref<128x128xf32, #tpu.memory_space<vmem>>) target(%dma_start3A_713 : memref<10008x128xf32, #tpu.memory_space<vmem_shared>>) offsets(%dma_start3A_710 : memref<128xi32, #tpu.memory_space<vmem>>) semaphore(%run_scoped3A_707 : memref<!tpu.dma_semaphore, #tpu.memory_space<semaphore_mem>>) {add = true}
      %dma_wait3A_714 = arith.constant 0 : i32
      %dma_wait3A_715 = tpu.memref_slice %arg8[%run_scoped3A_609, %dma_wait3A_714] : memref<40x128xi32, #tpu.memory_space<vmem>> -> memref<1x128xi32, #tpu.memory_space<vmem>>
      %dma_wait3A_716 = tpu.memref_squeeze %dma_wait3A_715 : memref<1x128xi32, #tpu.memory_space<vmem>> -> memref<128xi32, #tpu.memory_space<vmem>>
      %dma_wait3A_717 = arith.constant 0 : i32
      %dma_wait3A_718 = arith.constant 0 : i32
      %dma_wait3A_719 = tpu.memref_slice %arg14[%dma_wait3A_717, %dma_wait3A_718] : memref<10008x128xf32, #tpu.memory_space<vmem_shared>> -> memref<10008x128xf32, #tpu.memory_space<vmem_shared>>
      tpu.wait_indirect_dma semaphore(%run_scoped3A_707 : memref<!tpu.dma_semaphore, #tpu.memory_space<semaphore_mem>>) src(%arg10 : memref<128x128xf32, #tpu.memory_space<vmem>>) dst(%dma_wait3A_719 : memref<10008x128xf32, #tpu.memory_space<vmem_shared>>)
      tpu.yield
    }) : () -> ()
    %dma_start3A_610 = arith.constant 35 : i32
    %dma_start3A_611 = arith.constant 0 : i32
    %dma_start3A_612 = tpu.memref_slice %arg7[%dma_start3A_610, %dma_start3A_611] : memref<40x128xi32, #tpu.memory_space<vmem>> -> memref<1x128xi32, #tpu.memory_space<vmem>>
    %dma_start3A_613 = tpu.memref_squeeze %dma_start3A_612 : memref<1x128xi32, #tpu.memory_space<vmem>> -> memref<128xi32, #tpu.memory_space<vmem>>
    %dma_start3A_614 = arith.constant 0 : i32
    %dma_start3A_615 = arith.constant 0 : i32
    %dma_start3A_616 = tpu.memref_slice %arg4[%dma_start3A_614, %dma_start3A_615] : memref<10128x128xf32, #tpu.memory_space<hbm>> -> memref<10128x128xf32, #tpu.memory_space<hbm>>
    tpu.enqueue_indirect_dma source(%dma_start3A_616 : memref<10128x128xf32, #tpu.memory_space<hbm>>) target(%arg10 : memref<128x128xf32, #tpu.memory_space<vmem>>) offsets(%dma_start3A_613 : memref<128xi32, #tpu.memory_space<vmem>>) semaphore(%arg17 : memref<!tpu.dma_semaphore, #tpu.memory_space<semaphore_mem>>)
    %run_scoped3A_617 = arith.constant 34 : i32
    "tpu.region"() ({
      %run_scoped3A_707 = tpu.sem_alloc : memref<!tpu.dma_semaphore, #tpu.memory_space<semaphore_mem>>
      %dma_start3A_708 = arith.constant 0 : i32
      %dma_start3A_709 = tpu.memref_slice %arg8[%run_scoped3A_617, %dma_start3A_708] : memref<40x128xi32, #tpu.memory_space<vmem>> -> memref<1x128xi32, #tpu.memory_space<vmem>>
      %dma_start3A_710 = tpu.memref_squeeze %dma_start3A_709 : memref<1x128xi32, #tpu.memory_space<vmem>> -> memref<128xi32, #tpu.memory_space<vmem>>
      %dma_start3A_711 = arith.constant 0 : i32
      %dma_start3A_712 = tpu.memref_slice %arg15[%dma_start3A_711] : memref<10016xf32, #tpu.memory_space<vmem_shared>> -> memref<10016xf32, #tpu.memory_space<vmem_shared>>
      tpu.enqueue_indirect_dma source(%arg12 : memref<128xf32, #tpu.memory_space<vmem>>) target(%dma_start3A_712 : memref<10016xf32, #tpu.memory_space<vmem_shared>>) offsets(%dma_start3A_710 : memref<128xi32, #tpu.memory_space<vmem>>) semaphore(%run_scoped3A_707 : memref<!tpu.dma_semaphore, #tpu.memory_space<semaphore_mem>>) {add = true}
      %dma_wait3A_713 = arith.constant 0 : i32
      %dma_wait3A_714 = tpu.memref_slice %arg8[%run_scoped3A_617, %dma_wait3A_713] : memref<40x128xi32, #tpu.memory_space<vmem>> -> memref<1x128xi32, #tpu.memory_space<vmem>>
      %dma_wait3A_715 = tpu.memref_squeeze %dma_wait3A_714 : memref<1x128xi32, #tpu.memory_space<vmem>> -> memref<128xi32, #tpu.memory_space<vmem>>
      %dma_wait3A_716 = arith.constant 0 : i32
      %dma_wait3A_717 = tpu.memref_slice %arg15[%dma_wait3A_716] : memref<10016xf32, #tpu.memory_space<vmem_shared>> -> memref<10016xf32, #tpu.memory_space<vmem_shared>>
      tpu.wait_indirect_dma semaphore(%run_scoped3A_707 : memref<!tpu.dma_semaphore, #tpu.memory_space<semaphore_mem>>) src(%arg12 : memref<128xf32, #tpu.memory_space<vmem>>) dst(%dma_wait3A_717 : memref<10016xf32, #tpu.memory_space<vmem_shared>>)
      tpu.yield
    }) : () -> ()
    %dma_wait3A_618 = arith.constant 34 : i32
    %dma_wait3A_619 = arith.constant 0 : i32
    %dma_wait3A_620 = tpu.memref_slice %arg7[%dma_wait3A_618, %dma_wait3A_619] : memref<40x128xi32, #tpu.memory_space<vmem>> -> memref<1x128xi32, #tpu.memory_space<vmem>>
    %dma_wait3A_621 = tpu.memref_squeeze %dma_wait3A_620 : memref<1x128xi32, #tpu.memory_space<vmem>> -> memref<128xi32, #tpu.memory_space<vmem>>
    %dma_wait3A_622 = arith.constant 0 : i32
    %dma_wait3A_623 = arith.constant 0 : i32
    %dma_wait3A_624 = tpu.memref_slice %arg4[%dma_wait3A_622, %dma_wait3A_623] : memref<10128x128xf32, #tpu.memory_space<hbm>> -> memref<10128x128xf32, #tpu.memory_space<hbm>>
    tpu.wait_indirect_dma semaphore(%arg16 : memref<!tpu.dma_semaphore, #tpu.memory_space<semaphore_mem>>) src(%dma_wait3A_624 : memref<10128x128xf32, #tpu.memory_space<hbm>>) dst(%arg9 : memref<128x128xf32, #tpu.memory_space<vmem>>)
    %run_scoped3A_625 = arith.constant 34 : i32
    "tpu.region"() ({
      %run_scoped3A_707 = tpu.sem_alloc : memref<!tpu.dma_semaphore, #tpu.memory_space<semaphore_mem>>
      %dma_start3A_708 = arith.constant 0 : i32
      %dma_start3A_709 = tpu.memref_slice %arg8[%run_scoped3A_625, %dma_start3A_708] : memref<40x128xi32, #tpu.memory_space<vmem>> -> memref<1x128xi32, #tpu.memory_space<vmem>>
      %dma_start3A_710 = tpu.memref_squeeze %dma_start3A_709 : memref<1x128xi32, #tpu.memory_space<vmem>> -> memref<128xi32, #tpu.memory_space<vmem>>
      %dma_start3A_711 = arith.constant 0 : i32
      %dma_start3A_712 = arith.constant 0 : i32
      %dma_start3A_713 = tpu.memref_slice %arg14[%dma_start3A_711, %dma_start3A_712] : memref<10008x128xf32, #tpu.memory_space<vmem_shared>> -> memref<10008x128xf32, #tpu.memory_space<vmem_shared>>
      tpu.enqueue_indirect_dma source(%arg9 : memref<128x128xf32, #tpu.memory_space<vmem>>) target(%dma_start3A_713 : memref<10008x128xf32, #tpu.memory_space<vmem_shared>>) offsets(%dma_start3A_710 : memref<128xi32, #tpu.memory_space<vmem>>) semaphore(%run_scoped3A_707 : memref<!tpu.dma_semaphore, #tpu.memory_space<semaphore_mem>>) {add = true}
      %dma_wait3A_714 = arith.constant 0 : i32
      %dma_wait3A_715 = tpu.memref_slice %arg8[%run_scoped3A_625, %dma_wait3A_714] : memref<40x128xi32, #tpu.memory_space<vmem>> -> memref<1x128xi32, #tpu.memory_space<vmem>>
      %dma_wait3A_716 = tpu.memref_squeeze %dma_wait3A_715 : memref<1x128xi32, #tpu.memory_space<vmem>> -> memref<128xi32, #tpu.memory_space<vmem>>
      %dma_wait3A_717 = arith.constant 0 : i32
      %dma_wait3A_718 = arith.constant 0 : i32
      %dma_wait3A_719 = tpu.memref_slice %arg14[%dma_wait3A_717, %dma_wait3A_718] : memref<10008x128xf32, #tpu.memory_space<vmem_shared>> -> memref<10008x128xf32, #tpu.memory_space<vmem_shared>>
      tpu.wait_indirect_dma semaphore(%run_scoped3A_707 : memref<!tpu.dma_semaphore, #tpu.memory_space<semaphore_mem>>) src(%arg9 : memref<128x128xf32, #tpu.memory_space<vmem>>) dst(%dma_wait3A_719 : memref<10008x128xf32, #tpu.memory_space<vmem_shared>>)
      tpu.yield
    }) : () -> ()
    %dma_start3A_626 = arith.constant 36 : i32
    %dma_start3A_627 = arith.constant 0 : i32
    %dma_start3A_628 = tpu.memref_slice %arg7[%dma_start3A_626, %dma_start3A_627] : memref<40x128xi32, #tpu.memory_space<vmem>> -> memref<1x128xi32, #tpu.memory_space<vmem>>
    %dma_start3A_629 = tpu.memref_squeeze %dma_start3A_628 : memref<1x128xi32, #tpu.memory_space<vmem>> -> memref<128xi32, #tpu.memory_space<vmem>>
    %dma_start3A_630 = arith.constant 0 : i32
    %dma_start3A_631 = arith.constant 0 : i32
    %dma_start3A_632 = tpu.memref_slice %arg4[%dma_start3A_630, %dma_start3A_631] : memref<10128x128xf32, #tpu.memory_space<hbm>> -> memref<10128x128xf32, #tpu.memory_space<hbm>>
    tpu.enqueue_indirect_dma source(%dma_start3A_632 : memref<10128x128xf32, #tpu.memory_space<hbm>>) target(%arg9 : memref<128x128xf32, #tpu.memory_space<vmem>>) offsets(%dma_start3A_629 : memref<128xi32, #tpu.memory_space<vmem>>) semaphore(%arg16 : memref<!tpu.dma_semaphore, #tpu.memory_space<semaphore_mem>>)
    %run_scoped3A_633 = arith.constant 35 : i32
    "tpu.region"() ({
      %run_scoped3A_707 = tpu.sem_alloc : memref<!tpu.dma_semaphore, #tpu.memory_space<semaphore_mem>>
      %dma_start3A_708 = arith.constant 0 : i32
      %dma_start3A_709 = tpu.memref_slice %arg8[%run_scoped3A_633, %dma_start3A_708] : memref<40x128xi32, #tpu.memory_space<vmem>> -> memref<1x128xi32, #tpu.memory_space<vmem>>
      %dma_start3A_710 = tpu.memref_squeeze %dma_start3A_709 : memref<1x128xi32, #tpu.memory_space<vmem>> -> memref<128xi32, #tpu.memory_space<vmem>>
      %dma_start3A_711 = arith.constant 0 : i32
      %dma_start3A_712 = tpu.memref_slice %arg15[%dma_start3A_711] : memref<10016xf32, #tpu.memory_space<vmem_shared>> -> memref<10016xf32, #tpu.memory_space<vmem_shared>>
      tpu.enqueue_indirect_dma source(%arg12 : memref<128xf32, #tpu.memory_space<vmem>>) target(%dma_start3A_712 : memref<10016xf32, #tpu.memory_space<vmem_shared>>) offsets(%dma_start3A_710 : memref<128xi32, #tpu.memory_space<vmem>>) semaphore(%run_scoped3A_707 : memref<!tpu.dma_semaphore, #tpu.memory_space<semaphore_mem>>) {add = true}
      %dma_wait3A_713 = arith.constant 0 : i32
      %dma_wait3A_714 = tpu.memref_slice %arg8[%run_scoped3A_633, %dma_wait3A_713] : memref<40x128xi32, #tpu.memory_space<vmem>> -> memref<1x128xi32, #tpu.memory_space<vmem>>
      %dma_wait3A_715 = tpu.memref_squeeze %dma_wait3A_714 : memref<1x128xi32, #tpu.memory_space<vmem>> -> memref<128xi32, #tpu.memory_space<vmem>>
      %dma_wait3A_716 = arith.constant 0 : i32
      %dma_wait3A_717 = tpu.memref_slice %arg15[%dma_wait3A_716] : memref<10016xf32, #tpu.memory_space<vmem_shared>> -> memref<10016xf32, #tpu.memory_space<vmem_shared>>
      tpu.wait_indirect_dma semaphore(%run_scoped3A_707 : memref<!tpu.dma_semaphore, #tpu.memory_space<semaphore_mem>>) src(%arg12 : memref<128xf32, #tpu.memory_space<vmem>>) dst(%dma_wait3A_717 : memref<10016xf32, #tpu.memory_space<vmem_shared>>)
      tpu.yield
    }) : () -> ()
    %dma_wait3A_634 = arith.constant 35 : i32
    %dma_wait3A_635 = arith.constant 0 : i32
    %dma_wait3A_636 = tpu.memref_slice %arg7[%dma_wait3A_634, %dma_wait3A_635] : memref<40x128xi32, #tpu.memory_space<vmem>> -> memref<1x128xi32, #tpu.memory_space<vmem>>
    %dma_wait3A_637 = tpu.memref_squeeze %dma_wait3A_636 : memref<1x128xi32, #tpu.memory_space<vmem>> -> memref<128xi32, #tpu.memory_space<vmem>>
    %dma_wait3A_638 = arith.constant 0 : i32
    %dma_wait3A_639 = arith.constant 0 : i32
    %dma_wait3A_640 = tpu.memref_slice %arg4[%dma_wait3A_638, %dma_wait3A_639] : memref<10128x128xf32, #tpu.memory_space<hbm>> -> memref<10128x128xf32, #tpu.memory_space<hbm>>
    tpu.wait_indirect_dma semaphore(%arg17 : memref<!tpu.dma_semaphore, #tpu.memory_space<semaphore_mem>>) src(%dma_wait3A_640 : memref<10128x128xf32, #tpu.memory_space<hbm>>) dst(%arg10 : memref<128x128xf32, #tpu.memory_space<vmem>>)
    %run_scoped3A_641 = arith.constant 35 : i32
    "tpu.region"() ({
      %run_scoped3A_707 = tpu.sem_alloc : memref<!tpu.dma_semaphore, #tpu.memory_space<semaphore_mem>>
      %dma_start3A_708 = arith.constant 0 : i32
      %dma_start3A_709 = tpu.memref_slice %arg8[%run_scoped3A_641, %dma_start3A_708] : memref<40x128xi32, #tpu.memory_space<vmem>> -> memref<1x128xi32, #tpu.memory_space<vmem>>
      %dma_start3A_710 = tpu.memref_squeeze %dma_start3A_709 : memref<1x128xi32, #tpu.memory_space<vmem>> -> memref<128xi32, #tpu.memory_space<vmem>>
      %dma_start3A_711 = arith.constant 0 : i32
      %dma_start3A_712 = arith.constant 0 : i32
      %dma_start3A_713 = tpu.memref_slice %arg14[%dma_start3A_711, %dma_start3A_712] : memref<10008x128xf32, #tpu.memory_space<vmem_shared>> -> memref<10008x128xf32, #tpu.memory_space<vmem_shared>>
      tpu.enqueue_indirect_dma source(%arg10 : memref<128x128xf32, #tpu.memory_space<vmem>>) target(%dma_start3A_713 : memref<10008x128xf32, #tpu.memory_space<vmem_shared>>) offsets(%dma_start3A_710 : memref<128xi32, #tpu.memory_space<vmem>>) semaphore(%run_scoped3A_707 : memref<!tpu.dma_semaphore, #tpu.memory_space<semaphore_mem>>) {add = true}
      %dma_wait3A_714 = arith.constant 0 : i32
      %dma_wait3A_715 = tpu.memref_slice %arg8[%run_scoped3A_641, %dma_wait3A_714] : memref<40x128xi32, #tpu.memory_space<vmem>> -> memref<1x128xi32, #tpu.memory_space<vmem>>
      %dma_wait3A_716 = tpu.memref_squeeze %dma_wait3A_715 : memref<1x128xi32, #tpu.memory_space<vmem>> -> memref<128xi32, #tpu.memory_space<vmem>>
      %dma_wait3A_717 = arith.constant 0 : i32
      %dma_wait3A_718 = arith.constant 0 : i32
      %dma_wait3A_719 = tpu.memref_slice %arg14[%dma_wait3A_717, %dma_wait3A_718] : memref<10008x128xf32, #tpu.memory_space<vmem_shared>> -> memref<10008x128xf32, #tpu.memory_space<vmem_shared>>
      tpu.wait_indirect_dma semaphore(%run_scoped3A_707 : memref<!tpu.dma_semaphore, #tpu.memory_space<semaphore_mem>>) src(%arg10 : memref<128x128xf32, #tpu.memory_space<vmem>>) dst(%dma_wait3A_719 : memref<10008x128xf32, #tpu.memory_space<vmem_shared>>)
      tpu.yield
    }) : () -> ()
    %dma_start3A_642 = arith.constant 37 : i32
    %dma_start3A_643 = arith.constant 0 : i32
    %dma_start3A_644 = tpu.memref_slice %arg7[%dma_start3A_642, %dma_start3A_643] : memref<40x128xi32, #tpu.memory_space<vmem>> -> memref<1x128xi32, #tpu.memory_space<vmem>>
    %dma_start3A_645 = tpu.memref_squeeze %dma_start3A_644 : memref<1x128xi32, #tpu.memory_space<vmem>> -> memref<128xi32, #tpu.memory_space<vmem>>
    %dma_start3A_646 = arith.constant 0 : i32
    %dma_start3A_647 = arith.constant 0 : i32
    %dma_start3A_648 = tpu.memref_slice %arg4[%dma_start3A_646, %dma_start3A_647] : memref<10128x128xf32, #tpu.memory_space<hbm>> -> memref<10128x128xf32, #tpu.memory_space<hbm>>
    tpu.enqueue_indirect_dma source(%dma_start3A_648 : memref<10128x128xf32, #tpu.memory_space<hbm>>) target(%arg10 : memref<128x128xf32, #tpu.memory_space<vmem>>) offsets(%dma_start3A_645 : memref<128xi32, #tpu.memory_space<vmem>>) semaphore(%arg17 : memref<!tpu.dma_semaphore, #tpu.memory_space<semaphore_mem>>)
    %run_scoped3A_649 = arith.constant 36 : i32
    "tpu.region"() ({
      %run_scoped3A_707 = tpu.sem_alloc : memref<!tpu.dma_semaphore, #tpu.memory_space<semaphore_mem>>
      %dma_start3A_708 = arith.constant 0 : i32
      %dma_start3A_709 = tpu.memref_slice %arg8[%run_scoped3A_649, %dma_start3A_708] : memref<40x128xi32, #tpu.memory_space<vmem>> -> memref<1x128xi32, #tpu.memory_space<vmem>>
      %dma_start3A_710 = tpu.memref_squeeze %dma_start3A_709 : memref<1x128xi32, #tpu.memory_space<vmem>> -> memref<128xi32, #tpu.memory_space<vmem>>
      %dma_start3A_711 = arith.constant 0 : i32
      %dma_start3A_712 = tpu.memref_slice %arg15[%dma_start3A_711] : memref<10016xf32, #tpu.memory_space<vmem_shared>> -> memref<10016xf32, #tpu.memory_space<vmem_shared>>
      tpu.enqueue_indirect_dma source(%arg12 : memref<128xf32, #tpu.memory_space<vmem>>) target(%dma_start3A_712 : memref<10016xf32, #tpu.memory_space<vmem_shared>>) offsets(%dma_start3A_710 : memref<128xi32, #tpu.memory_space<vmem>>) semaphore(%run_scoped3A_707 : memref<!tpu.dma_semaphore, #tpu.memory_space<semaphore_mem>>) {add = true}
      %dma_wait3A_713 = arith.constant 0 : i32
      %dma_wait3A_714 = tpu.memref_slice %arg8[%run_scoped3A_649, %dma_wait3A_713] : memref<40x128xi32, #tpu.memory_space<vmem>> -> memref<1x128xi32, #tpu.memory_space<vmem>>
      %dma_wait3A_715 = tpu.memref_squeeze %dma_wait3A_714 : memref<1x128xi32, #tpu.memory_space<vmem>> -> memref<128xi32, #tpu.memory_space<vmem>>
      %dma_wait3A_716 = arith.constant 0 : i32
      %dma_wait3A_717 = tpu.memref_slice %arg15[%dma_wait3A_716] : memref<10016xf32, #tpu.memory_space<vmem_shared>> -> memref<10016xf32, #tpu.memory_space<vmem_shared>>
      tpu.wait_indirect_dma semaphore(%run_scoped3A_707 : memref<!tpu.dma_semaphore, #tpu.memory_space<semaphore_mem>>) src(%arg12 : memref<128xf32, #tpu.memory_space<vmem>>) dst(%dma_wait3A_717 : memref<10016xf32, #tpu.memory_space<vmem_shared>>)
      tpu.yield
    }) : () -> ()
    %dma_wait3A_650 = arith.constant 36 : i32
    %dma_wait3A_651 = arith.constant 0 : i32
    %dma_wait3A_652 = tpu.memref_slice %arg7[%dma_wait3A_650, %dma_wait3A_651] : memref<40x128xi32, #tpu.memory_space<vmem>> -> memref<1x128xi32, #tpu.memory_space<vmem>>
    %dma_wait3A_653 = tpu.memref_squeeze %dma_wait3A_652 : memref<1x128xi32, #tpu.memory_space<vmem>> -> memref<128xi32, #tpu.memory_space<vmem>>
    %dma_wait3A_654 = arith.constant 0 : i32
    %dma_wait3A_655 = arith.constant 0 : i32
    %dma_wait3A_656 = tpu.memref_slice %arg4[%dma_wait3A_654, %dma_wait3A_655] : memref<10128x128xf32, #tpu.memory_space<hbm>> -> memref<10128x128xf32, #tpu.memory_space<hbm>>
    tpu.wait_indirect_dma semaphore(%arg16 : memref<!tpu.dma_semaphore, #tpu.memory_space<semaphore_mem>>) src(%dma_wait3A_656 : memref<10128x128xf32, #tpu.memory_space<hbm>>) dst(%arg9 : memref<128x128xf32, #tpu.memory_space<vmem>>)
    %run_scoped3A_657 = arith.constant 36 : i32
    "tpu.region"() ({
      %run_scoped3A_707 = tpu.sem_alloc : memref<!tpu.dma_semaphore, #tpu.memory_space<semaphore_mem>>
      %dma_start3A_708 = arith.constant 0 : i32
      %dma_start3A_709 = tpu.memref_slice %arg8[%run_scoped3A_657, %dma_start3A_708] : memref<40x128xi32, #tpu.memory_space<vmem>> -> memref<1x128xi32, #tpu.memory_space<vmem>>
      %dma_start3A_710 = tpu.memref_squeeze %dma_start3A_709 : memref<1x128xi32, #tpu.memory_space<vmem>> -> memref<128xi32, #tpu.memory_space<vmem>>
      %dma_start3A_711 = arith.constant 0 : i32
      %dma_start3A_712 = arith.constant 0 : i32
      %dma_start3A_713 = tpu.memref_slice %arg14[%dma_start3A_711, %dma_start3A_712] : memref<10008x128xf32, #tpu.memory_space<vmem_shared>> -> memref<10008x128xf32, #tpu.memory_space<vmem_shared>>
      tpu.enqueue_indirect_dma source(%arg9 : memref<128x128xf32, #tpu.memory_space<vmem>>) target(%dma_start3A_713 : memref<10008x128xf32, #tpu.memory_space<vmem_shared>>) offsets(%dma_start3A_710 : memref<128xi32, #tpu.memory_space<vmem>>) semaphore(%run_scoped3A_707 : memref<!tpu.dma_semaphore, #tpu.memory_space<semaphore_mem>>) {add = true}
      %dma_wait3A_714 = arith.constant 0 : i32
      %dma_wait3A_715 = tpu.memref_slice %arg8[%run_scoped3A_657, %dma_wait3A_714] : memref<40x128xi32, #tpu.memory_space<vmem>> -> memref<1x128xi32, #tpu.memory_space<vmem>>
      %dma_wait3A_716 = tpu.memref_squeeze %dma_wait3A_715 : memref<1x128xi32, #tpu.memory_space<vmem>> -> memref<128xi32, #tpu.memory_space<vmem>>
      %dma_wait3A_717 = arith.constant 0 : i32
      %dma_wait3A_718 = arith.constant 0 : i32
      %dma_wait3A_719 = tpu.memref_slice %arg14[%dma_wait3A_717, %dma_wait3A_718] : memref<10008x128xf32, #tpu.memory_space<vmem_shared>> -> memref<10008x128xf32, #tpu.memory_space<vmem_shared>>
      tpu.wait_indirect_dma semaphore(%run_scoped3A_707 : memref<!tpu.dma_semaphore, #tpu.memory_space<semaphore_mem>>) src(%arg9 : memref<128x128xf32, #tpu.memory_space<vmem>>) dst(%dma_wait3A_719 : memref<10008x128xf32, #tpu.memory_space<vmem_shared>>)
      tpu.yield
    }) : () -> ()
    %dma_start3A_658 = arith.constant 38 : i32
    %dma_start3A_659 = arith.constant 0 : i32
    %dma_start3A_660 = tpu.memref_slice %arg7[%dma_start3A_658, %dma_start3A_659] : memref<40x128xi32, #tpu.memory_space<vmem>> -> memref<1x128xi32, #tpu.memory_space<vmem>>
    %dma_start3A_661 = tpu.memref_squeeze %dma_start3A_660 : memref<1x128xi32, #tpu.memory_space<vmem>> -> memref<128xi32, #tpu.memory_space<vmem>>
    %dma_start3A_662 = arith.constant 0 : i32
    %dma_start3A_663 = arith.constant 0 : i32
    %dma_start3A_664 = tpu.memref_slice %arg4[%dma_start3A_662, %dma_start3A_663] : memref<10128x128xf32, #tpu.memory_space<hbm>> -> memref<10128x128xf32, #tpu.memory_space<hbm>>
    tpu.enqueue_indirect_dma source(%dma_start3A_664 : memref<10128x128xf32, #tpu.memory_space<hbm>>) target(%arg9 : memref<128x128xf32, #tpu.memory_space<vmem>>) offsets(%dma_start3A_661 : memref<128xi32, #tpu.memory_space<vmem>>) semaphore(%arg16 : memref<!tpu.dma_semaphore, #tpu.memory_space<semaphore_mem>>)
    %run_scoped3A_665 = arith.constant 37 : i32
    "tpu.region"() ({
      %run_scoped3A_707 = tpu.sem_alloc : memref<!tpu.dma_semaphore, #tpu.memory_space<semaphore_mem>>
      %dma_start3A_708 = arith.constant 0 : i32
      %dma_start3A_709 = tpu.memref_slice %arg8[%run_scoped3A_665, %dma_start3A_708] : memref<40x128xi32, #tpu.memory_space<vmem>> -> memref<1x128xi32, #tpu.memory_space<vmem>>
      %dma_start3A_710 = tpu.memref_squeeze %dma_start3A_709 : memref<1x128xi32, #tpu.memory_space<vmem>> -> memref<128xi32, #tpu.memory_space<vmem>>
      %dma_start3A_711 = arith.constant 0 : i32
      %dma_start3A_712 = tpu.memref_slice %arg15[%dma_start3A_711] : memref<10016xf32, #tpu.memory_space<vmem_shared>> -> memref<10016xf32, #tpu.memory_space<vmem_shared>>
      tpu.enqueue_indirect_dma source(%arg12 : memref<128xf32, #tpu.memory_space<vmem>>) target(%dma_start3A_712 : memref<10016xf32, #tpu.memory_space<vmem_shared>>) offsets(%dma_start3A_710 : memref<128xi32, #tpu.memory_space<vmem>>) semaphore(%run_scoped3A_707 : memref<!tpu.dma_semaphore, #tpu.memory_space<semaphore_mem>>) {add = true}
      %dma_wait3A_713 = arith.constant 0 : i32
      %dma_wait3A_714 = tpu.memref_slice %arg8[%run_scoped3A_665, %dma_wait3A_713] : memref<40x128xi32, #tpu.memory_space<vmem>> -> memref<1x128xi32, #tpu.memory_space<vmem>>
      %dma_wait3A_715 = tpu.memref_squeeze %dma_wait3A_714 : memref<1x128xi32, #tpu.memory_space<vmem>> -> memref<128xi32, #tpu.memory_space<vmem>>
      %dma_wait3A_716 = arith.constant 0 : i32
      %dma_wait3A_717 = tpu.memref_slice %arg15[%dma_wait3A_716] : memref<10016xf32, #tpu.memory_space<vmem_shared>> -> memref<10016xf32, #tpu.memory_space<vmem_shared>>
      tpu.wait_indirect_dma semaphore(%run_scoped3A_707 : memref<!tpu.dma_semaphore, #tpu.memory_space<semaphore_mem>>) src(%arg12 : memref<128xf32, #tpu.memory_space<vmem>>) dst(%dma_wait3A_717 : memref<10016xf32, #tpu.memory_space<vmem_shared>>)
      tpu.yield
    }) : () -> ()
    %dma_wait3A_666 = arith.constant 37 : i32
    %dma_wait3A_667 = arith.constant 0 : i32
    %dma_wait3A_668 = tpu.memref_slice %arg7[%dma_wait3A_666, %dma_wait3A_667] : memref<40x128xi32, #tpu.memory_space<vmem>> -> memref<1x128xi32, #tpu.memory_space<vmem>>
    %dma_wait3A_669 = tpu.memref_squeeze %dma_wait3A_668 : memref<1x128xi32, #tpu.memory_space<vmem>> -> memref<128xi32, #tpu.memory_space<vmem>>
    %dma_wait3A_670 = arith.constant 0 : i32
    %dma_wait3A_671 = arith.constant 0 : i32
    %dma_wait3A_672 = tpu.memref_slice %arg4[%dma_wait3A_670, %dma_wait3A_671] : memref<10128x128xf32, #tpu.memory_space<hbm>> -> memref<10128x128xf32, #tpu.memory_space<hbm>>
    tpu.wait_indirect_dma semaphore(%arg17 : memref<!tpu.dma_semaphore, #tpu.memory_space<semaphore_mem>>) src(%dma_wait3A_672 : memref<10128x128xf32, #tpu.memory_space<hbm>>) dst(%arg10 : memref<128x128xf32, #tpu.memory_space<vmem>>)
    %run_scoped3A_673 = arith.constant 37 : i32
    "tpu.region"() ({
      %run_scoped3A_707 = tpu.sem_alloc : memref<!tpu.dma_semaphore, #tpu.memory_space<semaphore_mem>>
      %dma_start3A_708 = arith.constant 0 : i32
      %dma_start3A_709 = tpu.memref_slice %arg8[%run_scoped3A_673, %dma_start3A_708] : memref<40x128xi32, #tpu.memory_space<vmem>> -> memref<1x128xi32, #tpu.memory_space<vmem>>
      %dma_start3A_710 = tpu.memref_squeeze %dma_start3A_709 : memref<1x128xi32, #tpu.memory_space<vmem>> -> memref<128xi32, #tpu.memory_space<vmem>>
      %dma_start3A_711 = arith.constant 0 : i32
      %dma_start3A_712 = arith.constant 0 : i32
      %dma_start3A_713 = tpu.memref_slice %arg14[%dma_start3A_711, %dma_start3A_712] : memref<10008x128xf32, #tpu.memory_space<vmem_shared>> -> memref<10008x128xf32, #tpu.memory_space<vmem_shared>>
      tpu.enqueue_indirect_dma source(%arg10 : memref<128x128xf32, #tpu.memory_space<vmem>>) target(%dma_start3A_713 : memref<10008x128xf32, #tpu.memory_space<vmem_shared>>) offsets(%dma_start3A_710 : memref<128xi32, #tpu.memory_space<vmem>>) semaphore(%run_scoped3A_707 : memref<!tpu.dma_semaphore, #tpu.memory_space<semaphore_mem>>) {add = true}
      %dma_wait3A_714 = arith.constant 0 : i32
      %dma_wait3A_715 = tpu.memref_slice %arg8[%run_scoped3A_673, %dma_wait3A_714] : memref<40x128xi32, #tpu.memory_space<vmem>> -> memref<1x128xi32, #tpu.memory_space<vmem>>
      %dma_wait3A_716 = tpu.memref_squeeze %dma_wait3A_715 : memref<1x128xi32, #tpu.memory_space<vmem>> -> memref<128xi32, #tpu.memory_space<vmem>>
      %dma_wait3A_717 = arith.constant 0 : i32
      %dma_wait3A_718 = arith.constant 0 : i32
      %dma_wait3A_719 = tpu.memref_slice %arg14[%dma_wait3A_717, %dma_wait3A_718] : memref<10008x128xf32, #tpu.memory_space<vmem_shared>> -> memref<10008x128xf32, #tpu.memory_space<vmem_shared>>
      tpu.wait_indirect_dma semaphore(%run_scoped3A_707 : memref<!tpu.dma_semaphore, #tpu.memory_space<semaphore_mem>>) src(%arg10 : memref<128x128xf32, #tpu.memory_space<vmem>>) dst(%dma_wait3A_719 : memref<10008x128xf32, #tpu.memory_space<vmem_shared>>)
      tpu.yield
    }) : () -> ()
    %dma_start3A_674 = arith.constant 39 : i32
    %dma_start3A_675 = arith.constant 0 : i32
    %dma_start3A_676 = tpu.memref_slice %arg7[%dma_start3A_674, %dma_start3A_675] : memref<40x128xi32, #tpu.memory_space<vmem>> -> memref<1x128xi32, #tpu.memory_space<vmem>>
    %dma_start3A_677 = tpu.memref_squeeze %dma_start3A_676 : memref<1x128xi32, #tpu.memory_space<vmem>> -> memref<128xi32, #tpu.memory_space<vmem>>
    %dma_start3A_678 = arith.constant 0 : i32
    %dma_start3A_679 = arith.constant 0 : i32
    %dma_start3A_680 = tpu.memref_slice %arg4[%dma_start3A_678, %dma_start3A_679] : memref<10128x128xf32, #tpu.memory_space<hbm>> -> memref<10128x128xf32, #tpu.memory_space<hbm>>
    tpu.enqueue_indirect_dma source(%dma_start3A_680 : memref<10128x128xf32, #tpu.memory_space<hbm>>) target(%arg10 : memref<128x128xf32, #tpu.memory_space<vmem>>) offsets(%dma_start3A_677 : memref<128xi32, #tpu.memory_space<vmem>>) semaphore(%arg17 : memref<!tpu.dma_semaphore, #tpu.memory_space<semaphore_mem>>)
    %run_scoped3A_681 = arith.constant 38 : i32
    "tpu.region"() ({
      %run_scoped3A_707 = tpu.sem_alloc : memref<!tpu.dma_semaphore, #tpu.memory_space<semaphore_mem>>
      %dma_start3A_708 = arith.constant 0 : i32
      %dma_start3A_709 = tpu.memref_slice %arg8[%run_scoped3A_681, %dma_start3A_708] : memref<40x128xi32, #tpu.memory_space<vmem>> -> memref<1x128xi32, #tpu.memory_space<vmem>>
      %dma_start3A_710 = tpu.memref_squeeze %dma_start3A_709 : memref<1x128xi32, #tpu.memory_space<vmem>> -> memref<128xi32, #tpu.memory_space<vmem>>
      %dma_start3A_711 = arith.constant 0 : i32
      %dma_start3A_712 = tpu.memref_slice %arg15[%dma_start3A_711] : memref<10016xf32, #tpu.memory_space<vmem_shared>> -> memref<10016xf32, #tpu.memory_space<vmem_shared>>
      tpu.enqueue_indirect_dma source(%arg12 : memref<128xf32, #tpu.memory_space<vmem>>) target(%dma_start3A_712 : memref<10016xf32, #tpu.memory_space<vmem_shared>>) offsets(%dma_start3A_710 : memref<128xi32, #tpu.memory_space<vmem>>) semaphore(%run_scoped3A_707 : memref<!tpu.dma_semaphore, #tpu.memory_space<semaphore_mem>>) {add = true}
      %dma_wait3A_713 = arith.constant 0 : i32
      %dma_wait3A_714 = tpu.memref_slice %arg8[%run_scoped3A_681, %dma_wait3A_713] : memref<40x128xi32, #tpu.memory_space<vmem>> -> memref<1x128xi32, #tpu.memory_space<vmem>>
      %dma_wait3A_715 = tpu.memref_squeeze %dma_wait3A_714 : memref<1x128xi32, #tpu.memory_space<vmem>> -> memref<128xi32, #tpu.memory_space<vmem>>
      %dma_wait3A_716 = arith.constant 0 : i32
      %dma_wait3A_717 = tpu.memref_slice %arg15[%dma_wait3A_716] : memref<10016xf32, #tpu.memory_space<vmem_shared>> -> memref<10016xf32, #tpu.memory_space<vmem_shared>>
      tpu.wait_indirect_dma semaphore(%run_scoped3A_707 : memref<!tpu.dma_semaphore, #tpu.memory_space<semaphore_mem>>) src(%arg12 : memref<128xf32, #tpu.memory_space<vmem>>) dst(%dma_wait3A_717 : memref<10016xf32, #tpu.memory_space<vmem_shared>>)
      tpu.yield
    }) : () -> ()
    %dma_wait3A_682 = arith.constant 38 : i32
    %dma_wait3A_683 = arith.constant 0 : i32
    %dma_wait3A_684 = tpu.memref_slice %arg7[%dma_wait3A_682, %dma_wait3A_683] : memref<40x128xi32, #tpu.memory_space<vmem>> -> memref<1x128xi32, #tpu.memory_space<vmem>>
    %dma_wait3A_685 = tpu.memref_squeeze %dma_wait3A_684 : memref<1x128xi32, #tpu.memory_space<vmem>> -> memref<128xi32, #tpu.memory_space<vmem>>
    %dma_wait3A_686 = arith.constant 0 : i32
    %dma_wait3A_687 = arith.constant 0 : i32
    %dma_wait3A_688 = tpu.memref_slice %arg4[%dma_wait3A_686, %dma_wait3A_687] : memref<10128x128xf32, #tpu.memory_space<hbm>> -> memref<10128x128xf32, #tpu.memory_space<hbm>>
    tpu.wait_indirect_dma semaphore(%arg16 : memref<!tpu.dma_semaphore, #tpu.memory_space<semaphore_mem>>) src(%dma_wait3A_688 : memref<10128x128xf32, #tpu.memory_space<hbm>>) dst(%arg9 : memref<128x128xf32, #tpu.memory_space<vmem>>)
    %run_scoped3A_689 = arith.constant 38 : i32
    "tpu.region"() ({
      %run_scoped3A_707 = tpu.sem_alloc : memref<!tpu.dma_semaphore, #tpu.memory_space<semaphore_mem>>
      %dma_start3A_708 = arith.constant 0 : i32
      %dma_start3A_709 = tpu.memref_slice %arg8[%run_scoped3A_689, %dma_start3A_708] : memref<40x128xi32, #tpu.memory_space<vmem>> -> memref<1x128xi32, #tpu.memory_space<vmem>>
      %dma_start3A_710 = tpu.memref_squeeze %dma_start3A_709 : memref<1x128xi32, #tpu.memory_space<vmem>> -> memref<128xi32, #tpu.memory_space<vmem>>
      %dma_start3A_711 = arith.constant 0 : i32
      %dma_start3A_712 = arith.constant 0 : i32
      %dma_start3A_713 = tpu.memref_slice %arg14[%dma_start3A_711, %dma_start3A_712] : memref<10008x128xf32, #tpu.memory_space<vmem_shared>> -> memref<10008x128xf32, #tpu.memory_space<vmem_shared>>
      tpu.enqueue_indirect_dma source(%arg9 : memref<128x128xf32, #tpu.memory_space<vmem>>) target(%dma_start3A_713 : memref<10008x128xf32, #tpu.memory_space<vmem_shared>>) offsets(%dma_start3A_710 : memref<128xi32, #tpu.memory_space<vmem>>) semaphore(%run_scoped3A_707 : memref<!tpu.dma_semaphore, #tpu.memory_space<semaphore_mem>>) {add = true}
      %dma_wait3A_714 = arith.constant 0 : i32
      %dma_wait3A_715 = tpu.memref_slice %arg8[%run_scoped3A_689, %dma_wait3A_714] : memref<40x128xi32, #tpu.memory_space<vmem>> -> memref<1x128xi32, #tpu.memory_space<vmem>>
      %dma_wait3A_716 = tpu.memref_squeeze %dma_wait3A_715 : memref<1x128xi32, #tpu.memory_space<vmem>> -> memref<128xi32, #tpu.memory_space<vmem>>
      %dma_wait3A_717 = arith.constant 0 : i32
      %dma_wait3A_718 = arith.constant 0 : i32
      %dma_wait3A_719 = tpu.memref_slice %arg14[%dma_wait3A_717, %dma_wait3A_718] : memref<10008x128xf32, #tpu.memory_space<vmem_shared>> -> memref<10008x128xf32, #tpu.memory_space<vmem_shared>>
      tpu.wait_indirect_dma semaphore(%run_scoped3A_707 : memref<!tpu.dma_semaphore, #tpu.memory_space<semaphore_mem>>) src(%arg9 : memref<128x128xf32, #tpu.memory_space<vmem>>) dst(%dma_wait3A_719 : memref<10008x128xf32, #tpu.memory_space<vmem_shared>>)
      tpu.yield
    }) : () -> ()
    %run_scoped3A_690 = arith.constant 39 : i32
    "tpu.region"() ({
      %run_scoped3A_707 = tpu.sem_alloc : memref<!tpu.dma_semaphore, #tpu.memory_space<semaphore_mem>>
      %dma_start3A_708 = arith.constant 0 : i32
      %dma_start3A_709 = tpu.memref_slice %arg8[%run_scoped3A_690, %dma_start3A_708] : memref<40x128xi32, #tpu.memory_space<vmem>> -> memref<1x128xi32, #tpu.memory_space<vmem>>
      %dma_start3A_710 = tpu.memref_squeeze %dma_start3A_709 : memref<1x128xi32, #tpu.memory_space<vmem>> -> memref<128xi32, #tpu.memory_space<vmem>>
      %dma_start3A_711 = arith.constant 0 : i32
      %dma_start3A_712 = tpu.memref_slice %arg15[%dma_start3A_711] : memref<10016xf32, #tpu.memory_space<vmem_shared>> -> memref<10016xf32, #tpu.memory_space<vmem_shared>>
      tpu.enqueue_indirect_dma source(%arg12 : memref<128xf32, #tpu.memory_space<vmem>>) target(%dma_start3A_712 : memref<10016xf32, #tpu.memory_space<vmem_shared>>) offsets(%dma_start3A_710 : memref<128xi32, #tpu.memory_space<vmem>>) semaphore(%run_scoped3A_707 : memref<!tpu.dma_semaphore, #tpu.memory_space<semaphore_mem>>) {add = true}
      %dma_wait3A_713 = arith.constant 0 : i32
      %dma_wait3A_714 = tpu.memref_slice %arg8[%run_scoped3A_690, %dma_wait3A_713] : memref<40x128xi32, #tpu.memory_space<vmem>> -> memref<1x128xi32, #tpu.memory_space<vmem>>
      %dma_wait3A_715 = tpu.memref_squeeze %dma_wait3A_714 : memref<1x128xi32, #tpu.memory_space<vmem>> -> memref<128xi32, #tpu.memory_space<vmem>>
      %dma_wait3A_716 = arith.constant 0 : i32
      %dma_wait3A_717 = tpu.memref_slice %arg15[%dma_wait3A_716] : memref<10016xf32, #tpu.memory_space<vmem_shared>> -> memref<10016xf32, #tpu.memory_space<vmem_shared>>
      tpu.wait_indirect_dma semaphore(%run_scoped3A_707 : memref<!tpu.dma_semaphore, #tpu.memory_space<semaphore_mem>>) src(%arg12 : memref<128xf32, #tpu.memory_space<vmem>>) dst(%dma_wait3A_717 : memref<10016xf32, #tpu.memory_space<vmem_shared>>)
      tpu.yield
    }) : () -> ()
    %dma_wait3A_691 = arith.constant 39 : i32
    %dma_wait3A_692 = arith.constant 0 : i32
    %dma_wait3A_693 = tpu.memref_slice %arg7[%dma_wait3A_691, %dma_wait3A_692] : memref<40x128xi32, #tpu.memory_space<vmem>> -> memref<1x128xi32, #tpu.memory_space<vmem>>
    %dma_wait3A_694 = tpu.memref_squeeze %dma_wait3A_693 : memref<1x128xi32, #tpu.memory_space<vmem>> -> memref<128xi32, #tpu.memory_space<vmem>>
    %dma_wait3A_695 = arith.constant 0 : i32
    %dma_wait3A_696 = arith.constant 0 : i32
    %dma_wait3A_697 = tpu.memref_slice %arg4[%dma_wait3A_695, %dma_wait3A_696] : memref<10128x128xf32, #tpu.memory_space<hbm>> -> memref<10128x128xf32, #tpu.memory_space<hbm>>
    tpu.wait_indirect_dma semaphore(%arg17 : memref<!tpu.dma_semaphore, #tpu.memory_space<semaphore_mem>>) src(%dma_wait3A_697 : memref<10128x128xf32, #tpu.memory_space<hbm>>) dst(%arg10 : memref<128x128xf32, #tpu.memory_space<vmem>>)
    %run_scoped3A_698 = arith.constant 39 : i32
    "tpu.region"() ({
      %run_scoped3A_707 = tpu.sem_alloc : memref<!tpu.dma_semaphore, #tpu.memory_space<semaphore_mem>>
      %dma_start3A_708 = arith.constant 0 : i32
      %dma_start3A_709 = tpu.memref_slice %arg8[%run_scoped3A_698, %dma_start3A_708] : memref<40x128xi32, #tpu.memory_space<vmem>> -> memref<1x128xi32, #tpu.memory_space<vmem>>
      %dma_start3A_710 = tpu.memref_squeeze %dma_start3A_709 : memref<1x128xi32, #tpu.memory_space<vmem>> -> memref<128xi32, #tpu.memory_space<vmem>>
      %dma_start3A_711 = arith.constant 0 : i32
      %dma_start3A_712 = arith.constant 0 : i32
      %dma_start3A_713 = tpu.memref_slice %arg14[%dma_start3A_711, %dma_start3A_712] : memref<10008x128xf32, #tpu.memory_space<vmem_shared>> -> memref<10008x128xf32, #tpu.memory_space<vmem_shared>>
      tpu.enqueue_indirect_dma source(%arg10 : memref<128x128xf32, #tpu.memory_space<vmem>>) target(%dma_start3A_713 : memref<10008x128xf32, #tpu.memory_space<vmem_shared>>) offsets(%dma_start3A_710 : memref<128xi32, #tpu.memory_space<vmem>>) semaphore(%run_scoped3A_707 : memref<!tpu.dma_semaphore, #tpu.memory_space<semaphore_mem>>) {add = true}
      %dma_wait3A_714 = arith.constant 0 : i32
      %dma_wait3A_715 = tpu.memref_slice %arg8[%run_scoped3A_698, %dma_wait3A_714] : memref<40x128xi32, #tpu.memory_space<vmem>> -> memref<1x128xi32, #tpu.memory_space<vmem>>
      %dma_wait3A_716 = tpu.memref_squeeze %dma_wait3A_715 : memref<1x128xi32, #tpu.memory_space<vmem>> -> memref<128xi32, #tpu.memory_space<vmem>>
      %dma_wait3A_717 = arith.constant 0 : i32
      %dma_wait3A_718 = arith.constant 0 : i32
      %dma_wait3A_719 = tpu.memref_slice %arg14[%dma_wait3A_717, %dma_wait3A_718] : memref<10008x128xf32, #tpu.memory_space<vmem_shared>> -> memref<10008x128xf32, #tpu.memory_space<vmem_shared>>
      tpu.wait_indirect_dma semaphore(%run_scoped3A_707 : memref<!tpu.dma_semaphore, #tpu.memory_space<semaphore_mem>>) src(%arg10 : memref<128x128xf32, #tpu.memory_space<vmem>>) dst(%dma_wait3A_719 : memref<10008x128xf32, #tpu.memory_space<vmem_shared>>)
      tpu.yield
    }) : () -> ()
    %barrier3A_699 = arith.constant 0 : index
    tpu.barrier barrier_id(%barrier3A_699)
    %mul3A_700 = arith.constant 624 : i32
    %mul3A_701 = arith.muli %arg1, %mul3A_700 : i32
    "tpu.region"() ({
      %run_scoped3A_707 = tpu.sem_alloc : memref<!tpu.dma_semaphore, #tpu.memory_space<semaphore_mem>>
      %dma_start3A_708 = arith.constant 0 : i32
      %dma_start3A_709 = tpu.memref_slice %arg5[%arg0, %mul3A_701, %dma_start3A_708] : memref<2x10000x128xf32, #tpu.memory_space<hbm>> -> memref<1x624x128xf32, #tpu.memory_space<hbm>>
      %dma_start3A_710 = tpu.memref_squeeze %dma_start3A_709 : memref<1x624x128xf32, #tpu.memory_space<hbm>> -> memref<624x128xf32, #tpu.memory_space<hbm>>
      %dma_start3A_711 = arith.constant 0 : i32
      %dma_start3A_712 = tpu.memref_slice %arg14[%mul3A_701, %dma_start3A_711] : memref<10008x128xf32, #tpu.memory_space<vmem_shared>> -> memref<624x128xf32, #tpu.memory_space<vmem_shared>>
      tpu.enqueue_dma source(%dma_start3A_712 : memref<624x128xf32, #tpu.memory_space<vmem_shared>>) target(%dma_start3A_710 : memref<624x128xf32, #tpu.memory_space<hbm>>) target_semaphore(%run_scoped3A_707 : memref<!tpu.dma_semaphore, #tpu.memory_space<semaphore_mem>>)
      %dma_wait3A_713 = arith.constant 0 : i32
      %dma_wait3A_714 = tpu.memref_slice %arg5[%arg0, %mul3A_701, %dma_wait3A_713] : memref<2x10000x128xf32, #tpu.memory_space<hbm>> -> memref<1x624x128xf32, #tpu.memory_space<hbm>>
      %dma_wait3A_715 = tpu.memref_squeeze %dma_wait3A_714 : memref<1x624x128xf32, #tpu.memory_space<hbm>> -> memref<624x128xf32, #tpu.memory_space<hbm>>
      %dma_wait3A_716 = arith.constant 0 : i32
      %dma_wait3A_717 = tpu.memref_slice %arg14[%mul3A_701, %dma_wait3A_716] : memref<10008x128xf32, #tpu.memory_space<vmem_shared>> -> memref<624x128xf32, #tpu.memory_space<vmem_shared>>
      tpu.wait_dma2 semaphore(%run_scoped3A_707 : memref<!tpu.dma_semaphore, #tpu.memory_space<semaphore_mem>>) src(%dma_wait3A_717 : memref<624x128xf32, #tpu.memory_space<vmem_shared>>) dst(%dma_wait3A_715 : memref<624x128xf32, #tpu.memory_space<hbm>>)
      tpu.yield
    }) : () -> ()
    %eq3A_702 = arith.constant 0 : i32
    %eq3A_703 = arith.cmpi eq, %arg1, %eq3A_702 : i32
    %convert_element_type3A_704 = arith.extui %eq3A_703 : i1 to i32
    %cond3A_705 = arith.constant 0 : i32
    %cond3A_706 = arith.cmpi ne, %convert_element_type3A_704, %cond3A_705 : i32
    scf.if %cond3A_706 {
      "tpu.region"() ({
        %run_scoped3A_708 = tpu.sem_alloc : memref<!tpu.dma_semaphore, #tpu.memory_space<semaphore_mem>>
        %dma_start3A_709 = arith.constant 9984 : i32
        %dma_start3A_710 = arith.constant 0 : i32
        %dma_start3A_711 = tpu.memref_slice %arg5[%arg0, %dma_start3A_709, %dma_start3A_710] : memref<2x10000x128xf32, #tpu.memory_space<hbm>> -> memref<1x16x128xf32, #tpu.memory_space<hbm>>
        %dma_start3A_712 = tpu.memref_squeeze %dma_start3A_711 : memref<1x16x128xf32, #tpu.memory_space<hbm>> -> memref<16x128xf32, #tpu.memory_space<hbm>>
        %dma_start3A_713 = arith.constant 9984 : i32
        %dma_start3A_714 = arith.constant 0 : i32
        %dma_start3A_715 = tpu.memref_slice %arg14[%dma_start3A_713, %dma_start3A_714] : memref<10008x128xf32, #tpu.memory_space<vmem_shared>> -> memref<16x128xf32, #tpu.memory_space<vmem_shared>>
        tpu.enqueue_dma source(%dma_start3A_715 : memref<16x128xf32, #tpu.memory_space<vmem_shared>>) target(%dma_start3A_712 : memref<16x128xf32, #tpu.memory_space<hbm>>) target_semaphore(%run_scoped3A_708 : memref<!tpu.dma_semaphore, #tpu.memory_space<semaphore_mem>>)
        %dma_wait3A_716 = arith.constant 9984 : i32
        %dma_wait3A_717 = arith.constant 0 : i32
        %dma_wait3A_718 = tpu.memref_slice %arg5[%arg0, %dma_wait3A_716, %dma_wait3A_717] : memref<2x10000x128xf32, #tpu.memory_space<hbm>> -> memref<1x16x128xf32, #tpu.memory_space<hbm>>
        %dma_wait3A_719 = tpu.memref_squeeze %dma_wait3A_718 : memref<1x16x128xf32, #tpu.memory_space<hbm>> -> memref<16x128xf32, #tpu.memory_space<hbm>>
        %dma_wait3A_720 = arith.constant 9984 : i32
        %dma_wait3A_721 = arith.constant 0 : i32
        %dma_wait3A_722 = tpu.memref_slice %arg14[%dma_wait3A_720, %dma_wait3A_721] : memref<10008x128xf32, #tpu.memory_space<vmem_shared>> -> memref<16x128xf32, #tpu.memory_space<vmem_shared>>
        tpu.wait_dma2 semaphore(%run_scoped3A_708 : memref<!tpu.dma_semaphore, #tpu.memory_space<semaphore_mem>>) src(%dma_wait3A_722 : memref<16x128xf32, #tpu.memory_space<vmem_shared>>) dst(%dma_wait3A_719 : memref<16x128xf32, #tpu.memory_space<hbm>>)
        tpu.yield
      }) : () -> ()
      %run_scoped3A_707 = arith.constant 0 : i32
      "tpu.region"() ({
        %run_scoped3A_708 = tpu.sem_alloc : memref<!tpu.dma_semaphore, #tpu.memory_space<semaphore_mem>>
        %dma_start3A_709 = arith.constant 0 : i32
        %dma_start3A_710 = tpu.memref_slice %arg6[%arg0, %run_scoped3A_707, %dma_start3A_709] : memref<2x1x10016xf32, #tpu.memory_space<hbm>> -> memref<1x1x10016xf32, #tpu.memory_space<hbm>>
        %dma_start3A_711 = tpu.memref_squeeze %dma_start3A_710 : memref<1x1x10016xf32, #tpu.memory_space<hbm>> -> memref<10016xf32, #tpu.memory_space<hbm>>
        tpu.enqueue_dma source(%arg15 : memref<10016xf32, #tpu.memory_space<vmem_shared>>) target(%dma_start3A_711 : memref<10016xf32, #tpu.memory_space<hbm>>) target_semaphore(%run_scoped3A_708 : memref<!tpu.dma_semaphore, #tpu.memory_space<semaphore_mem>>)
        %dma_wait3A_712 = arith.constant 0 : i32
        %dma_wait3A_713 = tpu.memref_slice %arg6[%arg0, %run_scoped3A_707, %dma_wait3A_712] : memref<2x1x10016xf32, #tpu.memory_space<hbm>> -> memref<1x1x10016xf32, #tpu.memory_space<hbm>>
        %dma_wait3A_714 = tpu.memref_squeeze %dma_wait3A_713 : memref<1x1x10016xf32, #tpu.memory_space<hbm>> -> memref<10016xf32, #tpu.memory_space<hbm>>
        tpu.wait_dma2 semaphore(%run_scoped3A_708 : memref<!tpu.dma_semaphore, #tpu.memory_space<semaphore_mem>>) src(%arg15 : memref<10016xf32, #tpu.memory_space<vmem_shared>>) dst(%dma_wait3A_714 : memref<10016xf32, #tpu.memory_space<hbm>>)
        tpu.yield
      }) : () -> ()
    } else {
    }
    return
  }
}

module attributes {stable_mosaic.version = 14 : i64} {
  func.func @_xs_body(%arg0: memref<10000x128xf32, #tpu.memory_space<vmem>>, %arg1: memref<2x1x10016xf32, #tpu.memory_space<vmem>>, %arg2: memref<10128x128xf32, #tpu.memory_space<vmem>>) attributes {dimension_semantics = [], scalar_prefetch = 0 : i64, scratch_operands = 0 : i64, tpu.core_type = #tpu.core_type<tc>} {
    %get3A = arith.constant 0 : index
    %get3A_0 = arith.constant 0 : index
    %get3A_1 = arith.constant 0 : index
    %get3A_2 = vector.load %arg1[%get3A, %get3A_0, %get3A_1] : memref<2x1x10016xf32, #tpu.memory_space<vmem>>, vector<1x1x10000xf32>
    %get3A_3 = vector.shape_cast %get3A_2 : vector<1x1x10000xf32> to vector<10000xf32>
    %get3A_4 = arith.constant 1 : index
    %get3A_5 = arith.constant 0 : index
    %get3A_6 = arith.constant 0 : index
    %get3A_7 = vector.load %arg1[%get3A_4, %get3A_5, %get3A_6] : memref<2x1x10016xf32, #tpu.memory_space<vmem>>, vector<1x1x10000xf32>
    %get3A_8 = vector.shape_cast %get3A_7 : vector<1x1x10000xf32> to vector<10000xf32>
    %add3A = arith.addf %get3A_3, %get3A_8 : vector<10000xf32>
    %gt3A = arith.constant 0.000000e+00 : f32
    %gt3A_9 = vector.broadcast %gt3A : f32 to vector<10000xf32>
    %gt3A_10 = arith.cmpf ogt, %add3A, %gt3A_9 : vector<10000xf32>
    %max3A = arith.constant 1.000000e+00 : f32
    %max3A_11 = vector.broadcast %max3A : f32 to vector<10000xf32>
    %max3A_12 = arith.maximumf %add3A, %max3A_11 : vector<10000xf32>
    %rsqrt3A = math.rsqrt %max3A_12 : vector<10000xf32>
    %jit3A = arith.constant 0.000000e+00 : f32
    %broadcast_in_dim3A = vector.broadcast %jit3A : f32 to vector<10000xf32>
    %select_n3A = arith.select %gt3A_10, %rsqrt3A, %broadcast_in_dim3A : vector<10000xi1>, vector<10000xf32>
    %get3A_13 = arith.constant 0 : index
    %get3A_14 = arith.constant 0 : index
    %get3A_15 = vector.load %arg0[%get3A_13, %get3A_14] : memref<10000x128xf32, #tpu.memory_space<vmem>>, vector<10000x128xf32>
    %broadcast_in_dim3A_16 = vector.shape_cast %select_n3A : vector<10000xf32> to vector<10000x1xf32>
    %mul3A = vector.broadcast %broadcast_in_dim3A_16 : vector<10000x1xf32> to vector<10000x128xf32>
    %mul3A_17 = arith.mulf %get3A_15, %mul3A : vector<10000x128xf32>
    %swap3A = arith.constant 0 : index
    %swap3A_18 = arith.constant 0 : index
    %swap3A_19 = vector.load %arg2[%swap3A, %swap3A_18] : memref<10128x128xf32, #tpu.memory_space<vmem>>, vector<10000x128xf32>
    tpu.vector_store %arg2[%swap3A, %swap3A_18], %mul3A_17 {strides = array<i32>} : memref<10128x128xf32, #tpu.memory_space<vmem>>, vector<10000x128xf32>,
    %broadcast_in_dim3A_20 = arith.constant 0.000000e+00 : f32
    %broadcast_in_dim3A_21 = vector.broadcast %broadcast_in_dim3A_20 : f32 to vector<128x128xf32>
    %swap3A_22 = arith.constant 10000 : index
    %swap3A_23 = arith.constant 0 : index
    %swap3A_24 = vector.load %arg2[%swap3A_22, %swap3A_23] : memref<10128x128xf32, #tpu.memory_space<vmem>>, vector<128x128xf32>
    tpu.vector_store %arg2[%swap3A_22, %swap3A_23], %broadcast_in_dim3A_21 {strides = array<i32>} : memref<10128x128xf32, #tpu.memory_space<vmem>>, vector<128x128xf32>,
    return
  }
}

module attributes {stable_mosaic.version = 14 : i64} {
  func.func @_zrecon_body(%arg0: i32, %arg1: memref<2x10000x128xf32, #tpu.memory_space<vmem>>, %arg2: memref<128x32xf32, #tpu.memory_space<vmem>>, %arg3: memref<2x1x10016xf32, #tpu.memory_space<vmem>>, %arg4: memref<1x32xf32, #tpu.memory_space<vmem>>, %arg5: memref<256x10000xf32, #tpu.memory_space<vmem>>, %arg6: memref<10000x32xf32, #tpu.memory_space<vmem>>, %arg7: memref<10240x32xf32, #tpu.memory_space<vmem>>) attributes {dimension_semantics = [#tpu.dimension_semantics<arbitrary>], iteration_bounds = array<i64: 40>, scalar_prefetch = 0 : i64, scratch_operands = 1 : i64, tpu.core_type = #tpu.core_type<tc>, window_params = [{pipeline_mode = #tpu.pipeline_mode<synchronous>, transform_indices = @transform_0, window_bounds = array<i64: 2, 10000, 128>}, {pipeline_mode = #tpu.pipeline_mode<synchronous>, transform_indices = @transform_1, window_bounds = array<i64: 128, 32>}, {pipeline_mode = #tpu.pipeline_mode<synchronous>, transform_indices = @transform_2, window_bounds = array<i64: 2, 1, 10016>}, {pipeline_mode = #tpu.pipeline_mode<synchronous>, transform_indices = @transform_3, window_bounds = array<i64: 1, 32>}, {transform_indices = @transform_4, window_bounds = array<i64: 256, 10000>}, {pipeline_mode = #tpu.pipeline_mode<synchronous>, transform_indices = @transform_5, window_bounds = array<i64: 10000, 32>}]} {
    %eq3A = arith.constant 0 : i32
    %eq3A_0 = arith.cmpi eq, %arg0, %eq3A : i32
    %convert_element_type3A = arith.extui %eq3A_0 : i1 to i32
    %cond3A = arith.constant 0 : i32
    %cond3A_1 = arith.cmpi ne, %convert_element_type3A, %cond3A : i32
    scf.if %cond3A_1 {
      %get3A_11 = arith.constant 0 : index
      %get3A_12 = arith.constant 0 : index
      %get3A_13 = arith.constant 0 : index
      %get3A_14 = vector.load %arg1[%get3A_11, %get3A_12, %get3A_13] : memref<2x10000x128xf32, #tpu.memory_space<vmem>>, vector<1x10000x128xf32>
      %get3A_15 = vector.shape_cast %get3A_14 : vector<1x10000x128xf32> to vector<10000x128xf32>
      %get3A_16 = arith.constant 1 : index
      %get3A_17 = arith.constant 0 : index
      %get3A_18 = arith.constant 0 : index
      %get3A_19 = vector.load %arg1[%get3A_16, %get3A_17, %get3A_18] : memref<2x10000x128xf32, #tpu.memory_space<vmem>>, vector<1x10000x128xf32>
      %get3A_20 = vector.shape_cast %get3A_19 : vector<1x10000x128xf32> to vector<10000x128xf32>
      %add3A = arith.addf %get3A_15, %get3A_20 : vector<10000x128xf32>
      %get3A_21 = arith.constant 0 : index
      %get3A_22 = arith.constant 0 : index
      %get3A_23 = arith.constant 0 : index
      %get3A_24 = vector.load %arg3[%get3A_21, %get3A_22, %get3A_23] : memref<2x1x10016xf32, #tpu.memory_space<vmem>>, vector<1x1x10000xf32>
      %get3A_25 = vector.shape_cast %get3A_24 : vector<1x1x10000xf32> to vector<10000xf32>
      %get3A_26 = arith.constant 1 : index
      %get3A_27 = arith.constant 0 : index
      %get3A_28 = arith.constant 0 : index
      %get3A_29 = vector.load %arg3[%get3A_26, %get3A_27, %get3A_28] : memref<2x1x10016xf32, #tpu.memory_space<vmem>>, vector<1x1x10000xf32>
      %get3A_30 = vector.shape_cast %get3A_29 : vector<1x1x10000xf32> to vector<10000xf32>
      %add3A_31 = arith.addf %get3A_25, %get3A_30 : vector<10000xf32>
      %iota3A = tpu.iota {dimensions = array<i32: 1>} : vector<1x10000xi32>
      %iota3A_32 = vector.shape_cast %iota3A : vector<1x10000xi32> to vector<10000xi32>
      %lt3A = arith.constant 3840 : i32
      %lt3A_33 = vector.broadcast %lt3A : i32 to vector<10000xi32>
      %lt3A_34 = arith.cmpi slt, %iota3A_32, %lt3A_33 : vector<10000xi32>
      %jit3A = arith.constant 1.000000e+00 : f32
      %jit3A_35 = arith.constant 0.000000e+00 : f32
      %broadcast_in_dim3A = vector.broadcast %jit3A : f32 to vector<10000xf32>
      %broadcast_in_dim3A_36 = vector.broadcast %jit3A_35 : f32 to vector<10000xf32>
      %select_n3A = arith.select %lt3A_34, %broadcast_in_dim3A, %broadcast_in_dim3A_36 : vector<10000xi1>, vector<10000xf32>
      %sub3A = arith.subf %add3A_31, %select_n3A : vector<10000xf32>
      %gt3A = arith.constant 0.000000e+00 : f32
      %gt3A_37 = vector.broadcast %gt3A : f32 to vector<10000xf32>
      %gt3A_38 = arith.cmpf ogt, %sub3A, %gt3A_37 : vector<10000xf32>
      %max3A = arith.constant 1.000000e+00 : f32
      %max3A_39 = vector.broadcast %max3A : f32 to vector<10000xf32>
      %max3A_40 = arith.maximumf %sub3A, %max3A_39 : vector<10000xf32>
      %rsqrt3A = math.rsqrt %max3A_40 : vector<10000xf32>
      %jit3A_41 = arith.constant 0.000000e+00 : f32
      %broadcast_in_dim3A_42 = vector.broadcast %jit3A_41 : f32 to vector<10000xf32>
      %select_n3A_43 = arith.select %gt3A_38, %rsqrt3A, %broadcast_in_dim3A_42 : vector<10000xi1>, vector<10000xf32>
      %get3A_44 = arith.constant 0 : index
      %get3A_45 = arith.constant 0 : index
      %get3A_46 = vector.load %arg2[%get3A_44, %get3A_45] : memref<128x32xf32, #tpu.memory_space<vmem>>, vector<128x32xf32>
      %dot_general3A_47 = arith.constant dense<0.000000e+00> : vector<10000x32xf32>
      %dot_general3A_48 = tpu.matmul %add3A, %get3A_46, %dot_general3A_47 {dimension_numbers = #tpu.dot_dimension_numbers<[1], [0], [0], [1], [0, 0, 1, 1], [], []>, transpose_lhs_hint = false} : vector<10000x128xf32>, vector<128x32xf32>, vector<10000x32xf32> -> vector<10000x32xf32>
      %broadcast_in_dim3A_49 = vector.shape_cast %select_n3A_43 : vector<10000xf32> to vector<10000x1xf32>
      %mul3A_50 = vector.broadcast %broadcast_in_dim3A_49 : vector<10000x1xf32> to vector<10000x32xf32>
      %mul3A_51 = arith.mulf %dot_general3A_48, %mul3A_50 : vector<10000x32xf32>
      %get3A_52 = arith.constant 0 : index
      %get3A_53 = arith.constant 0 : index
      %get3A_54 = vector.load %arg4[%get3A_52, %get3A_53] : memref<1x32xf32, #tpu.memory_space<vmem>>, vector<1x32xf32>
      %get3A_55 = vector.shape_cast %get3A_54 : vector<1x32xf32> to vector<32xf32>
      %broadcast_in_dim3A_56 = vector.shape_cast %get3A_55 : vector<32xf32> to vector<1x32xf32>
      %add3A_57 = vector.broadcast %broadcast_in_dim3A_56 : vector<1x32xf32> to vector<10000x32xf32>
      %add3A_58 = arith.addf %mul3A_51, %add3A_57 : vector<10000x32xf32>
      %swap3A_59 = arith.constant 0 : index
      %swap3A_60 = arith.constant 0 : index
      %swap3A_61 = vector.load %arg7[%swap3A_59, %swap3A_60] : memref<10240x32xf32, #tpu.memory_space<vmem>>, vector<10000x32xf32>
      tpu.vector_store %arg7[%swap3A_59, %swap3A_60], %add3A_58 {strides = array<i32>} : memref<10240x32xf32, #tpu.memory_space<vmem>>, vector<10000x32xf32>,
      %broadcast_in_dim3A_62 = arith.constant 0.000000e+00 : f32
      %broadcast_in_dim3A_63 = vector.broadcast %broadcast_in_dim3A_62 : f32 to vector<240x32xf32>
      %swap3A_64 = arith.constant 10000 : index
      %swap3A_65 = arith.constant 0 : index
      %swap3A_66 = vector.load %arg7[%swap3A_64, %swap3A_65] : memref<10240x32xf32, #tpu.memory_space<vmem>>, vector<240x32xf32>
      tpu.vector_store %arg7[%swap3A_64, %swap3A_65], %broadcast_in_dim3A_63 {strides = array<i32>} : memref<10240x32xf32, #tpu.memory_space<vmem>>, vector<240x32xf32>,
      %swap3A_67 = arith.constant 0 : index
      %swap3A_68 = arith.constant 0 : index
      %swap3A_69 = vector.load %arg6[%swap3A_67, %swap3A_68] : memref<10000x32xf32, #tpu.memory_space<vmem>>, vector<10000x32xf32>
      tpu.vector_store %arg6[%swap3A_67, %swap3A_68], %add3A_58 {strides = array<i32>} : memref<10000x32xf32, #tpu.memory_space<vmem>>, vector<10000x32xf32>,
    } else {
    }
    %mul3A = arith.constant 256 : i32
    %mul3A_2 = arith.muli %arg0, %mul3A : i32
    %get3A = arith.index_cast %mul3A_2 : i32 to index
    %get3A_3 = arith.constant 0 : index
    %get3A_4 = vector.load %arg7[%get3A, %get3A_3] : memref<10240x32xf32, #tpu.memory_space<vmem>>, vector<256x32xf32>
    %get3A_5 = arith.constant 0 : index
    %get3A_6 = arith.constant 0 : index
    %get3A_7 = vector.load %arg7[%get3A_5, %get3A_6] : memref<10240x32xf32, #tpu.memory_space<vmem>>, vector<10000x32xf32>
    %dot_general3A = arith.constant dense<0.000000e+00> : vector<256x10000xf32>
    %dot_general3A_8 = tpu.matmul %get3A_4, %get3A_7, %dot_general3A {dimension_numbers = #tpu.dot_dimension_numbers<[1], [1], [0], [0], [0, 0, 1, 0], [], []>, transpose_lhs_hint = false} : vector<256x32xf32>, vector<10000x32xf32>, vector<256x10000xf32> -> vector<256x10000xf32>
    %swap3A = arith.constant 0 : index
    %swap3A_9 = arith.constant 0 : index
    %swap3A_10 = vector.load %arg5[%swap3A, %swap3A_9] : memref<256x10000xf32, #tpu.memory_space<vmem>>, vector<256x10000xf32>
    tpu.vector_store %arg5[%swap3A, %swap3A_9], %dot_general3A_8 {strides = array<i32>} : memref<256x10000xf32, #tpu.memory_space<vmem>>, vector<256x10000xf32>,
    return
  }
  func.func @transform_0(%arg0: i32) -> (i32, i32, i32) {
    %c0_i32 = arith.constant 0 : i32
    %c0_i32_0 = arith.constant 0 : i32
    %c0_i32_1 = arith.constant 0 : i32
    %c0_i32_2 = arith.constant 0 : i32
    return %c0_i32, %c0_i32_0, %c0_i32_1 : i32, i32, i32
  }
  func.func @transform_1(%arg0: i32) -> (i32, i32) {
    %c0_i32 = arith.constant 0 : i32
    %c0_i32_0 = arith.constant 0 : i32
    %c0_i32_1 = arith.constant 0 : i32
    return %c0_i32, %c0_i32_0 : i32, i32
  }
  func.func @transform_2(%arg0: i32) -> (i32, i32, i32) {
    %c0_i32 = arith.constant 0 : i32
    %c0_i32_0 = arith.constant 0 : i32
    %c0_i32_1 = arith.constant 0 : i32
    %c0_i32_2 = arith.constant 0 : i32
    return %c0_i32, %c0_i32_0, %c0_i32_1 : i32, i32, i32
  }
  func.func @transform_3(%arg0: i32) -> (i32, i32) {
    %c0_i32 = arith.constant 0 : i32
    %c0_i32_0 = arith.constant 0 : i32
    %c0_i32_1 = arith.constant 0 : i32
    return %c0_i32, %c0_i32_0 : i32, i32
  }
  func.func @transform_4(%arg0: i32) -> (i32, i32) {
    %c0_i32 = arith.constant 0 : i32
    %c0_i32_0 = arith.constant 0 : i32
    return %arg0, %c0_i32 : i32, i32
  }
  func.func @transform_5(%arg0: i32) -> (i32, i32) {
    %c0_i32 = arith.constant 0 : i32
    %c0_i32_0 = arith.constant 0 : i32
    %c0_i32_1 = arith.constant 0 : i32
    return %c0_i32, %c0_i32_0 : i32, i32
  }
}

</mosaic_0001>

<sc_bundles>
// kernel: kernel.6.cloned.1.call-start
scs
__scs_entry_jumppad:
0x0: {  	(pc) =	sbr.rel $0x88, $3  }
0x1: {  	(tag) =	ssettag $0x0;
	lr =	simm.s32 $0x1  }
0x2: {  	[smem:$0x3F9D] =	sst lr;
	_ =	strace $0xD0000000  }
0x3: {  	_ = 	snop  }
0x4: {  	_ = 	snop  }
0x5: {  	_ = 	snop  }
0x6: {  	_ = 	snop  }
0x7: {  	_ = 	snop  }
__scs_overlays_trampoline_lowered:
0x8: {  	[smem:$0x3FAC] =	sst s0  }
0x9: {  	[smem:$0x3FAD] =	sst s1  }
0xa: {  	[smem:$0x3FAE] =	sst s2  }
0xb: {  	[smem:$0x3FAF] =	sst s3  }
0xc: {  	[smem:$0x3FB0] =	sst s4  }
0xd: {  	[smem:$0x3FB1] =	sst s5  }
0xe: {  	[smem:$0x3FB2] =	sst s6  }
0xf: {  	[smem:$0x3FB3] =	sst s7  }
0x10: {  	[smem:$0x3FB4] =	sst s8  }
0x11: {  	[smem:$0x3FB5] =	sst s9;
	s0 =	simm.s32 @!p0 $0x0  }
0x12: {  	s1 =	sld [smem:$0x3F9B];
	s0 =	simm.s32 @p0 $0x1  }
0x13: {  	[smem:$0x3FB6] =	sst s0;
	s0 =	simm.s32 @!p1 $0x0  }
0x14: {  	s2 =	sld [smem:$0x3F9A];
	s0 =	simm.s32 @p1 $0x1  }
0x15: {  	[smem:$0x3FB7] =	sst s0;
	s0 =	simm.s32 @!p2 $0x0  }
0x16: {  	s3 =	sld [smem:$0x3FDB];
	s0 =	simm.s32 @p2 $0x1  }
0x17: {  	s4 =	simm.s32 $0x1BF5;
	[smem:$0x3FB9] =	sst s0  }
0x18: {  	s0 =	sld [smem:$0x3F9C];
	_ =	swait.ge [sflag:s4], $0x0  }
0x19: {  	s7 =	sld [smem:$0x3F9D]  }
0x1a: {  	s8 =	sadd.s32 $0xFFFFE003, lr  }
0x1b: {  	s9 =	sadd.s32 $0xFFFFFEF7, lr;
	s5 =	simm.s32 $0xFFFFFFFF;
	p2 =	slt.u32 s8, $0xFFFFF086  }
0x1c: {  	p1 =	slt.u32 s9, $0xF7A;
	s5 =	simm.s32 @!p2 $0x0  }
0x1d: {  	s5 =	simm.s32 @p1 $0x1;
	p0 =	seq.s32 s7, s2  }
0x1e: {  	s7 =	smul.u32 @!p0 $0xF7A, s2;
	p2 =	seq.s32 @!p0 s5, $0x0  }
0x1f: {  	s9 =	smul.u32 $0xF7A, s1;
	s8 =	simm.s32 @!p0 $0x1BF5;
	p2 =	por !p2, p0  }
0x20: {  	[sflag:s8] =	ssyncset.s32 @!p0 $0xFFFFF086;
	s6 =	sadd.s32 @!p0 s3, s7;
	s7 =	simm.s32 @!p0 $0x108  }
0x21: {  	s3 =	sadd.s32 s3, s9;
	s6 =	sadd.s32 @!p0 $0x88, s6;
	s7 =	simm.s32 @p2 $0x1082  }
0x22: {  	[simem:s7], [sflag:s8] =	dma.local @!p0 [hbm:s6], $0xF7A  }
0x23: {  	s9 =	sor.u32 $0xD0000000, s2;
	s6 =	simm.s32 $0x108;
	_ =	swait.ge @!p0 [sflag:s8], $0x0  }
0x24: {  	s3 =	sadd.s32 $0x88, s3;
	s6 =	simm.s32 @!p1 $0x1082;
	[sflag:s4] =	ssyncset.s32 $0xFFFFF086  }
0x25: {  	[simem:s6], [sflag:s4] =	dma.local [hbm:s3], $0xF7A  }
0x26: {  	[smem:$0x3F9D] =	sst s1;
	(tag) =	ssettag s2;
	_ =	strace s9  }
0x27: {  	s1 =	sld [smem:$0x3FAD]  }
0x28: {  	s2 =	sld [smem:$0x3FAE]  }
0x29: {  	s4 =	sld [smem:$0x3FB0]  }
0x2a: {  	p0 =	seq.s32 s5, $0x0;
	s5 =	sld [smem:$0x3FB1]  }
0x2b: {  	s6 =	sld [smem:$0x3FB2]  }
0x2c: {  	s7 =	sld [smem:$0x3FB3]  }
0x2d: {  	s3 =	simm.s32 $0x108;
	s8 =	sld [smem:$0x3FB4]  }
0x2e: {  	s3 =	simm.s32 @!p0 $0x1082;
	s9 =	sld [smem:$0x3FB5]  }
0x2f: {  	lr =	sadd.s32 s0, s3;
	s0 =	sld [smem:$0x3FAC]  }
0x30: {  	s3 =	sld [smem:$0x3FAF]  }
0x31: {  	[smem:$0x3FB8] =	sst s10  }
0x32: {  	s10 =	sld [smem:$0x3FB6];
	_ =	sdelay $0x3  }
0x33: {  	p0 =	seq.s32 s10, $0x1;
	s10 =	sld [smem:$0x3FB8];
	_ =	sdelay $0x3  }
0x34: {  	[smem:$0x3FB8] =	sst s10  }
0x35: {  	s10 =	sld [smem:$0x3FB7];
	_ =	sdelay $0x3  }
0x36: {  	p1 =	seq.s32 s10, $0x1;
	s10 =	sld [smem:$0x3FB8];
	_ =	sdelay $0x3  }
0x37: {  	[smem:$0x3FB8] =	sst s10  }
0x38: {  	s10 =	sld [smem:$0x3FB9]  }
0x39: {  	_ = 	snop;
	(pc) =	sbr.ind lr, $3  }
0x3a: {  	_ = 	snop  }
0x3b: {  	_ = 	snop  }
0x3c: {  	p2 =	seq.s32 s10, $0x1;
	s10 =	sld [smem:$0x3FB8]  }
0x3d: {  	_ =	shalt  }
0x3e: {  	_ =	shalt  }
0x3f: {  	_ =	shalt  }
0x40: {  	_ =	shalt  }
0x41: {  	_ =	shalt  }
0x42: {  	_ =	shalt  }
0x43: {  	_ =	shalt  }
0x44: {  	_ =	shalt  }
0x45: {  	_ =	shalt  }
0x46: {  	_ =	shalt  }
0x47: {  	_ =	shalt  }
0x48: {  	_ =	shalt  }
0x49: {  	_ =	shalt  }
0x4a: {  	_ =	shalt  }
0x4b: {  	_ =	shalt  }
0x4c: {  	_ =	shalt  }
0x4d: {  	_ =	shalt  }
0x4e: {  	_ =	shalt  }
0x4f: {  	_ =	shalt  }
0x50: {  	_ =	shalt  }
0x51: {  	_ =	shalt  }
0x52: {  	_ =	shalt  }
0x53: {  	_ =	shalt  }
0x54: {  	_ =	shalt  }
0x55: {  	_ =	shalt  }
0x56: {  	_ =	shalt  }
0x57: {  	_ =	shalt  }
0x58: {  	_ =	shalt  }
0x59: {  	_ =	shalt  }
0x5a: {  	_ =	shalt  }
0x5b: {  	_ =	shalt  }
0x5c: {  	_ =	shalt  }
0x5d: {  	_ =	shalt  }
0x5e: {  	_ =	shalt  }
0x5f: {  	_ =	shalt  }
0x60: {  	_ =	shalt  }
0x61: {  	_ =	shalt  }
0x62: {  	_ =	shalt  }
0x63: {  	_ =	shalt  }
0x64: {  	_ =	shalt  }
0x65: {  	_ =	shalt  }
0x66: {  	_ =	shalt  }
0x67: {  	_ =	shalt  }
0x68: {  	_ =	shalt  }
0x69: {  	_ =	shalt  }
0x6a: {  	_ =	shalt  }
0x6b: {  	_ =	shalt  }
0x6c: {  	_ =	shalt  }
0x6d: {  	_ =	shalt  }
0x6e: {  	_ =	shalt  }
0x6f: {  	_ =	shalt  }
0x70: {  	_ =	shalt  }
0x71: {  	_ =	shalt  }
0x72: {  	_ =	shalt  }
0x73: {  	_ =	shalt  }
0x74: {  	_ =	shalt  }
0x75: {  	_ =	shalt  }
0x76: {  	_ =	shalt  }
0x77: {  	_ =	shalt  }
0x78: {  	_ =	shalt  }
0x79: {  	_ =	shalt  }
0x7a: {  	_ =	shalt  }
0x7b: {  	_ =	shalt  }
0x7c: {  	_ =	shalt  }
0x7d: {  	_ =	shalt  }
0x7e: {  	_ =	shalt  }
0x7f: {  	_ =	shalt  }
0x80: {  	_ =	shalt  }
0x81: {  	_ =	shalt  }
0x82: {  	_ =	shalt  }
0x83: {  	_ =	shalt  }
0x84: {  	_ =	shalt  }
0x85: {  	_ =	shalt  }
0x86: {  	_ =	shalt  }
0x87: {  	_ =	shalt  }
.Lfunc_end0:
.L_simem_size_0:
called_computation_lowered:
.L_overlay_start_0:
0x88: {  	s2 =	sld [smem:$0x3FD9]  }
0x89: {  	s3 =	sld [smem:$0x3FFE];
	_ =	sdelay $0x1  }
0x8a: {  	s1 =	srdreg.scid  }
0x8b: {  	s0 =	sand.u32 $0x1, s1  }
0x8c: {  	s15 =	sshll.u32 s0, $0xA;
	s2 =	sadd.s32 s3, s2  }
0x8d: {  	s2 =	sadd.s32 s2, s15  }
0x8e: {  	[smem:$0x3FC4] =	sst s2  }
0x8f: {  	_ = 	snop  }
0x90: {  	s2 =	sld [smem:$0x3FD0];
	_ =	sdelay $0x2  }
0x91: {  	s16 =	simm.s32 $0xA;
	s4 =	simm.s32 $0x10  }
0x92: {  	[smem:s4], [sflag:s16] =	dma.local [hbm:s2], $0x1  }
0x93: {  	_ =	swait.eq [sflag:s16], $0x1  }
0x94: {  	[sflag:s16] =	ssyncset.done $0x0  }
0x95: {  	s17 =	sld [smem:$0x10];
	[sflag:s16] =	ssyncadd.s32 $0xFFFFFFFF  }
0x96: {  	s18 =	sld [smem:$0x11];
	(tm) =	ssettm $0x1  }
0x97: {  	s19 =	sld [smem:$0x3FFB];
	_ =	sdelay $0x3  }
0x98: {  	_ =	strace s19  }
0x99: {  	s4 =	sld [smem:$0x3FFC];
	_ =	sdelay $0x3  }
0x9a: {  	_ =	strace s4  }
0x9b: {  	s4 =	sld [smem:$0x3FFD];
	_ =	sdelay $0x3  }
0x9c: {  	_ =	strace s4  }
0x9d: {  	_ =	strace $0x8FFFFFFF  }
0x9e: {  	s20 =	sld [smem:$0x3FDB];
	_ =	sdelay $0x1  }
0x9f: {  	s5 =	simm.s32 $_scs_section_size  }
0xa0: {  	s6 =	simm.s32 $_size__tile_overlayer_lowered;
	s7 =	simm.s32 $_tile_overlayer_lowered  }
0xa1: {  	s23 =	simm.s32 $0x1BFF;
	s22 =	sshll.u32 s7, $0x1;
	s4 =	sadd.s32 s5, s20  }
0xa2: {  	s8 =	simm.s32 $0x0;
	s21 =	sshll.u32 s6, $0x1;
	s6 =	sadd.s32 s22, s4  }
0xa3: {  	[timem:s8], [sflag:s23] =	dma.local [hbm:s6], s21  }
0xa4: {  	_ =	swait.ge [sflag:s23], s21  }
0xa5: {  	s5 =	ssub.s32 $0x0, s21;
	[sflag:s23] =	ssyncset.done $0x0  }
0xa6: {  	[sflag:s23] =	ssyncadd.s32 s5;
	_ =	sdelay $0x1  }
0xa7: {  	s24 =	simm.s32 $0x1B8B  }
0xa8: {  	_ =	swait.ge [sflag:s24], $0x1  }
0xa9: {  	[sflag:s24] =	ssyncset.done $0x0  }
0xaa: {  	s25 =	simm.s32 $0x1B8E;
	[sflag:s24] =	ssyncadd.s32 $0xFFFFFFFF  }
0xab: {  	s26 =	simm.s32 $execute0_lowered;
	[smem:$0x3FD2] =	sst s25  }
0xac: {  	s5 =	sshll.u32 s26, $0x1;
	_ =	strace $0x80000046;
	[dreg:$0x1] =	wrdreg $0xFFFFFFFF  }
0xad: {  	s28 =	simm.s32 $_size_execute0_lowered;
	s4 =	sadd.s32 s4, s5;
	[dreg:$0x0] =	wrdreg $0x0  }
0xae: {  	s5 =	sshll.u32 s28, $0x1;
	[dreg:$0x2] =	wrdreg s4  }
0xaf: {  	[dreg:$0x3] =	wrdreg s5  }
0xb0: {  	[dreg:$0x4] =	wrdreg $0xC0  }
0xb1: {  	_ =	task [dreg:s8], $0x5FFFF  }
0xb2: {  	[dreg:$0x1] =	wrdreg $0xFFFFFFFF  }
0xb3: {  	[dreg:$0x0] =	wrdreg $0x60  }
0xb4: {  	[dreg:$0x2] =	wrdreg s18  }
0xb5: {  	[dreg:$0x3] =	wrdreg s17  }
0xb6: {  	[dreg:$0x4] =	wrdreg $0x3C000  }
0xb7: {  	[dreg:$0x5] =	wrdreg $0x9  }
0xb8: {  	_ =	task.clear_ibuf [dreg:s8], $0x6FFFF;
	_ =	strace $0x90000046  }
0xb9: {  	s29 =	simm.s32 $0x9;
	_ =	strace $0x80000048  }
0xba: {  	_ =	swait.ge [sflag:s29], $0x1  }
0xbb: {  	[sflag:s29] =	ssyncadd.s32 $0xFFFFFFFF  }
0xbc: {  	_ =	strace $0x90000048  }
0xbd: {  	_ =	sfence  }
0xbe: {  	s30 =	sld [smem:$0x0];
	_ =	sdelay $0x2  }
0xbf: {  	s31 =	sshll.u32 s1, $0xD;
	s1 =	sshrl.u32 s1, $0x2  }
0xc0: {  	s3 =	sand.u32 $0x4000, s31;
	s1 =	sadd.s32 s1, s30  }
0xc1: {  	s0 =	sor.u32 s3, s0;
	s1 =	sshll.u32 s1, $0x11  }
0xc2: {  	s0 =	sor.u32 s1, s0  }
0xc3: {  	s0 =	sadd.s32 $0x8F2B, s0  }
0xc4: {  	[sflag:s0] =	ssyncadd.remote.s32 $0x1  }
0xc5: {  	_ =	sfence.sel $0xFFFF  }
0xc6: {  	[dreg:$0x0] =	wrdreg $0xFFFFFFFF;
	(pc) =	sbr.abs _section_cstart, $3  }
0xc7: {  	[dreg:$0x1] =	wrdreg $0xFFFFFFFF  }
0xc8: {  	_ =	task.clear_ibuf [dreg:s8], $0x2FFFF;
	_ =	strace $0x9FFFFFFF  }
0xc9: {  	(tm) =	ssettm $0x7FFFFFFF  }
tec
execute0_lowered:
.L_overlay_start_1:
0x0: {  	(tag) =	ssettag $0x1  }
0x1: {  	s3 =	rddreg [dreg:$0x0]  }
0x2: {  	s0 =	srdreg.scid;
	s4 =	rddreg [dreg:$0x1]  }
0x3: {  	s1 =	rddreg [dreg:$0x2];
	s6 =	stileid.u32;
	s11 =	simm.s32 $0x0  }
0x4: {  	s5 =	sand.u32 $0x1, s0;
	s0 =	rddreg [dreg:$0x3];
	p0 =	sne.s32 s6, $0x0  }
0x5: {  	s2 =	sshll.u32 s5, $0x4;
	s8 =	ssub.s32 $0x2, s5;
	s5 =	smul.u32 $0x4F0, s5  }
0x6: {  	s10 =	sshrl.u32 @!p0 s1, $0x3;
	s7 =	sor.u32 s6, s2;
	s2 =	simm.s32 $0x0  }
0x7: {  	s9 =	sshrl.u32 s8, $0x1;
	s6 =	simm.s32 $0x1;
	s7 =	smul.u32 $0x280, s7  }
0x8: {  	[smem:$0x7FF] =	sst s2;
	s8 =	ssub.s32 s8, s9;
	s4 =	sadd.s32 s4, s5  }
0x9: {  	s9 =	simm.s32 $0x1400;
	_ =	strace $0x80000047;
	s5 =	smax.u32 s8, $0x1  }
0xa: {  	v0 =	vimm.f32 $1.000000000e+00;
	v1 =	vimm.f32 $0.0e+00;
	s8 =	simm.s32 $0x80;
	s3 =	sadd.s32 s3, s7;
	s7 =	simm.s32 $0x1480  }
.LBB2_1:
0xb: {  	[tilespmem:s2], [sflag:$0x1] =	stream.linear.gather [hbm4b:s3+s2], $0x1400, $0x38;
	[tilespmem:$0x3E78] =	vst v63  }
0xc: {  	_ =	swait.ge [sflag:s6], $0x1400  }
0xd: {  	[sflag:s6] =	ssyncset.done $0x0  }
0xe: {  	[sflag:s6] =	ssyncadd.s32 $0xFFFFEC00  }
0xf: {  	[tilespmem:$0x1400] =	vst v0  }
0x10: {  	[tilespmem:$0x1410] =	vst v0  }
0x11: {  	[tilespmem:$0x1420] =	vst v0  }
.Ltmp0:
0x12: {  	[tilespmem:$0x1430] =	vst v0;
	(pc) =	sbr.rel @p0 .LBB2_5-.Ltmp0, $4  }
0x13: {  	[tilespmem:$0x1440] =	vst v0  }
0x14: {  	[tilespmem:$0x1450] =	vst v0  }
0x15: {  	[tilespmem:$0x1460] =	vst v0  }
0x16: {  	[tilespmem:$0x1470] =	vst v0  }
0x17: {  	s12 =	simm.s32 $0x40;
	s13 =	simm.s32 $0x0  }
.LBB2_3:
0x18: {  	p1 =	sne.s32 s12, $0x9C40;
	[tilespmem:s13+$0x1480] =	vst v1;
	s13 =	smov.u32 s12;
	s12 =	sadd.s32 $0x40, s12  }
.Ltmp1:
0x19: {  	(pc) =	sbr.rel @p1 .LBB2_3-.Ltmp1, $2  }
0x1a: {  	_ =	sdelay $0x2  }
0x1b: {  	s13 =	sshra.s32 s13, $0x2  }
0x1c: {  	[tilespmem:s13+$0x1480] =	vst v1  }
0x1d: {  	[spmem:s1] =	stream.linear.scatter [tilespmem:s7], [sflag:$0x1], $0x2780, $0x38;
	[tilespmem:$0x3E78] =	vst v63  }
0x1e: {  	_ =	swait.ge [sflag:s6], $0x2780  }
0x1f: {  	[sflag:s6] =	ssyncset.done $0x0  }
0x20: {  	[sflag:s6] =	ssyncadd.s32 $0xFFFFD880  }
.LBB2_5:
0x21: {  	[bflag:$0x0] =	sbarrier.arrive $0xFFFF;
	s12 =	simm.s32 $0x0  }
0x22: {  	[spmem:s1] =	stream.indirect.scatter.add.f32 [tilespmem:s9], [sflag:$0x1], $0x1, s12, s8, $0xb8;
	[tilespmem:$0x3E78] =	vst v63  }
0x23: {  	_ =	swait.ge [sflag:s6], $0x80  }
0x24: {  	s12 =	simm.s32 $0x200;
	[sflag:s6] =	ssyncset.done $0x0  }
.LBB2_6:
0x25: {  	s13 =	sshra.s32 s12, $0x2;
	[sflag:s6] =	ssyncadd.s32 $0xFFFFFF80;
	p1 =	sne.s32 s12, $0x4E00  }
0x26: {  	[spmem:s1] =	stream.indirect.scatter.add.f32 [tilespmem:s9], [sflag:$0x1], $0x1, s13, s8, $0xb8;
	[tilespmem:$0x3E78] =	vst v63  }
.Ltmp2:
0x27: {  	_ = 	snop;
	(pc) =	sbr.rel @p1 .LBB2_6-.Ltmp2, $4  }
0x28: {  	_ = 	snop  }
0x29: {  	s12 =	sadd.s32 $0x200, s12  }
0x2a: {  	_ =	swait.ge [sflag:s6], $0x80  }
0x2b: {  	[sflag:s6] =	ssyncset.done $0x0  }
0x2c: {  	[sflag:s6] =	ssyncadd.s32 $0xFFFFFF80;
	s11 =	sadd.s32 $0x1, s11  }
0x2d: {  	s12 =	simm.s32 @!p0 $0x1C01;
	[bflag:$0x0] =	sbarrier.arrive $0xFFFF;
	p1 =	sne.s32 s11, s5  }
0x2e: {  	[hbm:s4], [sflag:s12] =	dma.local @!p0 [spmem:s10], $0x4F0  }
.Ltmp3:
0x2f: {  	_ = 	snop;
	(pc) =	sbr.rel @p1 .LBB2_1-.Ltmp3, $4  }
0x30: {  	s12 =	simm.s32 @!p0 $0x1  }
0x31: {  	_ =	swait.ge @!p0 [sflag:s12], $0x4F0  }
0x32: {  	[sflag:s12] =	ssyncset.done @!p0 $0x0  }
0x33: {  	[sflag:s12] =	ssyncadd.s32 @!p0 $0xFFFFFB10  }
0x34: {  	_ =	sfence.sel $0x180000  }
0x35: {  	[bflag:$0x0] =	sbarrier.arrive $0xFFFF  }
0x36: {  	_ =	strace $0x90000047  }
0x37: {  	s0 =	sadd.s32 @!p0 $0x100000, s0;
	[bflag:$0x2] =	sbarrier.arrive $0xFFFF  }
0x38: {  	[sflag:s0] =	ssyncadd.tile.s32 @!p0 $0x1;
	_ =	shalt  }
.Lfunc_end2:
_tile_overlayer_lowered:
.L_overlay_start_2:
0x39: {  	(tag) =	ssettag $0x2  }
0x3a: {  	s0 =	rddreg [dreg:$0x0];
	s2 =	stileid.u32  }
0x3b: {  	s1 =	rddreg [dreg:$0x1];
	p0 =	sne.s32 s2, $0x0  }
0x3c: {  	s3 =	rddreg [dreg:$0x2];
	[bflag:$0x3] =	sbarrier.arrive $0xFFFF;
	s2 =	simm.s32 @!p0 $0x1C01  }
0x3d: {  	[timem:s3], [sflag:s2] =	dma.local @!p0 [hbm:s0], s1  }
0x3e: {  	s0 =	simm.s32 @!p0 $0x1  }
0x3f: {  	_ =	swait.ge @!p0 [sflag:s0], s1  }
0x40: {  	s1 =	ssub.s32 @!p0 $0x0, s1;
	[sflag:s0] =	ssyncset.done @!p0 $0x0  }
0x41: {  	[sflag:s0] =	ssyncadd.s32 @!p0 s1  }
0x42: {  	[bflag:$0x3] =	sbarrier.arrive $0xFFFF  }
0x43: {  	_ =	shalt  }

// kernel: kernel.9.cloned.1.call-start
scs
__scs_entry_jumppad:
0x0: {  	(pc) =	sbr.rel $0x88, $3  }
0x1: {  	(tag) =	ssettag $0x0;
	lr =	simm.s32 $0x1  }
0x2: {  	[smem:$0x3F9D] =	sst lr;
	_ =	strace $0xD0000000  }
0x3: {  	_ = 	snop  }
0x4: {  	_ = 	snop  }
0x5: {  	_ = 	snop  }
0x6: {  	_ = 	snop  }
0x7: {  	_ = 	snop  }
__scs_overlays_trampoline_lowered:
0x8: {  	[smem:$0x3FAC] =	sst s0  }
0x9: {  	[smem:$0x3FAD] =	sst s1  }
0xa: {  	[smem:$0x3FAE] =	sst s2  }
0xb: {  	[smem:$0x3FAF] =	sst s3  }
0xc: {  	[smem:$0x3FB0] =	sst s4  }
0xd: {  	[smem:$0x3FB1] =	sst s5  }
0xe: {  	[smem:$0x3FB2] =	sst s6  }
0xf: {  	[smem:$0x3FB3] =	sst s7  }
0x10: {  	[smem:$0x3FB4] =	sst s8  }
0x11: {  	[smem:$0x3FB5] =	sst s9;
	s0 =	simm.s32 @!p0 $0x0  }
0x12: {  	s1 =	sld [smem:$0x3F9B];
	s0 =	simm.s32 @p0 $0x1  }
0x13: {  	[smem:$0x3FB6] =	sst s0;
	s0 =	simm.s32 @!p1 $0x0  }
0x14: {  	s2 =	sld [smem:$0x3F9A];
	s0 =	simm.s32 @p1 $0x1  }
0x15: {  	[smem:$0x3FB7] =	sst s0;
	s0 =	simm.s32 @!p2 $0x0  }
0x16: {  	s3 =	sld [smem:$0x3FDB];
	s0 =	simm.s32 @p2 $0x1  }
0x17: {  	s4 =	simm.s32 $0x1BF5;
	[smem:$0x3FB9] =	sst s0  }
0x18: {  	s0 =	sld [smem:$0x3F9C];
	_ =	swait.ge [sflag:s4], $0x0  }
0x19: {  	s7 =	sld [smem:$0x3F9D]  }
0x1a: {  	s8 =	sadd.s32 $0xFFFFE003, lr  }
0x1b: {  	s9 =	sadd.s32 $0xFFFFFEF7, lr;
	s5 =	simm.s32 $0xFFFFFFFF;
	p2 =	slt.u32 s8, $0xFFFFF086  }
0x1c: {  	p1 =	slt.u32 s9, $0xF7A;
	s5 =	simm.s32 @!p2 $0x0  }
0x1d: {  	s5 =	simm.s32 @p1 $0x1;
	p0 =	seq.s32 s7, s2  }
0x1e: {  	s7 =	smul.u32 @!p0 $0xF7A, s2;
	p2 =	seq.s32 @!p0 s5, $0x0  }
0x1f: {  	s9 =	smul.u32 $0xF7A, s1;
	s8 =	simm.s32 @!p0 $0x1BF5;
	p2 =	por !p2, p0  }
0x20: {  	[sflag:s8] =	ssyncset.s32 @!p0 $0xFFFFF086;
	s6 =	sadd.s32 @!p0 s3, s7;
	s7 =	simm.s32 @!p0 $0x108  }
0x21: {  	s3 =	sadd.s32 s3, s9;
	s6 =	sadd.s32 @!p0 $0x88, s6;
	s7 =	simm.s32 @p2 $0x1082  }
0x22: {  	[simem:s7], [sflag:s8] =	dma.local @!p0 [hbm:s6], $0xF7A  }
0x23: {  	s9 =	sor.u32 $0xD0000000, s2;
	s6 =	simm.s32 $0x108;
	_ =	swait.ge @!p0 [sflag:s8], $0x0  }
0x24: {  	s3 =	sadd.s32 $0x88, s3;
	s6 =	simm.s32 @!p1 $0x1082;
	[sflag:s4] =	ssyncset.s32 $0xFFFFF086  }
0x25: {  	[simem:s6], [sflag:s4] =	dma.local [hbm:s3], $0xF7A  }
0x26: {  	[smem:$0x3F9D] =	sst s1;
	(tag) =	ssettag s2;
	_ =	strace s9  }
0x27: {  	s1 =	sld [smem:$0x3FAD]  }
0x28: {  	s2 =	sld [smem:$0x3FAE]  }
0x29: {  	s4 =	sld [smem:$0x3FB0]  }
0x2a: {  	p0 =	seq.s32 s5, $0x0;
	s5 =	sld [smem:$0x3FB1]  }
0x2b: {  	s6 =	sld [smem:$0x3FB2]  }
0x2c: {  	s7 =	sld [smem:$0x3FB3]  }
0x2d: {  	s3 =	simm.s32 $0x108;
	s8 =	sld [smem:$0x3FB4]  }
0x2e: {  	s3 =	simm.s32 @!p0 $0x1082;
	s9 =	sld [smem:$0x3FB5]  }
0x2f: {  	lr =	sadd.s32 s0, s3;
	s0 =	sld [smem:$0x3FAC]  }
0x30: {  	s3 =	sld [smem:$0x3FAF]  }
0x31: {  	[smem:$0x3FB8] =	sst s10  }
0x32: {  	s10 =	sld [smem:$0x3FB6];
	_ =	sdelay $0x3  }
0x33: {  	p0 =	seq.s32 s10, $0x1;
	s10 =	sld [smem:$0x3FB8];
	_ =	sdelay $0x3  }
0x34: {  	[smem:$0x3FB8] =	sst s10  }
0x35: {  	s10 =	sld [smem:$0x3FB7];
	_ =	sdelay $0x3  }
0x36: {  	p1 =	seq.s32 s10, $0x1;
	s10 =	sld [smem:$0x3FB8];
	_ =	sdelay $0x3  }
0x37: {  	[smem:$0x3FB8] =	sst s10  }
0x38: {  	s10 =	sld [smem:$0x3FB9]  }
0x39: {  	_ = 	snop;
	(pc) =	sbr.ind lr, $3  }
0x3a: {  	_ = 	snop  }
0x3b: {  	_ = 	snop  }
0x3c: {  	p2 =	seq.s32 s10, $0x1;
	s10 =	sld [smem:$0x3FB8]  }
0x3d: {  	_ =	shalt  }
0x3e: {  	_ =	shalt  }
0x3f: {  	_ =	shalt  }
0x40: {  	_ =	shalt  }
0x41: {  	_ =	shalt  }
0x42: {  	_ =	shalt  }
0x43: {  	_ =	shalt  }
0x44: {  	_ =	shalt  }
0x45: {  	_ =	shalt  }
0x46: {  	_ =	shalt  }
0x47: {  	_ =	shalt  }
0x48: {  	_ =	shalt  }
0x49: {  	_ =	shalt  }
0x4a: {  	_ =	shalt  }
0x4b: {  	_ =	shalt  }
0x4c: {  	_ =	shalt  }
0x4d: {  	_ =	shalt  }
0x4e: {  	_ =	shalt  }
0x4f: {  	_ =	shalt  }
0x50: {  	_ =	shalt  }
0x51: {  	_ =	shalt  }
0x52: {  	_ =	shalt  }
0x53: {  	_ =	shalt  }
0x54: {  	_ =	shalt  }
0x55: {  	_ =	shalt  }
0x56: {  	_ =	shalt  }
0x57: {  	_ =	shalt  }
0x58: {  	_ =	shalt  }
0x59: {  	_ =	shalt  }
0x5a: {  	_ =	shalt  }
0x5b: {  	_ =	shalt  }
0x5c: {  	_ =	shalt  }
0x5d: {  	_ =	shalt  }
0x5e: {  	_ =	shalt  }
0x5f: {  	_ =	shalt  }
0x60: {  	_ =	shalt  }
0x61: {  	_ =	shalt  }
0x62: {  	_ =	shalt  }
0x63: {  	_ =	shalt  }
0x64: {  	_ =	shalt  }
0x65: {  	_ =	shalt  }
0x66: {  	_ =	shalt  }
0x67: {  	_ =	shalt  }
0x68: {  	_ =	shalt  }
0x69: {  	_ =	shalt  }
0x6a: {  	_ =	shalt  }
0x6b: {  	_ =	shalt  }
0x6c: {  	_ =	shalt  }
0x6d: {  	_ =	shalt  }
0x6e: {  	_ =	shalt  }
0x6f: {  	_ =	shalt  }
0x70: {  	_ =	shalt  }
0x71: {  	_ =	shalt  }
0x72: {  	_ =	shalt  }
0x73: {  	_ =	shalt  }
0x74: {  	_ =	shalt  }
0x75: {  	_ =	shalt  }
0x76: {  	_ =	shalt  }
0x77: {  	_ =	shalt  }
0x78: {  	_ =	shalt  }
0x79: {  	_ =	shalt  }
0x7a: {  	_ =	shalt  }
0x7b: {  	_ =	shalt  }
0x7c: {  	_ =	shalt  }
0x7d: {  	_ =	shalt  }
0x7e: {  	_ =	shalt  }
0x7f: {  	_ =	shalt  }
0x80: {  	_ =	shalt  }
0x81: {  	_ =	shalt  }
0x82: {  	_ =	shalt  }
0x83: {  	_ =	shalt  }
0x84: {  	_ =	shalt  }
0x85: {  	_ =	shalt  }
0x86: {  	_ =	shalt  }
0x87: {  	_ =	shalt  }
.Lfunc_end0:
.L_simem_size_0:
called_computation.1_lowered:
.L_overlay_start_0:
0x88: {  	s2 =	sld [smem:$0x3FD9]  }
0x89: {  	s3 =	sld [smem:$0x3FFE];
	_ =	sdelay $0x1  }
0x8a: {  	s1 =	srdreg.scid  }
0x8b: {  	s0 =	sand.u32 $0x1, s1  }
0x8c: {  	s14 =	sshll.u32 s0, $0xA;
	s2 =	sadd.s32 s3, s2  }
0x8d: {  	s2 =	sadd.s32 s2, s14  }
0x8e: {  	[smem:$0x3FC4] =	sst s2  }
0x8f: {  	_ = 	snop  }
0x90: {  	s2 =	sld [smem:$0x3FD0];
	_ =	sdelay $0x2  }
0x91: {  	s15 =	simm.s32 $0xA;
	s4 =	simm.s32 $0x10  }
0x92: {  	[smem:s4], [sflag:s15] =	dma.local [hbm:s2], $0x1  }
0x93: {  	_ =	swait.eq [sflag:s15], $0x1  }
0x94: {  	[sflag:s15] =	ssyncset.done $0x0  }
0x95: {  	s16 =	sld [smem:$0x10];
	[sflag:s15] =	ssyncadd.s32 $0xFFFFFFFF  }
0x96: {  	s17 =	sld [smem:$0x11];
	(tm) =	ssettm $0x1  }
0x97: {  	s18 =	sld [smem:$0x3FFB];
	_ =	sdelay $0x3  }
0x98: {  	_ =	strace s18  }
0x99: {  	s4 =	sld [smem:$0x3FFC];
	_ =	sdelay $0x3  }
0x9a: {  	_ =	strace s4  }
0x9b: {  	s4 =	sld [smem:$0x3FFD];
	_ =	sdelay $0x3  }
0x9c: {  	_ =	strace s4  }
0x9d: {  	_ =	strace $0x8FFFFFFF  }
0x9e: {  	s19 =	sld [smem:$0x3FDB];
	_ =	sdelay $0x1  }
0x9f: {  	s5 =	simm.s32 $_scs_section_size  }
0xa0: {  	s6 =	simm.s32 $_size__tile_overlayer_lowered;
	s7 =	simm.s32 $_tile_overlayer_lowered  }
0xa1: {  	s22 =	simm.s32 $0x1BFF;
	s21 =	sshll.u32 s7, $0x1;
	s4 =	sadd.s32 s5, s19  }
0xa2: {  	s8 =	simm.s32 $0x0;
	s20 =	sshll.u32 s6, $0x1;
	s6 =	sadd.s32 s21, s4  }
0xa3: {  	[timem:s8], [sflag:s22] =	dma.local [hbm:s6], s20  }
0xa4: {  	_ =	swait.ge [sflag:s22], s20  }
0xa5: {  	s5 =	ssub.s32 $0x0, s20;
	[sflag:s22] =	ssyncset.done $0x0  }
0xa6: {  	[sflag:s22] =	ssyncadd.s32 s5;
	_ =	sdelay $0x1  }
0xa7: {  	s23 =	simm.s32 $0x1B8B  }
0xa8: {  	_ =	swait.ge [sflag:s23], $0x1  }
0xa9: {  	[sflag:s23] =	ssyncset.done $0x0  }
0xaa: {  	s25 =	simm.s32 $0x1B8E;
	s24 =	sld [smem:$0x3FFE];
	[sflag:s23] =	ssyncadd.s32 $0xFFFFFFFF  }
0xab: {  	s26 =	simm.s32 $execute0_lowered;
	[smem:$0x3FD2] =	sst s25  }
0xac: {  	s6 =	sshll.u32 s26, $0x1;
	_ =	strace $0x80000049;
	[dreg:$0x1] =	wrdreg $0xFFFFFFFF  }
0xad: {  	s28 =	simm.s32 $_size_execute0_lowered;
	s4 =	sadd.s32 s4, s6;
	[dreg:$0x0] =	wrdreg $0x0  }
0xae: {  	s6 =	sshll.u32 s28, $0x1;
	[dreg:$0x2] =	wrdreg s4  }
0xaf: {  	[dreg:$0x3] =	wrdreg s6  }
0xb0: {  	[dreg:$0x4] =	wrdreg $0xC0  }
0xb1: {  	_ =	task [dreg:s8], $0x5FFFF  }
0xb2: {  	[dreg:$0x1] =	wrdreg $0xFFFFFFFF  }
0xb3: {  	[dreg:$0x0] =	wrdreg $0x60  }
0xb4: {  	[dreg:$0x2] =	wrdreg s24  }
0xb5: {  	[dreg:$0x3] =	wrdreg s16  }
0xb6: {  	[dreg:$0x4] =	wrdreg s17  }
0xb7: {  	[dreg:$0x5] =	wrdreg $0xBA800  }
0xb8: {  	[dreg:$0x6] =	wrdreg $0x1F3400  }
0xb9: {  	[dreg:$0x7] =	wrdreg $0x9  }
0xba: {  	_ =	task.clear_ibuf [dreg:s8], $0x8FFFF;
	_ =	strace $0x90000049  }
0xbb: {  	s29 =	simm.s32 $0x9;
	_ =	strace $0x8000004B  }
0xbc: {  	_ =	swait.ge [sflag:s29], $0x1  }
0xbd: {  	[sflag:s29] =	ssyncadd.s32 $0xFFFFFFFF  }
0xbe: {  	_ =	strace $0x9000004B  }
0xbf: {  	_ =	sfence  }
0xc0: {  	s30 =	sld [smem:$0x0];
	_ =	sdelay $0x2  }
0xc1: {  	s31 =	sshll.u32 s1, $0xD;
	s1 =	sshrl.u32 s1, $0x2  }
0xc2: {  	s3 =	sand.u32 $0x4000, s31;
	s1 =	sadd.s32 s1, s30  }
0xc3: {  	s0 =	sor.u32 s3, s0;
	s1 =	sshll.u32 s1, $0x11  }
0xc4: {  	s0 =	sor.u32 s1, s0  }
0xc5: {  	s0 =	sadd.s32 $0x8F2B, s0  }
0xc6: {  	[sflag:s0] =	ssyncadd.remote.s32 $0x1  }
0xc7: {  	_ =	sfence.sel $0xFFFF  }
0xc8: {  	[dreg:$0x0] =	wrdreg $0xFFFFFFFF;
	(pc) =	sbr.abs _section_cstart, $3  }
0xc9: {  	[dreg:$0x1] =	wrdreg $0xFFFFFFFF  }
0xca: {  	_ =	task.clear_ibuf [dreg:s8], $0x2FFFF;
	_ =	strace $0x9FFFFFFF  }
0xcb: {  	(tm) =	ssettm $0x7FFFFFFF  }
tec
execute0_lowered:
.L_overlay_start_1:
0x0: {  	(tag) =	ssettag $0x1  }
0x1: {  	s0 =	rddreg [dreg:$0x0]  }
0x2: {  	s3 =	rddreg [dreg:$0x1]  }
0x3: {  	s6 =	rddreg [dreg:$0x2]  }
0x4: {  	s2 =	srdreg.scid;
	s1 =	rddreg [dreg:$0x3]  }
0x5: {  	s12 =	stileid.u32;
	s4 =	simm.s32 $0x0;
	s29 =	simm.s32 $0x2  }
0x6: {  	s14 =	simm.s32 $0x2300;
	s15 =	simm.s32 $0x2380;
	s16 =	simm.s32 $0x2400  }
0x7: {  	s28 =	simm.s32 $0x2480;
	s31 =	simm.s32 $0x2500;
	s30 =	simm.s32 $0x2680  }
0x8: {  	s7 =	sand.u32 $0x1, s2;
	s2 =	rddreg [dreg:$0x4];
	s10 =	smul.u32 $0x4E000, s12  }
0x9: {  	[smem:$0x7FF] =	sst s4;
	s22 =	smul.u32 $0x13800, s12;
	p0 =	sne.s32 s12, $0x0  }
0xa: {  	s5 =	sshll.u32 s7, $0x4;
	s8 =	ssub.s32 $0x2, s7;
	_ =	strace $0x8000004A  }
0xb: {  	s20 =	smul.u32 $0x138800, s7;
	s13 =	sadd.s32 $0x9C8, s2;
	s23 =	sadd.s32 $0x1390, s2  }
0xc: {  	s7 =	smul.u32 $0x4F0, s7;
	s24 =	sadd.s32 $0x1D58, s2;
	[dreg:$0x8] =	wrdreg s13  }
0xd: {  	s5 =	sor.u32 s12, s5;
	s9 =	sshrl.u32 s8, $0x1;
	[dreg:$0x9] =	wrdreg s23  }
0xe: {  	s19 =	sshrl.u32 s10, $0x2;
	[dreg:$0xa] =	wrdreg s24;
	s23 =	simm.s32 $0x6800  }
0xf: {  	s24 =	simm.s32 $0xB000;
	s13 =	simm.s32 $0x2280;
	s12 =	simm.s32 $0x2600  }
0x10: {  	s5 =	smul.u32 $0x280, s5;
	s17 =	ssub.s32 s8, s9;
	s8 =	sadd.s32 s19, s1  }
0x11: {  	s9 =	sadd.s32 $0x138000, s1;
	s10 =	sshrl.u32 s20, $0x3;
	s26 =	sadd.s32 s6, s7  }
0x12: {  	s19 =	simm.s32 $0xA800;
	s10 =	sadd.s32 s3, s10;
	[dreg:$0xd] =	wrdreg s26  }
0x13: {  	s26 =	simm.s32 $0x0;
	s11 =	sadd.s32 s5, s0;
	s5 =	sadd.s32 $0xB600, s0  }
0x14: {  	s25 =	sadd.s32 $0x27000, s10;
	s0 =	smax.u32 s17, $0x1;
	s17 =	simm.s32 $0x3  }
0x15: {  	s10 =	simm.s32 $0x2580;
	s18 =	sadd.s32 $0x1600, s11;
	s21 =	sadd.s32 $0x6600, s11  }
.Ltmp0:
0x16: {  	s11 =	sadd.s32 s22, s20;
	[dreg:$0xc] =	wrdreg s25;
	(pc) =	sbr.rel .LBB2_1-.Ltmp0, $4  }
0x17: {  	[dreg:$0xe] =	wrdreg s0;
	s22 =	simm.s32 $0x2800;
	s25 =	simm.s32 $0x1  }
0x18: {  	s0 =	simm.s32 $0x2780;
	[dreg:$0x6] =	wrdreg s18;
	s11 =	sshrl.u32 s11, $0x3  }
0x19: {  	[dreg:$0x7] =	wrdreg s21;
	s18 =	simm.s32 $0x1400;
	s3 =	sadd.s32 s3, s11  }
0x1a: {  	v0 =	vimm.f32 $1.000000000e+00;
	v1 =	vimm.f32 $0.0e+00;
	s21 =	simm.s32 $0x80;
	s11 =	simm.s32 $0x2700;
	[dreg:$0xb] =	wrdreg s3  }
.LBB2_8:
0x1b: {  	[tilespmem:s20+$0xB080] =	vst v1;
	s6 =	simm.s32 $0xB080  }
0x1c: {  	[spmem:s2] =	stream.linear.scatter [tilespmem:s6], [sflag:$0x3], $0x9C8, $0x38;
	[tilespmem:$0x1F5B8] =	vst v63  }
0x1d: {  	_ =	swait.ge [sflag:s17], $0x9C8  }
0x1e: {  	[sflag:s17] =	ssyncset.done $0x0  }
0x1f: {  	s3 =	rddreg [dreg:$0x8];
	[sflag:s17] =	ssyncadd.s32 $0xFFFFF638  }
0x20: {  	[spmem:s3] =	stream.linear.scatter [tilespmem:s6], [sflag:$0x3], $0x9C8, $0x38;
	[tilespmem:$0x1F5B8] =	vst v63  }
0x21: {  	_ =	swait.ge [sflag:s17], $0x9C8  }
0x22: {  	[sflag:s17] =	ssyncset.done $0x0  }
0x23: {  	s7 =	rddreg [dreg:$0x9];
	[sflag:s17] =	ssyncadd.s32 $0xFFFFF638  }
0x24: {  	[spmem:s7] =	stream.linear.scatter [tilespmem:s6], [sflag:$0x3], $0x9C8, $0x38;
	[tilespmem:$0x1F5B8] =	vst v63  }
0x25: {  	_ =	swait.ge [sflag:s17], $0x9C8  }
0x26: {  	[sflag:s17] =	ssyncset.done $0x0  }
0x27: {  	s20 =	rddreg [dreg:$0xa];
	[sflag:s17] =	ssyncadd.s32 $0xFFFFF638  }
0x28: {  	[spmem:s20] =	stream.linear.scatter [tilespmem:s6], [sflag:$0x3], $0x9C8, $0x38;
	[tilespmem:$0x1F5B8] =	vst v63  }
0x29: {  	_ =	swait.ge [sflag:s17], $0x9C8  }
0x2a: {  	[sflag:s17] =	ssyncset.done $0x0  }
0x2b: {  	[sflag:s17] =	ssyncadd.s32 $0xFFFFF638  }
.LBB2_9:
0x2c: {  	[bflag:$0x0] =	sbarrier.arrive $0xFFFF  }
0x2d: {  	[tilespmem:s22], [sflag:$0x1] =	stream.indirect.gather [hbm4b:s5+s21], $0x80, s4, s21, $0xb8;
	[tilespmem:$0x1F5B8] =	vst v63  }
0x2e: {  	_ = 	snop  }
0x2f: {  	[tilespmem:s23], [sflag:$0x2] =	stream.indirect.gather [hbm4b:s5+s21], $0x80, s21, s21, $0xb8;
	[tilespmem:$0x1F5B8] =	vst v63  }
0x30: {  	_ = 	snop  }
0x31: {  	[spmem:s2] =	stream.indirect.scatter.add.f32 [tilespmem:s24], [sflag:$0x3], $0x1, s18, s21, $0xb8;
	[tilespmem:$0x1F5B8] =	vst v63  }
0x32: {  	_ =	swait.ge [sflag:s17], $0x80  }
0x33: {  	[sflag:s17] =	ssyncset.done $0x0  }
0x34: {  	[sflag:s17] =	ssyncadd.s32 $0xFFFFFF80  }
0x35: {  	_ =	swait.ge [sflag:s25], $0x4000  }
0x36: {  	[sflag:s25] =	ssyncset.done $0x0  }
0x37: {  	[sflag:s25] =	ssyncadd.s32 $0xFFFFC000  }
0x38: {  	[spmem:s1] =	stream.indirect.scatter.add.f32 [tilespmem:s22], [sflag:$0x3], $0x80, s18, s21, $0xb8;
	[tilespmem:$0x1F5B8] =	vst v63  }
0x39: {  	_ =	swait.ge [sflag:s17], $0x4000  }
0x3a: {  	[sflag:s17] =	ssyncset.done $0x0  }
0x3b: {  	s3 =	simm.s32 $0x100;
	[sflag:s17] =	ssyncadd.s32 $0xFFFFC000  }
0x3c: {  	[tilespmem:s22], [sflag:$0x1] =	stream.indirect.gather [hbm4b:s5+s21], $0x80, s3, s21, $0xb8;
	[tilespmem:$0x1F5B8] =	vst v63  }
0x3d: {  	s7 =	simm.s32 $0x1480  }
0x3e: {  	[spmem:s2] =	stream.indirect.scatter.add.f32 [tilespmem:s24], [sflag:$0x3], $0x1, s7, s21, $0xb8;
	[tilespmem:$0x1F5B8] =	vst v63  }
0x3f: {  	_ =	swait.ge [sflag:s17], $0x80  }
0x40: {  	[sflag:s17] =	ssyncset.done $0x0  }
0x41: {  	[sflag:s17] =	ssyncadd.s32 $0xFFFFFF80  }
0x42: {  	_ =	swait.ge [sflag:s29], $0x4000  }
0x43: {  	[sflag:s29] =	ssyncset.done $0x0  }
0x44: {  	[sflag:s29] =	ssyncadd.s32 $0xFFFFC000  }
0x45: {  	[spmem:s1] =	stream.indirect.scatter.add.f32 [tilespmem:s23], [sflag:$0x3], $0x80, s7, s21, $0xb8;
	[tilespmem:$0x1F5B8] =	vst v63  }
0x46: {  	_ =	swait.ge [sflag:s17], $0x4000  }
0x47: {  	[sflag:s17] =	ssyncset.done $0x0  }
0x48: {  	s20 =	simm.s32 $0x180;
	[sflag:s17] =	ssyncadd.s32 $0xFFFFC000  }
0x49: {  	[tilespmem:s23], [sflag:$0x2] =	stream.indirect.gather [hbm4b:s5+s21], $0x80, s20, s21, $0xb8;
	[tilespmem:$0x1F5B8] =	vst v63  }
0x4a: {  	s6 =	simm.s32 $0x1500  }
0x4b: {  	[spmem:s2] =	stream.indirect.scatter.add.f32 [tilespmem:s24], [sflag:$0x3], $0x1, s6, s21, $0xb8;
	[tilespmem:$0x1F5B8] =	vst v63  }
0x4c: {  	_ =	swait.ge [sflag:s17], $0x80  }
0x4d: {  	[sflag:s17] =	ssyncset.done $0x0  }
0x4e: {  	[sflag:s17] =	ssyncadd.s32 $0xFFFFFF80  }
0x4f: {  	_ =	swait.ge [sflag:s25], $0x4000  }
0x50: {  	[sflag:s25] =	ssyncset.done $0x0  }
0x51: {  	[sflag:s25] =	ssyncadd.s32 $0xFFFFC000  }
0x52: {  	[spmem:s1] =	stream.indirect.scatter.add.f32 [tilespmem:s22], [sflag:$0x3], $0x80, s6, s21, $0xb8;
	[tilespmem:$0x1F5B8] =	vst v63  }
0x53: {  	_ =	swait.ge [sflag:s17], $0x4000  }
0x54: {  	[sflag:s17] =	ssyncset.done $0x0  }
0x55: {  	s7 =	simm.s32 $0x200;
	[sflag:s17] =	ssyncadd.s32 $0xFFFFC000  }
0x56: {  	[tilespmem:s22], [sflag:$0x1] =	stream.indirect.gather [hbm4b:s5+s21], $0x80, s7, s21, $0xb8;
	[tilespmem:$0x1F5B8] =	vst v63  }
0x57: {  	s20 =	simm.s32 $0x1580  }
0x58: {  	[spmem:s2] =	stream.indirect.scatter.add.f32 [tilespmem:s24], [sflag:$0x3], $0x1, s20, s21, $0xb8;
	[tilespmem:$0x1F5B8] =	vst v63  }
0x59: {  	_ =	swait.ge [sflag:s17], $0x80  }
0x5a: {  	[sflag:s17] =	ssyncset.done $0x0  }
0x5b: {  	[sflag:s17] =	ssyncadd.s32 $0xFFFFFF80  }
0x5c: {  	_ =	swait.ge [sflag:s29], $0x4000  }
0x5d: {  	[sflag:s29] =	ssyncset.done $0x0  }
0x5e: {  	[sflag:s29] =	ssyncadd.s32 $0xFFFFC000  }
0x5f: {  	[spmem:s1] =	stream.indirect.scatter.add.f32 [tilespmem:s23], [sflag:$0x3], $0x80, s20, s21, $0xb8;
	[tilespmem:$0x1F5B8] =	vst v63  }
0x60: {  	_ =	swait.ge [sflag:s17], $0x4000  }
0x61: {  	[sflag:s17] =	ssyncset.done $0x0  }
0x62: {  	s6 =	simm.s32 $0x280;
	[sflag:s17] =	ssyncadd.s32 $0xFFFFC000  }
0x63: {  	[tilespmem:s23], [sflag:$0x2] =	stream.indirect.gather [hbm4b:s5+s21], $0x80, s6, s21, $0xb8;
	[tilespmem:$0x1F5B8] =	vst v63  }
0x64: {  	s7 =	simm.s32 $0x1600  }
0x65: {  	[spmem:s2] =	stream.indirect.scatter.add.f32 [tilespmem:s24], [sflag:$0x3], $0x1, s7, s21, $0xb8;
	[tilespmem:$0x1F5B8] =	vst v63  }
0x66: {  	_ =	swait.ge [sflag:s17], $0x80  }
0x67: {  	[sflag:s17] =	ssyncset.done $0x0  }
0x68: {  	[sflag:s17] =	ssyncadd.s32 $0xFFFFFF80  }
0x69: {  	_ =	swait.ge [sflag:s25], $0x4000  }
0x6a: {  	[sflag:s25] =	ssyncset.done $0x0  }
0x6b: {  	[sflag:s25] =	ssyncadd.s32 $0xFFFFC000  }
0x6c: {  	[spmem:s1] =	stream.indirect.scatter.add.f32 [tilespmem:s22], [sflag:$0x3], $0x80, s7, s21, $0xb8;
	[tilespmem:$0x1F5B8] =	vst v63  }
0x6d: {  	_ =	swait.ge [sflag:s17], $0x4000  }
0x6e: {  	[sflag:s17] =	ssyncset.done $0x0  }
0x6f: {  	s20 =	simm.s32 $0x300;
	[sflag:s17] =	ssyncadd.s32 $0xFFFFC000  }
0x70: {  	[tilespmem:s22], [sflag:$0x1] =	stream.indirect.gather [hbm4b:s5+s21], $0x80, s20, s21, $0xb8;
	[tilespmem:$0x1F5B8] =	vst v63  }
0x71: {  	s6 =	simm.s32 $0x1680  }
0x72: {  	[spmem:s2] =	stream.indirect.scatter.add.f32 [tilespmem:s24], [sflag:$0x3], $0x1, s6, s21, $0xb8;
	[tilespmem:$0x1F5B8] =	vst v63  }
0x73: {  	_ =	swait.ge [sflag:s17], $0x80  }
0x74: {  	[sflag:s17] =	ssyncset.done $0x0  }
0x75: {  	[sflag:s17] =	ssyncadd.s32 $0xFFFFFF80  }
0x76: {  	_ =	swait.ge [sflag:s29], $0x4000  }
0x77: {  	[sflag:s29] =	ssyncset.done $0x0  }
0x78: {  	[sflag:s29] =	ssyncadd.s32 $0xFFFFC000  }
0x79: {  	[spmem:s1] =	stream.indirect.scatter.add.f32 [tilespmem:s23], [sflag:$0x3], $0x80, s6, s21, $0xb8;
	[tilespmem:$0x1F5B8] =	vst v63  }
0x7a: {  	_ =	swait.ge [sflag:s17], $0x4000  }
0x7b: {  	[sflag:s17] =	ssyncset.done $0x0  }
0x7c: {  	s7 =	simm.s32 $0x380;
	[sflag:s17] =	ssyncadd.s32 $0xFFFFC000  }
0x7d: {  	[tilespmem:s23], [sflag:$0x2] =	stream.indirect.gather [hbm4b:s5+s21], $0x80, s7, s21, $0xb8;
	[tilespmem:$0x1F5B8] =	vst v63  }
0x7e: {  	s20 =	simm.s32 $0x1700  }
0x7f: {  	[spmem:s2] =	stream.indirect.scatter.add.f32 [tilespmem:s24], [sflag:$0x3], $0x1, s20, s21, $0xb8;
	[tilespmem:$0x1F5B8] =	vst v63  }
0x80: {  	_ =	swait.ge [sflag:s17], $0x80  }
0x81: {  	[sflag:s17] =	ssyncset.done $0x0  }
0x82: {  	[sflag:s17] =	ssyncadd.s32 $0xFFFFFF80  }
0x83: {  	_ =	swait.ge [sflag:s25], $0x4000  }
0x84: {  	[sflag:s25] =	ssyncset.done $0x0  }
0x85: {  	[sflag:s25] =	ssyncadd.s32 $0xFFFFC000  }
0x86: {  	[spmem:s1] =	stream.indirect.scatter.add.f32 [tilespmem:s22], [sflag:$0x3], $0x80, s20, s21, $0xb8;
	[tilespmem:$0x1F5B8] =	vst v63  }
0x87: {  	_ =	swait.ge [sflag:s17], $0x4000  }
0x88: {  	[sflag:s17] =	ssyncset.done $0x0  }
0x89: {  	s6 =	simm.s32 $0x400;
	[sflag:s17] =	ssyncadd.s32 $0xFFFFC000  }
0x8a: {  	[tilespmem:s22], [sflag:$0x1] =	stream.indirect.gather [hbm4b:s5+s21], $0x80, s6, s21, $0xb8;
	[tilespmem:$0x1F5B8] =	vst v63  }
0x8b: {  	s7 =	simm.s32 $0x1780  }
0x8c: {  	[spmem:s2] =	stream.indirect.scatter.add.f32 [tilespmem:s24], [sflag:$0x3], $0x1, s7, s21, $0xb8;
	[tilespmem:$0x1F5B8] =	vst v63  }
0x8d: {  	_ =	swait.ge [sflag:s17], $0x80  }
0x8e: {  	[sflag:s17] =	ssyncset.done $0x0  }
0x8f: {  	[sflag:s17] =	ssyncadd.s32 $0xFFFFFF80  }
0x90: {  	_ =	swait.ge [sflag:s29], $0x4000  }
0x91: {  	[sflag:s29] =	ssyncset.done $0x0  }
0x92: {  	[sflag:s29] =	ssyncadd.s32 $0xFFFFC000  }
0x93: {  	[spmem:s1] =	stream.indirect.scatter.add.f32 [tilespmem:s23], [sflag:$0x3], $0x80, s7, s21, $0xb8;
	[tilespmem:$0x1F5B8] =	vst v63  }
0x94: {  	_ =	swait.ge [sflag:s17], $0x4000  }
0x95: {  	[sflag:s17] =	ssyncset.done $0x0  }
0x96: {  	s20 =	simm.s32 $0x480;
	[sflag:s17] =	ssyncadd.s32 $0xFFFFC000  }
0x97: {  	[tilespmem:s23], [sflag:$0x2] =	stream.indirect.gather [hbm4b:s5+s21], $0x80, s20, s21, $0xb8;
	[tilespmem:$0x1F5B8] =	vst v63  }
0x98: {  	s6 =	simm.s32 $0x1800  }
0x99: {  	[spmem:s2] =	stream.indirect.scatter.add.f32 [tilespmem:s24], [sflag:$0x3], $0x1, s6, s21, $0xb8;
	[tilespmem:$0x1F5B8] =	vst v63  }
0x9a: {  	_ =	swait.ge [sflag:s17], $0x80  }
0x9b: {  	[sflag:s17] =	ssyncset.done $0x0  }
0x9c: {  	[sflag:s17] =	ssyncadd.s32 $0xFFFFFF80  }
0x9d: {  	_ =	swait.ge [sflag:s25], $0x4000  }
0x9e: {  	[sflag:s25] =	ssyncset.done $0x0  }
0x9f: {  	[sflag:s25] =	ssyncadd.s32 $0xFFFFC000  }
0xa0: {  	[spmem:s1] =	stream.indirect.scatter.add.f32 [tilespmem:s22], [sflag:$0x3], $0x80, s6, s21, $0xb8;
	[tilespmem:$0x1F5B8] =	vst v63  }
0xa1: {  	_ =	swait.ge [sflag:s17], $0x4000  }
0xa2: {  	[sflag:s17] =	ssyncset.done $0x0  }
0xa3: {  	s7 =	simm.s32 $0x500;
	[sflag:s17] =	ssyncadd.s32 $0xFFFFC000  }
0xa4: {  	[tilespmem:s22], [sflag:$0x1] =	stream.indirect.gather [hbm4b:s5+s21], $0x80, s7, s21, $0xb8;
	[tilespmem:$0x1F5B8] =	vst v63  }
0xa5: {  	s20 =	simm.s32 $0x1880  }
0xa6: {  	[spmem:s2] =	stream.indirect.scatter.add.f32 [tilespmem:s24], [sflag:$0x3], $0x1, s20, s21, $0xb8;
	[tilespmem:$0x1F5B8] =	vst v63  }
0xa7: {  	_ =	swait.ge [sflag:s17], $0x80  }
0xa8: {  	[sflag:s17] =	ssyncset.done $0x0  }
0xa9: {  	[sflag:s17] =	ssyncadd.s32 $0xFFFFFF80  }
0xaa: {  	_ =	swait.ge [sflag:s29], $0x4000  }
0xab: {  	[sflag:s29] =	ssyncset.done $0x0  }
0xac: {  	[sflag:s29] =	ssyncadd.s32 $0xFFFFC000  }
0xad: {  	[spmem:s1] =	stream.indirect.scatter.add.f32 [tilespmem:s23], [sflag:$0x3], $0x80, s20, s21, $0xb8;
	[tilespmem:$0x1F5B8] =	vst v63  }
0xae: {  	_ =	swait.ge [sflag:s17], $0x4000  }
0xaf: {  	[sflag:s17] =	ssyncset.done $0x0  }
0xb0: {  	s6 =	simm.s32 $0x580;
	[sflag:s17] =	ssyncadd.s32 $0xFFFFC000  }
0xb1: {  	[tilespmem:s23], [sflag:$0x2] =	stream.indirect.gather [hbm4b:s5+s21], $0x80, s6, s21, $0xb8;
	[tilespmem:$0x1F5B8] =	vst v63  }
0xb2: {  	s7 =	simm.s32 $0x1900  }
0xb3: {  	[spmem:s2] =	stream.indirect.scatter.add.f32 [tilespmem:s24], [sflag:$0x3], $0x1, s7, s21, $0xb8;
	[tilespmem:$0x1F5B8] =	vst v63  }
0xb4: {  	_ =	swait.ge [sflag:s17], $0x80  }
0xb5: {  	[sflag:s17] =	ssyncset.done $0x0  }
0xb6: {  	[sflag:s17] =	ssyncadd.s32 $0xFFFFFF80  }
0xb7: {  	_ =	swait.ge [sflag:s25], $0x4000  }
0xb8: {  	[sflag:s25] =	ssyncset.done $0x0  }
0xb9: {  	[sflag:s25] =	ssyncadd.s32 $0xFFFFC000  }
0xba: {  	[spmem:s1] =	stream.indirect.scatter.add.f32 [tilespmem:s22], [sflag:$0x3], $0x80, s7, s21, $0xb8;
	[tilespmem:$0x1F5B8] =	vst v63  }
0xbb: {  	_ =	swait.ge [sflag:s17], $0x4000  }
0xbc: {  	[sflag:s17] =	ssyncset.done $0x0  }
0xbd: {  	s20 =	simm.s32 $0x600;
	[sflag:s17] =	ssyncadd.s32 $0xFFFFC000  }
0xbe: {  	[tilespmem:s22], [sflag:$0x1] =	stream.indirect.gather [hbm4b:s5+s21], $0x80, s20, s21, $0xb8;
	[tilespmem:$0x1F5B8] =	vst v63  }
0xbf: {  	s6 =	simm.s32 $0x1980  }
0xc0: {  	[spmem:s2] =	stream.indirect.scatter.add.f32 [tilespmem:s24], [sflag:$0x3], $0x1, s6, s21, $0xb8;
	[tilespmem:$0x1F5B8] =	vst v63  }
0xc1: {  	_ =	swait.ge [sflag:s17], $0x80  }
0xc2: {  	[sflag:s17] =	ssyncset.done $0x0  }
0xc3: {  	[sflag:s17] =	ssyncadd.s32 $0xFFFFFF80  }
0xc4: {  	_ =	swait.ge [sflag:s29], $0x4000  }
0xc5: {  	[sflag:s29] =	ssyncset.done $0x0  }
0xc6: {  	[sflag:s29] =	ssyncadd.s32 $0xFFFFC000  }
0xc7: {  	[spmem:s1] =	stream.indirect.scatter.add.f32 [tilespmem:s23], [sflag:$0x3], $0x80, s6, s21, $0xb8;
	[tilespmem:$0x1F5B8] =	vst v63  }
0xc8: {  	_ =	swait.ge [sflag:s17], $0x4000  }
0xc9: {  	[sflag:s17] =	ssyncset.done $0x0  }
0xca: {  	s7 =	simm.s32 $0x680;
	[sflag:s17] =	ssyncadd.s32 $0xFFFFC000  }
0xcb: {  	[tilespmem:s23], [sflag:$0x2] =	stream.indirect.gather [hbm4b:s5+s21], $0x80, s7, s21, $0xb8;
	[tilespmem:$0x1F5B8] =	vst v63  }
0xcc: {  	s20 =	simm.s32 $0x1A00  }
0xcd: {  	[spmem:s2] =	stream.indirect.scatter.add.f32 [tilespmem:s24], [sflag:$0x3], $0x1, s20, s21, $0xb8;
	[tilespmem:$0x1F5B8] =	vst v63  }
0xce: {  	_ =	swait.ge [sflag:s17], $0x80  }
0xcf: {  	[sflag:s17] =	ssyncset.done $0x0  }
0xd0: {  	[sflag:s17] =	ssyncadd.s32 $0xFFFFFF80  }
0xd1: {  	_ =	swait.ge [sflag:s25], $0x4000  }
0xd2: {  	[sflag:s25] =	ssyncset.done $0x0  }
0xd3: {  	[sflag:s25] =	ssyncadd.s32 $0xFFFFC000  }
0xd4: {  	[spmem:s1] =	stream.indirect.scatter.add.f32 [tilespmem:s22], [sflag:$0x3], $0x80, s20, s21, $0xb8;
	[tilespmem:$0x1F5B8] =	vst v63  }
0xd5: {  	_ =	swait.ge [sflag:s17], $0x4000  }
0xd6: {  	[sflag:s17] =	ssyncset.done $0x0  }
0xd7: {  	s6 =	simm.s32 $0x700;
	[sflag:s17] =	ssyncadd.s32 $0xFFFFC000  }
0xd8: {  	[tilespmem:s22], [sflag:$0x1] =	stream.indirect.gather [hbm4b:s5+s21], $0x80, s6, s21, $0xb8;
	[tilespmem:$0x1F5B8] =	vst v63  }
0xd9: {  	s7 =	simm.s32 $0x1A80  }
0xda: {  	[spmem:s2] =	stream.indirect.scatter.add.f32 [tilespmem:s24], [sflag:$0x3], $0x1, s7, s21, $0xb8;
	[tilespmem:$0x1F5B8] =	vst v63  }
0xdb: {  	_ =	swait.ge [sflag:s17], $0x80  }
0xdc: {  	[sflag:s17] =	ssyncset.done $0x0  }
0xdd: {  	[sflag:s17] =	ssyncadd.s32 $0xFFFFFF80  }
0xde: {  	_ =	swait.ge [sflag:s29], $0x4000  }
0xdf: {  	[sflag:s29] =	ssyncset.done $0x0  }
0xe0: {  	[sflag:s29] =	ssyncadd.s32 $0xFFFFC000  }
0xe1: {  	[spmem:s1] =	stream.indirect.scatter.add.f32 [tilespmem:s23], [sflag:$0x3], $0x80, s7, s21, $0xb8;
	[tilespmem:$0x1F5B8] =	vst v63  }
0xe2: {  	_ =	swait.ge [sflag:s17], $0x4000  }
0xe3: {  	[sflag:s17] =	ssyncset.done $0x0  }
0xe4: {  	s20 =	simm.s32 $0x780;
	[sflag:s17] =	ssyncadd.s32 $0xFFFFC000  }
0xe5: {  	[tilespmem:s23], [sflag:$0x2] =	stream.indirect.gather [hbm4b:s5+s21], $0x80, s20, s21, $0xb8;
	[tilespmem:$0x1F5B8] =	vst v63  }
0xe6: {  	s6 =	simm.s32 $0x1B00  }
0xe7: {  	[spmem:s2] =	stream.indirect.scatter.add.f32 [tilespmem:s24], [sflag:$0x3], $0x1, s6, s21, $0xb8;
	[tilespmem:$0x1F5B8] =	vst v63  }
0xe8: {  	_ =	swait.ge [sflag:s17], $0x80  }
0xe9: {  	[sflag:s17] =	ssyncset.done $0x0  }
0xea: {  	[sflag:s17] =	ssyncadd.s32 $0xFFFFFF80  }
0xeb: {  	_ =	swait.ge [sflag:s25], $0x4000  }
0xec: {  	[sflag:s25] =	ssyncset.done $0x0  }
0xed: {  	[sflag:s25] =	ssyncadd.s32 $0xFFFFC000  }
0xee: {  	[spmem:s1] =	stream.indirect.scatter.add.f32 [tilespmem:s22], [sflag:$0x3], $0x80, s6, s21, $0xb8;
	[tilespmem:$0x1F5B8] =	vst v63  }
0xef: {  	_ =	swait.ge [sflag:s17], $0x4000  }
0xf0: {  	[sflag:s17] =	ssyncset.done $0x0  }
0xf1: {  	s7 =	simm.s32 $0x800;
	[sflag:s17] =	ssyncadd.s32 $0xFFFFC000  }
0xf2: {  	[tilespmem:s22], [sflag:$0x1] =	stream.indirect.gather [hbm4b:s5+s21], $0x80, s7, s21, $0xb8;
	[tilespmem:$0x1F5B8] =	vst v63  }
0xf3: {  	s20 =	simm.s32 $0x1B80  }
0xf4: {  	[spmem:s2] =	stream.indirect.scatter.add.f32 [tilespmem:s24], [sflag:$0x3], $0x1, s20, s21, $0xb8;
	[tilespmem:$0x1F5B8] =	vst v63  }
0xf5: {  	_ =	swait.ge [sflag:s17], $0x80  }
0xf6: {  	[sflag:s17] =	ssyncset.done $0x0  }
0xf7: {  	[sflag:s17] =	ssyncadd.s32 $0xFFFFFF80  }
0xf8: {  	_ =	swait.ge [sflag:s29], $0x4000  }
0xf9: {  	[sflag:s29] =	ssyncset.done $0x0  }
0xfa: {  	[sflag:s29] =	ssyncadd.s32 $0xFFFFC000  }
0xfb: {  	[spmem:s1] =	stream.indirect.scatter.add.f32 [tilespmem:s23], [sflag:$0x3], $0x80, s20, s21, $0xb8;
	[tilespmem:$0x1F5B8] =	vst v63  }
0xfc: {  	_ =	swait.ge [sflag:s17], $0x4000  }
0xfd: {  	[sflag:s17] =	ssyncset.done $0x0  }
0xfe: {  	s6 =	simm.s32 $0x880;
	[sflag:s17] =	ssyncadd.s32 $0xFFFFC000  }
0xff: {  	[tilespmem:s23], [sflag:$0x2] =	stream.indirect.gather [hbm4b:s5+s21], $0x80, s6, s21, $0xb8;
	[tilespmem:$0x1F5B8] =	vst v63  }
0x100: {  	s7 =	simm.s32 $0x1C00  }
0x101: {  	[spmem:s2] =	stream.indirect.scatter.add.f32 [tilespmem:s24], [sflag:$0x3], $0x1, s7, s21, $0xb8;
	[tilespmem:$0x1F5B8] =	vst v63  }
0x102: {  	_ =	swait.ge [sflag:s17], $0x80  }
0x103: {  	[sflag:s17] =	ssyncset.done $0x0  }
0x104: {  	[sflag:s17] =	ssyncadd.s32 $0xFFFFFF80  }
0x105: {  	_ =	swait.ge [sflag:s25], $0x4000  }
0x106: {  	[sflag:s25] =	ssyncset.done $0x0  }
0x107: {  	[sflag:s25] =	ssyncadd.s32 $0xFFFFC000  }
0x108: {  	[spmem:s1] =	stream.indirect.scatter.add.f32 [tilespmem:s22], [sflag:$0x3], $0x80, s7, s21, $0xb8;
	[tilespmem:$0x1F5B8] =	vst v63  }
0x109: {  	_ =	swait.ge [sflag:s17], $0x4000  }
0x10a: {  	[sflag:s17] =	ssyncset.done $0x0  }
0x10b: {  	s20 =	simm.s32 $0x900;
	[sflag:s17] =	ssyncadd.s32 $0xFFFFC000  }
0x10c: {  	[tilespmem:s22], [sflag:$0x1] =	stream.indirect.gather [hbm4b:s5+s21], $0x80, s20, s21, $0xb8;
	[tilespmem:$0x1F5B8] =	vst v63  }
0x10d: {  	s6 =	simm.s32 $0x1C80  }
0x10e: {  	[spmem:s2] =	stream.indirect.scatter.add.f32 [tilespmem:s24], [sflag:$0x3], $0x1, s6, s21, $0xb8;
	[tilespmem:$0x1F5B8] =	vst v63  }
0x10f: {  	_ =	swait.ge [sflag:s17], $0x80  }
0x110: {  	[sflag:s17] =	ssyncset.done $0x0  }
0x111: {  	[sflag:s17] =	ssyncadd.s32 $0xFFFFFF80  }
0x112: {  	_ =	swait.ge [sflag:s29], $0x4000  }
0x113: {  	[sflag:s29] =	ssyncset.done $0x0  }
0x114: {  	[sflag:s29] =	ssyncadd.s32 $0xFFFFC000  }
0x115: {  	[spmem:s1] =	stream.indirect.scatter.add.f32 [tilespmem:s23], [sflag:$0x3], $0x80, s6, s21, $0xb8;
	[tilespmem:$0x1F5B8] =	vst v63  }
0x116: {  	_ =	swait.ge [sflag:s17], $0x4000  }
0x117: {  	[sflag:s17] =	ssyncset.done $0x0  }
0x118: {  	s7 =	simm.s32 $0x980;
	[sflag:s17] =	ssyncadd.s32 $0xFFFFC000  }
0x119: {  	[tilespmem:s23], [sflag:$0x2] =	stream.indirect.gather [hbm4b:s5+s21], $0x80, s7, s21, $0xb8;
	[tilespmem:$0x1F5B8] =	vst v63  }
0x11a: {  	s20 =	simm.s32 $0x1D00  }
0x11b: {  	[spmem:s2] =	stream.indirect.scatter.add.f32 [tilespmem:s24], [sflag:$0x3], $0x1, s20, s21, $0xb8;
	[tilespmem:$0x1F5B8] =	vst v63  }
0x11c: {  	_ =	swait.ge [sflag:s17], $0x80  }
0x11d: {  	[sflag:s17] =	ssyncset.done $0x0  }
0x11e: {  	[sflag:s17] =	ssyncadd.s32 $0xFFFFFF80  }
0x11f: {  	_ =	swait.ge [sflag:s25], $0x4000  }
0x120: {  	[sflag:s25] =	ssyncset.done $0x0  }
0x121: {  	[sflag:s25] =	ssyncadd.s32 $0xFFFFC000  }
0x122: {  	[spmem:s1] =	stream.indirect.scatter.add.f32 [tilespmem:s22], [sflag:$0x3], $0x80, s20, s21, $0xb8;
	[tilespmem:$0x1F5B8] =	vst v63  }
0x123: {  	_ =	swait.ge [sflag:s17], $0x4000  }
0x124: {  	[sflag:s17] =	ssyncset.done $0x0  }
0x125: {  	s6 =	simm.s32 $0xA00;
	[sflag:s17] =	ssyncadd.s32 $0xFFFFC000  }
0x126: {  	[tilespmem:s22], [sflag:$0x1] =	stream.indirect.gather [hbm4b:s5+s21], $0x80, s6, s21, $0xb8;
	[tilespmem:$0x1F5B8] =	vst v63  }
0x127: {  	s7 =	simm.s32 $0x1D80  }
0x128: {  	[spmem:s2] =	stream.indirect.scatter.add.f32 [tilespmem:s24], [sflag:$0x3], $0x1, s7, s21, $0xb8;
	[tilespmem:$0x1F5B8] =	vst v63  }
0x129: {  	_ =	swait.ge [sflag:s17], $0x80  }
0x12a: {  	[sflag:s17] =	ssyncset.done $0x0  }
0x12b: {  	[sflag:s17] =	ssyncadd.s32 $0xFFFFFF80  }
0x12c: {  	_ =	swait.ge [sflag:s29], $0x4000  }
0x12d: {  	[sflag:s29] =	ssyncset.done $0x0  }
0x12e: {  	[sflag:s29] =	ssyncadd.s32 $0xFFFFC000  }
0x12f: {  	[spmem:s1] =	stream.indirect.scatter.add.f32 [tilespmem:s23], [sflag:$0x3], $0x80, s7, s21, $0xb8;
	[tilespmem:$0x1F5B8] =	vst v63  }
0x130: {  	_ =	swait.ge [sflag:s17], $0x4000  }
0x131: {  	[sflag:s17] =	ssyncset.done $0x0  }
0x132: {  	s20 =	simm.s32 $0xA80;
	[sflag:s17] =	ssyncadd.s32 $0xFFFFC000  }
0x133: {  	[tilespmem:s23], [sflag:$0x2] =	stream.indirect.gather [hbm4b:s5+s21], $0x80, s20, s21, $0xb8;
	[tilespmem:$0x1F5B8] =	vst v63  }
0x134: {  	s6 =	simm.s32 $0x1E00  }
0x135: {  	[spmem:s2] =	stream.indirect.scatter.add.f32 [tilespmem:s24], [sflag:$0x3], $0x1, s6, s21, $0xb8;
	[tilespmem:$0x1F5B8] =	vst v63  }
0x136: {  	_ =	swait.ge [sflag:s17], $0x80  }
0x137: {  	[sflag:s17] =	ssyncset.done $0x0  }
0x138: {  	[sflag:s17] =	ssyncadd.s32 $0xFFFFFF80  }
0x139: {  	_ =	swait.ge [sflag:s25], $0x4000  }
0x13a: {  	[sflag:s25] =	ssyncset.done $0x0  }
0x13b: {  	[sflag:s25] =	ssyncadd.s32 $0xFFFFC000  }
0x13c: {  	[spmem:s1] =	stream.indirect.scatter.add.f32 [tilespmem:s22], [sflag:$0x3], $0x80, s6, s21, $0xb8;
	[tilespmem:$0x1F5B8] =	vst v63  }
0x13d: {  	_ =	swait.ge [sflag:s17], $0x4000  }
0x13e: {  	[sflag:s17] =	ssyncset.done $0x0  }
0x13f: {  	s7 =	simm.s32 $0xB00;
	[sflag:s17] =	ssyncadd.s32 $0xFFFFC000  }
0x140: {  	[tilespmem:s22], [sflag:$0x1] =	stream.indirect.gather [hbm4b:s5+s21], $0x80, s7, s21, $0xb8;
	[tilespmem:$0x1F5B8] =	vst v63  }
0x141: {  	s20 =	simm.s32 $0x1E80  }
0x142: {  	[spmem:s2] =	stream.indirect.scatter.add.f32 [tilespmem:s24], [sflag:$0x3], $0x1, s20, s21, $0xb8;
	[tilespmem:$0x1F5B8] =	vst v63  }
0x143: {  	_ =	swait.ge [sflag:s17], $0x80  }
0x144: {  	[sflag:s17] =	ssyncset.done $0x0  }
0x145: {  	[sflag:s17] =	ssyncadd.s32 $0xFFFFFF80  }
0x146: {  	_ =	swait.ge [sflag:s29], $0x4000  }
0x147: {  	[sflag:s29] =	ssyncset.done $0x0  }
0x148: {  	[sflag:s29] =	ssyncadd.s32 $0xFFFFC000  }
0x149: {  	[spmem:s1] =	stream.indirect.scatter.add.f32 [tilespmem:s23], [sflag:$0x3], $0x80, s20, s21, $0xb8;
	[tilespmem:$0x1F5B8] =	vst v63  }
0x14a: {  	_ =	swait.ge [sflag:s17], $0x4000  }
0x14b: {  	[sflag:s17] =	ssyncset.done $0x0  }
0x14c: {  	s6 =	simm.s32 $0xB80;
	[sflag:s17] =	ssyncadd.s32 $0xFFFFC000  }
0x14d: {  	[tilespmem:s23], [sflag:$0x2] =	stream.indirect.gather [hbm4b:s5+s21], $0x80, s6, s21, $0xb8;
	[tilespmem:$0x1F5B8] =	vst v63  }
0x14e: {  	s7 =	simm.s32 $0x1F00  }
0x14f: {  	[spmem:s2] =	stream.indirect.scatter.add.f32 [tilespmem:s24], [sflag:$0x3], $0x1, s7, s21, $0xb8;
	[tilespmem:$0x1F5B8] =	vst v63  }
0x150: {  	_ =	swait.ge [sflag:s17], $0x80  }
0x151: {  	[sflag:s17] =	ssyncset.done $0x0  }
0x152: {  	[sflag:s17] =	ssyncadd.s32 $0xFFFFFF80  }
0x153: {  	_ =	swait.ge [sflag:s25], $0x4000  }
0x154: {  	[sflag:s25] =	ssyncset.done $0x0  }
0x155: {  	[sflag:s25] =	ssyncadd.s32 $0xFFFFC000  }
0x156: {  	[spmem:s1] =	stream.indirect.scatter.add.f32 [tilespmem:s22], [sflag:$0x3], $0x80, s7, s21, $0xb8;
	[tilespmem:$0x1F5B8] =	vst v63  }
0x157: {  	_ =	swait.ge [sflag:s17], $0x4000  }
0x158: {  	[sflag:s17] =	ssyncset.done $0x0  }
0x159: {  	s20 =	simm.s32 $0xC00;
	[sflag:s17] =	ssyncadd.s32 $0xFFFFC000  }
0x15a: {  	[tilespmem:s22], [sflag:$0x1] =	stream.indirect.gather [hbm4b:s5+s21], $0x80, s20, s21, $0xb8;
	[tilespmem:$0x1F5B8] =	vst v63  }
0x15b: {  	s6 =	simm.s32 $0x1F80  }
0x15c: {  	[spmem:s2] =	stream.indirect.scatter.add.f32 [tilespmem:s24], [sflag:$0x3], $0x1, s6, s21, $0xb8;
	[tilespmem:$0x1F5B8] =	vst v63  }
0x15d: {  	_ =	swait.ge [sflag:s17], $0x80  }
0x15e: {  	[sflag:s17] =	ssyncset.done $0x0  }
0x15f: {  	[sflag:s17] =	ssyncadd.s32 $0xFFFFFF80  }
0x160: {  	_ =	swait.ge [sflag:s29], $0x4000  }
0x161: {  	[sflag:s29] =	ssyncset.done $0x0  }
0x162: {  	[sflag:s29] =	ssyncadd.s32 $0xFFFFC000  }
0x163: {  	[spmem:s1] =	stream.indirect.scatter.add.f32 [tilespmem:s23], [sflag:$0x3], $0x80, s6, s21, $0xb8;
	[tilespmem:$0x1F5B8] =	vst v63  }
0x164: {  	_ =	swait.ge [sflag:s17], $0x4000  }
0x165: {  	[sflag:s17] =	ssyncset.done $0x0  }
0x166: {  	s7 =	simm.s32 $0xC80;
	[sflag:s17] =	ssyncadd.s32 $0xFFFFC000  }
0x167: {  	[tilespmem:s23], [sflag:$0x2] =	stream.indirect.gather [hbm4b:s5+s21], $0x80, s7, s21, $0xb8;
	[tilespmem:$0x1F5B8] =	vst v63  }
0x168: {  	s20 =	simm.s32 $0x2000  }
0x169: {  	[spmem:s2] =	stream.indirect.scatter.add.f32 [tilespmem:s24], [sflag:$0x3], $0x1, s20, s21, $0xb8;
	[tilespmem:$0x1F5B8] =	vst v63  }
0x16a: {  	_ =	swait.ge [sflag:s17], $0x80  }
0x16b: {  	[sflag:s17] =	ssyncset.done $0x0  }
0x16c: {  	[sflag:s17] =	ssyncadd.s32 $0xFFFFFF80  }
0x16d: {  	_ =	swait.ge [sflag:s25], $0x4000  }
0x16e: {  	[sflag:s25] =	ssyncset.done $0x0  }
0x16f: {  	[sflag:s25] =	ssyncadd.s32 $0xFFFFC000  }
0x170: {  	[spmem:s1] =	stream.indirect.scatter.add.f32 [tilespmem:s22], [sflag:$0x3], $0x80, s20, s21, $0xb8;
	[tilespmem:$0x1F5B8] =	vst v63  }
0x171: {  	_ =	swait.ge [sflag:s17], $0x4000  }
0x172: {  	[sflag:s17] =	ssyncset.done $0x0  }
0x173: {  	s6 =	simm.s32 $0xD00;
	[sflag:s17] =	ssyncadd.s32 $0xFFFFC000  }
0x174: {  	[tilespmem:s22], [sflag:$0x1] =	stream.indirect.gather [hbm4b:s5+s21], $0x80, s6, s21, $0xb8;
	[tilespmem:$0x1F5B8] =	vst v63  }
0x175: {  	s7 =	simm.s32 $0x2080  }
0x176: {  	[spmem:s2] =	stream.indirect.scatter.add.f32 [tilespmem:s24], [sflag:$0x3], $0x1, s7, s21, $0xb8;
	[tilespmem:$0x1F5B8] =	vst v63  }
0x177: {  	_ =	swait.ge [sflag:s17], $0x80  }
0x178: {  	[sflag:s17] =	ssyncset.done $0x0  }
0x179: {  	[sflag:s17] =	ssyncadd.s32 $0xFFFFFF80  }
0x17a: {  	_ =	swait.ge [sflag:s29], $0x4000  }
0x17b: {  	[sflag:s29] =	ssyncset.done $0x0  }
0x17c: {  	[sflag:s29] =	ssyncadd.s32 $0xFFFFC000  }
0x17d: {  	[spmem:s1] =	stream.indirect.scatter.add.f32 [tilespmem:s23], [sflag:$0x3], $0x80, s7, s21, $0xb8;
	[tilespmem:$0x1F5B8] =	vst v63  }
0x17e: {  	_ =	swait.ge [sflag:s17], $0x4000  }
0x17f: {  	[sflag:s17] =	ssyncset.done $0x0  }
0x180: {  	s20 =	simm.s32 $0xD80;
	[sflag:s17] =	ssyncadd.s32 $0xFFFFC000  }
0x181: {  	[tilespmem:s23], [sflag:$0x2] =	stream.indirect.gather [hbm4b:s5+s21], $0x80, s20, s21, $0xb8;
	[tilespmem:$0x1F5B8] =	vst v63  }
0x182: {  	s6 =	simm.s32 $0x2100  }
0x183: {  	[spmem:s2] =	stream.indirect.scatter.add.f32 [tilespmem:s24], [sflag:$0x3], $0x1, s6, s21, $0xb8;
	[tilespmem:$0x1F5B8] =	vst v63  }
0x184: {  	_ =	swait.ge [sflag:s17], $0x80  }
0x185: {  	[sflag:s17] =	ssyncset.done $0x0  }
0x186: {  	[sflag:s17] =	ssyncadd.s32 $0xFFFFFF80  }
0x187: {  	_ =	swait.ge [sflag:s25], $0x4000  }
0x188: {  	[sflag:s25] =	ssyncset.done $0x0  }
0x189: {  	[sflag:s25] =	ssyncadd.s32 $0xFFFFC000  }
0x18a: {  	[spmem:s1] =	stream.indirect.scatter.add.f32 [tilespmem:s22], [sflag:$0x3], $0x80, s6, s21, $0xb8;
	[tilespmem:$0x1F5B8] =	vst v63  }
0x18b: {  	_ =	swait.ge [sflag:s17], $0x4000  }
0x18c: {  	[sflag:s17] =	ssyncset.done $0x0  }
0x18d: {  	s7 =	simm.s32 $0xE00;
	[sflag:s17] =	ssyncadd.s32 $0xFFFFC000  }
0x18e: {  	[tilespmem:s22], [sflag:$0x1] =	stream.indirect.gather [hbm4b:s5+s21], $0x80, s7, s21, $0xb8;
	[tilespmem:$0x1F5B8] =	vst v63  }
0x18f: {  	s20 =	simm.s32 $0x2180  }
0x190: {  	[spmem:s2] =	stream.indirect.scatter.add.f32 [tilespmem:s24], [sflag:$0x3], $0x1, s20, s21, $0xb8;
	[tilespmem:$0x1F5B8] =	vst v63  }
0x191: {  	_ =	swait.ge [sflag:s17], $0x80  }
0x192: {  	[sflag:s17] =	ssyncset.done $0x0  }
0x193: {  	[sflag:s17] =	ssyncadd.s32 $0xFFFFFF80  }
0x194: {  	_ =	swait.ge [sflag:s29], $0x4000  }
0x195: {  	[sflag:s29] =	ssyncset.done $0x0  }
0x196: {  	[sflag:s29] =	ssyncadd.s32 $0xFFFFC000  }
0x197: {  	[spmem:s1] =	stream.indirect.scatter.add.f32 [tilespmem:s23], [sflag:$0x3], $0x80, s20, s21, $0xb8;
	[tilespmem:$0x1F5B8] =	vst v63  }
0x198: {  	_ =	swait.ge [sflag:s17], $0x4000  }
0x199: {  	[sflag:s17] =	ssyncset.done $0x0  }
0x19a: {  	s6 =	simm.s32 $0xE80;
	[sflag:s17] =	ssyncadd.s32 $0xFFFFC000  }
0x19b: {  	[tilespmem:s23], [sflag:$0x2] =	stream.indirect.gather [hbm4b:s5+s21], $0x80, s6, s21, $0xb8;
	[tilespmem:$0x1F5B8] =	vst v63  }
0x19c: {  	s7 =	simm.s32 $0x2200  }
0x19d: {  	[spmem:s2] =	stream.indirect.scatter.add.f32 [tilespmem:s24], [sflag:$0x3], $0x1, s7, s21, $0xb8;
	[tilespmem:$0x1F5B8] =	vst v63  }
0x19e: {  	_ =	swait.ge [sflag:s17], $0x80  }
0x19f: {  	[sflag:s17] =	ssyncset.done $0x0  }
0x1a0: {  	[sflag:s17] =	ssyncadd.s32 $0xFFFFFF80  }
0x1a1: {  	_ =	swait.ge [sflag:s25], $0x4000  }
0x1a2: {  	[sflag:s25] =	ssyncset.done $0x0  }
0x1a3: {  	[sflag:s25] =	ssyncadd.s32 $0xFFFFC000  }
0x1a4: {  	[spmem:s1] =	stream.indirect.scatter.add.f32 [tilespmem:s22], [sflag:$0x3], $0x80, s7, s21, $0xb8;
	[tilespmem:$0x1F5B8] =	vst v63  }
0x1a5: {  	_ =	swait.ge [sflag:s17], $0x4000  }
0x1a6: {  	[sflag:s17] =	ssyncset.done $0x0  }
0x1a7: {  	s20 =	simm.s32 $0xF00;
	[sflag:s17] =	ssyncadd.s32 $0xFFFFC000  }
0x1a8: {  	[tilespmem:s22], [sflag:$0x1] =	stream.indirect.gather [hbm4b:s5+s21], $0x80, s20, s21, $0xb8;
	[tilespmem:$0x1F5B8] =	vst v63  }
0x1a9: {  	_ = 	snop  }
0x1aa: {  	[spmem:s2] =	stream.indirect.scatter.add.f32 [tilespmem:s24], [sflag:$0x3], $0x1, s13, s21, $0xb8;
	[tilespmem:$0x1F5B8] =	vst v63  }
0x1ab: {  	_ =	swait.ge [sflag:s17], $0x80  }
0x1ac: {  	[sflag:s17] =	ssyncset.done $0x0  }
0x1ad: {  	[sflag:s17] =	ssyncadd.s32 $0xFFFFFF80  }
0x1ae: {  	_ =	swait.ge [sflag:s29], $0x4000  }
0x1af: {  	[sflag:s29] =	ssyncset.done $0x0  }
0x1b0: {  	[sflag:s29] =	ssyncadd.s32 $0xFFFFC000  }
0x1b1: {  	[spmem:s1] =	stream.indirect.scatter.add.f32 [tilespmem:s23], [sflag:$0x3], $0x80, s13, s21, $0xb8;
	[tilespmem:$0x1F5B8] =	vst v63  }
0x1b2: {  	_ =	swait.ge [sflag:s17], $0x4000  }
0x1b3: {  	[sflag:s17] =	ssyncset.done $0x0  }
0x1b4: {  	s6 =	simm.s32 $0xF80;
	[sflag:s17] =	ssyncadd.s32 $0xFFFFC000  }
0x1b5: {  	[tilespmem:s23], [sflag:$0x2] =	stream.indirect.gather [hbm4b:s5+s21], $0x80, s6, s21, $0xb8;
	[tilespmem:$0x1F5B8] =	vst v63  }
0x1b6: {  	_ = 	snop  }
0x1b7: {  	[spmem:s2] =	stream.indirect.scatter.add.f32 [tilespmem:s24], [sflag:$0x3], $0x1, s14, s21, $0xb8;
	[tilespmem:$0x1F5B8] =	vst v63  }
0x1b8: {  	_ =	swait.ge [sflag:s17], $0x80  }
0x1b9: {  	[sflag:s17] =	ssyncset.done $0x0  }
0x1ba: {  	[sflag:s17] =	ssyncadd.s32 $0xFFFFFF80  }
0x1bb: {  	_ =	swait.ge [sflag:s25], $0x4000  }
0x1bc: {  	[sflag:s25] =	ssyncset.done $0x0  }
0x1bd: {  	[sflag:s25] =	ssyncadd.s32 $0xFFFFC000  }
0x1be: {  	[spmem:s1] =	stream.indirect.scatter.add.f32 [tilespmem:s22], [sflag:$0x3], $0x80, s14, s21, $0xb8;
	[tilespmem:$0x1F5B8] =	vst v63  }
0x1bf: {  	_ =	swait.ge [sflag:s17], $0x4000  }
0x1c0: {  	[sflag:s17] =	ssyncset.done $0x0  }
0x1c1: {  	s7 =	simm.s32 $0x1000;
	[sflag:s17] =	ssyncadd.s32 $0xFFFFC000  }
0x1c2: {  	[tilespmem:s22], [sflag:$0x1] =	stream.indirect.gather [hbm4b:s5+s21], $0x80, s7, s21, $0xb8;
	[tilespmem:$0x1F5B8] =	vst v63  }
0x1c3: {  	_ = 	snop  }
0x1c4: {  	[spmem:s2] =	stream.indirect.scatter.add.f32 [tilespmem:s24], [sflag:$0x3], $0x1, s15, s21, $0xb8;
	[tilespmem:$0x1F5B8] =	vst v63  }
0x1c5: {  	_ =	swait.ge [sflag:s17], $0x80  }
0x1c6: {  	[sflag:s17] =	ssyncset.done $0x0  }
0x1c7: {  	[sflag:s17] =	ssyncadd.s32 $0xFFFFFF80  }
0x1c8: {  	_ =	swait.ge [sflag:s29], $0x4000  }
0x1c9: {  	[sflag:s29] =	ssyncset.done $0x0  }
0x1ca: {  	[sflag:s29] =	ssyncadd.s32 $0xFFFFC000  }
0x1cb: {  	[spmem:s1] =	stream.indirect.scatter.add.f32 [tilespmem:s23], [sflag:$0x3], $0x80, s15, s21, $0xb8;
	[tilespmem:$0x1F5B8] =	vst v63  }
0x1cc: {  	_ =	swait.ge [sflag:s17], $0x4000  }
0x1cd: {  	[sflag:s17] =	ssyncset.done $0x0  }
0x1ce: {  	s20 =	simm.s32 $0x1080;
	[sflag:s17] =	ssyncadd.s32 $0xFFFFC000  }
0x1cf: {  	[tilespmem:s23], [sflag:$0x2] =	stream.indirect.gather [hbm4b:s5+s21], $0x80, s20, s21, $0xb8;
	[tilespmem:$0x1F5B8] =	vst v63  }
0x1d0: {  	_ = 	snop  }
0x1d1: {  	[spmem:s2] =	stream.indirect.scatter.add.f32 [tilespmem:s24], [sflag:$0x3], $0x1, s16, s21, $0xb8;
	[tilespmem:$0x1F5B8] =	vst v63  }
0x1d2: {  	_ =	swait.ge [sflag:s17], $0x80  }
0x1d3: {  	[sflag:s17] =	ssyncset.done $0x0  }
0x1d4: {  	[sflag:s17] =	ssyncadd.s32 $0xFFFFFF80  }
0x1d5: {  	_ =	swait.ge [sflag:s25], $0x4000  }
0x1d6: {  	[sflag:s25] =	ssyncset.done $0x0  }
0x1d7: {  	[sflag:s25] =	ssyncadd.s32 $0xFFFFC000  }
0x1d8: {  	[spmem:s1] =	stream.indirect.scatter.add.f32 [tilespmem:s22], [sflag:$0x3], $0x80, s16, s21, $0xb8;
	[tilespmem:$0x1F5B8] =	vst v63  }
0x1d9: {  	_ =	swait.ge [sflag:s17], $0x4000  }
0x1da: {  	[sflag:s17] =	ssyncset.done $0x0  }
0x1db: {  	s6 =	simm.s32 $0x1100;
	[sflag:s17] =	ssyncadd.s32 $0xFFFFC000  }
0x1dc: {  	[tilespmem:s22], [sflag:$0x1] =	stream.indirect.gather [hbm4b:s5+s21], $0x80, s6, s21, $0xb8;
	[tilespmem:$0x1F5B8] =	vst v63  }
0x1dd: {  	_ = 	snop  }
0x1de: {  	[spmem:s2] =	stream.indirect.scatter.add.f32 [tilespmem:s24], [sflag:$0x3], $0x1, s28, s21, $0xb8;
	[tilespmem:$0x1F5B8] =	vst v63  }
0x1df: {  	_ =	swait.ge [sflag:s17], $0x80  }
0x1e0: {  	[sflag:s17] =	ssyncset.done $0x0  }
0x1e1: {  	[sflag:s17] =	ssyncadd.s32 $0xFFFFFF80  }
0x1e2: {  	_ =	swait.ge [sflag:s29], $0x4000  }
0x1e3: {  	[sflag:s29] =	ssyncset.done $0x0  }
0x1e4: {  	[sflag:s29] =	ssyncadd.s32 $0xFFFFC000  }
0x1e5: {  	[spmem:s1] =	stream.indirect.scatter.add.f32 [tilespmem:s23], [sflag:$0x3], $0x80, s28, s21, $0xb8;
	[tilespmem:$0x1F5B8] =	vst v63  }
0x1e6: {  	_ =	swait.ge [sflag:s17], $0x4000  }
0x1e7: {  	[sflag:s17] =	ssyncset.done $0x0  }
0x1e8: {  	s7 =	simm.s32 $0x1180;
	[sflag:s17] =	ssyncadd.s32 $0xFFFFC000  }
0x1e9: {  	[tilespmem:s23], [sflag:$0x2] =	stream.indirect.gather [hbm4b:s5+s21], $0x80, s7, s21, $0xb8;
	[tilespmem:$0x1F5B8] =	vst v63  }
0x1ea: {  	_ = 	snop  }
0x1eb: {  	[spmem:s2] =	stream.indirect.scatter.add.f32 [tilespmem:s24], [sflag:$0x3], $0x1, s31, s21, $0xb8;
	[tilespmem:$0x1F5B8] =	vst v63  }
0x1ec: {  	_ =	swait.ge [sflag:s17], $0x80  }
0x1ed: {  	[sflag:s17] =	ssyncset.done $0x0  }
0x1ee: {  	[sflag:s17] =	ssyncadd.s32 $0xFFFFFF80  }
0x1ef: {  	_ =	swait.ge [sflag:s25], $0x4000  }
0x1f0: {  	[sflag:s25] =	ssyncset.done $0x0  }
0x1f1: {  	[sflag:s25] =	ssyncadd.s32 $0xFFFFC000  }
0x1f2: {  	[spmem:s1] =	stream.indirect.scatter.add.f32 [tilespmem:s22], [sflag:$0x3], $0x80, s31, s21, $0xb8;
	[tilespmem:$0x1F5B8] =	vst v63  }
0x1f3: {  	_ =	swait.ge [sflag:s17], $0x4000  }
0x1f4: {  	[sflag:s17] =	ssyncset.done $0x0  }
0x1f5: {  	s20 =	simm.s32 $0x1200;
	[sflag:s17] =	ssyncadd.s32 $0xFFFFC000  }
0x1f6: {  	[tilespmem:s22], [sflag:$0x1] =	stream.indirect.gather [hbm4b:s5+s21], $0x80, s20, s21, $0xb8;
	[tilespmem:$0x1F5B8] =	vst v63  }
0x1f7: {  	_ = 	snop  }
0x1f8: {  	[spmem:s2] =	stream.indirect.scatter.add.f32 [tilespmem:s24], [sflag:$0x3], $0x1, s10, s21, $0xb8;
	[tilespmem:$0x1F5B8] =	vst v63  }
0x1f9: {  	_ =	swait.ge [sflag:s17], $0x80  }
0x1fa: {  	[sflag:s17] =	ssyncset.done $0x0  }
0x1fb: {  	[sflag:s17] =	ssyncadd.s32 $0xFFFFFF80  }
0x1fc: {  	_ =	swait.ge [sflag:s29], $0x4000  }
0x1fd: {  	[sflag:s29] =	ssyncset.done $0x0  }
0x1fe: {  	[sflag:s29] =	ssyncadd.s32 $0xFFFFC000  }
0x1ff: {  	[spmem:s1] =	stream.indirect.scatter.add.f32 [tilespmem:s23], [sflag:$0x3], $0x80, s10, s21, $0xb8;
	[tilespmem:$0x1F5B8] =	vst v63  }
0x200: {  	_ =	swait.ge [sflag:s17], $0x4000  }
0x201: {  	[sflag:s17] =	ssyncset.done $0x0  }
0x202: {  	s6 =	simm.s32 $0x1280;
	[sflag:s17] =	ssyncadd.s32 $0xFFFFC000  }
0x203: {  	[tilespmem:s23], [sflag:$0x2] =	stream.indirect.gather [hbm4b:s5+s21], $0x80, s6, s21, $0xb8;
	[tilespmem:$0x1F5B8] =	vst v63  }
0x204: {  	_ = 	snop  }
0x205: {  	[spmem:s2] =	stream.indirect.scatter.add.f32 [tilespmem:s24], [sflag:$0x3], $0x1, s12, s21, $0xb8;
	[tilespmem:$0x1F5B8] =	vst v63  }
0x206: {  	_ =	swait.ge [sflag:s17], $0x80  }
0x207: {  	[sflag:s17] =	ssyncset.done $0x0  }
0x208: {  	[sflag:s17] =	ssyncadd.s32 $0xFFFFFF80  }
0x209: {  	_ =	swait.ge [sflag:s25], $0x4000  }
0x20a: {  	[sflag:s25] =	ssyncset.done $0x0  }
0x20b: {  	[sflag:s25] =	ssyncadd.s32 $0xFFFFC000  }
0x20c: {  	[spmem:s1] =	stream.indirect.scatter.add.f32 [tilespmem:s22], [sflag:$0x3], $0x80, s12, s21, $0xb8;
	[tilespmem:$0x1F5B8] =	vst v63  }
0x20d: {  	_ =	swait.ge [sflag:s17], $0x4000  }
0x20e: {  	[sflag:s17] =	ssyncset.done $0x0  }
0x20f: {  	s7 =	simm.s32 $0x1300;
	[sflag:s17] =	ssyncadd.s32 $0xFFFFC000  }
0x210: {  	[tilespmem:s22], [sflag:$0x1] =	stream.indirect.gather [hbm4b:s5+s21], $0x80, s7, s21, $0xb8;
	[tilespmem:$0x1F5B8] =	vst v63  }
0x211: {  	_ = 	snop  }
0x212: {  	[spmem:s2] =	stream.indirect.scatter.add.f32 [tilespmem:s24], [sflag:$0x3], $0x1, s30, s21, $0xb8;
	[tilespmem:$0x1F5B8] =	vst v63  }
0x213: {  	_ =	swait.ge [sflag:s17], $0x80  }
0x214: {  	[sflag:s17] =	ssyncset.done $0x0  }
0x215: {  	[sflag:s17] =	ssyncadd.s32 $0xFFFFFF80  }
0x216: {  	_ =	swait.ge [sflag:s29], $0x4000  }
0x217: {  	[sflag:s29] =	ssyncset.done $0x0  }
0x218: {  	[sflag:s29] =	ssyncadd.s32 $0xFFFFC000  }
0x219: {  	[spmem:s1] =	stream.indirect.scatter.add.f32 [tilespmem:s23], [sflag:$0x3], $0x80, s30, s21, $0xb8;
	[tilespmem:$0x1F5B8] =	vst v63  }
0x21a: {  	_ =	swait.ge [sflag:s17], $0x4000  }
0x21b: {  	[sflag:s17] =	ssyncset.done $0x0  }
0x21c: {  	s20 =	simm.s32 $0x1380;
	[sflag:s17] =	ssyncadd.s32 $0xFFFFC000  }
0x21d: {  	[tilespmem:s23], [sflag:$0x2] =	stream.indirect.gather [hbm4b:s5+s21], $0x80, s20, s21, $0xb8;
	[tilespmem:$0x1F5B8] =	vst v63  }
0x21e: {  	_ = 	snop  }
0x21f: {  	[spmem:s2] =	stream.indirect.scatter.add.f32 [tilespmem:s24], [sflag:$0x3], $0x1, s11, s21, $0xb8;
	[tilespmem:$0x1F5B8] =	vst v63  }
0x220: {  	_ =	swait.ge [sflag:s17], $0x80  }
0x221: {  	[sflag:s17] =	ssyncset.done $0x0  }
0x222: {  	[sflag:s17] =	ssyncadd.s32 $0xFFFFFF80  }
0x223: {  	_ =	swait.ge [sflag:s25], $0x4000  }
0x224: {  	[sflag:s25] =	ssyncset.done $0x0  }
0x225: {  	[sflag:s25] =	ssyncadd.s32 $0xFFFFC000  }
0x226: {  	[spmem:s1] =	stream.indirect.scatter.add.f32 [tilespmem:s22], [sflag:$0x3], $0x80, s11, s21, $0xb8;
	[tilespmem:$0x1F5B8] =	vst v63  }
0x227: {  	_ =	swait.ge [sflag:s17], $0x4000  }
0x228: {  	[sflag:s17] =	ssyncset.done $0x0  }
0x229: {  	[sflag:s17] =	ssyncadd.s32 $0xFFFFC000  }
0x22a: {  	[spmem:s2] =	stream.indirect.scatter.add.f32 [tilespmem:s24], [sflag:$0x3], $0x1, s0, s21, $0xb8;
	[tilespmem:$0x1F5B8] =	vst v63  }
0x22b: {  	_ =	swait.ge [sflag:s17], $0x80  }
0x22c: {  	[sflag:s17] =	ssyncset.done $0x0  }
0x22d: {  	[sflag:s17] =	ssyncadd.s32 $0xFFFFFF80  }
0x22e: {  	_ =	swait.ge [sflag:s29], $0x4000  }
0x22f: {  	[sflag:s29] =	ssyncset.done $0x0  }
0x230: {  	[sflag:s29] =	ssyncadd.s32 $0xFFFFC000  }
0x231: {  	[spmem:s1] =	stream.indirect.scatter.add.f32 [tilespmem:s23], [sflag:$0x3], $0x80, s0, s21, $0xb8;
	[tilespmem:$0x1F5B8] =	vst v63  }
0x232: {  	_ =	swait.ge [sflag:s17], $0x4000  }
0x233: {  	[sflag:s17] =	ssyncset.done $0x0  }
0x234: {  	s6 =	stileid.u32;
	[sflag:s17] =	ssyncadd.s32 $0xFFFFC000  }
0x235: {  	s3 =	sshll.u32 s6, $0x6;
	[bflag:$0x0] =	sbarrier.arrive $0xFFFF  }
0x236: {  	s3 =	sor.u32 $0x1C03, s3;
	s20 =	sshrl.u32 s8, $0x3;
	s6 =	rddreg [dreg:$0xb]  }
0x237: {  	[hbm:s6], [sflag:s3] =	dma.local [spmem:s20], $0x2700  }
0x238: {  	_ =	swait.ge [sflag:s17], $0x2700  }
0x239: {  	[sflag:s17] =	ssyncset.done $0x0  }
0x23a: {  	s20 =	sshrl.u32 @!p0 s9, $0x3;
	s6 =	rddreg [dreg:$0xc];
	[sflag:s17] =	ssyncadd.s32 $0xFFFFD900  }
0x23b: {  	[hbm:s6], [sflag:s3] =	dma.local @!p0 [spmem:s20], $0x100  }
0x23c: {  	s20 =	simm.s32 @!p0 $0x3  }
0x23d: {  	_ =	swait.ge @!p0 [sflag:s20], $0x100  }
0x23e: {  	[sflag:s20] =	ssyncset.done @!p0 $0x0  }
0x23f: {  	s6 =	sshrl.u32 @!p0 s2, $0x3;
	s7 =	rddreg [dreg:$0xd];
	[sflag:s20] =	ssyncadd.s32 @!p0 $0xFFFFFF00  }
0x240: {  	[hbm:s7], [sflag:s3] =	dma.local @!p0 [spmem:s6], $0x4F0  }
0x241: {  	_ =	swait.ge @!p0 [sflag:s20], $0x4F0  }
0x242: {  	s26 =	sadd.s32 $0x1, s26;
	s7 =	rddreg [dreg:$0xe]  }
0x243: {  	p1 =	sne.s32 s26, s7  }
.Ltmp1:
0x244: {  	_ = 	snop;
	(pc) =	sbr.rel @!p1 .LBB2_10-.Ltmp1, $3  }
0x245: {  	_ =	sdelay $0x1  }
0x246: {  	[sflag:s20] =	ssyncset.done @!p0 $0x0  }
0x247: {  	[sflag:s20] =	ssyncadd.s32 @!p0 $0xFFFFFB10  }
.LBB2_1:
0x248: {  	s3 =	rddreg [dreg:$0x6]  }
0x249: {  	[tilespmem:s4], [sflag:$0x3] =	stream.linear.gather [hbm4b:s3+s4], $0x1400, $0x38;
	[tilespmem:$0x1F5B8] =	vst v63  }
0x24a: {  	_ =	swait.ge [sflag:s17], $0x1400  }
0x24b: {  	[sflag:s17] =	ssyncset.done $0x0  }
0x24c: {  	s20 =	rddreg [dreg:$0x7];
	[sflag:s17] =	ssyncadd.s32 $0xFFFFEC00  }
0x24d: {  	[tilespmem:s18], [sflag:$0x3] =	stream.linear.gather [hbm4b:s20+s4], $0x1400, $0x38;
	[tilespmem:$0x1F5B8] =	vst v63  }
0x24e: {  	_ =	swait.ge [sflag:s17], $0x1400  }
0x24f: {  	[sflag:s17] =	ssyncset.done $0x0  }
0x250: {  	[sflag:s17] =	ssyncadd.s32 $0xFFFFEC00  }
0x251: {  	[tilespmem:$0xB000] =	vst v0  }
0x252: {  	[tilespmem:$0xB010] =	vst v0  }
0x253: {  	[tilespmem:$0xB020] =	vst v0  }
0x254: {  	[tilespmem:$0xB030] =	vst v0  }
0x255: {  	[tilespmem:$0xB040] =	vst v0  }
0x256: {  	[tilespmem:$0xB050] =	vst v0  }
0x257: {  	[tilespmem:$0xB060] =	vst v0  }
0x258: {  	s3 =	simm.s32 $0x0;
	s20 =	simm.s32 $0x200;
	[tilespmem:$0xB070] =	vst v0  }
.LBB2_2:
0x259: {  	p1 =	sne.s32 s20, $0x1E00;
	[tilespmem:s3+$0xA870] =	vst v1  }
0x25a: {  	[tilespmem:s3+$0xA800] =	vst v1  }
0x25b: {  	[tilespmem:s3+$0xA810] =	vst v1  }
.Ltmp2:
0x25c: {  	[tilespmem:s3+$0xA820] =	vst v1;
	(pc) =	sbr.rel @p1 .LBB2_2-.Ltmp2, $4  }
0x25d: {  	[tilespmem:s3+$0xA830] =	vst v1  }
0x25e: {  	[tilespmem:s3+$0xA840] =	vst v1  }
0x25f: {  	[tilespmem:s3+$0xA850] =	vst v1  }
0x260: {  	[tilespmem:s3+$0xA860] =	vst v1;
	s3 =	sshra.s32 s20, $0x2;
	s20 =	sadd.s32 $0x200, s20  }
0x261: {  	[tilespmem:s3+$0xA870] =	vst v1  }
0x262: {  	[tilespmem:s3+$0xA800] =	vst v1  }
0x263: {  	[tilespmem:s3+$0xA810] =	vst v1  }
0x264: {  	[tilespmem:s3+$0xA820] =	vst v1  }
0x265: {  	[tilespmem:s3+$0xA830] =	vst v1  }
0x266: {  	[tilespmem:s3+$0xA840] =	vst v1  }
0x267: {  	[tilespmem:s3+$0xA850] =	vst v1  }
0x268: {  	[tilespmem:s3+$0xA860] =	vst v1;
	s20 =	sadd.s32 $0x0, s8  }
0x269: {  	[spmem:s20] =	stream.linear.scatter [tilespmem:s19], [sflag:$0x3], $0x800, $0x38;
	[tilespmem:$0x1F5B8] =	vst v63  }
0x26a: {  	s3 =	simm.s32 $0x2000;
	_ =	swait.ge [sflag:s17], $0x800  }
.LBB2_4:
0x26b: {  	s20 =	sshra.s32 s3, $0x2;
	[sflag:s17] =	ssyncset.done $0x0;
	p1 =	sne.s32 s3, $0x4C000  }
.Ltmp3:
0x26c: {  	s20 =	sadd.s32 s20, s8;
	[sflag:s17] =	ssyncadd.s32 $0xFFFFF800;
	(pc) =	sbr.rel @p1 .LBB2_4-.Ltmp3, $3  }
0x26d: {  	[spmem:s20] =	stream.linear.scatter [tilespmem:s19], [sflag:$0x3], $0x800, $0x38;
	[tilespmem:$0x1F5B8] =	vst v63  }
0x26e: {  	s3 =	sadd.s32 $0x2000, s3;
	_ =	sdelay $0x1  }
0x26f: {  	_ =	swait.ge [sflag:s17], $0x800  }
.Ltmp4:
0x270: {  	(pc) =	sbr.rel @p0 .LBB2_9-.Ltmp4, $3  }
0x271: {  	_ =	sdelay $0x1  }
0x272: {  	[sflag:s17] =	ssyncset.done $0x0  }
0x273: {  	[sflag:s17] =	ssyncadd.s32 $0xFFFFF800  }
0x274: {  	[spmem:s9] =	stream.linear.scatter [tilespmem:s19], [sflag:$0x3], $0x800, $0x38;
	[tilespmem:$0x1F5B8] =	vst v63  }
0x275: {  	_ =	swait.ge [sflag:s17], $0x800  }
0x276: {  	[sflag:s17] =	ssyncset.done $0x0  }
0x277: {  	s3 =	simm.s32 $0x40;
	s20 =	simm.s32 $0x0;
	[sflag:s17] =	ssyncadd.s32 $0xFFFFF800  }
.LBB2_7:
0x278: {  	p1 =	sne.s32 s3, $0x26C0;
	[tilespmem:s20+$0xB080] =	vst v1;
	s20 =	smov.u32 s3;
	s3 =	sadd.s32 $0x40, s3  }
.Ltmp5:
0x279: {  	(pc) =	sbr.rel @p1 .LBB2_7-.Ltmp5, $2  }
0x27a: {  	_ =	sdelay $0x2  }
0x27b: {  	s20 =	sshra.s32 s20, $0x2  }
.Ltmp6:
0x27c: {  	_ = 	snop;
	(pc) =	sbr.rel .LBB2_8-.Ltmp6, $1  }
0x27d: {  	_ =	sdelay $0x3  }
.LBB2_10:
0x27e: {  	_ =	sfence.sel $0x180000  }
0x27f: {  	[bflag:$0x0] =	sbarrier.arrive $0xFFFF  }
0x280: {  	_ =	strace $0x9000004A  }
0x281: {  	[bflag:$0x2] =	sbarrier.arrive $0xFFFF  }
0x282: {  	s0 =	rddreg [dreg:$0x5]  }
0x283: {  	s0 =	sadd.s32 @!p0 $0x100000, s0  }
0x284: {  	[sflag:s0] =	ssyncadd.tile.s32 @!p0 $0x1;
	_ =	shalt  }
.Lfunc_end2:
_tile_overlayer_lowered:
.L_overlay_start_2:
0x285: {  	(tag) =	ssettag $0x2  }
0x286: {  	s0 =	rddreg [dreg:$0x0];
	s2 =	stileid.u32  }
0x287: {  	s1 =	rddreg [dreg:$0x1];
	p0 =	sne.s32 s2, $0x0  }
0x288: {  	s3 =	rddreg [dreg:$0x2];
	[bflag:$0x3] =	sbarrier.arrive $0xFFFF;
	s2 =	simm.s32 @!p0 $0x1C03  }
0x289: {  	[timem:s3], [sflag:s2] =	dma.local @!p0 [hbm:s0], s1  }
0x28a: {  	s0 =	simm.s32 @!p0 $0x3  }
0x28b: {  	_ =	swait.ge @!p0 [sflag:s0], s1  }
0x28c: {  	s1 =	ssub.s32 @!p0 $0x0, s1;
	[sflag:s0] =	ssyncset.done @!p0 $0x0  }
0x28d: {  	[sflag:s0] =	ssyncadd.s32 @!p0 s1  }
0x28e: {  	[bflag:$0x3] =	sbarrier.arrive $0xFFFF  }
0x28f: {  	_ =	shalt  }

</sc_bundles>
